<compile_context>
chip_gen: v7x
topology: tpu7x:2x2x1
jax: 0.10.2.dev20260603
libtpu: 0.0.44.dev20260713+nightly
codegen_flags: <defaults>
</compile_context>

<pallas_src>
import functools

import jax
import jax.numpy as jnp
from jax import lax
from jax.experimental import pallas as pl
from jax.experimental.pallas import tpu as pltpu
from jax.experimental.pallas import tpu_sc as plsc

NC = 2
NS = 16
L = 16
NW = NC * NS

B = 16
TOTAL = 16384
D = 128
CPW = TOTAL // NW
NG = CPW // L

NEG_INF = float("-inf")


CH = 4
CHG = NG // CH
CHW = CPW // CH * D


def _sc_body(g_hbm, c_hbm, seg_hbm, logits_hbm, m_hbm, s_hbm, cnt_hbm,
             g_v, c_v, seg_v, logits_v, m_v, s_v, cnt_v, *sems):
    wid = lax.axis_index("s") * NC + lax.axis_index("c")
    base = wid * CPW

    copies = [
        pltpu.async_copy(
            c_hbm.at[pl.ds(base + ch * (CPW // CH), CPW // CH)],
            c_v.at[pl.ds(ch * (CPW // CH), CPW // CH)], sems[ch])
        for ch in range(CH)
    ]
    pltpu.sync_copy(g_hbm, g_v)
    pltpu.sync_copy(seg_hbm.at[pl.ds(base, CPW)], seg_v)

    lane = lax.iota(jnp.int32, L)
    KC = D // L
    kconst = [lane + k * L for k in range(KC)]

    def group_logits(j, accs):
        for ch in range(1, CH):
            @pl.when(j == ch * CHG)
            def _(ch=ch):
                copies[ch].wait()

        b16 = j * L
        sv = seg_v[pl.ds(b16, L)]
        svD = sv * D
        lo = jnp.min(svD)
        uniform = lo == jnp.max(svD)

        def uniform_group():
            gregs = [plsc.load_gather(g_v, [lo + kconst[k]])
                     for k in range(KC)]

            @plsc.parallel_loop(0, L, carry=jnp.zeros((L,), jnp.float32),
                                unroll=4)
            def accv(u, acc):
                p0 = jnp.zeros((L,), jnp.float32)
                p1 = jnp.zeros((L,), jnp.float32)
                for k in range(KC):
                    cg = c_v[b16 + u, pl.ds(k * L, L)]
                    if k % 2 == 0:
                        p0 = p0 + cg * gregs[k]
                    else:
                        p1 = p1 + cg * gregs[k]
                return jnp.where(lane == u, jnp.sum(p0 + p1), acc)

            return accv

        def boundary_group():
            row = lane + b16
            accs = [jnp.zeros((L,), jnp.float32) for _ in range(4)]
            for d in range(D):
                cg = plsc.load_gather(c_v, [row, jnp.full((L,), d, jnp.int32)])
                gg = plsc.load_gather(g_v, [svD + d])
                accs[d % 4] = accs[d % 4] + cg * gg
            return (accs[0] + accs[1]) + (accs[2] + accs[3])

        acc = lax.cond(uniform, uniform_group, boundary_group)
        logits_v[pl.ds(b16, L)] = acc
        return accs

    copies[0].wait()
    lax.fori_loop(0, NG, group_logits, 0)

    def group_max(j, accs):
        lv = logits_v[pl.ds(j * L, L)]
        sv = seg_v[pl.ds(j * L, L)]
        return tuple(
            jnp.maximum(accs[b], jnp.where(sv == b, lv, NEG_INF))
            for b in range(B))

    maccs = lax.fori_loop(
        0, NG, group_max,
        tuple(jnp.full((L,), NEG_INF, jnp.float32) for _ in range(B)))
    mvec = jnp.full((L,), NEG_INF, jnp.float32)
    for b in range(B):
        mvec = jnp.where(lane == b, jnp.max(maccs[b]), mvec)
    m_v[...] = mvec

    def group_sum(j, carry):
        saccs, caccs = carry
        lv = logits_v[pl.ds(j * L, L)]
        sv = seg_v[pl.ds(j * L, L)]
        mg = plsc.load_gather(m_v, [sv])
        ex = jnp.exp(lv - mg)
        return (tuple(saccs[b] + jnp.where(sv == b, ex, 0.0)
                      for b in range(B)),
                tuple(caccs[b] + jnp.where(sv == b, 1.0, 0.0)
                      for b in range(B)))

    saccs, caccs = lax.fori_loop(
        0, NG, group_sum,
        (tuple(jnp.zeros((L,), jnp.float32) for _ in range(B)),
         tuple(jnp.zeros((L,), jnp.float32) for _ in range(B))))
    svec = jnp.zeros((L,), jnp.float32)
    cvec = jnp.zeros((L,), jnp.float32)
    for b in range(B):
        svec = jnp.where(lane == b, jnp.sum(saccs[b]), svec)
        cvec = jnp.where(lane == b, jnp.sum(caccs[b]), cvec)
    s_v[...] = svec
    cnt_v[...] = cvec

    pltpu.sync_copy(logits_v, logits_hbm.at[pl.ds(base, CPW)])
    pltpu.sync_copy(m_v, m_hbm.at[wid])
    pltpu.sync_copy(s_v, s_hbm.at[wid])
    pltpu.sync_copy(cnt_v, cnt_hbm.at[wid])


_sc_kernel = functools.partial(
    pl.kernel,
    out_type=(
        jax.ShapeDtypeStruct((TOTAL,), jnp.float32),
        jax.ShapeDtypeStruct((NW, L), jnp.float32),
        jax.ShapeDtypeStruct((NW, L), jnp.float32),
        jax.ShapeDtypeStruct((NW, L), jnp.float32),
    ),
    mesh=plsc.VectorSubcoreMesh(
        core_axis_name="c", subcore_axis_name="s",
        num_cores=NC, num_subcores=NS),
    compiler_params=pltpu.CompilerParams(needs_layout_passes=False),
    scratch_types=[
        pltpu.VMEM((B * D,), jnp.float32),
        pltpu.VMEM((CPW, D), jnp.float32),
        pltpu.VMEM((CPW,), jnp.int32),
        pltpu.VMEM((CPW,), jnp.float32),
        pltpu.VMEM((L,), jnp.float32),
        pltpu.VMEM((L,), jnp.float32),
        pltpu.VMEM((L,), jnp.float32),
    ] + [pltpu.SemaphoreType.DMA] * CH,
)(_sc_body)


def _merge_body(logits2_ref, seg2_ref, m_ref, s_ref, cnt_ref, tgt_ref,
                out_ref):
    m = m_ref[...]
    s = s_ref[...]
    M = jnp.max(m, axis=0)
    S = jnp.sum(s * jnp.exp(m - M[None, :]), axis=0)
    logS = jnp.log(S)

    counts = jnp.sum(cnt_ref[...], axis=0).astype(jnp.int32)
    bb_row = lax.broadcasted_iota(jnp.int32, (B, B), 0)
    bb_col = lax.broadcasted_iota(jnp.int32, (B, B), 1)
    starts = jnp.sum(jnp.where(bb_col < bb_row, counts[None, :], 0), axis=1)
    pos = jnp.clip(starts + tgt_ref[0, :], 0, TOTAL - 1)
    r = pos // 128
    c = pos % 128

    seg2 = seg2_ref[...]
    logits2 = logits2_ref[...]
    iota128 = lax.broadcasted_iota(jnp.int32, (B, 128), 1)
    oh_r = (iota128 == r[:, None]).astype(jnp.float32)
    oh_c = (iota128 == c[:, None]).astype(jnp.float32)
    rows_log = jax.lax.dot(oh_r, logits2,
                           precision=jax.lax.Precision.HIGHEST)
    rows_seg = jax.lax.dot(oh_r, seg2.astype(jnp.float32))
    glog = jnp.sum(rows_log * oh_c, axis=1)
    segp = jnp.sum(rows_seg * oh_c, axis=1).astype(jnp.int32)

    sel = bb_col == segp[:, None]
    Mg = jnp.sum(jnp.where(sel, M[None, :], 0.0), axis=1)
    Lg = jnp.sum(jnp.where(sel, logS[None, :], 0.0), axis=1)
    out_ref[0, :] = glog - Mg - Lg


_merge = pl.pallas_call(
    _merge_body,
    out_shape=jax.ShapeDtypeStruct((1, B), jnp.float32),
)


def kernel(graph_embed, cand_embed, segment_ids, target_idx):
    seg = segment_ids.astype(jnp.int32)
    tgt = target_idx.astype(jnp.int32).reshape(1, B)
    logits, m, s, cnt = _sc_kernel(graph_embed.reshape(B * D), cand_embed,
                                   seg)
    out = _merge(logits.reshape(128, 128), seg.reshape(128, 128), m, s, cnt,
                 tgt)
    return out.reshape(B)

# --- scband reference (transcript-rebuilt; emitter-appended) ---
"""Pipeline reference for scband-reaction-prob-calc-83708912599350 (READ-ONLY COPY).

The authoritative reference and input builder live on the scoring server;
editing this copy changes nothing except your own understanding.
"""

import jax, jax.numpy as jnp
import numpy as np

B = 16
TOTAL = 16384
D = 128

def setup_inputs(seed: int = 0) -> dict:
    key = jax.random.key(seed)
    k1, k2, k3 = jax.random.split(key, 3)
    graph_embed = jax.random.normal(k1, (B, D), dtype=jnp.float32)
    cand_embed = jax.random.normal(k2, (TOTAL, D), dtype=jnp.float32)
    segment_ids = jnp.sort(jax.random.randint(k3, (TOTAL,), 0, B, dtype=jnp.int64))
    target_idx = jnp.zeros((B,), dtype=jnp.int64)
    return {
        "graph_embed": graph_embed,
        "cand_embed": cand_embed,
        "segment_ids": segment_ids,
        "target_idx": target_idx,
    }

def reference(graph_embed, cand_embed, segment_ids, target_idx):
    # jagged_forward with inner_prod attention + jagged_log_softmax.
    # graph_embed: per-graph encodings (prod_enc output), cand_embed: flat
    # candidate encodings (react_enc output); segment_ids == rep_indices.
    n_graphs = graph_embed.shape[0]
    # gather: torch.gather(graph_embed, 0, rep_indices.expand(-1, d))
    g = jnp.take(graph_embed, segment_ids, axis=0)
    # att_func inner_prod: sum(x*y, dim=1)
    logits = jnp.sum(g * cand_embed, axis=1)
    # jagged_log_softmax over segments delimited by prefix_sum
    seg_max = jax.ops.segment_max(logits, segment_ids, num_segments=n_graphs)
    shifted = logits - seg_max[segment_ids]
    seg_sum = jax.ops.segment_sum(jnp.exp(shifted), segment_ids, num_segments=n_graphs)
    log_prob = shifted - jnp.log(seg_sum)[segment_ids]
    # target_pos = segment start offset + per-graph target index (default 0)
    counts = jnp.bincount(segment_ids, length=n_graphs)
    starts = jnp.cumsum(counts) - counts
    target_pos = starts + target_idx
    return log_prob[target_pos]

if __name__ == "__main__":
    import jax
    _d = setup_inputs()
    print(jax.jit(kernel)(*tuple(_d.values())))

</pallas_src>

<mosaic_0001>
#map = affine_map<(d0, d1) -> (0)>
#map1 = affine_map<(d0, d1) -> (0, 0)>
module attributes {stable_mosaic.version = 14 : i64} {
  func.func @_sc_body(%arg0: i32, %arg1: i32, %arg2: memref<2048xf32, #tpu.memory_space<hbm>>, %arg3: memref<16384x128xf32, #tpu.memory_space<hbm>>, %arg4: memref<16384xi32, #tpu.memory_space<hbm>>, %arg5: memref<16384xf32, #tpu.memory_space<hbm>>, %arg6: memref<32x16xf32, #tpu.memory_space<hbm>>, %arg7: memref<32x16xf32, #tpu.memory_space<hbm>>, %arg8: memref<32x16xf32, #tpu.memory_space<hbm>>, %arg9: memref<2048xf32, #tpu.memory_space<vmem>>, %arg10: memref<512x128xf32, #tpu.memory_space<vmem>>, %arg11: memref<512xi32, #tpu.memory_space<vmem>>, %arg12: memref<512xf32, #tpu.memory_space<vmem>>, %arg13: memref<16xf32, #tpu.memory_space<vmem>>, %arg14: memref<16xf32, #tpu.memory_space<vmem>>, %arg15: memref<16xf32, #tpu.memory_space<vmem>>, %arg16: memref<!tpu.dma_semaphore, #tpu.memory_space<semaphore_mem>>, %arg17: memref<!tpu.dma_semaphore, #tpu.memory_space<semaphore_mem>>, %arg18: memref<!tpu.dma_semaphore, #tpu.memory_space<semaphore_mem>>, %arg19: memref<!tpu.dma_semaphore, #tpu.memory_space<semaphore_mem>>) attributes {dimension_semantics = [#tpu.dimension_semantics<core_parallel>, #tpu.dimension_semantics<subcore_parallel>], iteration_bounds = array<i64: 2, 16>, scalar_prefetch = 0 : i64, scratch_operands = 11 : i64, tpu.core_type = #tpu.core_type<sc_vector_subcore>, window_params = [{transform_indices = #map}, {transform_indices = #map1}, {transform_indices = #map}, {transform_indices = #map}, {transform_indices = #map1}, {transform_indices = #map1}, {transform_indices = #map1}]} {
    %mul3A = arith.constant 2 : i32
    %mul3A_0 = arith.muli %arg1, %mul3A : i32
    %add3A = arith.addi %mul3A_0, %arg0 : i32
    %mul3A_1 = arith.constant 512 : i32
    %mul3A_2 = arith.muli %add3A, %mul3A_1 : i32
    %add3A_3 = arith.constant 0 : i32
    %add3A_4 = arith.addi %mul3A_2, %add3A_3 : i32
    %dma_start3A = arith.constant 0 : i32
    %dma_start3A_5 = arith.constant 0 : i32
    %dma_start3A_6 = tpu.memref_slice %arg10[%dma_start3A, %dma_start3A_5] : memref<512x128xf32, #tpu.memory_space<vmem>> -> memref<128x128xf32, #tpu.memory_space<vmem>>
    %dma_start3A_7 = arith.constant 0 : i32
    %dma_start3A_8 = tpu.memref_slice %arg3[%add3A_4, %dma_start3A_7] : memref<16384x128xf32, #tpu.memory_space<hbm>> -> memref<128x128xf32, #tpu.memory_space<hbm>>
    %dma_start3A_9 = arith.constant 0 : i32
    %dma_start3A_10 = arith.constant 0 : i32
    %dma_start3A_11 = tpu.memref_slice %arg10[%dma_start3A_9, %dma_start3A_10] : memref<512x128xf32, #tpu.memory_space<vmem>> -> memref<128x128xf32, #tpu.memory_space<vmem>>
    %dma_start3A_12 = arith.constant 0 : i32
    %dma_start3A_13 = tpu.memref_slice %arg3[%add3A_4, %dma_start3A_12] : memref<16384x128xf32, #tpu.memory_space<hbm>> -> memref<128x128xf32, #tpu.memory_space<hbm>>
    tpu.enqueue_dma source(%dma_start3A_13 : memref<128x128xf32, #tpu.memory_space<hbm>>) target(%dma_start3A_11 : memref<128x128xf32, #tpu.memory_space<vmem>>) target_semaphore(%arg16 : memref<!tpu.dma_semaphore, #tpu.memory_space<semaphore_mem>>)
    %add3A_14 = arith.constant 128 : i32
    %add3A_15 = arith.addi %mul3A_2, %add3A_14 : i32
    %dma_start3A_16 = arith.constant 128 : i32
    %dma_start3A_17 = arith.constant 0 : i32
    %dma_start3A_18 = tpu.memref_slice %arg10[%dma_start3A_16, %dma_start3A_17] : memref<512x128xf32, #tpu.memory_space<vmem>> -> memref<128x128xf32, #tpu.memory_space<vmem>>
    %dma_start3A_19 = arith.constant 0 : i32
    %dma_start3A_20 = tpu.memref_slice %arg3[%add3A_15, %dma_start3A_19] : memref<16384x128xf32, #tpu.memory_space<hbm>> -> memref<128x128xf32, #tpu.memory_space<hbm>>
    %dma_start3A_21 = arith.constant 128 : i32
    %dma_start3A_22 = arith.constant 0 : i32
    %dma_start3A_23 = tpu.memref_slice %arg10[%dma_start3A_21, %dma_start3A_22] : memref<512x128xf32, #tpu.memory_space<vmem>> -> memref<128x128xf32, #tpu.memory_space<vmem>>
    %dma_start3A_24 = arith.constant 0 : i32
    %dma_start3A_25 = tpu.memref_slice %arg3[%add3A_15, %dma_start3A_24] : memref<16384x128xf32, #tpu.memory_space<hbm>> -> memref<128x128xf32, #tpu.memory_space<hbm>>
    tpu.enqueue_dma source(%dma_start3A_25 : memref<128x128xf32, #tpu.memory_space<hbm>>) target(%dma_start3A_23 : memref<128x128xf32, #tpu.memory_space<vmem>>) target_semaphore(%arg17 : memref<!tpu.dma_semaphore, #tpu.memory_space<semaphore_mem>>)
    %add3A_26 = arith.constant 256 : i32
    %add3A_27 = arith.addi %mul3A_2, %add3A_26 : i32
    %dma_start3A_28 = arith.constant 256 : i32
    %dma_start3A_29 = arith.constant 0 : i32
    %dma_start3A_30 = tpu.memref_slice %arg10[%dma_start3A_28, %dma_start3A_29] : memref<512x128xf32, #tpu.memory_space<vmem>> -> memref<128x128xf32, #tpu.memory_space<vmem>>
    %dma_start3A_31 = arith.constant 0 : i32
    %dma_start3A_32 = tpu.memref_slice %arg3[%add3A_27, %dma_start3A_31] : memref<16384x128xf32, #tpu.memory_space<hbm>> -> memref<128x128xf32, #tpu.memory_space<hbm>>
    %dma_start3A_33 = arith.constant 256 : i32
    %dma_start3A_34 = arith.constant 0 : i32
    %dma_start3A_35 = tpu.memref_slice %arg10[%dma_start3A_33, %dma_start3A_34] : memref<512x128xf32, #tpu.memory_space<vmem>> -> memref<128x128xf32, #tpu.memory_space<vmem>>
    %dma_start3A_36 = arith.constant 0 : i32
    %dma_start3A_37 = tpu.memref_slice %arg3[%add3A_27, %dma_start3A_36] : memref<16384x128xf32, #tpu.memory_space<hbm>> -> memref<128x128xf32, #tpu.memory_space<hbm>>
    tpu.enqueue_dma source(%dma_start3A_37 : memref<128x128xf32, #tpu.memory_space<hbm>>) target(%dma_start3A_35 : memref<128x128xf32, #tpu.memory_space<vmem>>) target_semaphore(%arg18 : memref<!tpu.dma_semaphore, #tpu.memory_space<semaphore_mem>>)
    %add3A_38 = arith.constant 384 : i32
    %add3A_39 = arith.addi %mul3A_2, %add3A_38 : i32
    %dma_start3A_40 = arith.constant 384 : i32
    %dma_start3A_41 = arith.constant 0 : i32
    %dma_start3A_42 = tpu.memref_slice %arg10[%dma_start3A_40, %dma_start3A_41] : memref<512x128xf32, #tpu.memory_space<vmem>> -> memref<128x128xf32, #tpu.memory_space<vmem>>
    %dma_start3A_43 = arith.constant 0 : i32
    %dma_start3A_44 = tpu.memref_slice %arg3[%add3A_39, %dma_start3A_43] : memref<16384x128xf32, #tpu.memory_space<hbm>> -> memref<128x128xf32, #tpu.memory_space<hbm>>
    %dma_start3A_45 = arith.constant 384 : i32
    %dma_start3A_46 = arith.constant 0 : i32
    %dma_start3A_47 = tpu.memref_slice %arg10[%dma_start3A_45, %dma_start3A_46] : memref<512x128xf32, #tpu.memory_space<vmem>> -> memref<128x128xf32, #tpu.memory_space<vmem>>
    %dma_start3A_48 = arith.constant 0 : i32
    %dma_start3A_49 = tpu.memref_slice %arg3[%add3A_39, %dma_start3A_48] : memref<16384x128xf32, #tpu.memory_space<hbm>> -> memref<128x128xf32, #tpu.memory_space<hbm>>
    tpu.enqueue_dma source(%dma_start3A_49 : memref<128x128xf32, #tpu.memory_space<hbm>>) target(%dma_start3A_47 : memref<128x128xf32, #tpu.memory_space<vmem>>) target_semaphore(%arg19 : memref<!tpu.dma_semaphore, #tpu.memory_space<semaphore_mem>>)
    "tpu.region"() ({
      %run_scoped3A = tpu.sem_alloc : memref<!tpu.dma_semaphore, #tpu.memory_space<semaphore_mem>>
      tpu.enqueue_dma source(%arg2 : memref<2048xf32, #tpu.memory_space<hbm>>) target(%arg9 : memref<2048xf32, #tpu.memory_space<vmem>>) target_semaphore(%run_scoped3A : memref<!tpu.dma_semaphore, #tpu.memory_space<semaphore_mem>>)
      tpu.wait_dma2 semaphore(%run_scoped3A : memref<!tpu.dma_semaphore, #tpu.memory_space<semaphore_mem>>) src(%arg2 : memref<2048xf32, #tpu.memory_space<hbm>>) dst(%arg9 : memref<2048xf32, #tpu.memory_space<vmem>>)
      tpu.yield
    }) : () -> ()
    "tpu.region"() ({
      %run_scoped3A = tpu.sem_alloc : memref<!tpu.dma_semaphore, #tpu.memory_space<semaphore_mem>>
      %dma_start3A_634 = tpu.memref_slice %arg4[%mul3A_2] : memref<16384xi32, #tpu.memory_space<hbm>> -> memref<512xi32, #tpu.memory_space<hbm>>
      %dma_start3A_635 = tpu.memref_slice %arg4[%mul3A_2] : memref<16384xi32, #tpu.memory_space<hbm>> -> memref<512xi32, #tpu.memory_space<hbm>>
      tpu.enqueue_dma source(%dma_start3A_635 : memref<512xi32, #tpu.memory_space<hbm>>) target(%arg11 : memref<512xi32, #tpu.memory_space<vmem>>) target_semaphore(%run_scoped3A : memref<!tpu.dma_semaphore, #tpu.memory_space<semaphore_mem>>)
      %dma_wait3A_636 = tpu.memref_slice %arg4[%mul3A_2] : memref<16384xi32, #tpu.memory_space<hbm>> -> memref<512xi32, #tpu.memory_space<hbm>>
      %dma_wait3A_637 = tpu.memref_slice %arg4[%mul3A_2] : memref<16384xi32, #tpu.memory_space<hbm>> -> memref<512xi32, #tpu.memory_space<hbm>>
      tpu.wait_dma2 semaphore(%run_scoped3A : memref<!tpu.dma_semaphore, #tpu.memory_space<semaphore_mem>>) src(%dma_wait3A_637 : memref<512xi32, #tpu.memory_space<hbm>>) dst(%arg11 : memref<512xi32, #tpu.memory_space<vmem>>)
      tpu.yield
    }) : () -> ()
    %iota3A = tpu.iota {dimensions = array<i32: 0>} : vector<16xi32>
    %add3A_50 = arith.constant 0 : i32
    %add3A_51 = vector.broadcast %add3A_50 : i32 to vector<16xi32>
    %add3A_52 = arith.addi %iota3A, %add3A_51 : vector<16xi32>
    %add3A_53 = arith.constant 16 : i32
    %add3A_54 = vector.broadcast %add3A_53 : i32 to vector<16xi32>
    %add3A_55 = arith.addi %iota3A, %add3A_54 : vector<16xi32>
    %add3A_56 = arith.constant 32 : i32
    %add3A_57 = vector.broadcast %add3A_56 : i32 to vector<16xi32>
    %add3A_58 = arith.addi %iota3A, %add3A_57 : vector<16xi32>
    %add3A_59 = arith.constant 48 : i32
    %add3A_60 = vector.broadcast %add3A_59 : i32 to vector<16xi32>
    %add3A_61 = arith.addi %iota3A, %add3A_60 : vector<16xi32>
    %add3A_62 = arith.constant 64 : i32
    %add3A_63 = vector.broadcast %add3A_62 : i32 to vector<16xi32>
    %add3A_64 = arith.addi %iota3A, %add3A_63 : vector<16xi32>
    %add3A_65 = arith.constant 80 : i32
    %add3A_66 = vector.broadcast %add3A_65 : i32 to vector<16xi32>
    %add3A_67 = arith.addi %iota3A, %add3A_66 : vector<16xi32>
    %add3A_68 = arith.constant 96 : i32
    %add3A_69 = vector.broadcast %add3A_68 : i32 to vector<16xi32>
    %add3A_70 = arith.addi %iota3A, %add3A_69 : vector<16xi32>
    %add3A_71 = arith.constant 112 : i32
    %add3A_72 = vector.broadcast %add3A_71 : i32 to vector<16xi32>
    %add3A_73 = arith.addi %iota3A, %add3A_72 : vector<16xi32>
    %dma_wait3A = arith.constant 0 : i32
    %dma_wait3A_74 = arith.constant 0 : i32
    %dma_wait3A_75 = tpu.memref_slice %arg10[%dma_wait3A, %dma_wait3A_74] : memref<512x128xf32, #tpu.memory_space<vmem>> -> memref<128x128xf32, #tpu.memory_space<vmem>>
    %dma_wait3A_76 = arith.constant 0 : i32
    %dma_wait3A_77 = tpu.memref_slice %arg3[%add3A_4, %dma_wait3A_76] : memref<16384x128xf32, #tpu.memory_space<hbm>> -> memref<128x128xf32, #tpu.memory_space<hbm>>
    %dma_wait3A_78 = arith.constant 0 : i32
    %dma_wait3A_79 = arith.constant 0 : i32
    %dma_wait3A_80 = tpu.memref_slice %arg10[%dma_wait3A_78, %dma_wait3A_79] : memref<512x128xf32, #tpu.memory_space<vmem>> -> memref<128x128xf32, #tpu.memory_space<vmem>>
    %dma_wait3A_81 = arith.constant 0 : i32
    %dma_wait3A_82 = tpu.memref_slice %arg3[%add3A_4, %dma_wait3A_81] : memref<16384x128xf32, #tpu.memory_space<hbm>> -> memref<128x128xf32, #tpu.memory_space<hbm>>
    tpu.wait_dma2 semaphore(%arg16 : memref<!tpu.dma_semaphore, #tpu.memory_space<semaphore_mem>>) src(%dma_wait3A_82 : memref<128x128xf32, #tpu.memory_space<hbm>>) dst(%dma_wait3A_80 : memref<128x128xf32, #tpu.memory_space<vmem>>)
    %scan3A = arith.constant 0 : i32
    %scan3A_83 = arith.constant 0 : i32
    %scan3A_84 = arith.constant 32 : i32
    %scan3A_85 = arith.addi %scan3A_83, %scan3A_84 : i32
    %scan3A_86 = arith.constant 1 : i32
    scf.for %scan3A_634 = %scan3A_83 to %scan3A_85 step %scan3A_86  : i32 {
      %eq3A_635 = arith.constant 8 : i32
      %eq3A_636 = arith.cmpi eq, %scan3A_634, %eq3A_635 : i32
      %convert_element_type3A = arith.extui %eq3A_636 : i1 to i32
      %cond3A = arith.constant 0 : i32
      %cond3A_637 = arith.cmpi ne, %convert_element_type3A, %cond3A : i32
      scf.if %cond3A_637 {
        %dma_wait3A_676 = arith.constant 128 : i32
        %dma_wait3A_677 = arith.constant 0 : i32
        %dma_wait3A_678 = tpu.memref_slice %arg10[%dma_wait3A_676, %dma_wait3A_677] : memref<512x128xf32, #tpu.memory_space<vmem>> -> memref<128x128xf32, #tpu.memory_space<vmem>>
        %dma_wait3A_679 = arith.constant 0 : i32
        %dma_wait3A_680 = tpu.memref_slice %arg3[%add3A_15, %dma_wait3A_679] : memref<16384x128xf32, #tpu.memory_space<hbm>> -> memref<128x128xf32, #tpu.memory_space<hbm>>
        %dma_wait3A_681 = arith.constant 128 : i32
        %dma_wait3A_682 = arith.constant 0 : i32
        %dma_wait3A_683 = tpu.memref_slice %arg10[%dma_wait3A_681, %dma_wait3A_682] : memref<512x128xf32, #tpu.memory_space<vmem>> -> memref<128x128xf32, #tpu.memory_space<vmem>>
        %dma_wait3A_684 = arith.constant 0 : i32
        %dma_wait3A_685 = tpu.memref_slice %arg3[%add3A_15, %dma_wait3A_684] : memref<16384x128xf32, #tpu.memory_space<hbm>> -> memref<128x128xf32, #tpu.memory_space<hbm>>
        tpu.wait_dma2 semaphore(%arg17 : memref<!tpu.dma_semaphore, #tpu.memory_space<semaphore_mem>>) src(%dma_wait3A_685 : memref<128x128xf32, #tpu.memory_space<hbm>>) dst(%dma_wait3A_683 : memref<128x128xf32, #tpu.memory_space<vmem>>)
      } else {
      }
      %eq3A_638 = arith.constant 16 : i32
      %eq3A_639 = arith.cmpi eq, %scan3A_634, %eq3A_638 : i32
      %convert_element_type3A_640 = arith.extui %eq3A_639 : i1 to i32
      %cond3A_641 = arith.constant 0 : i32
      %cond3A_642 = arith.cmpi ne, %convert_element_type3A_640, %cond3A_641 : i32
      scf.if %cond3A_642 {
        %dma_wait3A_676 = arith.constant 256 : i32
        %dma_wait3A_677 = arith.constant 0 : i32
        %dma_wait3A_678 = tpu.memref_slice %arg10[%dma_wait3A_676, %dma_wait3A_677] : memref<512x128xf32, #tpu.memory_space<vmem>> -> memref<128x128xf32, #tpu.memory_space<vmem>>
        %dma_wait3A_679 = arith.constant 0 : i32
        %dma_wait3A_680 = tpu.memref_slice %arg3[%add3A_27, %dma_wait3A_679] : memref<16384x128xf32, #tpu.memory_space<hbm>> -> memref<128x128xf32, #tpu.memory_space<hbm>>
        %dma_wait3A_681 = arith.constant 256 : i32
        %dma_wait3A_682 = arith.constant 0 : i32
        %dma_wait3A_683 = tpu.memref_slice %arg10[%dma_wait3A_681, %dma_wait3A_682] : memref<512x128xf32, #tpu.memory_space<vmem>> -> memref<128x128xf32, #tpu.memory_space<vmem>>
        %dma_wait3A_684 = arith.constant 0 : i32
        %dma_wait3A_685 = tpu.memref_slice %arg3[%add3A_27, %dma_wait3A_684] : memref<16384x128xf32, #tpu.memory_space<hbm>> -> memref<128x128xf32, #tpu.memory_space<hbm>>
        tpu.wait_dma2 semaphore(%arg18 : memref<!tpu.dma_semaphore, #tpu.memory_space<semaphore_mem>>) src(%dma_wait3A_685 : memref<128x128xf32, #tpu.memory_space<hbm>>) dst(%dma_wait3A_683 : memref<128x128xf32, #tpu.memory_space<vmem>>)
      } else {
      }
      %eq3A_643 = arith.constant 24 : i32
      %eq3A_644 = arith.cmpi eq, %scan3A_634, %eq3A_643 : i32
      %convert_element_type3A_645 = arith.extui %eq3A_644 : i1 to i32
      %cond3A_646 = arith.constant 0 : i32
      %cond3A_647 = arith.cmpi ne, %convert_element_type3A_645, %cond3A_646 : i32
      scf.if %cond3A_647 {
        %dma_wait3A_676 = arith.constant 384 : i32
        %dma_wait3A_677 = arith.constant 0 : i32
        %dma_wait3A_678 = tpu.memref_slice %arg10[%dma_wait3A_676, %dma_wait3A_677] : memref<512x128xf32, #tpu.memory_space<vmem>> -> memref<128x128xf32, #tpu.memory_space<vmem>>
        %dma_wait3A_679 = arith.constant 0 : i32
        %dma_wait3A_680 = tpu.memref_slice %arg3[%add3A_39, %dma_wait3A_679] : memref<16384x128xf32, #tpu.memory_space<hbm>> -> memref<128x128xf32, #tpu.memory_space<hbm>>
        %dma_wait3A_681 = arith.constant 384 : i32
        %dma_wait3A_682 = arith.constant 0 : i32
        %dma_wait3A_683 = tpu.memref_slice %arg10[%dma_wait3A_681, %dma_wait3A_682] : memref<512x128xf32, #tpu.memory_space<vmem>> -> memref<128x128xf32, #tpu.memory_space<vmem>>
        %dma_wait3A_684 = arith.constant 0 : i32
        %dma_wait3A_685 = tpu.memref_slice %arg3[%add3A_39, %dma_wait3A_684] : memref<16384x128xf32, #tpu.memory_space<hbm>> -> memref<128x128xf32, #tpu.memory_space<hbm>>
        tpu.wait_dma2 semaphore(%arg19 : memref<!tpu.dma_semaphore, #tpu.memory_space<semaphore_mem>>) src(%dma_wait3A_685 : memref<128x128xf32, #tpu.memory_space<hbm>>) dst(%dma_wait3A_683 : memref<128x128xf32, #tpu.memory_space<vmem>>)
      } else {
      }
      %mul3A_648 = arith.constant 16 : i32
      %mul3A_649 = arith.muli %scan3A_634, %mul3A_648 : i32
      %get3A = arith.index_cast %mul3A_649 : i32 to index
      %get3A_650 = tpu.vector_load %arg11[%get3A] {strides = array<i32>} : memref<512xi32, #tpu.memory_space<vmem>>, vector<16xi32>,
      %mul3A_651 = arith.constant 128 : i32
      %mul3A_652 = vector.broadcast %mul3A_651 : i32 to vector<16xi32>
      %mul3A_653 = arith.muli %get3A_650, %mul3A_652 : vector<16xi32>
      %reduce_min3A = arith.constant true
      %reduce_min3A_654 = vector.broadcast %reduce_min3A : i1 to vector<16xi1>
      %reduce_min3A_655 = arith.constant -2147483648 : i32
      %reduce_min3A_656 = vector.broadcast %reduce_min3A_655 : i32 to vector<16xi32>
      %reduce_min3A_657 = arith.xori %mul3A_653, %reduce_min3A_656 : vector<16xi32>
      %reduce_min3A_658 = tpu.scan <min>, %reduce_min3A_657 masked %reduce_min3A_654 : vector<16xi32>, vector<16xi1> -> vector<16xi32>
      %reduce_min3A_659 = arith.xori %reduce_min3A_658, %reduce_min3A_656 : vector<16xi32>
      %reduce_min3A_660 = vector.extract %reduce_min3A_659[15] : i32 from vector<16xi32>
      %reduce_max3A_661 = arith.constant true
      %reduce_max3A_662 = vector.broadcast %reduce_max3A_661 : i1 to vector<16xi1>
      %reduce_max3A_663 = arith.constant -2147483648 : i32
      %reduce_max3A_664 = vector.broadcast %reduce_max3A_663 : i32 to vector<16xi32>
      %reduce_max3A_665 = arith.xori %mul3A_653, %reduce_max3A_664 : vector<16xi32>
      %reduce_max3A_666 = tpu.scan <max>, %reduce_max3A_665 masked %reduce_max3A_662 : vector<16xi32>, vector<16xi1> -> vector<16xi32>
      %reduce_max3A_667 = arith.xori %reduce_max3A_666, %reduce_max3A_664 : vector<16xi32>
      %reduce_max3A_668 = vector.extract %reduce_max3A_667[15] : i32 from vector<16xi32>
      %eq3A_669 = arith.cmpi eq, %reduce_min3A_660, %reduce_max3A_668 : i32
      %convert_element_type3A_670 = arith.extui %eq3A_669 : i1 to i32
      %cond3A_671 = arith.constant 0 : i32
      %cond3A_672 = arith.cmpi ne, %convert_element_type3A_670, %cond3A_671 : i32
      %cond3A_673 = scf.if %cond3A_672 -> (vector<16xf32>) {
        %add3A_676 = vector.broadcast %reduce_min3A_660 : i32 to vector<16xi32>
        %add3A_677 = arith.addi %add3A_676, %add3A_52 : vector<16xi32>
        %gather3A = tpu.vector_load_idx %arg9[%add3A_677] : memref<2048xf32, #tpu.memory_space<vmem>>[vector<16xi32>], vector<16xf32>,
        %add3A_678 = vector.broadcast %reduce_min3A_660 : i32 to vector<16xi32>
        %add3A_679 = arith.addi %add3A_678, %add3A_55 : vector<16xi32>
        %gather3A_680 = tpu.vector_load_idx %arg9[%add3A_679] : memref<2048xf32, #tpu.memory_space<vmem>>[vector<16xi32>], vector<16xf32>,
        %add3A_681 = vector.broadcast %reduce_min3A_660 : i32 to vector<16xi32>
        %add3A_682 = arith.addi %add3A_681, %add3A_58 : vector<16xi32>
        %gather3A_683 = tpu.vector_load_idx %arg9[%add3A_682] : memref<2048xf32, #tpu.memory_space<vmem>>[vector<16xi32>], vector<16xf32>,
        %add3A_684 = vector.broadcast %reduce_min3A_660 : i32 to vector<16xi32>
        %add3A_685 = arith.addi %add3A_684, %add3A_61 : vector<16xi32>
        %gather3A_686 = tpu.vector_load_idx %arg9[%add3A_685] : memref<2048xf32, #tpu.memory_space<vmem>>[vector<16xi32>], vector<16xf32>,
        %add3A_687 = vector.broadcast %reduce_min3A_660 : i32 to vector<16xi32>
        %add3A_688 = arith.addi %add3A_687, %add3A_64 : vector<16xi32>
        %gather3A_689 = tpu.vector_load_idx %arg9[%add3A_688] : memref<2048xf32, #tpu.memory_space<vmem>>[vector<16xi32>], vector<16xf32>,
        %add3A_690 = vector.broadcast %reduce_min3A_660 : i32 to vector<16xi32>
        %add3A_691 = arith.addi %add3A_690, %add3A_67 : vector<16xi32>
        %gather3A_692 = tpu.vector_load_idx %arg9[%add3A_691] : memref<2048xf32, #tpu.memory_space<vmem>>[vector<16xi32>], vector<16xf32>,
        %add3A_693 = vector.broadcast %reduce_min3A_660 : i32 to vector<16xi32>
        %add3A_694 = arith.addi %add3A_693, %add3A_70 : vector<16xi32>
        %gather3A_695 = tpu.vector_load_idx %arg9[%add3A_694] : memref<2048xf32, #tpu.memory_space<vmem>>[vector<16xi32>], vector<16xf32>,
        %add3A_696 = vector.broadcast %reduce_min3A_660 : i32 to vector<16xi32>
        %add3A_697 = arith.addi %add3A_696, %add3A_73 : vector<16xi32>
        %gather3A_698 = tpu.vector_load_idx %arg9[%add3A_697] : memref<2048xf32, #tpu.memory_space<vmem>>[vector<16xi32>], vector<16xf32>,
        %broadcast_in_dim3A_699 = arith.constant 0.000000e+00 : f32
        %broadcast_in_dim3A_700 = vector.broadcast %broadcast_in_dim3A_699 : f32 to vector<16xf32>
        %parallel_loop3A = arith.constant 0 : i32
        %parallel_loop3A_701 = arith.constant 16 : i32
        %parallel_loop3A_702 = arith.constant 1 : i32
        %parallel_loop3A_703 = scf.for %parallel_loop3A_704 = %parallel_loop3A to %parallel_loop3A_701 step %parallel_loop3A_702 iter_args(%parallel_loop3A_705 = %broadcast_in_dim3A_700) -> (vector<16xf32>)  : i32 {
          %parallel_loop3A_706 = arith.constant 0.000000e+00 : f32
          %parallel_loop3A_707 = vector.broadcast %parallel_loop3A_706 : f32 to vector<16xf32>
          %parallel_loop3A_708 = arith.constant 0.000000e+00 : f32
          %parallel_loop3A_709 = vector.broadcast %parallel_loop3A_708 : f32 to vector<16xf32>
          %parallel_loop3A_710 = arith.addi %mul3A_649, %parallel_loop3A_704 : i32
          %parallel_loop3A_711 = arith.index_cast %parallel_loop3A_710 : i32 to index
          %parallel_loop3A_712 = arith.constant 0 : index
          %parallel_loop3A_713 = tpu.vector_load %arg10[%parallel_loop3A_711, %parallel_loop3A_712] {strides = array<i32>} : memref<512x128xf32, #tpu.memory_space<vmem>>, vector<16xf32>,
          %parallel_loop3A_714 = arith.mulf %parallel_loop3A_713, %gather3A : vector<16xf32>
          %parallel_loop3A_715 = arith.addf %parallel_loop3A_707, %parallel_loop3A_714 : vector<16xf32>
          %parallel_loop3A_716 = arith.addi %mul3A_649, %parallel_loop3A_704 : i32
          %parallel_loop3A_717 = arith.index_cast %parallel_loop3A_716 : i32 to index
          %parallel_loop3A_718 = arith.constant 16 : index
          %parallel_loop3A_719 = tpu.vector_load %arg10[%parallel_loop3A_717, %parallel_loop3A_718] {strides = array<i32>} : memref<512x128xf32, #tpu.memory_space<vmem>>, vector<16xf32>,
          %parallel_loop3A_720 = arith.mulf %parallel_loop3A_719, %gather3A_680 : vector<16xf32>
          %parallel_loop3A_721 = arith.addf %parallel_loop3A_709, %parallel_loop3A_720 : vector<16xf32>
          %parallel_loop3A_722 = arith.addi %mul3A_649, %parallel_loop3A_704 : i32
          %parallel_loop3A_723 = arith.index_cast %parallel_loop3A_722 : i32 to index
          %parallel_loop3A_724 = arith.constant 32 : index
          %parallel_loop3A_725 = tpu.vector_load %arg10[%parallel_loop3A_723, %parallel_loop3A_724] {strides = array<i32>} : memref<512x128xf32, #tpu.memory_space<vmem>>, vector<16xf32>,
          %parallel_loop3A_726 = arith.mulf %parallel_loop3A_725, %gather3A_683 : vector<16xf32>
          %parallel_loop3A_727 = arith.addf %parallel_loop3A_715, %parallel_loop3A_726 : vector<16xf32>
          %parallel_loop3A_728 = arith.addi %mul3A_649, %parallel_loop3A_704 : i32
          %parallel_loop3A_729 = arith.index_cast %parallel_loop3A_728 : i32 to index
          %parallel_loop3A_730 = arith.constant 48 : index
          %parallel_loop3A_731 = tpu.vector_load %arg10[%parallel_loop3A_729, %parallel_loop3A_730] {strides = array<i32>} : memref<512x128xf32, #tpu.memory_space<vmem>>, vector<16xf32>,
          %parallel_loop3A_732 = arith.mulf %parallel_loop3A_731, %gather3A_686 : vector<16xf32>
          %parallel_loop3A_733 = arith.addf %parallel_loop3A_721, %parallel_loop3A_732 : vector<16xf32>
          %parallel_loop3A_734 = arith.addi %mul3A_649, %parallel_loop3A_704 : i32
          %parallel_loop3A_735 = arith.index_cast %parallel_loop3A_734 : i32 to index
          %parallel_loop3A_736 = arith.constant 64 : index
          %parallel_loop3A_737 = tpu.vector_load %arg10[%parallel_loop3A_735, %parallel_loop3A_736] {strides = array<i32>} : memref<512x128xf32, #tpu.memory_space<vmem>>, vector<16xf32>,
          %parallel_loop3A_738 = arith.mulf %parallel_loop3A_737, %gather3A_689 : vector<16xf32>
          %parallel_loop3A_739 = arith.addf %parallel_loop3A_727, %parallel_loop3A_738 : vector<16xf32>
          %parallel_loop3A_740 = arith.addi %mul3A_649, %parallel_loop3A_704 : i32
          %parallel_loop3A_741 = arith.index_cast %parallel_loop3A_740 : i32 to index
          %parallel_loop3A_742 = arith.constant 80 : index
          %parallel_loop3A_743 = tpu.vector_load %arg10[%parallel_loop3A_741, %parallel_loop3A_742] {strides = array<i32>} : memref<512x128xf32, #tpu.memory_space<vmem>>, vector<16xf32>,
          %parallel_loop3A_744 = arith.mulf %parallel_loop3A_743, %gather3A_692 : vector<16xf32>
          %parallel_loop3A_745 = arith.addf %parallel_loop3A_733, %parallel_loop3A_744 : vector<16xf32>
          %parallel_loop3A_746 = arith.addi %mul3A_649, %parallel_loop3A_704 : i32
          %parallel_loop3A_747 = arith.index_cast %parallel_loop3A_746 : i32 to index
          %parallel_loop3A_748 = arith.constant 96 : index
          %parallel_loop3A_749 = tpu.vector_load %arg10[%parallel_loop3A_747, %parallel_loop3A_748] {strides = array<i32>} : memref<512x128xf32, #tpu.memory_space<vmem>>, vector<16xf32>,
          %parallel_loop3A_750 = arith.mulf %parallel_loop3A_749, %gather3A_695 : vector<16xf32>
          %parallel_loop3A_751 = arith.addf %parallel_loop3A_739, %parallel_loop3A_750 : vector<16xf32>
          %parallel_loop3A_752 = arith.addi %mul3A_649, %parallel_loop3A_704 : i32
          %parallel_loop3A_753 = arith.index_cast %parallel_loop3A_752 : i32 to index
          %parallel_loop3A_754 = arith.constant 112 : index
          %parallel_loop3A_755 = tpu.vector_load %arg10[%parallel_loop3A_753, %parallel_loop3A_754] {strides = array<i32>} : memref<512x128xf32, #tpu.memory_space<vmem>>, vector<16xf32>,
          %parallel_loop3A_756 = arith.mulf %parallel_loop3A_755, %gather3A_698 : vector<16xf32>
          %parallel_loop3A_757 = arith.addf %parallel_loop3A_745, %parallel_loop3A_756 : vector<16xf32>
          %parallel_loop3A_758 = vector.broadcast %parallel_loop3A_704 : i32 to vector<16xi32>
          %parallel_loop3A_759 = arith.cmpi eq, %iota3A, %parallel_loop3A_758 : vector<16xi32>
          %parallel_loop3A_760 = arith.addf %parallel_loop3A_751, %parallel_loop3A_757 : vector<16xf32>
          %parallel_loop3A_761 = arith.constant true
          %parallel_loop3A_762 = vector.broadcast %parallel_loop3A_761 : i1 to vector<16xi1>
          %parallel_loop3A_763 = tpu.scan <sum>, %parallel_loop3A_760 masked %parallel_loop3A_762 : vector<16xf32>, vector<16xi1> -> vector<16xf32>
          %parallel_loop3A_764 = vector.extract %parallel_loop3A_763[15] : f32 from vector<16xf32>
          %parallel_loop3A_765 = vector.broadcast %parallel_loop3A_764 : f32 to vector<16xf32>
          %parallel_loop3A_766 = arith.select %parallel_loop3A_759, %parallel_loop3A_765, %parallel_loop3A_705 : vector<16xi1>, vector<16xf32>
          scf.yield %parallel_loop3A_766 : vector<16xf32>
        } {sc.loop_unroll_factor = 4 : i64, sc.parallel_access}
        scf.yield %parallel_loop3A_703 : vector<16xf32>
      } else {
        %add3A_676 = vector.broadcast %mul3A_649 : i32 to vector<16xi32>
        %add3A_677 = arith.addi %iota3A, %add3A_676 : vector<16xi32>
        %broadcast_in_dim3A_678 = arith.constant 0.000000e+00 : f32
        %broadcast_in_dim3A_679 = vector.broadcast %broadcast_in_dim3A_678 : f32 to vector<16xf32>
        %broadcast_in_dim3A_680 = arith.constant 0.000000e+00 : f32
        %broadcast_in_dim3A_681 = vector.broadcast %broadcast_in_dim3A_680 : f32 to vector<16xf32>
        %broadcast_in_dim3A_682 = arith.constant 0.000000e+00 : f32
        %broadcast_in_dim3A_683 = vector.broadcast %broadcast_in_dim3A_682 : f32 to vector<16xf32>
        %broadcast_in_dim3A_684 = arith.constant 0.000000e+00 : f32
        %broadcast_in_dim3A_685 = vector.broadcast %broadcast_in_dim3A_684 : f32 to vector<16xf32>
        %broadcast_in_dim3A_686 = arith.constant 0 : i32
        %broadcast_in_dim3A_687 = vector.broadcast %broadcast_in_dim3A_686 : i32 to vector<16xi32>
        %gather3A = tpu.vector_load_idx %arg10[%add3A_677, %broadcast_in_dim3A_687] : memref<512x128xf32, #tpu.memory_space<vmem>>[vector<16xi32>, vector<16xi32>], vector<16xf32>,
        %add3A_688 = arith.constant 0 : i32
        %add3A_689 = vector.broadcast %add3A_688 : i32 to vector<16xi32>
        %add3A_690 = arith.addi %mul3A_653, %add3A_689 : vector<16xi32>
        %gather3A_691 = tpu.vector_load_idx %arg9[%add3A_690] : memref<2048xf32, #tpu.memory_space<vmem>>[vector<16xi32>], vector<16xf32>,
        %mul3A_692 = arith.mulf %gather3A, %gather3A_691 : vector<16xf32>
        %add3A_693 = arith.addf %broadcast_in_dim3A_679, %mul3A_692 : vector<16xf32>
        %broadcast_in_dim3A_694 = arith.constant 1 : i32
        %broadcast_in_dim3A_695 = vector.broadcast %broadcast_in_dim3A_694 : i32 to vector<16xi32>
        %gather3A_696 = tpu.vector_load_idx %arg10[%add3A_677, %broadcast_in_dim3A_695] : memref<512x128xf32, #tpu.memory_space<vmem>>[vector<16xi32>, vector<16xi32>], vector<16xf32>,
        %add3A_697 = arith.constant 1 : i32
        %add3A_698 = vector.broadcast %add3A_697 : i32 to vector<16xi32>
        %add3A_699 = arith.addi %mul3A_653, %add3A_698 : vector<16xi32>
        %gather3A_700 = tpu.vector_load_idx %arg9[%add3A_699] : memref<2048xf32, #tpu.memory_space<vmem>>[vector<16xi32>], vector<16xf32>,
        %mul3A_701 = arith.mulf %gather3A_696, %gather3A_700 : vector<16xf32>
        %add3A_702 = arith.addf %broadcast_in_dim3A_681, %mul3A_701 : vector<16xf32>
        %broadcast_in_dim3A_703 = arith.constant 2 : i32
        %broadcast_in_dim3A_704 = vector.broadcast %broadcast_in_dim3A_703 : i32 to vector<16xi32>
        %gather3A_705 = tpu.vector_load_idx %arg10[%add3A_677, %broadcast_in_dim3A_704] : memref<512x128xf32, #tpu.memory_space<vmem>>[vector<16xi32>, vector<16xi32>], vector<16xf32>,
        %add3A_706 = arith.constant 2 : i32
        %add3A_707 = vector.broadcast %add3A_706 : i32 to vector<16xi32>
        %add3A_708 = arith.addi %mul3A_653, %add3A_707 : vector<16xi32>
        %gather3A_709 = tpu.vector_load_idx %arg9[%add3A_708] : memref<2048xf32, #tpu.memory_space<vmem>>[vector<16xi32>], vector<16xf32>,
        %mul3A_710 = arith.mulf %gather3A_705, %gather3A_709 : vector<16xf32>
        %add3A_711 = arith.addf %broadcast_in_dim3A_683, %mul3A_710 : vector<16xf32>
        %broadcast_in_dim3A_712 = arith.constant 3 : i32
        %broadcast_in_dim3A_713 = vector.broadcast %broadcast_in_dim3A_712 : i32 to vector<16xi32>
        %gather3A_714 = tpu.vector_load_idx %arg10[%add3A_677, %broadcast_in_dim3A_713] : memref<512x128xf32, #tpu.memory_space<vmem>>[vector<16xi32>, vector<16xi32>], vector<16xf32>,
        %add3A_715 = arith.constant 3 : i32
        %add3A_716 = vector.broadcast %add3A_715 : i32 to vector<16xi32>
        %add3A_717 = arith.addi %mul3A_653, %add3A_716 : vector<16xi32>
        %gather3A_718 = tpu.vector_load_idx %arg9[%add3A_717] : memref<2048xf32, #tpu.memory_space<vmem>>[vector<16xi32>], vector<16xf32>,
        %mul3A_719 = arith.mulf %gather3A_714, %gather3A_718 : vector<16xf32>
        %add3A_720 = arith.addf %broadcast_in_dim3A_685, %mul3A_719 : vector<16xf32>
        %broadcast_in_dim3A_721 = arith.constant 4 : i32
        %broadcast_in_dim3A_722 = vector.broadcast %broadcast_in_dim3A_721 : i32 to vector<16xi32>
        %gather3A_723 = tpu.vector_load_idx %arg10[%add3A_677, %broadcast_in_dim3A_722] : memref<512x128xf32, #tpu.memory_space<vmem>>[vector<16xi32>, vector<16xi32>], vector<16xf32>,
        %add3A_724 = arith.constant 4 : i32
        %add3A_725 = vector.broadcast %add3A_724 : i32 to vector<16xi32>
        %add3A_726 = arith.addi %mul3A_653, %add3A_725 : vector<16xi32>
        %gather3A_727 = tpu.vector_load_idx %arg9[%add3A_726] : memref<2048xf32, #tpu.memory_space<vmem>>[vector<16xi32>], vector<16xf32>,
        %mul3A_728 = arith.mulf %gather3A_723, %gather3A_727 : vector<16xf32>
        %add3A_729 = arith.addf %add3A_693, %mul3A_728 : vector<16xf32>
        %broadcast_in_dim3A_730 = arith.constant 5 : i32
        %broadcast_in_dim3A_731 = vector.broadcast %broadcast_in_dim3A_730 : i32 to vector<16xi32>
        %gather3A_732 = tpu.vector_load_idx %arg10[%add3A_677, %broadcast_in_dim3A_731] : memref<512x128xf32, #tpu.memory_space<vmem>>[vector<16xi32>, vector<16xi32>], vector<16xf32>,
        %add3A_733 = arith.constant 5 : i32
        %add3A_734 = vector.broadcast %add3A_733 : i32 to vector<16xi32>
        %add3A_735 = arith.addi %mul3A_653, %add3A_734 : vector<16xi32>
        %gather3A_736 = tpu.vector_load_idx %arg9[%add3A_735] : memref<2048xf32, #tpu.memory_space<vmem>>[vector<16xi32>], vector<16xf32>,
        %mul3A_737 = arith.mulf %gather3A_732, %gather3A_736 : vector<16xf32>
        %add3A_738 = arith.addf %add3A_702, %mul3A_737 : vector<16xf32>
        %broadcast_in_dim3A_739 = arith.constant 6 : i32
        %broadcast_in_dim3A_740 = vector.broadcast %broadcast_in_dim3A_739 : i32 to vector<16xi32>
        %gather3A_741 = tpu.vector_load_idx %arg10[%add3A_677, %broadcast_in_dim3A_740] : memref<512x128xf32, #tpu.memory_space<vmem>>[vector<16xi32>, vector<16xi32>], vector<16xf32>,
        %add3A_742 = arith.constant 6 : i32
        %add3A_743 = vector.broadcast %add3A_742 : i32 to vector<16xi32>
        %add3A_744 = arith.addi %mul3A_653, %add3A_743 : vector<16xi32>
        %gather3A_745 = tpu.vector_load_idx %arg9[%add3A_744] : memref<2048xf32, #tpu.memory_space<vmem>>[vector<16xi32>], vector<16xf32>,
        %mul3A_746 = arith.mulf %gather3A_741, %gather3A_745 : vector<16xf32>
        %add3A_747 = arith.addf %add3A_711, %mul3A_746 : vector<16xf32>
        %broadcast_in_dim3A_748 = arith.constant 7 : i32
        %broadcast_in_dim3A_749 = vector.broadcast %broadcast_in_dim3A_748 : i32 to vector<16xi32>
        %gather3A_750 = tpu.vector_load_idx %arg10[%add3A_677, %broadcast_in_dim3A_749] : memref<512x128xf32, #tpu.memory_space<vmem>>[vector<16xi32>, vector<16xi32>], vector<16xf32>,
        %add3A_751 = arith.constant 7 : i32
        %add3A_752 = vector.broadcast %add3A_751 : i32 to vector<16xi32>
        %add3A_753 = arith.addi %mul3A_653, %add3A_752 : vector<16xi32>
        %gather3A_754 = tpu.vector_load_idx %arg9[%add3A_753] : memref<2048xf32, #tpu.memory_space<vmem>>[vector<16xi32>], vector<16xf32>,
        %mul3A_755 = arith.mulf %gather3A_750, %gather3A_754 : vector<16xf32>
        %add3A_756 = arith.addf %add3A_720, %mul3A_755 : vector<16xf32>
        %broadcast_in_dim3A_757 = arith.constant 8 : i32
        %broadcast_in_dim3A_758 = vector.broadcast %broadcast_in_dim3A_757 : i32 to vector<16xi32>
        %gather3A_759 = tpu.vector_load_idx %arg10[%add3A_677, %broadcast_in_dim3A_758] : memref<512x128xf32, #tpu.memory_space<vmem>>[vector<16xi32>, vector<16xi32>], vector<16xf32>,
        %add3A_760 = arith.constant 8 : i32
        %add3A_761 = vector.broadcast %add3A_760 : i32 to vector<16xi32>
        %add3A_762 = arith.addi %mul3A_653, %add3A_761 : vector<16xi32>
        %gather3A_763 = tpu.vector_load_idx %arg9[%add3A_762] : memref<2048xf32, #tpu.memory_space<vmem>>[vector<16xi32>], vector<16xf32>,
        %mul3A_764 = arith.mulf %gather3A_759, %gather3A_763 : vector<16xf32>
        %add3A_765 = arith.addf %add3A_729, %mul3A_764 : vector<16xf32>
        %broadcast_in_dim3A_766 = arith.constant 9 : i32
        %broadcast_in_dim3A_767 = vector.broadcast %broadcast_in_dim3A_766 : i32 to vector<16xi32>
        %gather3A_768 = tpu.vector_load_idx %arg10[%add3A_677, %broadcast_in_dim3A_767] : memref<512x128xf32, #tpu.memory_space<vmem>>[vector<16xi32>, vector<16xi32>], vector<16xf32>,
        %add3A_769 = arith.constant 9 : i32
        %add3A_770 = vector.broadcast %add3A_769 : i32 to vector<16xi32>
        %add3A_771 = arith.addi %mul3A_653, %add3A_770 : vector<16xi32>
        %gather3A_772 = tpu.vector_load_idx %arg9[%add3A_771] : memref<2048xf32, #tpu.memory_space<vmem>>[vector<16xi32>], vector<16xf32>,
        %mul3A_773 = arith.mulf %gather3A_768, %gather3A_772 : vector<16xf32>
        %add3A_774 = arith.addf %add3A_738, %mul3A_773 : vector<16xf32>
        %broadcast_in_dim3A_775 = arith.constant 10 : i32
        %broadcast_in_dim3A_776 = vector.broadcast %broadcast_in_dim3A_775 : i32 to vector<16xi32>
        %gather3A_777 = tpu.vector_load_idx %arg10[%add3A_677, %broadcast_in_dim3A_776] : memref<512x128xf32, #tpu.memory_space<vmem>>[vector<16xi32>, vector<16xi32>], vector<16xf32>,
        %add3A_778 = arith.constant 10 : i32
        %add3A_779 = vector.broadcast %add3A_778 : i32 to vector<16xi32>
        %add3A_780 = arith.addi %mul3A_653, %add3A_779 : vector<16xi32>
        %gather3A_781 = tpu.vector_load_idx %arg9[%add3A_780] : memref<2048xf32, #tpu.memory_space<vmem>>[vector<16xi32>], vector<16xf32>,
        %mul3A_782 = arith.mulf %gather3A_777, %gather3A_781 : vector<16xf32>
        %add3A_783 = arith.addf %add3A_747, %mul3A_782 : vector<16xf32>
        %broadcast_in_dim3A_784 = arith.constant 11 : i32
        %broadcast_in_dim3A_785 = vector.broadcast %broadcast_in_dim3A_784 : i32 to vector<16xi32>
        %gather3A_786 = tpu.vector_load_idx %arg10[%add3A_677, %broadcast_in_dim3A_785] : memref<512x128xf32, #tpu.memory_space<vmem>>[vector<16xi32>, vector<16xi32>], vector<16xf32>,
        %add3A_787 = arith.constant 11 : i32
        %add3A_788 = vector.broadcast %add3A_787 : i32 to vector<16xi32>
        %add3A_789 = arith.addi %mul3A_653, %add3A_788 : vector<16xi32>
        %gather3A_790 = tpu.vector_load_idx %arg9[%add3A_789] : memref<2048xf32, #tpu.memory_space<vmem>>[vector<16xi32>], vector<16xf32>,
        %mul3A_791 = arith.mulf %gather3A_786, %gather3A_790 : vector<16xf32>
        %add3A_792 = arith.addf %add3A_756, %mul3A_791 : vector<16xf32>
        %broadcast_in_dim3A_793 = arith.constant 12 : i32
        %broadcast_in_dim3A_794 = vector.broadcast %broadcast_in_dim3A_793 : i32 to vector<16xi32>
        %gather3A_795 = tpu.vector_load_idx %arg10[%add3A_677, %broadcast_in_dim3A_794] : memref<512x128xf32, #tpu.memory_space<vmem>>[vector<16xi32>, vector<16xi32>], vector<16xf32>,
        %add3A_796 = arith.constant 12 : i32
        %add3A_797 = vector.broadcast %add3A_796 : i32 to vector<16xi32>
        %add3A_798 = arith.addi %mul3A_653, %add3A_797 : vector<16xi32>
        %gather3A_799 = tpu.vector_load_idx %arg9[%add3A_798] : memref<2048xf32, #tpu.memory_space<vmem>>[vector<16xi32>], vector<16xf32>,
        %mul3A_800 = arith.mulf %gather3A_795, %gather3A_799 : vector<16xf32>
        %add3A_801 = arith.addf %add3A_765, %mul3A_800 : vector<16xf32>
        %broadcast_in_dim3A_802 = arith.constant 13 : i32
        %broadcast_in_dim3A_803 = vector.broadcast %broadcast_in_dim3A_802 : i32 to vector<16xi32>
        %gather3A_804 = tpu.vector_load_idx %arg10[%add3A_677, %broadcast_in_dim3A_803] : memref<512x128xf32, #tpu.memory_space<vmem>>[vector<16xi32>, vector<16xi32>], vector<16xf32>,
        %add3A_805 = arith.constant 13 : i32
        %add3A_806 = vector.broadcast %add3A_805 : i32 to vector<16xi32>
        %add3A_807 = arith.addi %mul3A_653, %add3A_806 : vector<16xi32>
        %gather3A_808 = tpu.vector_load_idx %arg9[%add3A_807] : memref<2048xf32, #tpu.memory_space<vmem>>[vector<16xi32>], vector<16xf32>,
        %mul3A_809 = arith.mulf %gather3A_804, %gather3A_808 : vector<16xf32>
        %add3A_810 = arith.addf %add3A_774, %mul3A_809 : vector<16xf32>
        %broadcast_in_dim3A_811 = arith.constant 14 : i32
        %broadcast_in_dim3A_812 = vector.broadcast %broadcast_in_dim3A_811 : i32 to vector<16xi32>
        %gather3A_813 = tpu.vector_load_idx %arg10[%add3A_677, %broadcast_in_dim3A_812] : memref<512x128xf32, #tpu.memory_space<vmem>>[vector<16xi32>, vector<16xi32>], vector<16xf32>,
        %add3A_814 = arith.constant 14 : i32
        %add3A_815 = vector.broadcast %add3A_814 : i32 to vector<16xi32>
        %add3A_816 = arith.addi %mul3A_653, %add3A_815 : vector<16xi32>
        %gather3A_817 = tpu.vector_load_idx %arg9[%add3A_816] : memref<2048xf32, #tpu.memory_space<vmem>>[vector<16xi32>], vector<16xf32>,
        %mul3A_818 = arith.mulf %gather3A_813, %gather3A_817 : vector<16xf32>
        %add3A_819 = arith.addf %add3A_783, %mul3A_818 : vector<16xf32>
        %broadcast_in_dim3A_820 = arith.constant 15 : i32
        %broadcast_in_dim3A_821 = vector.broadcast %broadcast_in_dim3A_820 : i32 to vector<16xi32>
        %gather3A_822 = tpu.vector_load_idx %arg10[%add3A_677, %broadcast_in_dim3A_821] : memref<512x128xf32, #tpu.memory_space<vmem>>[vector<16xi32>, vector<16xi32>], vector<16xf32>,
        %add3A_823 = arith.constant 15 : i32
        %add3A_824 = vector.broadcast %add3A_823 : i32 to vector<16xi32>
        %add3A_825 = arith.addi %mul3A_653, %add3A_824 : vector<16xi32>
        %gather3A_826 = tpu.vector_load_idx %arg9[%add3A_825] : memref<2048xf32, #tpu.memory_space<vmem>>[vector<16xi32>], vector<16xf32>,
        %mul3A_827 = arith.mulf %gather3A_822, %gather3A_826 : vector<16xf32>
        %add3A_828 = arith.addf %add3A_792, %mul3A_827 : vector<16xf32>
        %broadcast_in_dim3A_829 = arith.constant 16 : i32
        %broadcast_in_dim3A_830 = vector.broadcast %broadcast_in_dim3A_829 : i32 to vector<16xi32>
        %gather3A_831 = tpu.vector_load_idx %arg10[%add3A_677, %broadcast_in_dim3A_830] : memref<512x128xf32, #tpu.memory_space<vmem>>[vector<16xi32>, vector<16xi32>], vector<16xf32>,
        %add3A_832 = arith.constant 16 : i32
        %add3A_833 = vector.broadcast %add3A_832 : i32 to vector<16xi32>
        %add3A_834 = arith.addi %mul3A_653, %add3A_833 : vector<16xi32>
        %gather3A_835 = tpu.vector_load_idx %arg9[%add3A_834] : memref<2048xf32, #tpu.memory_space<vmem>>[vector<16xi32>], vector<16xf32>,
        %mul3A_836 = arith.mulf %gather3A_831, %gather3A_835 : vector<16xf32>
        %add3A_837 = arith.addf %add3A_801, %mul3A_836 : vector<16xf32>
        %broadcast_in_dim3A_838 = arith.constant 17 : i32
        %broadcast_in_dim3A_839 = vector.broadcast %broadcast_in_dim3A_838 : i32 to vector<16xi32>
        %gather3A_840 = tpu.vector_load_idx %arg10[%add3A_677, %broadcast_in_dim3A_839] : memref<512x128xf32, #tpu.memory_space<vmem>>[vector<16xi32>, vector<16xi32>], vector<16xf32>,
        %add3A_841 = arith.constant 17 : i32
        %add3A_842 = vector.broadcast %add3A_841 : i32 to vector<16xi32>
        %add3A_843 = arith.addi %mul3A_653, %add3A_842 : vector<16xi32>
        %gather3A_844 = tpu.vector_load_idx %arg9[%add3A_843] : memref<2048xf32, #tpu.memory_space<vmem>>[vector<16xi32>], vector<16xf32>,
        %mul3A_845 = arith.mulf %gather3A_840, %gather3A_844 : vector<16xf32>
        %add3A_846 = arith.addf %add3A_810, %mul3A_845 : vector<16xf32>
        %broadcast_in_dim3A_847 = arith.constant 18 : i32
        %broadcast_in_dim3A_848 = vector.broadcast %broadcast_in_dim3A_847 : i32 to vector<16xi32>
        %gather3A_849 = tpu.vector_load_idx %arg10[%add3A_677, %broadcast_in_dim3A_848] : memref<512x128xf32, #tpu.memory_space<vmem>>[vector<16xi32>, vector<16xi32>], vector<16xf32>,
        %add3A_850 = arith.constant 18 : i32
        %add3A_851 = vector.broadcast %add3A_850 : i32 to vector<16xi32>
        %add3A_852 = arith.addi %mul3A_653, %add3A_851 : vector<16xi32>
        %gather3A_853 = tpu.vector_load_idx %arg9[%add3A_852] : memref<2048xf32, #tpu.memory_space<vmem>>[vector<16xi32>], vector<16xf32>,
        %mul3A_854 = arith.mulf %gather3A_849, %gather3A_853 : vector<16xf32>
        %add3A_855 = arith.addf %add3A_819, %mul3A_854 : vector<16xf32>
        %broadcast_in_dim3A_856 = arith.constant 19 : i32
        %broadcast_in_dim3A_857 = vector.broadcast %broadcast_in_dim3A_856 : i32 to vector<16xi32>
        %gather3A_858 = tpu.vector_load_idx %arg10[%add3A_677, %broadcast_in_dim3A_857] : memref<512x128xf32, #tpu.memory_space<vmem>>[vector<16xi32>, vector<16xi32>], vector<16xf32>,
        %add3A_859 = arith.constant 19 : i32
        %add3A_860 = vector.broadcast %add3A_859 : i32 to vector<16xi32>
        %add3A_861 = arith.addi %mul3A_653, %add3A_860 : vector<16xi32>
        %gather3A_862 = tpu.vector_load_idx %arg9[%add3A_861] : memref<2048xf32, #tpu.memory_space<vmem>>[vector<16xi32>], vector<16xf32>,
        %mul3A_863 = arith.mulf %gather3A_858, %gather3A_862 : vector<16xf32>
        %add3A_864 = arith.addf %add3A_828, %mul3A_863 : vector<16xf32>
        %broadcast_in_dim3A_865 = arith.constant 20 : i32
        %broadcast_in_dim3A_866 = vector.broadcast %broadcast_in_dim3A_865 : i32 to vector<16xi32>
        %gather3A_867 = tpu.vector_load_idx %arg10[%add3A_677, %broadcast_in_dim3A_866] : memref<512x128xf32, #tpu.memory_space<vmem>>[vector<16xi32>, vector<16xi32>], vector<16xf32>,
        %add3A_868 = arith.constant 20 : i32
        %add3A_869 = vector.broadcast %add3A_868 : i32 to vector<16xi32>
        %add3A_870 = arith.addi %mul3A_653, %add3A_869 : vector<16xi32>
        %gather3A_871 = tpu.vector_load_idx %arg9[%add3A_870] : memref<2048xf32, #tpu.memory_space<vmem>>[vector<16xi32>], vector<16xf32>,
        %mul3A_872 = arith.mulf %gather3A_867, %gather3A_871 : vector<16xf32>
        %add3A_873 = arith.addf %add3A_837, %mul3A_872 : vector<16xf32>
        %broadcast_in_dim3A_874 = arith.constant 21 : i32
        %broadcast_in_dim3A_875 = vector.broadcast %broadcast_in_dim3A_874 : i32 to vector<16xi32>
        %gather3A_876 = tpu.vector_load_idx %arg10[%add3A_677, %broadcast_in_dim3A_875] : memref<512x128xf32, #tpu.memory_space<vmem>>[vector<16xi32>, vector<16xi32>], vector<16xf32>,
        %add3A_877 = arith.constant 21 : i32
        %add3A_878 = vector.broadcast %add3A_877 : i32 to vector<16xi32>
        %add3A_879 = arith.addi %mul3A_653, %add3A_878 : vector<16xi32>
        %gather3A_880 = tpu.vector_load_idx %arg9[%add3A_879] : memref<2048xf32, #tpu.memory_space<vmem>>[vector<16xi32>], vector<16xf32>,
        %mul3A_881 = arith.mulf %gather3A_876, %gather3A_880 : vector<16xf32>
        %add3A_882 = arith.addf %add3A_846, %mul3A_881 : vector<16xf32>
        %broadcast_in_dim3A_883 = arith.constant 22 : i32
        %broadcast_in_dim3A_884 = vector.broadcast %broadcast_in_dim3A_883 : i32 to vector<16xi32>
        %gather3A_885 = tpu.vector_load_idx %arg10[%add3A_677, %broadcast_in_dim3A_884] : memref<512x128xf32, #tpu.memory_space<vmem>>[vector<16xi32>, vector<16xi32>], vector<16xf32>,
        %add3A_886 = arith.constant 22 : i32
        %add3A_887 = vector.broadcast %add3A_886 : i32 to vector<16xi32>
        %add3A_888 = arith.addi %mul3A_653, %add3A_887 : vector<16xi32>
        %gather3A_889 = tpu.vector_load_idx %arg9[%add3A_888] : memref<2048xf32, #tpu.memory_space<vmem>>[vector<16xi32>], vector<16xf32>,
        %mul3A_890 = arith.mulf %gather3A_885, %gather3A_889 : vector<16xf32>
        %add3A_891 = arith.addf %add3A_855, %mul3A_890 : vector<16xf32>
        %broadcast_in_dim3A_892 = arith.constant 23 : i32
        %broadcast_in_dim3A_893 = vector.broadcast %broadcast_in_dim3A_892 : i32 to vector<16xi32>
        %gather3A_894 = tpu.vector_load_idx %arg10[%add3A_677, %broadcast_in_dim3A_893] : memref<512x128xf32, #tpu.memory_space<vmem>>[vector<16xi32>, vector<16xi32>], vector<16xf32>,
        %add3A_895 = arith.constant 23 : i32
        %add3A_896 = vector.broadcast %add3A_895 : i32 to vector<16xi32>
        %add3A_897 = arith.addi %mul3A_653, %add3A_896 : vector<16xi32>
        %gather3A_898 = tpu.vector_load_idx %arg9[%add3A_897] : memref<2048xf32, #tpu.memory_space<vmem>>[vector<16xi32>], vector<16xf32>,
        %mul3A_899 = arith.mulf %gather3A_894, %gather3A_898 : vector<16xf32>
        %add3A_900 = arith.addf %add3A_864, %mul3A_899 : vector<16xf32>
        %broadcast_in_dim3A_901 = arith.constant 24 : i32
        %broadcast_in_dim3A_902 = vector.broadcast %broadcast_in_dim3A_901 : i32 to vector<16xi32>
        %gather3A_903 = tpu.vector_load_idx %arg10[%add3A_677, %broadcast_in_dim3A_902] : memref<512x128xf32, #tpu.memory_space<vmem>>[vector<16xi32>, vector<16xi32>], vector<16xf32>,
        %add3A_904 = arith.constant 24 : i32
        %add3A_905 = vector.broadcast %add3A_904 : i32 to vector<16xi32>
        %add3A_906 = arith.addi %mul3A_653, %add3A_905 : vector<16xi32>
        %gather3A_907 = tpu.vector_load_idx %arg9[%add3A_906] : memref<2048xf32, #tpu.memory_space<vmem>>[vector<16xi32>], vector<16xf32>,
        %mul3A_908 = arith.mulf %gather3A_903, %gather3A_907 : vector<16xf32>
        %add3A_909 = arith.addf %add3A_873, %mul3A_908 : vector<16xf32>
        %broadcast_in_dim3A_910 = arith.constant 25 : i32
        %broadcast_in_dim3A_911 = vector.broadcast %broadcast_in_dim3A_910 : i32 to vector<16xi32>
        %gather3A_912 = tpu.vector_load_idx %arg10[%add3A_677, %broadcast_in_dim3A_911] : memref<512x128xf32, #tpu.memory_space<vmem>>[vector<16xi32>, vector<16xi32>], vector<16xf32>,
        %add3A_913 = arith.constant 25 : i32
        %add3A_914 = vector.broadcast %add3A_913 : i32 to vector<16xi32>
        %add3A_915 = arith.addi %mul3A_653, %add3A_914 : vector<16xi32>
        %gather3A_916 = tpu.vector_load_idx %arg9[%add3A_915] : memref<2048xf32, #tpu.memory_space<vmem>>[vector<16xi32>], vector<16xf32>,
        %mul3A_917 = arith.mulf %gather3A_912, %gather3A_916 : vector<16xf32>
        %add3A_918 = arith.addf %add3A_882, %mul3A_917 : vector<16xf32>
        %broadcast_in_dim3A_919 = arith.constant 26 : i32
        %broadcast_in_dim3A_920 = vector.broadcast %broadcast_in_dim3A_919 : i32 to vector<16xi32>
        %gather3A_921 = tpu.vector_load_idx %arg10[%add3A_677, %broadcast_in_dim3A_920] : memref<512x128xf32, #tpu.memory_space<vmem>>[vector<16xi32>, vector<16xi32>], vector<16xf32>,
        %add3A_922 = arith.constant 26 : i32
        %add3A_923 = vector.broadcast %add3A_922 : i32 to vector<16xi32>
        %add3A_924 = arith.addi %mul3A_653, %add3A_923 : vector<16xi32>
        %gather3A_925 = tpu.vector_load_idx %arg9[%add3A_924] : memref<2048xf32, #tpu.memory_space<vmem>>[vector<16xi32>], vector<16xf32>,
        %mul3A_926 = arith.mulf %gather3A_921, %gather3A_925 : vector<16xf32>
        %add3A_927 = arith.addf %add3A_891, %mul3A_926 : vector<16xf32>
        %broadcast_in_dim3A_928 = arith.constant 27 : i32
        %broadcast_in_dim3A_929 = vector.broadcast %broadcast_in_dim3A_928 : i32 to vector<16xi32>
        %gather3A_930 = tpu.vector_load_idx %arg10[%add3A_677, %broadcast_in_dim3A_929] : memref<512x128xf32, #tpu.memory_space<vmem>>[vector<16xi32>, vector<16xi32>], vector<16xf32>,
        %add3A_931 = arith.constant 27 : i32
        %add3A_932 = vector.broadcast %add3A_931 : i32 to vector<16xi32>
        %add3A_933 = arith.addi %mul3A_653, %add3A_932 : vector<16xi32>
        %gather3A_934 = tpu.vector_load_idx %arg9[%add3A_933] : memref<2048xf32, #tpu.memory_space<vmem>>[vector<16xi32>], vector<16xf32>,
        %mul3A_935 = arith.mulf %gather3A_930, %gather3A_934 : vector<16xf32>
        %add3A_936 = arith.addf %add3A_900, %mul3A_935 : vector<16xf32>
        %broadcast_in_dim3A_937 = arith.constant 28 : i32
        %broadcast_in_dim3A_938 = vector.broadcast %broadcast_in_dim3A_937 : i32 to vector<16xi32>
        %gather3A_939 = tpu.vector_load_idx %arg10[%add3A_677, %broadcast_in_dim3A_938] : memref<512x128xf32, #tpu.memory_space<vmem>>[vector<16xi32>, vector<16xi32>], vector<16xf32>,
        %add3A_940 = arith.constant 28 : i32
        %add3A_941 = vector.broadcast %add3A_940 : i32 to vector<16xi32>
        %add3A_942 = arith.addi %mul3A_653, %add3A_941 : vector<16xi32>
        %gather3A_943 = tpu.vector_load_idx %arg9[%add3A_942] : memref<2048xf32, #tpu.memory_space<vmem>>[vector<16xi32>], vector<16xf32>,
        %mul3A_944 = arith.mulf %gather3A_939, %gather3A_943 : vector<16xf32>
        %add3A_945 = arith.addf %add3A_909, %mul3A_944 : vector<16xf32>
        %broadcast_in_dim3A_946 = arith.constant 29 : i32
        %broadcast_in_dim3A_947 = vector.broadcast %broadcast_in_dim3A_946 : i32 to vector<16xi32>
        %gather3A_948 = tpu.vector_load_idx %arg10[%add3A_677, %broadcast_in_dim3A_947] : memref<512x128xf32, #tpu.memory_space<vmem>>[vector<16xi32>, vector<16xi32>], vector<16xf32>,
        %add3A_949 = arith.constant 29 : i32
        %add3A_950 = vector.broadcast %add3A_949 : i32 to vector<16xi32>
        %add3A_951 = arith.addi %mul3A_653, %add3A_950 : vector<16xi32>
        %gather3A_952 = tpu.vector_load_idx %arg9[%add3A_951] : memref<2048xf32, #tpu.memory_space<vmem>>[vector<16xi32>], vector<16xf32>,
        %mul3A_953 = arith.mulf %gather3A_948, %gather3A_952 : vector<16xf32>
        %add3A_954 = arith.addf %add3A_918, %mul3A_953 : vector<16xf32>
        %broadcast_in_dim3A_955 = arith.constant 30 : i32
        %broadcast_in_dim3A_956 = vector.broadcast %broadcast_in_dim3A_955 : i32 to vector<16xi32>
        %gather3A_957 = tpu.vector_load_idx %arg10[%add3A_677, %broadcast_in_dim3A_956] : memref<512x128xf32, #tpu.memory_space<vmem>>[vector<16xi32>, vector<16xi32>], vector<16xf32>,
        %add3A_958 = arith.constant 30 : i32
        %add3A_959 = vector.broadcast %add3A_958 : i32 to vector<16xi32>
        %add3A_960 = arith.addi %mul3A_653, %add3A_959 : vector<16xi32>
        %gather3A_961 = tpu.vector_load_idx %arg9[%add3A_960] : memref<2048xf32, #tpu.memory_space<vmem>>[vector<16xi32>], vector<16xf32>,
        %mul3A_962 = arith.mulf %gather3A_957, %gather3A_961 : vector<16xf32>
        %add3A_963 = arith.addf %add3A_927, %mul3A_962 : vector<16xf32>
        %broadcast_in_dim3A_964 = arith.constant 31 : i32
        %broadcast_in_dim3A_965 = vector.broadcast %broadcast_in_dim3A_964 : i32 to vector<16xi32>
        %gather3A_966 = tpu.vector_load_idx %arg10[%add3A_677, %broadcast_in_dim3A_965] : memref<512x128xf32, #tpu.memory_space<vmem>>[vector<16xi32>, vector<16xi32>], vector<16xf32>,
        %add3A_967 = arith.constant 31 : i32
        %add3A_968 = vector.broadcast %add3A_967 : i32 to vector<16xi32>
        %add3A_969 = arith.addi %mul3A_653, %add3A_968 : vector<16xi32>
        %gather3A_970 = tpu.vector_load_idx %arg9[%add3A_969] : memref<2048xf32, #tpu.memory_space<vmem>>[vector<16xi32>], vector<16xf32>,
        %mul3A_971 = arith.mulf %gather3A_966, %gather3A_970 : vector<16xf32>
        %add3A_972 = arith.addf %add3A_936, %mul3A_971 : vector<16xf32>
        %broadcast_in_dim3A_973 = arith.constant 32 : i32
        %broadcast_in_dim3A_974 = vector.broadcast %broadcast_in_dim3A_973 : i32 to vector<16xi32>
        %gather3A_975 = tpu.vector_load_idx %arg10[%add3A_677, %broadcast_in_dim3A_974] : memref<512x128xf32, #tpu.memory_space<vmem>>[vector<16xi32>, vector<16xi32>], vector<16xf32>,
        %add3A_976 = arith.constant 32 : i32
        %add3A_977 = vector.broadcast %add3A_976 : i32 to vector<16xi32>
        %add3A_978 = arith.addi %mul3A_653, %add3A_977 : vector<16xi32>
        %gather3A_979 = tpu.vector_load_idx %arg9[%add3A_978] : memref<2048xf32, #tpu.memory_space<vmem>>[vector<16xi32>], vector<16xf32>,
        %mul3A_980 = arith.mulf %gather3A_975, %gather3A_979 : vector<16xf32>
        %add3A_981 = arith.addf %add3A_945, %mul3A_980 : vector<16xf32>
        %broadcast_in_dim3A_982 = arith.constant 33 : i32
        %broadcast_in_dim3A_983 = vector.broadcast %broadcast_in_dim3A_982 : i32 to vector<16xi32>
        %gather3A_984 = tpu.vector_load_idx %arg10[%add3A_677, %broadcast_in_dim3A_983] : memref<512x128xf32, #tpu.memory_space<vmem>>[vector<16xi32>, vector<16xi32>], vector<16xf32>,
        %add3A_985 = arith.constant 33 : i32
        %add3A_986 = vector.broadcast %add3A_985 : i32 to vector<16xi32>
        %add3A_987 = arith.addi %mul3A_653, %add3A_986 : vector<16xi32>
        %gather3A_988 = tpu.vector_load_idx %arg9[%add3A_987] : memref<2048xf32, #tpu.memory_space<vmem>>[vector<16xi32>], vector<16xf32>,
        %mul3A_989 = arith.mulf %gather3A_984, %gather3A_988 : vector<16xf32>
        %add3A_990 = arith.addf %add3A_954, %mul3A_989 : vector<16xf32>
        %broadcast_in_dim3A_991 = arith.constant 34 : i32
        %broadcast_in_dim3A_992 = vector.broadcast %broadcast_in_dim3A_991 : i32 to vector<16xi32>
        %gather3A_993 = tpu.vector_load_idx %arg10[%add3A_677, %broadcast_in_dim3A_992] : memref<512x128xf32, #tpu.memory_space<vmem>>[vector<16xi32>, vector<16xi32>], vector<16xf32>,
        %add3A_994 = arith.constant 34 : i32
        %add3A_995 = vector.broadcast %add3A_994 : i32 to vector<16xi32>
        %add3A_996 = arith.addi %mul3A_653, %add3A_995 : vector<16xi32>
        %gather3A_997 = tpu.vector_load_idx %arg9[%add3A_996] : memref<2048xf32, #tpu.memory_space<vmem>>[vector<16xi32>], vector<16xf32>,
        %mul3A_998 = arith.mulf %gather3A_993, %gather3A_997 : vector<16xf32>
        %add3A_999 = arith.addf %add3A_963, %mul3A_998 : vector<16xf32>
        %broadcast_in_dim3A_1000 = arith.constant 35 : i32
        %broadcast_in_dim3A_1001 = vector.broadcast %broadcast_in_dim3A_1000 : i32 to vector<16xi32>
        %gather3A_1002 = tpu.vector_load_idx %arg10[%add3A_677, %broadcast_in_dim3A_1001] : memref<512x128xf32, #tpu.memory_space<vmem>>[vector<16xi32>, vector<16xi32>], vector<16xf32>,
        %add3A_1003 = arith.constant 35 : i32
        %add3A_1004 = vector.broadcast %add3A_1003 : i32 to vector<16xi32>
        %add3A_1005 = arith.addi %mul3A_653, %add3A_1004 : vector<16xi32>
        %gather3A_1006 = tpu.vector_load_idx %arg9[%add3A_1005] : memref<2048xf32, #tpu.memory_space<vmem>>[vector<16xi32>], vector<16xf32>,
        %mul3A_1007 = arith.mulf %gather3A_1002, %gather3A_1006 : vector<16xf32>
        %add3A_1008 = arith.addf %add3A_972, %mul3A_1007 : vector<16xf32>
        %broadcast_in_dim3A_1009 = arith.constant 36 : i32
        %broadcast_in_dim3A_1010 = vector.broadcast %broadcast_in_dim3A_1009 : i32 to vector<16xi32>
        %gather3A_1011 = tpu.vector_load_idx %arg10[%add3A_677, %broadcast_in_dim3A_1010] : memref<512x128xf32, #tpu.memory_space<vmem>>[vector<16xi32>, vector<16xi32>], vector<16xf32>,
        %add3A_1012 = arith.constant 36 : i32
        %add3A_1013 = vector.broadcast %add3A_1012 : i32 to vector<16xi32>
        %add3A_1014 = arith.addi %mul3A_653, %add3A_1013 : vector<16xi32>
        %gather3A_1015 = tpu.vector_load_idx %arg9[%add3A_1014] : memref<2048xf32, #tpu.memory_space<vmem>>[vector<16xi32>], vector<16xf32>,
        %mul3A_1016 = arith.mulf %gather3A_1011, %gather3A_1015 : vector<16xf32>
        %add3A_1017 = arith.addf %add3A_981, %mul3A_1016 : vector<16xf32>
        %broadcast_in_dim3A_1018 = arith.constant 37 : i32
        %broadcast_in_dim3A_1019 = vector.broadcast %broadcast_in_dim3A_1018 : i32 to vector<16xi32>
        %gather3A_1020 = tpu.vector_load_idx %arg10[%add3A_677, %broadcast_in_dim3A_1019] : memref<512x128xf32, #tpu.memory_space<vmem>>[vector<16xi32>, vector<16xi32>], vector<16xf32>,
        %add3A_1021 = arith.constant 37 : i32
        %add3A_1022 = vector.broadcast %add3A_1021 : i32 to vector<16xi32>
        %add3A_1023 = arith.addi %mul3A_653, %add3A_1022 : vector<16xi32>
        %gather3A_1024 = tpu.vector_load_idx %arg9[%add3A_1023] : memref<2048xf32, #tpu.memory_space<vmem>>[vector<16xi32>], vector<16xf32>,
        %mul3A_1025 = arith.mulf %gather3A_1020, %gather3A_1024 : vector<16xf32>
        %add3A_1026 = arith.addf %add3A_990, %mul3A_1025 : vector<16xf32>
        %broadcast_in_dim3A_1027 = arith.constant 38 : i32
        %broadcast_in_dim3A_1028 = vector.broadcast %broadcast_in_dim3A_1027 : i32 to vector<16xi32>
        %gather3A_1029 = tpu.vector_load_idx %arg10[%add3A_677, %broadcast_in_dim3A_1028] : memref<512x128xf32, #tpu.memory_space<vmem>>[vector<16xi32>, vector<16xi32>], vector<16xf32>,
        %add3A_1030 = arith.constant 38 : i32
        %add3A_1031 = vector.broadcast %add3A_1030 : i32 to vector<16xi32>
        %add3A_1032 = arith.addi %mul3A_653, %add3A_1031 : vector<16xi32>
        %gather3A_1033 = tpu.vector_load_idx %arg9[%add3A_1032] : memref<2048xf32, #tpu.memory_space<vmem>>[vector<16xi32>], vector<16xf32>,
        %mul3A_1034 = arith.mulf %gather3A_1029, %gather3A_1033 : vector<16xf32>
        %add3A_1035 = arith.addf %add3A_999, %mul3A_1034 : vector<16xf32>
        %broadcast_in_dim3A_1036 = arith.constant 39 : i32
        %broadcast_in_dim3A_1037 = vector.broadcast %broadcast_in_dim3A_1036 : i32 to vector<16xi32>
        %gather3A_1038 = tpu.vector_load_idx %arg10[%add3A_677, %broadcast_in_dim3A_1037] : memref<512x128xf32, #tpu.memory_space<vmem>>[vector<16xi32>, vector<16xi32>], vector<16xf32>,
        %add3A_1039 = arith.constant 39 : i32
        %add3A_1040 = vector.broadcast %add3A_1039 : i32 to vector<16xi32>
        %add3A_1041 = arith.addi %mul3A_653, %add3A_1040 : vector<16xi32>
        %gather3A_1042 = tpu.vector_load_idx %arg9[%add3A_1041] : memref<2048xf32, #tpu.memory_space<vmem>>[vector<16xi32>], vector<16xf32>,
        %mul3A_1043 = arith.mulf %gather3A_1038, %gather3A_1042 : vector<16xf32>
        %add3A_1044 = arith.addf %add3A_1008, %mul3A_1043 : vector<16xf32>
        %broadcast_in_dim3A_1045 = arith.constant 40 : i32
        %broadcast_in_dim3A_1046 = vector.broadcast %broadcast_in_dim3A_1045 : i32 to vector<16xi32>
        %gather3A_1047 = tpu.vector_load_idx %arg10[%add3A_677, %broadcast_in_dim3A_1046] : memref<512x128xf32, #tpu.memory_space<vmem>>[vector<16xi32>, vector<16xi32>], vector<16xf32>,
        %add3A_1048 = arith.constant 40 : i32
        %add3A_1049 = vector.broadcast %add3A_1048 : i32 to vector<16xi32>
        %add3A_1050 = arith.addi %mul3A_653, %add3A_1049 : vector<16xi32>
        %gather3A_1051 = tpu.vector_load_idx %arg9[%add3A_1050] : memref<2048xf32, #tpu.memory_space<vmem>>[vector<16xi32>], vector<16xf32>,
        %mul3A_1052 = arith.mulf %gather3A_1047, %gather3A_1051 : vector<16xf32>
        %add3A_1053 = arith.addf %add3A_1017, %mul3A_1052 : vector<16xf32>
        %broadcast_in_dim3A_1054 = arith.constant 41 : i32
        %broadcast_in_dim3A_1055 = vector.broadcast %broadcast_in_dim3A_1054 : i32 to vector<16xi32>
        %gather3A_1056 = tpu.vector_load_idx %arg10[%add3A_677, %broadcast_in_dim3A_1055] : memref<512x128xf32, #tpu.memory_space<vmem>>[vector<16xi32>, vector<16xi32>], vector<16xf32>,
        %add3A_1057 = arith.constant 41 : i32
        %add3A_1058 = vector.broadcast %add3A_1057 : i32 to vector<16xi32>
        %add3A_1059 = arith.addi %mul3A_653, %add3A_1058 : vector<16xi32>
        %gather3A_1060 = tpu.vector_load_idx %arg9[%add3A_1059] : memref<2048xf32, #tpu.memory_space<vmem>>[vector<16xi32>], vector<16xf32>,
        %mul3A_1061 = arith.mulf %gather3A_1056, %gather3A_1060 : vector<16xf32>
        %add3A_1062 = arith.addf %add3A_1026, %mul3A_1061 : vector<16xf32>
        %broadcast_in_dim3A_1063 = arith.constant 42 : i32
        %broadcast_in_dim3A_1064 = vector.broadcast %broadcast_in_dim3A_1063 : i32 to vector<16xi32>
        %gather3A_1065 = tpu.vector_load_idx %arg10[%add3A_677, %broadcast_in_dim3A_1064] : memref<512x128xf32, #tpu.memory_space<vmem>>[vector<16xi32>, vector<16xi32>], vector<16xf32>,
        %add3A_1066 = arith.constant 42 : i32
        %add3A_1067 = vector.broadcast %add3A_1066 : i32 to vector<16xi32>
        %add3A_1068 = arith.addi %mul3A_653, %add3A_1067 : vector<16xi32>
        %gather3A_1069 = tpu.vector_load_idx %arg9[%add3A_1068] : memref<2048xf32, #tpu.memory_space<vmem>>[vector<16xi32>], vector<16xf32>,
        %mul3A_1070 = arith.mulf %gather3A_1065, %gather3A_1069 : vector<16xf32>
        %add3A_1071 = arith.addf %add3A_1035, %mul3A_1070 : vector<16xf32>
        %broadcast_in_dim3A_1072 = arith.constant 43 : i32
        %broadcast_in_dim3A_1073 = vector.broadcast %broadcast_in_dim3A_1072 : i32 to vector<16xi32>
        %gather3A_1074 = tpu.vector_load_idx %arg10[%add3A_677, %broadcast_in_dim3A_1073] : memref<512x128xf32, #tpu.memory_space<vmem>>[vector<16xi32>, vector<16xi32>], vector<16xf32>,
        %add3A_1075 = arith.constant 43 : i32
        %add3A_1076 = vector.broadcast %add3A_1075 : i32 to vector<16xi32>
        %add3A_1077 = arith.addi %mul3A_653, %add3A_1076 : vector<16xi32>
        %gather3A_1078 = tpu.vector_load_idx %arg9[%add3A_1077] : memref<2048xf32, #tpu.memory_space<vmem>>[vector<16xi32>], vector<16xf32>,
        %mul3A_1079 = arith.mulf %gather3A_1074, %gather3A_1078 : vector<16xf32>
        %add3A_1080 = arith.addf %add3A_1044, %mul3A_1079 : vector<16xf32>
        %broadcast_in_dim3A_1081 = arith.constant 44 : i32
        %broadcast_in_dim3A_1082 = vector.broadcast %broadcast_in_dim3A_1081 : i32 to vector<16xi32>
        %gather3A_1083 = tpu.vector_load_idx %arg10[%add3A_677, %broadcast_in_dim3A_1082] : memref<512x128xf32, #tpu.memory_space<vmem>>[vector<16xi32>, vector<16xi32>], vector<16xf32>,
        %add3A_1084 = arith.constant 44 : i32
        %add3A_1085 = vector.broadcast %add3A_1084 : i32 to vector<16xi32>
        %add3A_1086 = arith.addi %mul3A_653, %add3A_1085 : vector<16xi32>
        %gather3A_1087 = tpu.vector_load_idx %arg9[%add3A_1086] : memref<2048xf32, #tpu.memory_space<vmem>>[vector<16xi32>], vector<16xf32>,
        %mul3A_1088 = arith.mulf %gather3A_1083, %gather3A_1087 : vector<16xf32>
        %add3A_1089 = arith.addf %add3A_1053, %mul3A_1088 : vector<16xf32>
        %broadcast_in_dim3A_1090 = arith.constant 45 : i32
        %broadcast_in_dim3A_1091 = vector.broadcast %broadcast_in_dim3A_1090 : i32 to vector<16xi32>
        %gather3A_1092 = tpu.vector_load_idx %arg10[%add3A_677, %broadcast_in_dim3A_1091] : memref<512x128xf32, #tpu.memory_space<vmem>>[vector<16xi32>, vector<16xi32>], vector<16xf32>,
        %add3A_1093 = arith.constant 45 : i32
        %add3A_1094 = vector.broadcast %add3A_1093 : i32 to vector<16xi32>
        %add3A_1095 = arith.addi %mul3A_653, %add3A_1094 : vector<16xi32>
        %gather3A_1096 = tpu.vector_load_idx %arg9[%add3A_1095] : memref<2048xf32, #tpu.memory_space<vmem>>[vector<16xi32>], vector<16xf32>,
        %mul3A_1097 = arith.mulf %gather3A_1092, %gather3A_1096 : vector<16xf32>
        %add3A_1098 = arith.addf %add3A_1062, %mul3A_1097 : vector<16xf32>
        %broadcast_in_dim3A_1099 = arith.constant 46 : i32
        %broadcast_in_dim3A_1100 = vector.broadcast %broadcast_in_dim3A_1099 : i32 to vector<16xi32>
        %gather3A_1101 = tpu.vector_load_idx %arg10[%add3A_677, %broadcast_in_dim3A_1100] : memref<512x128xf32, #tpu.memory_space<vmem>>[vector<16xi32>, vector<16xi32>], vector<16xf32>,
        %add3A_1102 = arith.constant 46 : i32
        %add3A_1103 = vector.broadcast %add3A_1102 : i32 to vector<16xi32>
        %add3A_1104 = arith.addi %mul3A_653, %add3A_1103 : vector<16xi32>
        %gather3A_1105 = tpu.vector_load_idx %arg9[%add3A_1104] : memref<2048xf32, #tpu.memory_space<vmem>>[vector<16xi32>], vector<16xf32>,
        %mul3A_1106 = arith.mulf %gather3A_1101, %gather3A_1105 : vector<16xf32>
        %add3A_1107 = arith.addf %add3A_1071, %mul3A_1106 : vector<16xf32>
        %broadcast_in_dim3A_1108 = arith.constant 47 : i32
        %broadcast_in_dim3A_1109 = vector.broadcast %broadcast_in_dim3A_1108 : i32 to vector<16xi32>
        %gather3A_1110 = tpu.vector_load_idx %arg10[%add3A_677, %broadcast_in_dim3A_1109] : memref<512x128xf32, #tpu.memory_space<vmem>>[vector<16xi32>, vector<16xi32>], vector<16xf32>,
        %add3A_1111 = arith.constant 47 : i32
        %add3A_1112 = vector.broadcast %add3A_1111 : i32 to vector<16xi32>
        %add3A_1113 = arith.addi %mul3A_653, %add3A_1112 : vector<16xi32>
        %gather3A_1114 = tpu.vector_load_idx %arg9[%add3A_1113] : memref<2048xf32, #tpu.memory_space<vmem>>[vector<16xi32>], vector<16xf32>,
        %mul3A_1115 = arith.mulf %gather3A_1110, %gather3A_1114 : vector<16xf32>
        %add3A_1116 = arith.addf %add3A_1080, %mul3A_1115 : vector<16xf32>
        %broadcast_in_dim3A_1117 = arith.constant 48 : i32
        %broadcast_in_dim3A_1118 = vector.broadcast %broadcast_in_dim3A_1117 : i32 to vector<16xi32>
        %gather3A_1119 = tpu.vector_load_idx %arg10[%add3A_677, %broadcast_in_dim3A_1118] : memref<512x128xf32, #tpu.memory_space<vmem>>[vector<16xi32>, vector<16xi32>], vector<16xf32>,
        %add3A_1120 = arith.constant 48 : i32
        %add3A_1121 = vector.broadcast %add3A_1120 : i32 to vector<16xi32>
        %add3A_1122 = arith.addi %mul3A_653, %add3A_1121 : vector<16xi32>
        %gather3A_1123 = tpu.vector_load_idx %arg9[%add3A_1122] : memref<2048xf32, #tpu.memory_space<vmem>>[vector<16xi32>], vector<16xf32>,
        %mul3A_1124 = arith.mulf %gather3A_1119, %gather3A_1123 : vector<16xf32>
        %add3A_1125 = arith.addf %add3A_1089, %mul3A_1124 : vector<16xf32>
        %broadcast_in_dim3A_1126 = arith.constant 49 : i32
        %broadcast_in_dim3A_1127 = vector.broadcast %broadcast_in_dim3A_1126 : i32 to vector<16xi32>
        %gather3A_1128 = tpu.vector_load_idx %arg10[%add3A_677, %broadcast_in_dim3A_1127] : memref<512x128xf32, #tpu.memory_space<vmem>>[vector<16xi32>, vector<16xi32>], vector<16xf32>,
        %add3A_1129 = arith.constant 49 : i32
        %add3A_1130 = vector.broadcast %add3A_1129 : i32 to vector<16xi32>
        %add3A_1131 = arith.addi %mul3A_653, %add3A_1130 : vector<16xi32>
        %gather3A_1132 = tpu.vector_load_idx %arg9[%add3A_1131] : memref<2048xf32, #tpu.memory_space<vmem>>[vector<16xi32>], vector<16xf32>,
        %mul3A_1133 = arith.mulf %gather3A_1128, %gather3A_1132 : vector<16xf32>
        %add3A_1134 = arith.addf %add3A_1098, %mul3A_1133 : vector<16xf32>
        %broadcast_in_dim3A_1135 = arith.constant 50 : i32
        %broadcast_in_dim3A_1136 = vector.broadcast %broadcast_in_dim3A_1135 : i32 to vector<16xi32>
        %gather3A_1137 = tpu.vector_load_idx %arg10[%add3A_677, %broadcast_in_dim3A_1136] : memref<512x128xf32, #tpu.memory_space<vmem>>[vector<16xi32>, vector<16xi32>], vector<16xf32>,
        %add3A_1138 = arith.constant 50 : i32
        %add3A_1139 = vector.broadcast %add3A_1138 : i32 to vector<16xi32>
        %add3A_1140 = arith.addi %mul3A_653, %add3A_1139 : vector<16xi32>
        %gather3A_1141 = tpu.vector_load_idx %arg9[%add3A_1140] : memref<2048xf32, #tpu.memory_space<vmem>>[vector<16xi32>], vector<16xf32>,
        %mul3A_1142 = arith.mulf %gather3A_1137, %gather3A_1141 : vector<16xf32>
        %add3A_1143 = arith.addf %add3A_1107, %mul3A_1142 : vector<16xf32>
        %broadcast_in_dim3A_1144 = arith.constant 51 : i32
        %broadcast_in_dim3A_1145 = vector.broadcast %broadcast_in_dim3A_1144 : i32 to vector<16xi32>
        %gather3A_1146 = tpu.vector_load_idx %arg10[%add3A_677, %broadcast_in_dim3A_1145] : memref<512x128xf32, #tpu.memory_space<vmem>>[vector<16xi32>, vector<16xi32>], vector<16xf32>,
        %add3A_1147 = arith.constant 51 : i32
        %add3A_1148 = vector.broadcast %add3A_1147 : i32 to vector<16xi32>
        %add3A_1149 = arith.addi %mul3A_653, %add3A_1148 : vector<16xi32>
        %gather3A_1150 = tpu.vector_load_idx %arg9[%add3A_1149] : memref<2048xf32, #tpu.memory_space<vmem>>[vector<16xi32>], vector<16xf32>,
        %mul3A_1151 = arith.mulf %gather3A_1146, %gather3A_1150 : vector<16xf32>
        %add3A_1152 = arith.addf %add3A_1116, %mul3A_1151 : vector<16xf32>
        %broadcast_in_dim3A_1153 = arith.constant 52 : i32
        %broadcast_in_dim3A_1154 = vector.broadcast %broadcast_in_dim3A_1153 : i32 to vector<16xi32>
        %gather3A_1155 = tpu.vector_load_idx %arg10[%add3A_677, %broadcast_in_dim3A_1154] : memref<512x128xf32, #tpu.memory_space<vmem>>[vector<16xi32>, vector<16xi32>], vector<16xf32>,
        %add3A_1156 = arith.constant 52 : i32
        %add3A_1157 = vector.broadcast %add3A_1156 : i32 to vector<16xi32>
        %add3A_1158 = arith.addi %mul3A_653, %add3A_1157 : vector<16xi32>
        %gather3A_1159 = tpu.vector_load_idx %arg9[%add3A_1158] : memref<2048xf32, #tpu.memory_space<vmem>>[vector<16xi32>], vector<16xf32>,
        %mul3A_1160 = arith.mulf %gather3A_1155, %gather3A_1159 : vector<16xf32>
        %add3A_1161 = arith.addf %add3A_1125, %mul3A_1160 : vector<16xf32>
        %broadcast_in_dim3A_1162 = arith.constant 53 : i32
        %broadcast_in_dim3A_1163 = vector.broadcast %broadcast_in_dim3A_1162 : i32 to vector<16xi32>
        %gather3A_1164 = tpu.vector_load_idx %arg10[%add3A_677, %broadcast_in_dim3A_1163] : memref<512x128xf32, #tpu.memory_space<vmem>>[vector<16xi32>, vector<16xi32>], vector<16xf32>,
        %add3A_1165 = arith.constant 53 : i32
        %add3A_1166 = vector.broadcast %add3A_1165 : i32 to vector<16xi32>
        %add3A_1167 = arith.addi %mul3A_653, %add3A_1166 : vector<16xi32>
        %gather3A_1168 = tpu.vector_load_idx %arg9[%add3A_1167] : memref<2048xf32, #tpu.memory_space<vmem>>[vector<16xi32>], vector<16xf32>,
        %mul3A_1169 = arith.mulf %gather3A_1164, %gather3A_1168 : vector<16xf32>
        %add3A_1170 = arith.addf %add3A_1134, %mul3A_1169 : vector<16xf32>
        %broadcast_in_dim3A_1171 = arith.constant 54 : i32
        %broadcast_in_dim3A_1172 = vector.broadcast %broadcast_in_dim3A_1171 : i32 to vector<16xi32>
        %gather3A_1173 = tpu.vector_load_idx %arg10[%add3A_677, %broadcast_in_dim3A_1172] : memref<512x128xf32, #tpu.memory_space<vmem>>[vector<16xi32>, vector<16xi32>], vector<16xf32>,
        %add3A_1174 = arith.constant 54 : i32
        %add3A_1175 = vector.broadcast %add3A_1174 : i32 to vector<16xi32>
        %add3A_1176 = arith.addi %mul3A_653, %add3A_1175 : vector<16xi32>
        %gather3A_1177 = tpu.vector_load_idx %arg9[%add3A_1176] : memref<2048xf32, #tpu.memory_space<vmem>>[vector<16xi32>], vector<16xf32>,
        %mul3A_1178 = arith.mulf %gather3A_1173, %gather3A_1177 : vector<16xf32>
        %add3A_1179 = arith.addf %add3A_1143, %mul3A_1178 : vector<16xf32>
        %broadcast_in_dim3A_1180 = arith.constant 55 : i32
        %broadcast_in_dim3A_1181 = vector.broadcast %broadcast_in_dim3A_1180 : i32 to vector<16xi32>
        %gather3A_1182 = tpu.vector_load_idx %arg10[%add3A_677, %broadcast_in_dim3A_1181] : memref<512x128xf32, #tpu.memory_space<vmem>>[vector<16xi32>, vector<16xi32>], vector<16xf32>,
        %add3A_1183 = arith.constant 55 : i32
        %add3A_1184 = vector.broadcast %add3A_1183 : i32 to vector<16xi32>
        %add3A_1185 = arith.addi %mul3A_653, %add3A_1184 : vector<16xi32>
        %gather3A_1186 = tpu.vector_load_idx %arg9[%add3A_1185] : memref<2048xf32, #tpu.memory_space<vmem>>[vector<16xi32>], vector<16xf32>,
        %mul3A_1187 = arith.mulf %gather3A_1182, %gather3A_1186 : vector<16xf32>
        %add3A_1188 = arith.addf %add3A_1152, %mul3A_1187 : vector<16xf32>
        %broadcast_in_dim3A_1189 = arith.constant 56 : i32
        %broadcast_in_dim3A_1190 = vector.broadcast %broadcast_in_dim3A_1189 : i32 to vector<16xi32>
        %gather3A_1191 = tpu.vector_load_idx %arg10[%add3A_677, %broadcast_in_dim3A_1190] : memref<512x128xf32, #tpu.memory_space<vmem>>[vector<16xi32>, vector<16xi32>], vector<16xf32>,
        %add3A_1192 = arith.constant 56 : i32
        %add3A_1193 = vector.broadcast %add3A_1192 : i32 to vector<16xi32>
        %add3A_1194 = arith.addi %mul3A_653, %add3A_1193 : vector<16xi32>
        %gather3A_1195 = tpu.vector_load_idx %arg9[%add3A_1194] : memref<2048xf32, #tpu.memory_space<vmem>>[vector<16xi32>], vector<16xf32>,
        %mul3A_1196 = arith.mulf %gather3A_1191, %gather3A_1195 : vector<16xf32>
        %add3A_1197 = arith.addf %add3A_1161, %mul3A_1196 : vector<16xf32>
        %broadcast_in_dim3A_1198 = arith.constant 57 : i32
        %broadcast_in_dim3A_1199 = vector.broadcast %broadcast_in_dim3A_1198 : i32 to vector<16xi32>
        %gather3A_1200 = tpu.vector_load_idx %arg10[%add3A_677, %broadcast_in_dim3A_1199] : memref<512x128xf32, #tpu.memory_space<vmem>>[vector<16xi32>, vector<16xi32>], vector<16xf32>,
        %add3A_1201 = arith.constant 57 : i32
        %add3A_1202 = vector.broadcast %add3A_1201 : i32 to vector<16xi32>
        %add3A_1203 = arith.addi %mul3A_653, %add3A_1202 : vector<16xi32>
        %gather3A_1204 = tpu.vector_load_idx %arg9[%add3A_1203] : memref<2048xf32, #tpu.memory_space<vmem>>[vector<16xi32>], vector<16xf32>,
        %mul3A_1205 = arith.mulf %gather3A_1200, %gather3A_1204 : vector<16xf32>
        %add3A_1206 = arith.addf %add3A_1170, %mul3A_1205 : vector<16xf32>
        %broadcast_in_dim3A_1207 = arith.constant 58 : i32
        %broadcast_in_dim3A_1208 = vector.broadcast %broadcast_in_dim3A_1207 : i32 to vector<16xi32>
        %gather3A_1209 = tpu.vector_load_idx %arg10[%add3A_677, %broadcast_in_dim3A_1208] : memref<512x128xf32, #tpu.memory_space<vmem>>[vector<16xi32>, vector<16xi32>], vector<16xf32>,
        %add3A_1210 = arith.constant 58 : i32
        %add3A_1211 = vector.broadcast %add3A_1210 : i32 to vector<16xi32>
        %add3A_1212 = arith.addi %mul3A_653, %add3A_1211 : vector<16xi32>
        %gather3A_1213 = tpu.vector_load_idx %arg9[%add3A_1212] : memref<2048xf32, #tpu.memory_space<vmem>>[vector<16xi32>], vector<16xf32>,
        %mul3A_1214 = arith.mulf %gather3A_1209, %gather3A_1213 : vector<16xf32>
        %add3A_1215 = arith.addf %add3A_1179, %mul3A_1214 : vector<16xf32>
        %broadcast_in_dim3A_1216 = arith.constant 59 : i32
        %broadcast_in_dim3A_1217 = vector.broadcast %broadcast_in_dim3A_1216 : i32 to vector<16xi32>
        %gather3A_1218 = tpu.vector_load_idx %arg10[%add3A_677, %broadcast_in_dim3A_1217] : memref<512x128xf32, #tpu.memory_space<vmem>>[vector<16xi32>, vector<16xi32>], vector<16xf32>,
        %add3A_1219 = arith.constant 59 : i32
        %add3A_1220 = vector.broadcast %add3A_1219 : i32 to vector<16xi32>
        %add3A_1221 = arith.addi %mul3A_653, %add3A_1220 : vector<16xi32>
        %gather3A_1222 = tpu.vector_load_idx %arg9[%add3A_1221] : memref<2048xf32, #tpu.memory_space<vmem>>[vector<16xi32>], vector<16xf32>,
        %mul3A_1223 = arith.mulf %gather3A_1218, %gather3A_1222 : vector<16xf32>
        %add3A_1224 = arith.addf %add3A_1188, %mul3A_1223 : vector<16xf32>
        %broadcast_in_dim3A_1225 = arith.constant 60 : i32
        %broadcast_in_dim3A_1226 = vector.broadcast %broadcast_in_dim3A_1225 : i32 to vector<16xi32>
        %gather3A_1227 = tpu.vector_load_idx %arg10[%add3A_677, %broadcast_in_dim3A_1226] : memref<512x128xf32, #tpu.memory_space<vmem>>[vector<16xi32>, vector<16xi32>], vector<16xf32>,
        %add3A_1228 = arith.constant 60 : i32
        %add3A_1229 = vector.broadcast %add3A_1228 : i32 to vector<16xi32>
        %add3A_1230 = arith.addi %mul3A_653, %add3A_1229 : vector<16xi32>
        %gather3A_1231 = tpu.vector_load_idx %arg9[%add3A_1230] : memref<2048xf32, #tpu.memory_space<vmem>>[vector<16xi32>], vector<16xf32>,
        %mul3A_1232 = arith.mulf %gather3A_1227, %gather3A_1231 : vector<16xf32>
        %add3A_1233 = arith.addf %add3A_1197, %mul3A_1232 : vector<16xf32>
        %broadcast_in_dim3A_1234 = arith.constant 61 : i32
        %broadcast_in_dim3A_1235 = vector.broadcast %broadcast_in_dim3A_1234 : i32 to vector<16xi32>
        %gather3A_1236 = tpu.vector_load_idx %arg10[%add3A_677, %broadcast_in_dim3A_1235] : memref<512x128xf32, #tpu.memory_space<vmem>>[vector<16xi32>, vector<16xi32>], vector<16xf32>,
        %add3A_1237 = arith.constant 61 : i32
        %add3A_1238 = vector.broadcast %add3A_1237 : i32 to vector<16xi32>
        %add3A_1239 = arith.addi %mul3A_653, %add3A_1238 : vector<16xi32>
        %gather3A_1240 = tpu.vector_load_idx %arg9[%add3A_1239] : memref<2048xf32, #tpu.memory_space<vmem>>[vector<16xi32>], vector<16xf32>,
        %mul3A_1241 = arith.mulf %gather3A_1236, %gather3A_1240 : vector<16xf32>
        %add3A_1242 = arith.addf %add3A_1206, %mul3A_1241 : vector<16xf32>
        %broadcast_in_dim3A_1243 = arith.constant 62 : i32
        %broadcast_in_dim3A_1244 = vector.broadcast %broadcast_in_dim3A_1243 : i32 to vector<16xi32>
        %gather3A_1245 = tpu.vector_load_idx %arg10[%add3A_677, %broadcast_in_dim3A_1244] : memref<512x128xf32, #tpu.memory_space<vmem>>[vector<16xi32>, vector<16xi32>], vector<16xf32>,
        %add3A_1246 = arith.constant 62 : i32
        %add3A_1247 = vector.broadcast %add3A_1246 : i32 to vector<16xi32>
        %add3A_1248 = arith.addi %mul3A_653, %add3A_1247 : vector<16xi32>
        %gather3A_1249 = tpu.vector_load_idx %arg9[%add3A_1248] : memref<2048xf32, #tpu.memory_space<vmem>>[vector<16xi32>], vector<16xf32>,
        %mul3A_1250 = arith.mulf %gather3A_1245, %gather3A_1249 : vector<16xf32>
        %add3A_1251 = arith.addf %add3A_1215, %mul3A_1250 : vector<16xf32>
        %broadcast_in_dim3A_1252 = arith.constant 63 : i32
        %broadcast_in_dim3A_1253 = vector.broadcast %broadcast_in_dim3A_1252 : i32 to vector<16xi32>
        %gather3A_1254 = tpu.vector_load_idx %arg10[%add3A_677, %broadcast_in_dim3A_1253] : memref<512x128xf32, #tpu.memory_space<vmem>>[vector<16xi32>, vector<16xi32>], vector<16xf32>,
        %add3A_1255 = arith.constant 63 : i32
        %add3A_1256 = vector.broadcast %add3A_1255 : i32 to vector<16xi32>
        %add3A_1257 = arith.addi %mul3A_653, %add3A_1256 : vector<16xi32>
        %gather3A_1258 = tpu.vector_load_idx %arg9[%add3A_1257] : memref<2048xf32, #tpu.memory_space<vmem>>[vector<16xi32>], vector<16xf32>,
        %mul3A_1259 = arith.mulf %gather3A_1254, %gather3A_1258 : vector<16xf32>
        %add3A_1260 = arith.addf %add3A_1224, %mul3A_1259 : vector<16xf32>
        %broadcast_in_dim3A_1261 = arith.constant 64 : i32
        %broadcast_in_dim3A_1262 = vector.broadcast %broadcast_in_dim3A_1261 : i32 to vector<16xi32>
        %gather3A_1263 = tpu.vector_load_idx %arg10[%add3A_677, %broadcast_in_dim3A_1262] : memref<512x128xf32, #tpu.memory_space<vmem>>[vector<16xi32>, vector<16xi32>], vector<16xf32>,
        %add3A_1264 = arith.constant 64 : i32
        %add3A_1265 = vector.broadcast %add3A_1264 : i32 to vector<16xi32>
        %add3A_1266 = arith.addi %mul3A_653, %add3A_1265 : vector<16xi32>
        %gather3A_1267 = tpu.vector_load_idx %arg9[%add3A_1266] : memref<2048xf32, #tpu.memory_space<vmem>>[vector<16xi32>], vector<16xf32>,
        %mul3A_1268 = arith.mulf %gather3A_1263, %gather3A_1267 : vector<16xf32>
        %add3A_1269 = arith.addf %add3A_1233, %mul3A_1268 : vector<16xf32>
        %broadcast_in_dim3A_1270 = arith.constant 65 : i32
        %broadcast_in_dim3A_1271 = vector.broadcast %broadcast_in_dim3A_1270 : i32 to vector<16xi32>
        %gather3A_1272 = tpu.vector_load_idx %arg10[%add3A_677, %broadcast_in_dim3A_1271] : memref<512x128xf32, #tpu.memory_space<vmem>>[vector<16xi32>, vector<16xi32>], vector<16xf32>,
        %add3A_1273 = arith.constant 65 : i32
        %add3A_1274 = vector.broadcast %add3A_1273 : i32 to vector<16xi32>
        %add3A_1275 = arith.addi %mul3A_653, %add3A_1274 : vector<16xi32>
        %gather3A_1276 = tpu.vector_load_idx %arg9[%add3A_1275] : memref<2048xf32, #tpu.memory_space<vmem>>[vector<16xi32>], vector<16xf32>,
        %mul3A_1277 = arith.mulf %gather3A_1272, %gather3A_1276 : vector<16xf32>
        %add3A_1278 = arith.addf %add3A_1242, %mul3A_1277 : vector<16xf32>
        %broadcast_in_dim3A_1279 = arith.constant 66 : i32
        %broadcast_in_dim3A_1280 = vector.broadcast %broadcast_in_dim3A_1279 : i32 to vector<16xi32>
        %gather3A_1281 = tpu.vector_load_idx %arg10[%add3A_677, %broadcast_in_dim3A_1280] : memref<512x128xf32, #tpu.memory_space<vmem>>[vector<16xi32>, vector<16xi32>], vector<16xf32>,
        %add3A_1282 = arith.constant 66 : i32
        %add3A_1283 = vector.broadcast %add3A_1282 : i32 to vector<16xi32>
        %add3A_1284 = arith.addi %mul3A_653, %add3A_1283 : vector<16xi32>
        %gather3A_1285 = tpu.vector_load_idx %arg9[%add3A_1284] : memref<2048xf32, #tpu.memory_space<vmem>>[vector<16xi32>], vector<16xf32>,
        %mul3A_1286 = arith.mulf %gather3A_1281, %gather3A_1285 : vector<16xf32>
        %add3A_1287 = arith.addf %add3A_1251, %mul3A_1286 : vector<16xf32>
        %broadcast_in_dim3A_1288 = arith.constant 67 : i32
        %broadcast_in_dim3A_1289 = vector.broadcast %broadcast_in_dim3A_1288 : i32 to vector<16xi32>
        %gather3A_1290 = tpu.vector_load_idx %arg10[%add3A_677, %broadcast_in_dim3A_1289] : memref<512x128xf32, #tpu.memory_space<vmem>>[vector<16xi32>, vector<16xi32>], vector<16xf32>,
        %add3A_1291 = arith.constant 67 : i32
        %add3A_1292 = vector.broadcast %add3A_1291 : i32 to vector<16xi32>
        %add3A_1293 = arith.addi %mul3A_653, %add3A_1292 : vector<16xi32>
        %gather3A_1294 = tpu.vector_load_idx %arg9[%add3A_1293] : memref<2048xf32, #tpu.memory_space<vmem>>[vector<16xi32>], vector<16xf32>,
        %mul3A_1295 = arith.mulf %gather3A_1290, %gather3A_1294 : vector<16xf32>
        %add3A_1296 = arith.addf %add3A_1260, %mul3A_1295 : vector<16xf32>
        %broadcast_in_dim3A_1297 = arith.constant 68 : i32
        %broadcast_in_dim3A_1298 = vector.broadcast %broadcast_in_dim3A_1297 : i32 to vector<16xi32>
        %gather3A_1299 = tpu.vector_load_idx %arg10[%add3A_677, %broadcast_in_dim3A_1298] : memref<512x128xf32, #tpu.memory_space<vmem>>[vector<16xi32>, vector<16xi32>], vector<16xf32>,
        %add3A_1300 = arith.constant 68 : i32
        %add3A_1301 = vector.broadcast %add3A_1300 : i32 to vector<16xi32>
        %add3A_1302 = arith.addi %mul3A_653, %add3A_1301 : vector<16xi32>
        %gather3A_1303 = tpu.vector_load_idx %arg9[%add3A_1302] : memref<2048xf32, #tpu.memory_space<vmem>>[vector<16xi32>], vector<16xf32>,
        %mul3A_1304 = arith.mulf %gather3A_1299, %gather3A_1303 : vector<16xf32>
        %add3A_1305 = arith.addf %add3A_1269, %mul3A_1304 : vector<16xf32>
        %broadcast_in_dim3A_1306 = arith.constant 69 : i32
        %broadcast_in_dim3A_1307 = vector.broadcast %broadcast_in_dim3A_1306 : i32 to vector<16xi32>
        %gather3A_1308 = tpu.vector_load_idx %arg10[%add3A_677, %broadcast_in_dim3A_1307] : memref<512x128xf32, #tpu.memory_space<vmem>>[vector<16xi32>, vector<16xi32>], vector<16xf32>,
        %add3A_1309 = arith.constant 69 : i32
        %add3A_1310 = vector.broadcast %add3A_1309 : i32 to vector<16xi32>
        %add3A_1311 = arith.addi %mul3A_653, %add3A_1310 : vector<16xi32>
        %gather3A_1312 = tpu.vector_load_idx %arg9[%add3A_1311] : memref<2048xf32, #tpu.memory_space<vmem>>[vector<16xi32>], vector<16xf32>,
        %mul3A_1313 = arith.mulf %gather3A_1308, %gather3A_1312 : vector<16xf32>
        %add3A_1314 = arith.addf %add3A_1278, %mul3A_1313 : vector<16xf32>
        %broadcast_in_dim3A_1315 = arith.constant 70 : i32
        %broadcast_in_dim3A_1316 = vector.broadcast %broadcast_in_dim3A_1315 : i32 to vector<16xi32>
        %gather3A_1317 = tpu.vector_load_idx %arg10[%add3A_677, %broadcast_in_dim3A_1316] : memref<512x128xf32, #tpu.memory_space<vmem>>[vector<16xi32>, vector<16xi32>], vector<16xf32>,
        %add3A_1318 = arith.constant 70 : i32
        %add3A_1319 = vector.broadcast %add3A_1318 : i32 to vector<16xi32>
        %add3A_1320 = arith.addi %mul3A_653, %add3A_1319 : vector<16xi32>
        %gather3A_1321 = tpu.vector_load_idx %arg9[%add3A_1320] : memref<2048xf32, #tpu.memory_space<vmem>>[vector<16xi32>], vector<16xf32>,
        %mul3A_1322 = arith.mulf %gather3A_1317, %gather3A_1321 : vector<16xf32>
        %add3A_1323 = arith.addf %add3A_1287, %mul3A_1322 : vector<16xf32>
        %broadcast_in_dim3A_1324 = arith.constant 71 : i32
        %broadcast_in_dim3A_1325 = vector.broadcast %broadcast_in_dim3A_1324 : i32 to vector<16xi32>
        %gather3A_1326 = tpu.vector_load_idx %arg10[%add3A_677, %broadcast_in_dim3A_1325] : memref<512x128xf32, #tpu.memory_space<vmem>>[vector<16xi32>, vector<16xi32>], vector<16xf32>,
        %add3A_1327 = arith.constant 71 : i32
        %add3A_1328 = vector.broadcast %add3A_1327 : i32 to vector<16xi32>
        %add3A_1329 = arith.addi %mul3A_653, %add3A_1328 : vector<16xi32>
        %gather3A_1330 = tpu.vector_load_idx %arg9[%add3A_1329] : memref<2048xf32, #tpu.memory_space<vmem>>[vector<16xi32>], vector<16xf32>,
        %mul3A_1331 = arith.mulf %gather3A_1326, %gather3A_1330 : vector<16xf32>
        %add3A_1332 = arith.addf %add3A_1296, %mul3A_1331 : vector<16xf32>
        %broadcast_in_dim3A_1333 = arith.constant 72 : i32
        %broadcast_in_dim3A_1334 = vector.broadcast %broadcast_in_dim3A_1333 : i32 to vector<16xi32>
        %gather3A_1335 = tpu.vector_load_idx %arg10[%add3A_677, %broadcast_in_dim3A_1334] : memref<512x128xf32, #tpu.memory_space<vmem>>[vector<16xi32>, vector<16xi32>], vector<16xf32>,
        %add3A_1336 = arith.constant 72 : i32
        %add3A_1337 = vector.broadcast %add3A_1336 : i32 to vector<16xi32>
        %add3A_1338 = arith.addi %mul3A_653, %add3A_1337 : vector<16xi32>
        %gather3A_1339 = tpu.vector_load_idx %arg9[%add3A_1338] : memref<2048xf32, #tpu.memory_space<vmem>>[vector<16xi32>], vector<16xf32>,
        %mul3A_1340 = arith.mulf %gather3A_1335, %gather3A_1339 : vector<16xf32>
        %add3A_1341 = arith.addf %add3A_1305, %mul3A_1340 : vector<16xf32>
        %broadcast_in_dim3A_1342 = arith.constant 73 : i32
        %broadcast_in_dim3A_1343 = vector.broadcast %broadcast_in_dim3A_1342 : i32 to vector<16xi32>
        %gather3A_1344 = tpu.vector_load_idx %arg10[%add3A_677, %broadcast_in_dim3A_1343] : memref<512x128xf32, #tpu.memory_space<vmem>>[vector<16xi32>, vector<16xi32>], vector<16xf32>,
        %add3A_1345 = arith.constant 73 : i32
        %add3A_1346 = vector.broadcast %add3A_1345 : i32 to vector<16xi32>
        %add3A_1347 = arith.addi %mul3A_653, %add3A_1346 : vector<16xi32>
        %gather3A_1348 = tpu.vector_load_idx %arg9[%add3A_1347] : memref<2048xf32, #tpu.memory_space<vmem>>[vector<16xi32>], vector<16xf32>,
        %mul3A_1349 = arith.mulf %gather3A_1344, %gather3A_1348 : vector<16xf32>
        %add3A_1350 = arith.addf %add3A_1314, %mul3A_1349 : vector<16xf32>
        %broadcast_in_dim3A_1351 = arith.constant 74 : i32
        %broadcast_in_dim3A_1352 = vector.broadcast %broadcast_in_dim3A_1351 : i32 to vector<16xi32>
        %gather3A_1353 = tpu.vector_load_idx %arg10[%add3A_677, %broadcast_in_dim3A_1352] : memref<512x128xf32, #tpu.memory_space<vmem>>[vector<16xi32>, vector<16xi32>], vector<16xf32>,
        %add3A_1354 = arith.constant 74 : i32
        %add3A_1355 = vector.broadcast %add3A_1354 : i32 to vector<16xi32>
        %add3A_1356 = arith.addi %mul3A_653, %add3A_1355 : vector<16xi32>
        %gather3A_1357 = tpu.vector_load_idx %arg9[%add3A_1356] : memref<2048xf32, #tpu.memory_space<vmem>>[vector<16xi32>], vector<16xf32>,
        %mul3A_1358 = arith.mulf %gather3A_1353, %gather3A_1357 : vector<16xf32>
        %add3A_1359 = arith.addf %add3A_1323, %mul3A_1358 : vector<16xf32>
        %broadcast_in_dim3A_1360 = arith.constant 75 : i32
        %broadcast_in_dim3A_1361 = vector.broadcast %broadcast_in_dim3A_1360 : i32 to vector<16xi32>
        %gather3A_1362 = tpu.vector_load_idx %arg10[%add3A_677, %broadcast_in_dim3A_1361] : memref<512x128xf32, #tpu.memory_space<vmem>>[vector<16xi32>, vector<16xi32>], vector<16xf32>,
        %add3A_1363 = arith.constant 75 : i32
        %add3A_1364 = vector.broadcast %add3A_1363 : i32 to vector<16xi32>
        %add3A_1365 = arith.addi %mul3A_653, %add3A_1364 : vector<16xi32>
        %gather3A_1366 = tpu.vector_load_idx %arg9[%add3A_1365] : memref<2048xf32, #tpu.memory_space<vmem>>[vector<16xi32>], vector<16xf32>,
        %mul3A_1367 = arith.mulf %gather3A_1362, %gather3A_1366 : vector<16xf32>
        %add3A_1368 = arith.addf %add3A_1332, %mul3A_1367 : vector<16xf32>
        %broadcast_in_dim3A_1369 = arith.constant 76 : i32
        %broadcast_in_dim3A_1370 = vector.broadcast %broadcast_in_dim3A_1369 : i32 to vector<16xi32>
        %gather3A_1371 = tpu.vector_load_idx %arg10[%add3A_677, %broadcast_in_dim3A_1370] : memref<512x128xf32, #tpu.memory_space<vmem>>[vector<16xi32>, vector<16xi32>], vector<16xf32>,
        %add3A_1372 = arith.constant 76 : i32
        %add3A_1373 = vector.broadcast %add3A_1372 : i32 to vector<16xi32>
        %add3A_1374 = arith.addi %mul3A_653, %add3A_1373 : vector<16xi32>
        %gather3A_1375 = tpu.vector_load_idx %arg9[%add3A_1374] : memref<2048xf32, #tpu.memory_space<vmem>>[vector<16xi32>], vector<16xf32>,
        %mul3A_1376 = arith.mulf %gather3A_1371, %gather3A_1375 : vector<16xf32>
        %add3A_1377 = arith.addf %add3A_1341, %mul3A_1376 : vector<16xf32>
        %broadcast_in_dim3A_1378 = arith.constant 77 : i32
        %broadcast_in_dim3A_1379 = vector.broadcast %broadcast_in_dim3A_1378 : i32 to vector<16xi32>
        %gather3A_1380 = tpu.vector_load_idx %arg10[%add3A_677, %broadcast_in_dim3A_1379] : memref<512x128xf32, #tpu.memory_space<vmem>>[vector<16xi32>, vector<16xi32>], vector<16xf32>,
        %add3A_1381 = arith.constant 77 : i32
        %add3A_1382 = vector.broadcast %add3A_1381 : i32 to vector<16xi32>
        %add3A_1383 = arith.addi %mul3A_653, %add3A_1382 : vector<16xi32>
        %gather3A_1384 = tpu.vector_load_idx %arg9[%add3A_1383] : memref<2048xf32, #tpu.memory_space<vmem>>[vector<16xi32>], vector<16xf32>,
        %mul3A_1385 = arith.mulf %gather3A_1380, %gather3A_1384 : vector<16xf32>
        %add3A_1386 = arith.addf %add3A_1350, %mul3A_1385 : vector<16xf32>
        %broadcast_in_dim3A_1387 = arith.constant 78 : i32
        %broadcast_in_dim3A_1388 = vector.broadcast %broadcast_in_dim3A_1387 : i32 to vector<16xi32>
        %gather3A_1389 = tpu.vector_load_idx %arg10[%add3A_677, %broadcast_in_dim3A_1388] : memref<512x128xf32, #tpu.memory_space<vmem>>[vector<16xi32>, vector<16xi32>], vector<16xf32>,
        %add3A_1390 = arith.constant 78 : i32
        %add3A_1391 = vector.broadcast %add3A_1390 : i32 to vector<16xi32>
        %add3A_1392 = arith.addi %mul3A_653, %add3A_1391 : vector<16xi32>
        %gather3A_1393 = tpu.vector_load_idx %arg9[%add3A_1392] : memref<2048xf32, #tpu.memory_space<vmem>>[vector<16xi32>], vector<16xf32>,
        %mul3A_1394 = arith.mulf %gather3A_1389, %gather3A_1393 : vector<16xf32>
        %add3A_1395 = arith.addf %add3A_1359, %mul3A_1394 : vector<16xf32>
        %broadcast_in_dim3A_1396 = arith.constant 79 : i32
        %broadcast_in_dim3A_1397 = vector.broadcast %broadcast_in_dim3A_1396 : i32 to vector<16xi32>
        %gather3A_1398 = tpu.vector_load_idx %arg10[%add3A_677, %broadcast_in_dim3A_1397] : memref<512x128xf32, #tpu.memory_space<vmem>>[vector<16xi32>, vector<16xi32>], vector<16xf32>,
        %add3A_1399 = arith.constant 79 : i32
        %add3A_1400 = vector.broadcast %add3A_1399 : i32 to vector<16xi32>
        %add3A_1401 = arith.addi %mul3A_653, %add3A_1400 : vector<16xi32>
        %gather3A_1402 = tpu.vector_load_idx %arg9[%add3A_1401] : memref<2048xf32, #tpu.memory_space<vmem>>[vector<16xi32>], vector<16xf32>,
        %mul3A_1403 = arith.mulf %gather3A_1398, %gather3A_1402 : vector<16xf32>
        %add3A_1404 = arith.addf %add3A_1368, %mul3A_1403 : vector<16xf32>
        %broadcast_in_dim3A_1405 = arith.constant 80 : i32
        %broadcast_in_dim3A_1406 = vector.broadcast %broadcast_in_dim3A_1405 : i32 to vector<16xi32>
        %gather3A_1407 = tpu.vector_load_idx %arg10[%add3A_677, %broadcast_in_dim3A_1406] : memref<512x128xf32, #tpu.memory_space<vmem>>[vector<16xi32>, vector<16xi32>], vector<16xf32>,
        %add3A_1408 = arith.constant 80 : i32
        %add3A_1409 = vector.broadcast %add3A_1408 : i32 to vector<16xi32>
        %add3A_1410 = arith.addi %mul3A_653, %add3A_1409 : vector<16xi32>
        %gather3A_1411 = tpu.vector_load_idx %arg9[%add3A_1410] : memref<2048xf32, #tpu.memory_space<vmem>>[vector<16xi32>], vector<16xf32>,
        %mul3A_1412 = arith.mulf %gather3A_1407, %gather3A_1411 : vector<16xf32>
        %add3A_1413 = arith.addf %add3A_1377, %mul3A_1412 : vector<16xf32>
        %broadcast_in_dim3A_1414 = arith.constant 81 : i32
        %broadcast_in_dim3A_1415 = vector.broadcast %broadcast_in_dim3A_1414 : i32 to vector<16xi32>
        %gather3A_1416 = tpu.vector_load_idx %arg10[%add3A_677, %broadcast_in_dim3A_1415] : memref<512x128xf32, #tpu.memory_space<vmem>>[vector<16xi32>, vector<16xi32>], vector<16xf32>,
        %add3A_1417 = arith.constant 81 : i32
        %add3A_1418 = vector.broadcast %add3A_1417 : i32 to vector<16xi32>
        %add3A_1419 = arith.addi %mul3A_653, %add3A_1418 : vector<16xi32>
        %gather3A_1420 = tpu.vector_load_idx %arg9[%add3A_1419] : memref<2048xf32, #tpu.memory_space<vmem>>[vector<16xi32>], vector<16xf32>,
        %mul3A_1421 = arith.mulf %gather3A_1416, %gather3A_1420 : vector<16xf32>
        %add3A_1422 = arith.addf %add3A_1386, %mul3A_1421 : vector<16xf32>
        %broadcast_in_dim3A_1423 = arith.constant 82 : i32
        %broadcast_in_dim3A_1424 = vector.broadcast %broadcast_in_dim3A_1423 : i32 to vector<16xi32>
        %gather3A_1425 = tpu.vector_load_idx %arg10[%add3A_677, %broadcast_in_dim3A_1424] : memref<512x128xf32, #tpu.memory_space<vmem>>[vector<16xi32>, vector<16xi32>], vector<16xf32>,
        %add3A_1426 = arith.constant 82 : i32
        %add3A_1427 = vector.broadcast %add3A_1426 : i32 to vector<16xi32>
        %add3A_1428 = arith.addi %mul3A_653, %add3A_1427 : vector<16xi32>
        %gather3A_1429 = tpu.vector_load_idx %arg9[%add3A_1428] : memref<2048xf32, #tpu.memory_space<vmem>>[vector<16xi32>], vector<16xf32>,
        %mul3A_1430 = arith.mulf %gather3A_1425, %gather3A_1429 : vector<16xf32>
        %add3A_1431 = arith.addf %add3A_1395, %mul3A_1430 : vector<16xf32>
        %broadcast_in_dim3A_1432 = arith.constant 83 : i32
        %broadcast_in_dim3A_1433 = vector.broadcast %broadcast_in_dim3A_1432 : i32 to vector<16xi32>
        %gather3A_1434 = tpu.vector_load_idx %arg10[%add3A_677, %broadcast_in_dim3A_1433] : memref<512x128xf32, #tpu.memory_space<vmem>>[vector<16xi32>, vector<16xi32>], vector<16xf32>,
        %add3A_1435 = arith.constant 83 : i32
        %add3A_1436 = vector.broadcast %add3A_1435 : i32 to vector<16xi32>
        %add3A_1437 = arith.addi %mul3A_653, %add3A_1436 : vector<16xi32>
        %gather3A_1438 = tpu.vector_load_idx %arg9[%add3A_1437] : memref<2048xf32, #tpu.memory_space<vmem>>[vector<16xi32>], vector<16xf32>,
        %mul3A_1439 = arith.mulf %gather3A_1434, %gather3A_1438 : vector<16xf32>
        %add3A_1440 = arith.addf %add3A_1404, %mul3A_1439 : vector<16xf32>
        %broadcast_in_dim3A_1441 = arith.constant 84 : i32
        %broadcast_in_dim3A_1442 = vector.broadcast %broadcast_in_dim3A_1441 : i32 to vector<16xi32>
        %gather3A_1443 = tpu.vector_load_idx %arg10[%add3A_677, %broadcast_in_dim3A_1442] : memref<512x128xf32, #tpu.memory_space<vmem>>[vector<16xi32>, vector<16xi32>], vector<16xf32>,
        %add3A_1444 = arith.constant 84 : i32
        %add3A_1445 = vector.broadcast %add3A_1444 : i32 to vector<16xi32>
        %add3A_1446 = arith.addi %mul3A_653, %add3A_1445 : vector<16xi32>
        %gather3A_1447 = tpu.vector_load_idx %arg9[%add3A_1446] : memref<2048xf32, #tpu.memory_space<vmem>>[vector<16xi32>], vector<16xf32>,
        %mul3A_1448 = arith.mulf %gather3A_1443, %gather3A_1447 : vector<16xf32>
        %add3A_1449 = arith.addf %add3A_1413, %mul3A_1448 : vector<16xf32>
        %broadcast_in_dim3A_1450 = arith.constant 85 : i32
        %broadcast_in_dim3A_1451 = vector.broadcast %broadcast_in_dim3A_1450 : i32 to vector<16xi32>
        %gather3A_1452 = tpu.vector_load_idx %arg10[%add3A_677, %broadcast_in_dim3A_1451] : memref<512x128xf32, #tpu.memory_space<vmem>>[vector<16xi32>, vector<16xi32>], vector<16xf32>,
        %add3A_1453 = arith.constant 85 : i32
        %add3A_1454 = vector.broadcast %add3A_1453 : i32 to vector<16xi32>
        %add3A_1455 = arith.addi %mul3A_653, %add3A_1454 : vector<16xi32>
        %gather3A_1456 = tpu.vector_load_idx %arg9[%add3A_1455] : memref<2048xf32, #tpu.memory_space<vmem>>[vector<16xi32>], vector<16xf32>,
        %mul3A_1457 = arith.mulf %gather3A_1452, %gather3A_1456 : vector<16xf32>
        %add3A_1458 = arith.addf %add3A_1422, %mul3A_1457 : vector<16xf32>
        %broadcast_in_dim3A_1459 = arith.constant 86 : i32
        %broadcast_in_dim3A_1460 = vector.broadcast %broadcast_in_dim3A_1459 : i32 to vector<16xi32>
        %gather3A_1461 = tpu.vector_load_idx %arg10[%add3A_677, %broadcast_in_dim3A_1460] : memref<512x128xf32, #tpu.memory_space<vmem>>[vector<16xi32>, vector<16xi32>], vector<16xf32>,
        %add3A_1462 = arith.constant 86 : i32
        %add3A_1463 = vector.broadcast %add3A_1462 : i32 to vector<16xi32>
        %add3A_1464 = arith.addi %mul3A_653, %add3A_1463 : vector<16xi32>
        %gather3A_1465 = tpu.vector_load_idx %arg9[%add3A_1464] : memref<2048xf32, #tpu.memory_space<vmem>>[vector<16xi32>], vector<16xf32>,
        %mul3A_1466 = arith.mulf %gather3A_1461, %gather3A_1465 : vector<16xf32>
        %add3A_1467 = arith.addf %add3A_1431, %mul3A_1466 : vector<16xf32>
        %broadcast_in_dim3A_1468 = arith.constant 87 : i32
        %broadcast_in_dim3A_1469 = vector.broadcast %broadcast_in_dim3A_1468 : i32 to vector<16xi32>
        %gather3A_1470 = tpu.vector_load_idx %arg10[%add3A_677, %broadcast_in_dim3A_1469] : memref<512x128xf32, #tpu.memory_space<vmem>>[vector<16xi32>, vector<16xi32>], vector<16xf32>,
        %add3A_1471 = arith.constant 87 : i32
        %add3A_1472 = vector.broadcast %add3A_1471 : i32 to vector<16xi32>
        %add3A_1473 = arith.addi %mul3A_653, %add3A_1472 : vector<16xi32>
        %gather3A_1474 = tpu.vector_load_idx %arg9[%add3A_1473] : memref<2048xf32, #tpu.memory_space<vmem>>[vector<16xi32>], vector<16xf32>,
        %mul3A_1475 = arith.mulf %gather3A_1470, %gather3A_1474 : vector<16xf32>
        %add3A_1476 = arith.addf %add3A_1440, %mul3A_1475 : vector<16xf32>
        %broadcast_in_dim3A_1477 = arith.constant 88 : i32
        %broadcast_in_dim3A_1478 = vector.broadcast %broadcast_in_dim3A_1477 : i32 to vector<16xi32>
        %gather3A_1479 = tpu.vector_load_idx %arg10[%add3A_677, %broadcast_in_dim3A_1478] : memref<512x128xf32, #tpu.memory_space<vmem>>[vector<16xi32>, vector<16xi32>], vector<16xf32>,
        %add3A_1480 = arith.constant 88 : i32
        %add3A_1481 = vector.broadcast %add3A_1480 : i32 to vector<16xi32>
        %add3A_1482 = arith.addi %mul3A_653, %add3A_1481 : vector<16xi32>
        %gather3A_1483 = tpu.vector_load_idx %arg9[%add3A_1482] : memref<2048xf32, #tpu.memory_space<vmem>>[vector<16xi32>], vector<16xf32>,
        %mul3A_1484 = arith.mulf %gather3A_1479, %gather3A_1483 : vector<16xf32>
        %add3A_1485 = arith.addf %add3A_1449, %mul3A_1484 : vector<16xf32>
        %broadcast_in_dim3A_1486 = arith.constant 89 : i32
        %broadcast_in_dim3A_1487 = vector.broadcast %broadcast_in_dim3A_1486 : i32 to vector<16xi32>
        %gather3A_1488 = tpu.vector_load_idx %arg10[%add3A_677, %broadcast_in_dim3A_1487] : memref<512x128xf32, #tpu.memory_space<vmem>>[vector<16xi32>, vector<16xi32>], vector<16xf32>,
        %add3A_1489 = arith.constant 89 : i32
        %add3A_1490 = vector.broadcast %add3A_1489 : i32 to vector<16xi32>
        %add3A_1491 = arith.addi %mul3A_653, %add3A_1490 : vector<16xi32>
        %gather3A_1492 = tpu.vector_load_idx %arg9[%add3A_1491] : memref<2048xf32, #tpu.memory_space<vmem>>[vector<16xi32>], vector<16xf32>,
        %mul3A_1493 = arith.mulf %gather3A_1488, %gather3A_1492 : vector<16xf32>
        %add3A_1494 = arith.addf %add3A_1458, %mul3A_1493 : vector<16xf32>
        %broadcast_in_dim3A_1495 = arith.constant 90 : i32
        %broadcast_in_dim3A_1496 = vector.broadcast %broadcast_in_dim3A_1495 : i32 to vector<16xi32>
        %gather3A_1497 = tpu.vector_load_idx %arg10[%add3A_677, %broadcast_in_dim3A_1496] : memref<512x128xf32, #tpu.memory_space<vmem>>[vector<16xi32>, vector<16xi32>], vector<16xf32>,
        %add3A_1498 = arith.constant 90 : i32
        %add3A_1499 = vector.broadcast %add3A_1498 : i32 to vector<16xi32>
        %add3A_1500 = arith.addi %mul3A_653, %add3A_1499 : vector<16xi32>
        %gather3A_1501 = tpu.vector_load_idx %arg9[%add3A_1500] : memref<2048xf32, #tpu.memory_space<vmem>>[vector<16xi32>], vector<16xf32>,
        %mul3A_1502 = arith.mulf %gather3A_1497, %gather3A_1501 : vector<16xf32>
        %add3A_1503 = arith.addf %add3A_1467, %mul3A_1502 : vector<16xf32>
        %broadcast_in_dim3A_1504 = arith.constant 91 : i32
        %broadcast_in_dim3A_1505 = vector.broadcast %broadcast_in_dim3A_1504 : i32 to vector<16xi32>
        %gather3A_1506 = tpu.vector_load_idx %arg10[%add3A_677, %broadcast_in_dim3A_1505] : memref<512x128xf32, #tpu.memory_space<vmem>>[vector<16xi32>, vector<16xi32>], vector<16xf32>,
        %add3A_1507 = arith.constant 91 : i32
        %add3A_1508 = vector.broadcast %add3A_1507 : i32 to vector<16xi32>
        %add3A_1509 = arith.addi %mul3A_653, %add3A_1508 : vector<16xi32>
        %gather3A_1510 = tpu.vector_load_idx %arg9[%add3A_1509] : memref<2048xf32, #tpu.memory_space<vmem>>[vector<16xi32>], vector<16xf32>,
        %mul3A_1511 = arith.mulf %gather3A_1506, %gather3A_1510 : vector<16xf32>
        %add3A_1512 = arith.addf %add3A_1476, %mul3A_1511 : vector<16xf32>
        %broadcast_in_dim3A_1513 = arith.constant 92 : i32
        %broadcast_in_dim3A_1514 = vector.broadcast %broadcast_in_dim3A_1513 : i32 to vector<16xi32>
        %gather3A_1515 = tpu.vector_load_idx %arg10[%add3A_677, %broadcast_in_dim3A_1514] : memref<512x128xf32, #tpu.memory_space<vmem>>[vector<16xi32>, vector<16xi32>], vector<16xf32>,
        %add3A_1516 = arith.constant 92 : i32
        %add3A_1517 = vector.broadcast %add3A_1516 : i32 to vector<16xi32>
        %add3A_1518 = arith.addi %mul3A_653, %add3A_1517 : vector<16xi32>
        %gather3A_1519 = tpu.vector_load_idx %arg9[%add3A_1518] : memref<2048xf32, #tpu.memory_space<vmem>>[vector<16xi32>], vector<16xf32>,
        %mul3A_1520 = arith.mulf %gather3A_1515, %gather3A_1519 : vector<16xf32>
        %add3A_1521 = arith.addf %add3A_1485, %mul3A_1520 : vector<16xf32>
        %broadcast_in_dim3A_1522 = arith.constant 93 : i32
        %broadcast_in_dim3A_1523 = vector.broadcast %broadcast_in_dim3A_1522 : i32 to vector<16xi32>
        %gather3A_1524 = tpu.vector_load_idx %arg10[%add3A_677, %broadcast_in_dim3A_1523] : memref<512x128xf32, #tpu.memory_space<vmem>>[vector<16xi32>, vector<16xi32>], vector<16xf32>,
        %add3A_1525 = arith.constant 93 : i32
        %add3A_1526 = vector.broadcast %add3A_1525 : i32 to vector<16xi32>
        %add3A_1527 = arith.addi %mul3A_653, %add3A_1526 : vector<16xi32>
        %gather3A_1528 = tpu.vector_load_idx %arg9[%add3A_1527] : memref<2048xf32, #tpu.memory_space<vmem>>[vector<16xi32>], vector<16xf32>,
        %mul3A_1529 = arith.mulf %gather3A_1524, %gather3A_1528 : vector<16xf32>
        %add3A_1530 = arith.addf %add3A_1494, %mul3A_1529 : vector<16xf32>
        %broadcast_in_dim3A_1531 = arith.constant 94 : i32
        %broadcast_in_dim3A_1532 = vector.broadcast %broadcast_in_dim3A_1531 : i32 to vector<16xi32>
        %gather3A_1533 = tpu.vector_load_idx %arg10[%add3A_677, %broadcast_in_dim3A_1532] : memref<512x128xf32, #tpu.memory_space<vmem>>[vector<16xi32>, vector<16xi32>], vector<16xf32>,
        %add3A_1534 = arith.constant 94 : i32
        %add3A_1535 = vector.broadcast %add3A_1534 : i32 to vector<16xi32>
        %add3A_1536 = arith.addi %mul3A_653, %add3A_1535 : vector<16xi32>
        %gather3A_1537 = tpu.vector_load_idx %arg9[%add3A_1536] : memref<2048xf32, #tpu.memory_space<vmem>>[vector<16xi32>], vector<16xf32>,
        %mul3A_1538 = arith.mulf %gather3A_1533, %gather3A_1537 : vector<16xf32>
        %add3A_1539 = arith.addf %add3A_1503, %mul3A_1538 : vector<16xf32>
        %broadcast_in_dim3A_1540 = arith.constant 95 : i32
        %broadcast_in_dim3A_1541 = vector.broadcast %broadcast_in_dim3A_1540 : i32 to vector<16xi32>
        %gather3A_1542 = tpu.vector_load_idx %arg10[%add3A_677, %broadcast_in_dim3A_1541] : memref<512x128xf32, #tpu.memory_space<vmem>>[vector<16xi32>, vector<16xi32>], vector<16xf32>,
        %add3A_1543 = arith.constant 95 : i32
        %add3A_1544 = vector.broadcast %add3A_1543 : i32 to vector<16xi32>
        %add3A_1545 = arith.addi %mul3A_653, %add3A_1544 : vector<16xi32>
        %gather3A_1546 = tpu.vector_load_idx %arg9[%add3A_1545] : memref<2048xf32, #tpu.memory_space<vmem>>[vector<16xi32>], vector<16xf32>,
        %mul3A_1547 = arith.mulf %gather3A_1542, %gather3A_1546 : vector<16xf32>
        %add3A_1548 = arith.addf %add3A_1512, %mul3A_1547 : vector<16xf32>
        %broadcast_in_dim3A_1549 = arith.constant 96 : i32
        %broadcast_in_dim3A_1550 = vector.broadcast %broadcast_in_dim3A_1549 : i32 to vector<16xi32>
        %gather3A_1551 = tpu.vector_load_idx %arg10[%add3A_677, %broadcast_in_dim3A_1550] : memref<512x128xf32, #tpu.memory_space<vmem>>[vector<16xi32>, vector<16xi32>], vector<16xf32>,
        %add3A_1552 = arith.constant 96 : i32
        %add3A_1553 = vector.broadcast %add3A_1552 : i32 to vector<16xi32>
        %add3A_1554 = arith.addi %mul3A_653, %add3A_1553 : vector<16xi32>
        %gather3A_1555 = tpu.vector_load_idx %arg9[%add3A_1554] : memref<2048xf32, #tpu.memory_space<vmem>>[vector<16xi32>], vector<16xf32>,
        %mul3A_1556 = arith.mulf %gather3A_1551, %gather3A_1555 : vector<16xf32>
        %add3A_1557 = arith.addf %add3A_1521, %mul3A_1556 : vector<16xf32>
        %broadcast_in_dim3A_1558 = arith.constant 97 : i32
        %broadcast_in_dim3A_1559 = vector.broadcast %broadcast_in_dim3A_1558 : i32 to vector<16xi32>
        %gather3A_1560 = tpu.vector_load_idx %arg10[%add3A_677, %broadcast_in_dim3A_1559] : memref<512x128xf32, #tpu.memory_space<vmem>>[vector<16xi32>, vector<16xi32>], vector<16xf32>,
        %add3A_1561 = arith.constant 97 : i32
        %add3A_1562 = vector.broadcast %add3A_1561 : i32 to vector<16xi32>
        %add3A_1563 = arith.addi %mul3A_653, %add3A_1562 : vector<16xi32>
        %gather3A_1564 = tpu.vector_load_idx %arg9[%add3A_1563] : memref<2048xf32, #tpu.memory_space<vmem>>[vector<16xi32>], vector<16xf32>,
        %mul3A_1565 = arith.mulf %gather3A_1560, %gather3A_1564 : vector<16xf32>
        %add3A_1566 = arith.addf %add3A_1530, %mul3A_1565 : vector<16xf32>
        %broadcast_in_dim3A_1567 = arith.constant 98 : i32
        %broadcast_in_dim3A_1568 = vector.broadcast %broadcast_in_dim3A_1567 : i32 to vector<16xi32>
        %gather3A_1569 = tpu.vector_load_idx %arg10[%add3A_677, %broadcast_in_dim3A_1568] : memref<512x128xf32, #tpu.memory_space<vmem>>[vector<16xi32>, vector<16xi32>], vector<16xf32>,
        %add3A_1570 = arith.constant 98 : i32
        %add3A_1571 = vector.broadcast %add3A_1570 : i32 to vector<16xi32>
        %add3A_1572 = arith.addi %mul3A_653, %add3A_1571 : vector<16xi32>
        %gather3A_1573 = tpu.vector_load_idx %arg9[%add3A_1572] : memref<2048xf32, #tpu.memory_space<vmem>>[vector<16xi32>], vector<16xf32>,
        %mul3A_1574 = arith.mulf %gather3A_1569, %gather3A_1573 : vector<16xf32>
        %add3A_1575 = arith.addf %add3A_1539, %mul3A_1574 : vector<16xf32>
        %broadcast_in_dim3A_1576 = arith.constant 99 : i32
        %broadcast_in_dim3A_1577 = vector.broadcast %broadcast_in_dim3A_1576 : i32 to vector<16xi32>
        %gather3A_1578 = tpu.vector_load_idx %arg10[%add3A_677, %broadcast_in_dim3A_1577] : memref<512x128xf32, #tpu.memory_space<vmem>>[vector<16xi32>, vector<16xi32>], vector<16xf32>,
        %add3A_1579 = arith.constant 99 : i32
        %add3A_1580 = vector.broadcast %add3A_1579 : i32 to vector<16xi32>
        %add3A_1581 = arith.addi %mul3A_653, %add3A_1580 : vector<16xi32>
        %gather3A_1582 = tpu.vector_load_idx %arg9[%add3A_1581] : memref<2048xf32, #tpu.memory_space<vmem>>[vector<16xi32>], vector<16xf32>,
        %mul3A_1583 = arith.mulf %gather3A_1578, %gather3A_1582 : vector<16xf32>
        %add3A_1584 = arith.addf %add3A_1548, %mul3A_1583 : vector<16xf32>
        %broadcast_in_dim3A_1585 = arith.constant 100 : i32
        %broadcast_in_dim3A_1586 = vector.broadcast %broadcast_in_dim3A_1585 : i32 to vector<16xi32>
        %gather3A_1587 = tpu.vector_load_idx %arg10[%add3A_677, %broadcast_in_dim3A_1586] : memref<512x128xf32, #tpu.memory_space<vmem>>[vector<16xi32>, vector<16xi32>], vector<16xf32>,
        %add3A_1588 = arith.constant 100 : i32
        %add3A_1589 = vector.broadcast %add3A_1588 : i32 to vector<16xi32>
        %add3A_1590 = arith.addi %mul3A_653, %add3A_1589 : vector<16xi32>
        %gather3A_1591 = tpu.vector_load_idx %arg9[%add3A_1590] : memref<2048xf32, #tpu.memory_space<vmem>>[vector<16xi32>], vector<16xf32>,
        %mul3A_1592 = arith.mulf %gather3A_1587, %gather3A_1591 : vector<16xf32>
        %add3A_1593 = arith.addf %add3A_1557, %mul3A_1592 : vector<16xf32>
        %broadcast_in_dim3A_1594 = arith.constant 101 : i32
        %broadcast_in_dim3A_1595 = vector.broadcast %broadcast_in_dim3A_1594 : i32 to vector<16xi32>
        %gather3A_1596 = tpu.vector_load_idx %arg10[%add3A_677, %broadcast_in_dim3A_1595] : memref<512x128xf32, #tpu.memory_space<vmem>>[vector<16xi32>, vector<16xi32>], vector<16xf32>,
        %add3A_1597 = arith.constant 101 : i32
        %add3A_1598 = vector.broadcast %add3A_1597 : i32 to vector<16xi32>
        %add3A_1599 = arith.addi %mul3A_653, %add3A_1598 : vector<16xi32>
        %gather3A_1600 = tpu.vector_load_idx %arg9[%add3A_1599] : memref<2048xf32, #tpu.memory_space<vmem>>[vector<16xi32>], vector<16xf32>,
        %mul3A_1601 = arith.mulf %gather3A_1596, %gather3A_1600 : vector<16xf32>
        %add3A_1602 = arith.addf %add3A_1566, %mul3A_1601 : vector<16xf32>
        %broadcast_in_dim3A_1603 = arith.constant 102 : i32
        %broadcast_in_dim3A_1604 = vector.broadcast %broadcast_in_dim3A_1603 : i32 to vector<16xi32>
        %gather3A_1605 = tpu.vector_load_idx %arg10[%add3A_677, %broadcast_in_dim3A_1604] : memref<512x128xf32, #tpu.memory_space<vmem>>[vector<16xi32>, vector<16xi32>], vector<16xf32>,
        %add3A_1606 = arith.constant 102 : i32
        %add3A_1607 = vector.broadcast %add3A_1606 : i32 to vector<16xi32>
        %add3A_1608 = arith.addi %mul3A_653, %add3A_1607 : vector<16xi32>
        %gather3A_1609 = tpu.vector_load_idx %arg9[%add3A_1608] : memref<2048xf32, #tpu.memory_space<vmem>>[vector<16xi32>], vector<16xf32>,
        %mul3A_1610 = arith.mulf %gather3A_1605, %gather3A_1609 : vector<16xf32>
        %add3A_1611 = arith.addf %add3A_1575, %mul3A_1610 : vector<16xf32>
        %broadcast_in_dim3A_1612 = arith.constant 103 : i32
        %broadcast_in_dim3A_1613 = vector.broadcast %broadcast_in_dim3A_1612 : i32 to vector<16xi32>
        %gather3A_1614 = tpu.vector_load_idx %arg10[%add3A_677, %broadcast_in_dim3A_1613] : memref<512x128xf32, #tpu.memory_space<vmem>>[vector<16xi32>, vector<16xi32>], vector<16xf32>,
        %add3A_1615 = arith.constant 103 : i32
        %add3A_1616 = vector.broadcast %add3A_1615 : i32 to vector<16xi32>
        %add3A_1617 = arith.addi %mul3A_653, %add3A_1616 : vector<16xi32>
        %gather3A_1618 = tpu.vector_load_idx %arg9[%add3A_1617] : memref<2048xf32, #tpu.memory_space<vmem>>[vector<16xi32>], vector<16xf32>,
        %mul3A_1619 = arith.mulf %gather3A_1614, %gather3A_1618 : vector<16xf32>
        %add3A_1620 = arith.addf %add3A_1584, %mul3A_1619 : vector<16xf32>
        %broadcast_in_dim3A_1621 = arith.constant 104 : i32
        %broadcast_in_dim3A_1622 = vector.broadcast %broadcast_in_dim3A_1621 : i32 to vector<16xi32>
        %gather3A_1623 = tpu.vector_load_idx %arg10[%add3A_677, %broadcast_in_dim3A_1622] : memref<512x128xf32, #tpu.memory_space<vmem>>[vector<16xi32>, vector<16xi32>], vector<16xf32>,
        %add3A_1624 = arith.constant 104 : i32
        %add3A_1625 = vector.broadcast %add3A_1624 : i32 to vector<16xi32>
        %add3A_1626 = arith.addi %mul3A_653, %add3A_1625 : vector<16xi32>
        %gather3A_1627 = tpu.vector_load_idx %arg9[%add3A_1626] : memref<2048xf32, #tpu.memory_space<vmem>>[vector<16xi32>], vector<16xf32>,
        %mul3A_1628 = arith.mulf %gather3A_1623, %gather3A_1627 : vector<16xf32>
        %add3A_1629 = arith.addf %add3A_1593, %mul3A_1628 : vector<16xf32>
        %broadcast_in_dim3A_1630 = arith.constant 105 : i32
        %broadcast_in_dim3A_1631 = vector.broadcast %broadcast_in_dim3A_1630 : i32 to vector<16xi32>
        %gather3A_1632 = tpu.vector_load_idx %arg10[%add3A_677, %broadcast_in_dim3A_1631] : memref<512x128xf32, #tpu.memory_space<vmem>>[vector<16xi32>, vector<16xi32>], vector<16xf32>,
        %add3A_1633 = arith.constant 105 : i32
        %add3A_1634 = vector.broadcast %add3A_1633 : i32 to vector<16xi32>
        %add3A_1635 = arith.addi %mul3A_653, %add3A_1634 : vector<16xi32>
        %gather3A_1636 = tpu.vector_load_idx %arg9[%add3A_1635] : memref<2048xf32, #tpu.memory_space<vmem>>[vector<16xi32>], vector<16xf32>,
        %mul3A_1637 = arith.mulf %gather3A_1632, %gather3A_1636 : vector<16xf32>
        %add3A_1638 = arith.addf %add3A_1602, %mul3A_1637 : vector<16xf32>
        %broadcast_in_dim3A_1639 = arith.constant 106 : i32
        %broadcast_in_dim3A_1640 = vector.broadcast %broadcast_in_dim3A_1639 : i32 to vector<16xi32>
        %gather3A_1641 = tpu.vector_load_idx %arg10[%add3A_677, %broadcast_in_dim3A_1640] : memref<512x128xf32, #tpu.memory_space<vmem>>[vector<16xi32>, vector<16xi32>], vector<16xf32>,
        %add3A_1642 = arith.constant 106 : i32
        %add3A_1643 = vector.broadcast %add3A_1642 : i32 to vector<16xi32>
        %add3A_1644 = arith.addi %mul3A_653, %add3A_1643 : vector<16xi32>
        %gather3A_1645 = tpu.vector_load_idx %arg9[%add3A_1644] : memref<2048xf32, #tpu.memory_space<vmem>>[vector<16xi32>], vector<16xf32>,
        %mul3A_1646 = arith.mulf %gather3A_1641, %gather3A_1645 : vector<16xf32>
        %add3A_1647 = arith.addf %add3A_1611, %mul3A_1646 : vector<16xf32>
        %broadcast_in_dim3A_1648 = arith.constant 107 : i32
        %broadcast_in_dim3A_1649 = vector.broadcast %broadcast_in_dim3A_1648 : i32 to vector<16xi32>
        %gather3A_1650 = tpu.vector_load_idx %arg10[%add3A_677, %broadcast_in_dim3A_1649] : memref<512x128xf32, #tpu.memory_space<vmem>>[vector<16xi32>, vector<16xi32>], vector<16xf32>,
        %add3A_1651 = arith.constant 107 : i32
        %add3A_1652 = vector.broadcast %add3A_1651 : i32 to vector<16xi32>
        %add3A_1653 = arith.addi %mul3A_653, %add3A_1652 : vector<16xi32>
        %gather3A_1654 = tpu.vector_load_idx %arg9[%add3A_1653] : memref<2048xf32, #tpu.memory_space<vmem>>[vector<16xi32>], vector<16xf32>,
        %mul3A_1655 = arith.mulf %gather3A_1650, %gather3A_1654 : vector<16xf32>
        %add3A_1656 = arith.addf %add3A_1620, %mul3A_1655 : vector<16xf32>
        %broadcast_in_dim3A_1657 = arith.constant 108 : i32
        %broadcast_in_dim3A_1658 = vector.broadcast %broadcast_in_dim3A_1657 : i32 to vector<16xi32>
        %gather3A_1659 = tpu.vector_load_idx %arg10[%add3A_677, %broadcast_in_dim3A_1658] : memref<512x128xf32, #tpu.memory_space<vmem>>[vector<16xi32>, vector<16xi32>], vector<16xf32>,
        %add3A_1660 = arith.constant 108 : i32
        %add3A_1661 = vector.broadcast %add3A_1660 : i32 to vector<16xi32>
        %add3A_1662 = arith.addi %mul3A_653, %add3A_1661 : vector<16xi32>
        %gather3A_1663 = tpu.vector_load_idx %arg9[%add3A_1662] : memref<2048xf32, #tpu.memory_space<vmem>>[vector<16xi32>], vector<16xf32>,
        %mul3A_1664 = arith.mulf %gather3A_1659, %gather3A_1663 : vector<16xf32>
        %add3A_1665 = arith.addf %add3A_1629, %mul3A_1664 : vector<16xf32>
        %broadcast_in_dim3A_1666 = arith.constant 109 : i32
        %broadcast_in_dim3A_1667 = vector.broadcast %broadcast_in_dim3A_1666 : i32 to vector<16xi32>
        %gather3A_1668 = tpu.vector_load_idx %arg10[%add3A_677, %broadcast_in_dim3A_1667] : memref<512x128xf32, #tpu.memory_space<vmem>>[vector<16xi32>, vector<16xi32>], vector<16xf32>,
        %add3A_1669 = arith.constant 109 : i32
        %add3A_1670 = vector.broadcast %add3A_1669 : i32 to vector<16xi32>
        %add3A_1671 = arith.addi %mul3A_653, %add3A_1670 : vector<16xi32>
        %gather3A_1672 = tpu.vector_load_idx %arg9[%add3A_1671] : memref<2048xf32, #tpu.memory_space<vmem>>[vector<16xi32>], vector<16xf32>,
        %mul3A_1673 = arith.mulf %gather3A_1668, %gather3A_1672 : vector<16xf32>
        %add3A_1674 = arith.addf %add3A_1638, %mul3A_1673 : vector<16xf32>
        %broadcast_in_dim3A_1675 = arith.constant 110 : i32
        %broadcast_in_dim3A_1676 = vector.broadcast %broadcast_in_dim3A_1675 : i32 to vector<16xi32>
        %gather3A_1677 = tpu.vector_load_idx %arg10[%add3A_677, %broadcast_in_dim3A_1676] : memref<512x128xf32, #tpu.memory_space<vmem>>[vector<16xi32>, vector<16xi32>], vector<16xf32>,
        %add3A_1678 = arith.constant 110 : i32
        %add3A_1679 = vector.broadcast %add3A_1678 : i32 to vector<16xi32>
        %add3A_1680 = arith.addi %mul3A_653, %add3A_1679 : vector<16xi32>
        %gather3A_1681 = tpu.vector_load_idx %arg9[%add3A_1680] : memref<2048xf32, #tpu.memory_space<vmem>>[vector<16xi32>], vector<16xf32>,
        %mul3A_1682 = arith.mulf %gather3A_1677, %gather3A_1681 : vector<16xf32>
        %add3A_1683 = arith.addf %add3A_1647, %mul3A_1682 : vector<16xf32>
        %broadcast_in_dim3A_1684 = arith.constant 111 : i32
        %broadcast_in_dim3A_1685 = vector.broadcast %broadcast_in_dim3A_1684 : i32 to vector<16xi32>
        %gather3A_1686 = tpu.vector_load_idx %arg10[%add3A_677, %broadcast_in_dim3A_1685] : memref<512x128xf32, #tpu.memory_space<vmem>>[vector<16xi32>, vector<16xi32>], vector<16xf32>,
        %add3A_1687 = arith.constant 111 : i32
        %add3A_1688 = vector.broadcast %add3A_1687 : i32 to vector<16xi32>
        %add3A_1689 = arith.addi %mul3A_653, %add3A_1688 : vector<16xi32>
        %gather3A_1690 = tpu.vector_load_idx %arg9[%add3A_1689] : memref<2048xf32, #tpu.memory_space<vmem>>[vector<16xi32>], vector<16xf32>,
        %mul3A_1691 = arith.mulf %gather3A_1686, %gather3A_1690 : vector<16xf32>
        %add3A_1692 = arith.addf %add3A_1656, %mul3A_1691 : vector<16xf32>
        %broadcast_in_dim3A_1693 = arith.constant 112 : i32
        %broadcast_in_dim3A_1694 = vector.broadcast %broadcast_in_dim3A_1693 : i32 to vector<16xi32>
        %gather3A_1695 = tpu.vector_load_idx %arg10[%add3A_677, %broadcast_in_dim3A_1694] : memref<512x128xf32, #tpu.memory_space<vmem>>[vector<16xi32>, vector<16xi32>], vector<16xf32>,
        %add3A_1696 = arith.constant 112 : i32
        %add3A_1697 = vector.broadcast %add3A_1696 : i32 to vector<16xi32>
        %add3A_1698 = arith.addi %mul3A_653, %add3A_1697 : vector<16xi32>
        %gather3A_1699 = tpu.vector_load_idx %arg9[%add3A_1698] : memref<2048xf32, #tpu.memory_space<vmem>>[vector<16xi32>], vector<16xf32>,
        %mul3A_1700 = arith.mulf %gather3A_1695, %gather3A_1699 : vector<16xf32>
        %add3A_1701 = arith.addf %add3A_1665, %mul3A_1700 : vector<16xf32>
        %broadcast_in_dim3A_1702 = arith.constant 113 : i32
        %broadcast_in_dim3A_1703 = vector.broadcast %broadcast_in_dim3A_1702 : i32 to vector<16xi32>
        %gather3A_1704 = tpu.vector_load_idx %arg10[%add3A_677, %broadcast_in_dim3A_1703] : memref<512x128xf32, #tpu.memory_space<vmem>>[vector<16xi32>, vector<16xi32>], vector<16xf32>,
        %add3A_1705 = arith.constant 113 : i32
        %add3A_1706 = vector.broadcast %add3A_1705 : i32 to vector<16xi32>
        %add3A_1707 = arith.addi %mul3A_653, %add3A_1706 : vector<16xi32>
        %gather3A_1708 = tpu.vector_load_idx %arg9[%add3A_1707] : memref<2048xf32, #tpu.memory_space<vmem>>[vector<16xi32>], vector<16xf32>,
        %mul3A_1709 = arith.mulf %gather3A_1704, %gather3A_1708 : vector<16xf32>
        %add3A_1710 = arith.addf %add3A_1674, %mul3A_1709 : vector<16xf32>
        %broadcast_in_dim3A_1711 = arith.constant 114 : i32
        %broadcast_in_dim3A_1712 = vector.broadcast %broadcast_in_dim3A_1711 : i32 to vector<16xi32>
        %gather3A_1713 = tpu.vector_load_idx %arg10[%add3A_677, %broadcast_in_dim3A_1712] : memref<512x128xf32, #tpu.memory_space<vmem>>[vector<16xi32>, vector<16xi32>], vector<16xf32>,
        %add3A_1714 = arith.constant 114 : i32
        %add3A_1715 = vector.broadcast %add3A_1714 : i32 to vector<16xi32>
        %add3A_1716 = arith.addi %mul3A_653, %add3A_1715 : vector<16xi32>
        %gather3A_1717 = tpu.vector_load_idx %arg9[%add3A_1716] : memref<2048xf32, #tpu.memory_space<vmem>>[vector<16xi32>], vector<16xf32>,
        %mul3A_1718 = arith.mulf %gather3A_1713, %gather3A_1717 : vector<16xf32>
        %add3A_1719 = arith.addf %add3A_1683, %mul3A_1718 : vector<16xf32>
        %broadcast_in_dim3A_1720 = arith.constant 115 : i32
        %broadcast_in_dim3A_1721 = vector.broadcast %broadcast_in_dim3A_1720 : i32 to vector<16xi32>
        %gather3A_1722 = tpu.vector_load_idx %arg10[%add3A_677, %broadcast_in_dim3A_1721] : memref<512x128xf32, #tpu.memory_space<vmem>>[vector<16xi32>, vector<16xi32>], vector<16xf32>,
        %add3A_1723 = arith.constant 115 : i32
        %add3A_1724 = vector.broadcast %add3A_1723 : i32 to vector<16xi32>
        %add3A_1725 = arith.addi %mul3A_653, %add3A_1724 : vector<16xi32>
        %gather3A_1726 = tpu.vector_load_idx %arg9[%add3A_1725] : memref<2048xf32, #tpu.memory_space<vmem>>[vector<16xi32>], vector<16xf32>,
        %mul3A_1727 = arith.mulf %gather3A_1722, %gather3A_1726 : vector<16xf32>
        %add3A_1728 = arith.addf %add3A_1692, %mul3A_1727 : vector<16xf32>
        %broadcast_in_dim3A_1729 = arith.constant 116 : i32
        %broadcast_in_dim3A_1730 = vector.broadcast %broadcast_in_dim3A_1729 : i32 to vector<16xi32>
        %gather3A_1731 = tpu.vector_load_idx %arg10[%add3A_677, %broadcast_in_dim3A_1730] : memref<512x128xf32, #tpu.memory_space<vmem>>[vector<16xi32>, vector<16xi32>], vector<16xf32>,
        %add3A_1732 = arith.constant 116 : i32
        %add3A_1733 = vector.broadcast %add3A_1732 : i32 to vector<16xi32>
        %add3A_1734 = arith.addi %mul3A_653, %add3A_1733 : vector<16xi32>
        %gather3A_1735 = tpu.vector_load_idx %arg9[%add3A_1734] : memref<2048xf32, #tpu.memory_space<vmem>>[vector<16xi32>], vector<16xf32>,
        %mul3A_1736 = arith.mulf %gather3A_1731, %gather3A_1735 : vector<16xf32>
        %add3A_1737 = arith.addf %add3A_1701, %mul3A_1736 : vector<16xf32>
        %broadcast_in_dim3A_1738 = arith.constant 117 : i32
        %broadcast_in_dim3A_1739 = vector.broadcast %broadcast_in_dim3A_1738 : i32 to vector<16xi32>
        %gather3A_1740 = tpu.vector_load_idx %arg10[%add3A_677, %broadcast_in_dim3A_1739] : memref<512x128xf32, #tpu.memory_space<vmem>>[vector<16xi32>, vector<16xi32>], vector<16xf32>,
        %add3A_1741 = arith.constant 117 : i32
        %add3A_1742 = vector.broadcast %add3A_1741 : i32 to vector<16xi32>
        %add3A_1743 = arith.addi %mul3A_653, %add3A_1742 : vector<16xi32>
        %gather3A_1744 = tpu.vector_load_idx %arg9[%add3A_1743] : memref<2048xf32, #tpu.memory_space<vmem>>[vector<16xi32>], vector<16xf32>,
        %mul3A_1745 = arith.mulf %gather3A_1740, %gather3A_1744 : vector<16xf32>
        %add3A_1746 = arith.addf %add3A_1710, %mul3A_1745 : vector<16xf32>
        %broadcast_in_dim3A_1747 = arith.constant 118 : i32
        %broadcast_in_dim3A_1748 = vector.broadcast %broadcast_in_dim3A_1747 : i32 to vector<16xi32>
        %gather3A_1749 = tpu.vector_load_idx %arg10[%add3A_677, %broadcast_in_dim3A_1748] : memref<512x128xf32, #tpu.memory_space<vmem>>[vector<16xi32>, vector<16xi32>], vector<16xf32>,
        %add3A_1750 = arith.constant 118 : i32
        %add3A_1751 = vector.broadcast %add3A_1750 : i32 to vector<16xi32>
        %add3A_1752 = arith.addi %mul3A_653, %add3A_1751 : vector<16xi32>
        %gather3A_1753 = tpu.vector_load_idx %arg9[%add3A_1752] : memref<2048xf32, #tpu.memory_space<vmem>>[vector<16xi32>], vector<16xf32>,
        %mul3A_1754 = arith.mulf %gather3A_1749, %gather3A_1753 : vector<16xf32>
        %add3A_1755 = arith.addf %add3A_1719, %mul3A_1754 : vector<16xf32>
        %broadcast_in_dim3A_1756 = arith.constant 119 : i32
        %broadcast_in_dim3A_1757 = vector.broadcast %broadcast_in_dim3A_1756 : i32 to vector<16xi32>
        %gather3A_1758 = tpu.vector_load_idx %arg10[%add3A_677, %broadcast_in_dim3A_1757] : memref<512x128xf32, #tpu.memory_space<vmem>>[vector<16xi32>, vector<16xi32>], vector<16xf32>,
        %add3A_1759 = arith.constant 119 : i32
        %add3A_1760 = vector.broadcast %add3A_1759 : i32 to vector<16xi32>
        %add3A_1761 = arith.addi %mul3A_653, %add3A_1760 : vector<16xi32>
        %gather3A_1762 = tpu.vector_load_idx %arg9[%add3A_1761] : memref<2048xf32, #tpu.memory_space<vmem>>[vector<16xi32>], vector<16xf32>,
        %mul3A_1763 = arith.mulf %gather3A_1758, %gather3A_1762 : vector<16xf32>
        %add3A_1764 = arith.addf %add3A_1728, %mul3A_1763 : vector<16xf32>
        %broadcast_in_dim3A_1765 = arith.constant 120 : i32
        %broadcast_in_dim3A_1766 = vector.broadcast %broadcast_in_dim3A_1765 : i32 to vector<16xi32>
        %gather3A_1767 = tpu.vector_load_idx %arg10[%add3A_677, %broadcast_in_dim3A_1766] : memref<512x128xf32, #tpu.memory_space<vmem>>[vector<16xi32>, vector<16xi32>], vector<16xf32>,
        %add3A_1768 = arith.constant 120 : i32
        %add3A_1769 = vector.broadcast %add3A_1768 : i32 to vector<16xi32>
        %add3A_1770 = arith.addi %mul3A_653, %add3A_1769 : vector<16xi32>
        %gather3A_1771 = tpu.vector_load_idx %arg9[%add3A_1770] : memref<2048xf32, #tpu.memory_space<vmem>>[vector<16xi32>], vector<16xf32>,
        %mul3A_1772 = arith.mulf %gather3A_1767, %gather3A_1771 : vector<16xf32>
        %add3A_1773 = arith.addf %add3A_1737, %mul3A_1772 : vector<16xf32>
        %broadcast_in_dim3A_1774 = arith.constant 121 : i32
        %broadcast_in_dim3A_1775 = vector.broadcast %broadcast_in_dim3A_1774 : i32 to vector<16xi32>
        %gather3A_1776 = tpu.vector_load_idx %arg10[%add3A_677, %broadcast_in_dim3A_1775] : memref<512x128xf32, #tpu.memory_space<vmem>>[vector<16xi32>, vector<16xi32>], vector<16xf32>,
        %add3A_1777 = arith.constant 121 : i32
        %add3A_1778 = vector.broadcast %add3A_1777 : i32 to vector<16xi32>
        %add3A_1779 = arith.addi %mul3A_653, %add3A_1778 : vector<16xi32>
        %gather3A_1780 = tpu.vector_load_idx %arg9[%add3A_1779] : memref<2048xf32, #tpu.memory_space<vmem>>[vector<16xi32>], vector<16xf32>,
        %mul3A_1781 = arith.mulf %gather3A_1776, %gather3A_1780 : vector<16xf32>
        %add3A_1782 = arith.addf %add3A_1746, %mul3A_1781 : vector<16xf32>
        %broadcast_in_dim3A_1783 = arith.constant 122 : i32
        %broadcast_in_dim3A_1784 = vector.broadcast %broadcast_in_dim3A_1783 : i32 to vector<16xi32>
        %gather3A_1785 = tpu.vector_load_idx %arg10[%add3A_677, %broadcast_in_dim3A_1784] : memref<512x128xf32, #tpu.memory_space<vmem>>[vector<16xi32>, vector<16xi32>], vector<16xf32>,
        %add3A_1786 = arith.constant 122 : i32
        %add3A_1787 = vector.broadcast %add3A_1786 : i32 to vector<16xi32>
        %add3A_1788 = arith.addi %mul3A_653, %add3A_1787 : vector<16xi32>
        %gather3A_1789 = tpu.vector_load_idx %arg9[%add3A_1788] : memref<2048xf32, #tpu.memory_space<vmem>>[vector<16xi32>], vector<16xf32>,
        %mul3A_1790 = arith.mulf %gather3A_1785, %gather3A_1789 : vector<16xf32>
        %add3A_1791 = arith.addf %add3A_1755, %mul3A_1790 : vector<16xf32>
        %broadcast_in_dim3A_1792 = arith.constant 123 : i32
        %broadcast_in_dim3A_1793 = vector.broadcast %broadcast_in_dim3A_1792 : i32 to vector<16xi32>
        %gather3A_1794 = tpu.vector_load_idx %arg10[%add3A_677, %broadcast_in_dim3A_1793] : memref<512x128xf32, #tpu.memory_space<vmem>>[vector<16xi32>, vector<16xi32>], vector<16xf32>,
        %add3A_1795 = arith.constant 123 : i32
        %add3A_1796 = vector.broadcast %add3A_1795 : i32 to vector<16xi32>
        %add3A_1797 = arith.addi %mul3A_653, %add3A_1796 : vector<16xi32>
        %gather3A_1798 = tpu.vector_load_idx %arg9[%add3A_1797] : memref<2048xf32, #tpu.memory_space<vmem>>[vector<16xi32>], vector<16xf32>,
        %mul3A_1799 = arith.mulf %gather3A_1794, %gather3A_1798 : vector<16xf32>
        %add3A_1800 = arith.addf %add3A_1764, %mul3A_1799 : vector<16xf32>
        %broadcast_in_dim3A_1801 = arith.constant 124 : i32
        %broadcast_in_dim3A_1802 = vector.broadcast %broadcast_in_dim3A_1801 : i32 to vector<16xi32>
        %gather3A_1803 = tpu.vector_load_idx %arg10[%add3A_677, %broadcast_in_dim3A_1802] : memref<512x128xf32, #tpu.memory_space<vmem>>[vector<16xi32>, vector<16xi32>], vector<16xf32>,
        %add3A_1804 = arith.constant 124 : i32
        %add3A_1805 = vector.broadcast %add3A_1804 : i32 to vector<16xi32>
        %add3A_1806 = arith.addi %mul3A_653, %add3A_1805 : vector<16xi32>
        %gather3A_1807 = tpu.vector_load_idx %arg9[%add3A_1806] : memref<2048xf32, #tpu.memory_space<vmem>>[vector<16xi32>], vector<16xf32>,
        %mul3A_1808 = arith.mulf %gather3A_1803, %gather3A_1807 : vector<16xf32>
        %add3A_1809 = arith.addf %add3A_1773, %mul3A_1808 : vector<16xf32>
        %broadcast_in_dim3A_1810 = arith.constant 125 : i32
        %broadcast_in_dim3A_1811 = vector.broadcast %broadcast_in_dim3A_1810 : i32 to vector<16xi32>
        %gather3A_1812 = tpu.vector_load_idx %arg10[%add3A_677, %broadcast_in_dim3A_1811] : memref<512x128xf32, #tpu.memory_space<vmem>>[vector<16xi32>, vector<16xi32>], vector<16xf32>,
        %add3A_1813 = arith.constant 125 : i32
        %add3A_1814 = vector.broadcast %add3A_1813 : i32 to vector<16xi32>
        %add3A_1815 = arith.addi %mul3A_653, %add3A_1814 : vector<16xi32>
        %gather3A_1816 = tpu.vector_load_idx %arg9[%add3A_1815] : memref<2048xf32, #tpu.memory_space<vmem>>[vector<16xi32>], vector<16xf32>,
        %mul3A_1817 = arith.mulf %gather3A_1812, %gather3A_1816 : vector<16xf32>
        %add3A_1818 = arith.addf %add3A_1782, %mul3A_1817 : vector<16xf32>
        %broadcast_in_dim3A_1819 = arith.constant 126 : i32
        %broadcast_in_dim3A_1820 = vector.broadcast %broadcast_in_dim3A_1819 : i32 to vector<16xi32>
        %gather3A_1821 = tpu.vector_load_idx %arg10[%add3A_677, %broadcast_in_dim3A_1820] : memref<512x128xf32, #tpu.memory_space<vmem>>[vector<16xi32>, vector<16xi32>], vector<16xf32>,
        %add3A_1822 = arith.constant 126 : i32
        %add3A_1823 = vector.broadcast %add3A_1822 : i32 to vector<16xi32>
        %add3A_1824 = arith.addi %mul3A_653, %add3A_1823 : vector<16xi32>
        %gather3A_1825 = tpu.vector_load_idx %arg9[%add3A_1824] : memref<2048xf32, #tpu.memory_space<vmem>>[vector<16xi32>], vector<16xf32>,
        %mul3A_1826 = arith.mulf %gather3A_1821, %gather3A_1825 : vector<16xf32>
        %add3A_1827 = arith.addf %add3A_1791, %mul3A_1826 : vector<16xf32>
        %broadcast_in_dim3A_1828 = arith.constant 127 : i32
        %broadcast_in_dim3A_1829 = vector.broadcast %broadcast_in_dim3A_1828 : i32 to vector<16xi32>
        %gather3A_1830 = tpu.vector_load_idx %arg10[%add3A_677, %broadcast_in_dim3A_1829] : memref<512x128xf32, #tpu.memory_space<vmem>>[vector<16xi32>, vector<16xi32>], vector<16xf32>,
        %add3A_1831 = arith.constant 127 : i32
        %add3A_1832 = vector.broadcast %add3A_1831 : i32 to vector<16xi32>
        %add3A_1833 = arith.addi %mul3A_653, %add3A_1832 : vector<16xi32>
        %gather3A_1834 = tpu.vector_load_idx %arg9[%add3A_1833] : memref<2048xf32, #tpu.memory_space<vmem>>[vector<16xi32>], vector<16xf32>,
        %mul3A_1835 = arith.mulf %gather3A_1830, %gather3A_1834 : vector<16xf32>
        %add3A_1836 = arith.addf %add3A_1800, %mul3A_1835 : vector<16xf32>
        %add3A_1837 = arith.addf %add3A_1809, %add3A_1818 : vector<16xf32>
        %add3A_1838 = arith.addf %add3A_1827, %add3A_1836 : vector<16xf32>
        %add3A_1839 = arith.addf %add3A_1837, %add3A_1838 : vector<16xf32>
        scf.yield %add3A_1839 : vector<16xf32>
      }
      %swap3A_674 = arith.index_cast %mul3A_649 : i32 to index
      %swap3A_675 = tpu.vector_load %arg12[%swap3A_674] {strides = array<i32>} : memref<512xf32, #tpu.memory_space<vmem>>, vector<16xf32>,
      tpu.vector_store %arg12[%swap3A_674], %cond3A_673 {strides = array<i32>} : memref<512xf32, #tpu.memory_space<vmem>>, vector<16xf32>,
    }
    %scan3A_87 = arith.constant 32 : i32
    %broadcast_in_dim3A = arith.constant 0xFF800000 : f32
    %broadcast_in_dim3A_88 = vector.broadcast %broadcast_in_dim3A : f32 to vector<16xf32>
    %broadcast_in_dim3A_89 = arith.constant 0xFF800000 : f32
    %broadcast_in_dim3A_90 = vector.broadcast %broadcast_in_dim3A_89 : f32 to vector<16xf32>
    %broadcast_in_dim3A_91 = arith.constant 0xFF800000 : f32
    %broadcast_in_dim3A_92 = vector.broadcast %broadcast_in_dim3A_91 : f32 to vector<16xf32>
    %broadcast_in_dim3A_93 = arith.constant 0xFF800000 : f32
    %broadcast_in_dim3A_94 = vector.broadcast %broadcast_in_dim3A_93 : f32 to vector<16xf32>
    %broadcast_in_dim3A_95 = arith.constant 0xFF800000 : f32
    %broadcast_in_dim3A_96 = vector.broadcast %broadcast_in_dim3A_95 : f32 to vector<16xf32>
    %broadcast_in_dim3A_97 = arith.constant 0xFF800000 : f32
    %broadcast_in_dim3A_98 = vector.broadcast %broadcast_in_dim3A_97 : f32 to vector<16xf32>
    %broadcast_in_dim3A_99 = arith.constant 0xFF800000 : f32
    %broadcast_in_dim3A_100 = vector.broadcast %broadcast_in_dim3A_99 : f32 to vector<16xf32>
    %broadcast_in_dim3A_101 = arith.constant 0xFF800000 : f32
    %broadcast_in_dim3A_102 = vector.broadcast %broadcast_in_dim3A_101 : f32 to vector<16xf32>
    %broadcast_in_dim3A_103 = arith.constant 0xFF800000 : f32
    %broadcast_in_dim3A_104 = vector.broadcast %broadcast_in_dim3A_103 : f32 to vector<16xf32>
    %broadcast_in_dim3A_105 = arith.constant 0xFF800000 : f32
    %broadcast_in_dim3A_106 = vector.broadcast %broadcast_in_dim3A_105 : f32 to vector<16xf32>
    %broadcast_in_dim3A_107 = arith.constant 0xFF800000 : f32
    %broadcast_in_dim3A_108 = vector.broadcast %broadcast_in_dim3A_107 : f32 to vector<16xf32>
    %broadcast_in_dim3A_109 = arith.constant 0xFF800000 : f32
    %broadcast_in_dim3A_110 = vector.broadcast %broadcast_in_dim3A_109 : f32 to vector<16xf32>
    %broadcast_in_dim3A_111 = arith.constant 0xFF800000 : f32
    %broadcast_in_dim3A_112 = vector.broadcast %broadcast_in_dim3A_111 : f32 to vector<16xf32>
    %broadcast_in_dim3A_113 = arith.constant 0xFF800000 : f32
    %broadcast_in_dim3A_114 = vector.broadcast %broadcast_in_dim3A_113 : f32 to vector<16xf32>
    %broadcast_in_dim3A_115 = arith.constant 0xFF800000 : f32
    %broadcast_in_dim3A_116 = vector.broadcast %broadcast_in_dim3A_115 : f32 to vector<16xf32>
    %broadcast_in_dim3A_117 = arith.constant 0xFF800000 : f32
    %broadcast_in_dim3A_118 = vector.broadcast %broadcast_in_dim3A_117 : f32 to vector<16xf32>
    %scan3A_119 = arith.constant 0 : i32
    %scan3A_120 = arith.constant 32 : i32
    %scan3A_121 = arith.addi %scan3A_119, %scan3A_120 : i32
    %scan3A_122 = arith.constant 1 : i32
    %scan3A_123:16 = scf.for %scan3A_634 = %scan3A_119 to %scan3A_121 step %scan3A_122 iter_args(%scan3A_635 = %broadcast_in_dim3A_88, %scan3A_636 = %broadcast_in_dim3A_90, %scan3A_637 = %broadcast_in_dim3A_92, %scan3A_638 = %broadcast_in_dim3A_94, %scan3A_639 = %broadcast_in_dim3A_96, %scan3A_640 = %broadcast_in_dim3A_98, %scan3A_641 = %broadcast_in_dim3A_100, %scan3A_642 = %broadcast_in_dim3A_102, %scan3A_643 = %broadcast_in_dim3A_104, %scan3A_644 = %broadcast_in_dim3A_106, %scan3A_645 = %broadcast_in_dim3A_108, %scan3A_646 = %broadcast_in_dim3A_110, %scan3A_647 = %broadcast_in_dim3A_112, %scan3A_648 = %broadcast_in_dim3A_114, %scan3A_649 = %broadcast_in_dim3A_116, %scan3A_650 = %broadcast_in_dim3A_118) -> (vector<16xf32>, vector<16xf32>, vector<16xf32>, vector<16xf32>, vector<16xf32>, vector<16xf32>, vector<16xf32>, vector<16xf32>, vector<16xf32>, vector<16xf32>, vector<16xf32>, vector<16xf32>, vector<16xf32>, vector<16xf32>, vector<16xf32>, vector<16xf32>)  : i32 {
      %mul3A_651 = arith.constant 16 : i32
      %mul3A_652 = arith.muli %scan3A_634, %mul3A_651 : i32
      %get3A = arith.index_cast %mul3A_652 : i32 to index
      %get3A_653 = tpu.vector_load %arg12[%get3A] {strides = array<i32>} : memref<512xf32, #tpu.memory_space<vmem>>, vector<16xf32>,
      %mul3A_654 = arith.constant 16 : i32
      %mul3A_655 = arith.muli %scan3A_634, %mul3A_654 : i32
      %get3A_656 = arith.index_cast %mul3A_655 : i32 to index
      %get3A_657 = tpu.vector_load %arg11[%get3A_656] {strides = array<i32>} : memref<512xi32, #tpu.memory_space<vmem>>, vector<16xi32>,
      %eq3A_658 = arith.constant 0 : i32
      %eq3A_659 = vector.broadcast %eq3A_658 : i32 to vector<16xi32>
      %eq3A_660 = arith.cmpi eq, %get3A_657, %eq3A_659 : vector<16xi32>
      %jit3A = arith.constant 0xFF800000 : f32
      %broadcast_in_dim3A_661 = vector.broadcast %jit3A : f32 to vector<16xf32>
      %select_n3A_662 = arith.select %eq3A_660, %get3A_653, %broadcast_in_dim3A_661 : vector<16xi1>, vector<16xf32>
      %max3A = arith.maximumf %scan3A_635, %select_n3A_662 : vector<16xf32>
      %eq3A_663 = arith.constant 1 : i32
      %eq3A_664 = vector.broadcast %eq3A_663 : i32 to vector<16xi32>
      %eq3A_665 = arith.cmpi eq, %get3A_657, %eq3A_664 : vector<16xi32>
      %jit3A_666 = arith.constant 0xFF800000 : f32
      %broadcast_in_dim3A_667 = vector.broadcast %jit3A_666 : f32 to vector<16xf32>
      %select_n3A_668 = arith.select %eq3A_665, %get3A_653, %broadcast_in_dim3A_667 : vector<16xi1>, vector<16xf32>
      %max3A_669 = arith.maximumf %scan3A_636, %select_n3A_668 : vector<16xf32>
      %eq3A_670 = arith.constant 2 : i32
      %eq3A_671 = vector.broadcast %eq3A_670 : i32 to vector<16xi32>
      %eq3A_672 = arith.cmpi eq, %get3A_657, %eq3A_671 : vector<16xi32>
      %jit3A_673 = arith.constant 0xFF800000 : f32
      %broadcast_in_dim3A_674 = vector.broadcast %jit3A_673 : f32 to vector<16xf32>
      %select_n3A_675 = arith.select %eq3A_672, %get3A_653, %broadcast_in_dim3A_674 : vector<16xi1>, vector<16xf32>
      %max3A_676 = arith.maximumf %scan3A_637, %select_n3A_675 : vector<16xf32>
      %eq3A_677 = arith.constant 3 : i32
      %eq3A_678 = vector.broadcast %eq3A_677 : i32 to vector<16xi32>
      %eq3A_679 = arith.cmpi eq, %get3A_657, %eq3A_678 : vector<16xi32>
      %jit3A_680 = arith.constant 0xFF800000 : f32
      %broadcast_in_dim3A_681 = vector.broadcast %jit3A_680 : f32 to vector<16xf32>
      %select_n3A_682 = arith.select %eq3A_679, %get3A_653, %broadcast_in_dim3A_681 : vector<16xi1>, vector<16xf32>
      %max3A_683 = arith.maximumf %scan3A_638, %select_n3A_682 : vector<16xf32>
      %eq3A_684 = arith.constant 4 : i32
      %eq3A_685 = vector.broadcast %eq3A_684 : i32 to vector<16xi32>
      %eq3A_686 = arith.cmpi eq, %get3A_657, %eq3A_685 : vector<16xi32>
      %jit3A_687 = arith.constant 0xFF800000 : f32
      %broadcast_in_dim3A_688 = vector.broadcast %jit3A_687 : f32 to vector<16xf32>
      %select_n3A_689 = arith.select %eq3A_686, %get3A_653, %broadcast_in_dim3A_688 : vector<16xi1>, vector<16xf32>
      %max3A_690 = arith.maximumf %scan3A_639, %select_n3A_689 : vector<16xf32>
      %eq3A_691 = arith.constant 5 : i32
      %eq3A_692 = vector.broadcast %eq3A_691 : i32 to vector<16xi32>
      %eq3A_693 = arith.cmpi eq, %get3A_657, %eq3A_692 : vector<16xi32>
      %jit3A_694 = arith.constant 0xFF800000 : f32
      %broadcast_in_dim3A_695 = vector.broadcast %jit3A_694 : f32 to vector<16xf32>
      %select_n3A_696 = arith.select %eq3A_693, %get3A_653, %broadcast_in_dim3A_695 : vector<16xi1>, vector<16xf32>
      %max3A_697 = arith.maximumf %scan3A_640, %select_n3A_696 : vector<16xf32>
      %eq3A_698 = arith.constant 6 : i32
      %eq3A_699 = vector.broadcast %eq3A_698 : i32 to vector<16xi32>
      %eq3A_700 = arith.cmpi eq, %get3A_657, %eq3A_699 : vector<16xi32>
      %jit3A_701 = arith.constant 0xFF800000 : f32
      %broadcast_in_dim3A_702 = vector.broadcast %jit3A_701 : f32 to vector<16xf32>
      %select_n3A_703 = arith.select %eq3A_700, %get3A_653, %broadcast_in_dim3A_702 : vector<16xi1>, vector<16xf32>
      %max3A_704 = arith.maximumf %scan3A_641, %select_n3A_703 : vector<16xf32>
      %eq3A_705 = arith.constant 7 : i32
      %eq3A_706 = vector.broadcast %eq3A_705 : i32 to vector<16xi32>
      %eq3A_707 = arith.cmpi eq, %get3A_657, %eq3A_706 : vector<16xi32>
      %jit3A_708 = arith.constant 0xFF800000 : f32
      %broadcast_in_dim3A_709 = vector.broadcast %jit3A_708 : f32 to vector<16xf32>
      %select_n3A_710 = arith.select %eq3A_707, %get3A_653, %broadcast_in_dim3A_709 : vector<16xi1>, vector<16xf32>
      %max3A_711 = arith.maximumf %scan3A_642, %select_n3A_710 : vector<16xf32>
      %eq3A_712 = arith.constant 8 : i32
      %eq3A_713 = vector.broadcast %eq3A_712 : i32 to vector<16xi32>
      %eq3A_714 = arith.cmpi eq, %get3A_657, %eq3A_713 : vector<16xi32>
      %jit3A_715 = arith.constant 0xFF800000 : f32
      %broadcast_in_dim3A_716 = vector.broadcast %jit3A_715 : f32 to vector<16xf32>
      %select_n3A_717 = arith.select %eq3A_714, %get3A_653, %broadcast_in_dim3A_716 : vector<16xi1>, vector<16xf32>
      %max3A_718 = arith.maximumf %scan3A_643, %select_n3A_717 : vector<16xf32>
      %eq3A_719 = arith.constant 9 : i32
      %eq3A_720 = vector.broadcast %eq3A_719 : i32 to vector<16xi32>
      %eq3A_721 = arith.cmpi eq, %get3A_657, %eq3A_720 : vector<16xi32>
      %jit3A_722 = arith.constant 0xFF800000 : f32
      %broadcast_in_dim3A_723 = vector.broadcast %jit3A_722 : f32 to vector<16xf32>
      %select_n3A_724 = arith.select %eq3A_721, %get3A_653, %broadcast_in_dim3A_723 : vector<16xi1>, vector<16xf32>
      %max3A_725 = arith.maximumf %scan3A_644, %select_n3A_724 : vector<16xf32>
      %eq3A_726 = arith.constant 10 : i32
      %eq3A_727 = vector.broadcast %eq3A_726 : i32 to vector<16xi32>
      %eq3A_728 = arith.cmpi eq, %get3A_657, %eq3A_727 : vector<16xi32>
      %jit3A_729 = arith.constant 0xFF800000 : f32
      %broadcast_in_dim3A_730 = vector.broadcast %jit3A_729 : f32 to vector<16xf32>
      %select_n3A_731 = arith.select %eq3A_728, %get3A_653, %broadcast_in_dim3A_730 : vector<16xi1>, vector<16xf32>
      %max3A_732 = arith.maximumf %scan3A_645, %select_n3A_731 : vector<16xf32>
      %eq3A_733 = arith.constant 11 : i32
      %eq3A_734 = vector.broadcast %eq3A_733 : i32 to vector<16xi32>
      %eq3A_735 = arith.cmpi eq, %get3A_657, %eq3A_734 : vector<16xi32>
      %jit3A_736 = arith.constant 0xFF800000 : f32
      %broadcast_in_dim3A_737 = vector.broadcast %jit3A_736 : f32 to vector<16xf32>
      %select_n3A_738 = arith.select %eq3A_735, %get3A_653, %broadcast_in_dim3A_737 : vector<16xi1>, vector<16xf32>
      %max3A_739 = arith.maximumf %scan3A_646, %select_n3A_738 : vector<16xf32>
      %eq3A_740 = arith.constant 12 : i32
      %eq3A_741 = vector.broadcast %eq3A_740 : i32 to vector<16xi32>
      %eq3A_742 = arith.cmpi eq, %get3A_657, %eq3A_741 : vector<16xi32>
      %jit3A_743 = arith.constant 0xFF800000 : f32
      %broadcast_in_dim3A_744 = vector.broadcast %jit3A_743 : f32 to vector<16xf32>
      %select_n3A_745 = arith.select %eq3A_742, %get3A_653, %broadcast_in_dim3A_744 : vector<16xi1>, vector<16xf32>
      %max3A_746 = arith.maximumf %scan3A_647, %select_n3A_745 : vector<16xf32>
      %eq3A_747 = arith.constant 13 : i32
      %eq3A_748 = vector.broadcast %eq3A_747 : i32 to vector<16xi32>
      %eq3A_749 = arith.cmpi eq, %get3A_657, %eq3A_748 : vector<16xi32>
      %jit3A_750 = arith.constant 0xFF800000 : f32
      %broadcast_in_dim3A_751 = vector.broadcast %jit3A_750 : f32 to vector<16xf32>
      %select_n3A_752 = arith.select %eq3A_749, %get3A_653, %broadcast_in_dim3A_751 : vector<16xi1>, vector<16xf32>
      %max3A_753 = arith.maximumf %scan3A_648, %select_n3A_752 : vector<16xf32>
      %eq3A_754 = arith.constant 14 : i32
      %eq3A_755 = vector.broadcast %eq3A_754 : i32 to vector<16xi32>
      %eq3A_756 = arith.cmpi eq, %get3A_657, %eq3A_755 : vector<16xi32>
      %jit3A_757 = arith.constant 0xFF800000 : f32
      %broadcast_in_dim3A_758 = vector.broadcast %jit3A_757 : f32 to vector<16xf32>
      %select_n3A_759 = arith.select %eq3A_756, %get3A_653, %broadcast_in_dim3A_758 : vector<16xi1>, vector<16xf32>
      %max3A_760 = arith.maximumf %scan3A_649, %select_n3A_759 : vector<16xf32>
      %eq3A_761 = arith.constant 15 : i32
      %eq3A_762 = vector.broadcast %eq3A_761 : i32 to vector<16xi32>
      %eq3A_763 = arith.cmpi eq, %get3A_657, %eq3A_762 : vector<16xi32>
      %jit3A_764 = arith.constant 0xFF800000 : f32
      %broadcast_in_dim3A_765 = vector.broadcast %jit3A_764 : f32 to vector<16xf32>
      %select_n3A_766 = arith.select %eq3A_763, %get3A_653, %broadcast_in_dim3A_765 : vector<16xi1>, vector<16xf32>
      %max3A_767 = arith.maximumf %scan3A_650, %select_n3A_766 : vector<16xf32>
      scf.yield %max3A, %max3A_669, %max3A_676, %max3A_683, %max3A_690, %max3A_697, %max3A_704, %max3A_711, %max3A_718, %max3A_725, %max3A_732, %max3A_739, %max3A_746, %max3A_753, %max3A_760, %max3A_767 : vector<16xf32>, vector<16xf32>, vector<16xf32>, vector<16xf32>, vector<16xf32>, vector<16xf32>, vector<16xf32>, vector<16xf32>, vector<16xf32>, vector<16xf32>, vector<16xf32>, vector<16xf32>, vector<16xf32>, vector<16xf32>, vector<16xf32>, vector<16xf32>
    }
    %scan3A_124 = arith.constant 32 : i32
    %broadcast_in_dim3A_125 = arith.constant 0xFF800000 : f32
    %broadcast_in_dim3A_126 = vector.broadcast %broadcast_in_dim3A_125 : f32 to vector<16xf32>
    %eq3A = arith.constant 0 : i32
    %eq3A_127 = vector.broadcast %eq3A : i32 to vector<16xi32>
    %eq3A_128 = arith.cmpi eq, %iota3A, %eq3A_127 : vector<16xi32>
    %reduce_max3A = arith.constant true
    %reduce_max3A_129 = vector.broadcast %reduce_max3A : i1 to vector<16xi1>
    %reduce_max3A_130 = tpu.scan <max>, %scan3A_123#0 masked %reduce_max3A_129 : vector<16xf32>, vector<16xi1> -> vector<16xf32>
    %reduce_max3A_131 = vector.extract %reduce_max3A_130[15] : f32 from vector<16xf32>
    %broadcast_in_dim3A_132 = vector.broadcast %reduce_max3A_131 : f32 to vector<16xf32>
    %select_n3A = arith.select %eq3A_128, %broadcast_in_dim3A_132, %broadcast_in_dim3A_126 : vector<16xi1>, vector<16xf32>
    %eq3A_133 = arith.constant 1 : i32
    %eq3A_134 = vector.broadcast %eq3A_133 : i32 to vector<16xi32>
    %eq3A_135 = arith.cmpi eq, %iota3A, %eq3A_134 : vector<16xi32>
    %reduce_max3A_136 = arith.constant true
    %reduce_max3A_137 = vector.broadcast %reduce_max3A_136 : i1 to vector<16xi1>
    %reduce_max3A_138 = tpu.scan <max>, %scan3A_123#1 masked %reduce_max3A_137 : vector<16xf32>, vector<16xi1> -> vector<16xf32>
    %reduce_max3A_139 = vector.extract %reduce_max3A_138[15] : f32 from vector<16xf32>
    %broadcast_in_dim3A_140 = vector.broadcast %reduce_max3A_139 : f32 to vector<16xf32>
    %select_n3A_141 = arith.select %eq3A_135, %broadcast_in_dim3A_140, %select_n3A : vector<16xi1>, vector<16xf32>
    %eq3A_142 = arith.constant 2 : i32
    %eq3A_143 = vector.broadcast %eq3A_142 : i32 to vector<16xi32>
    %eq3A_144 = arith.cmpi eq, %iota3A, %eq3A_143 : vector<16xi32>
    %reduce_max3A_145 = arith.constant true
    %reduce_max3A_146 = vector.broadcast %reduce_max3A_145 : i1 to vector<16xi1>
    %reduce_max3A_147 = tpu.scan <max>, %scan3A_123#2 masked %reduce_max3A_146 : vector<16xf32>, vector<16xi1> -> vector<16xf32>
    %reduce_max3A_148 = vector.extract %reduce_max3A_147[15] : f32 from vector<16xf32>
    %broadcast_in_dim3A_149 = vector.broadcast %reduce_max3A_148 : f32 to vector<16xf32>
    %select_n3A_150 = arith.select %eq3A_144, %broadcast_in_dim3A_149, %select_n3A_141 : vector<16xi1>, vector<16xf32>
    %eq3A_151 = arith.constant 3 : i32
    %eq3A_152 = vector.broadcast %eq3A_151 : i32 to vector<16xi32>
    %eq3A_153 = arith.cmpi eq, %iota3A, %eq3A_152 : vector<16xi32>
    %reduce_max3A_154 = arith.constant true
    %reduce_max3A_155 = vector.broadcast %reduce_max3A_154 : i1 to vector<16xi1>
    %reduce_max3A_156 = tpu.scan <max>, %scan3A_123#3 masked %reduce_max3A_155 : vector<16xf32>, vector<16xi1> -> vector<16xf32>
    %reduce_max3A_157 = vector.extract %reduce_max3A_156[15] : f32 from vector<16xf32>
    %broadcast_in_dim3A_158 = vector.broadcast %reduce_max3A_157 : f32 to vector<16xf32>
    %select_n3A_159 = arith.select %eq3A_153, %broadcast_in_dim3A_158, %select_n3A_150 : vector<16xi1>, vector<16xf32>
    %eq3A_160 = arith.constant 4 : i32
    %eq3A_161 = vector.broadcast %eq3A_160 : i32 to vector<16xi32>
    %eq3A_162 = arith.cmpi eq, %iota3A, %eq3A_161 : vector<16xi32>
    %reduce_max3A_163 = arith.constant true
    %reduce_max3A_164 = vector.broadcast %reduce_max3A_163 : i1 to vector<16xi1>
    %reduce_max3A_165 = tpu.scan <max>, %scan3A_123#4 masked %reduce_max3A_164 : vector<16xf32>, vector<16xi1> -> vector<16xf32>
    %reduce_max3A_166 = vector.extract %reduce_max3A_165[15] : f32 from vector<16xf32>
    %broadcast_in_dim3A_167 = vector.broadcast %reduce_max3A_166 : f32 to vector<16xf32>
    %select_n3A_168 = arith.select %eq3A_162, %broadcast_in_dim3A_167, %select_n3A_159 : vector<16xi1>, vector<16xf32>
    %eq3A_169 = arith.constant 5 : i32
    %eq3A_170 = vector.broadcast %eq3A_169 : i32 to vector<16xi32>
    %eq3A_171 = arith.cmpi eq, %iota3A, %eq3A_170 : vector<16xi32>
    %reduce_max3A_172 = arith.constant true
    %reduce_max3A_173 = vector.broadcast %reduce_max3A_172 : i1 to vector<16xi1>
    %reduce_max3A_174 = tpu.scan <max>, %scan3A_123#5 masked %reduce_max3A_173 : vector<16xf32>, vector<16xi1> -> vector<16xf32>
    %reduce_max3A_175 = vector.extract %reduce_max3A_174[15] : f32 from vector<16xf32>
    %broadcast_in_dim3A_176 = vector.broadcast %reduce_max3A_175 : f32 to vector<16xf32>
    %select_n3A_177 = arith.select %eq3A_171, %broadcast_in_dim3A_176, %select_n3A_168 : vector<16xi1>, vector<16xf32>
    %eq3A_178 = arith.constant 6 : i32
    %eq3A_179 = vector.broadcast %eq3A_178 : i32 to vector<16xi32>
    %eq3A_180 = arith.cmpi eq, %iota3A, %eq3A_179 : vector<16xi32>
    %reduce_max3A_181 = arith.constant true
    %reduce_max3A_182 = vector.broadcast %reduce_max3A_181 : i1 to vector<16xi1>
    %reduce_max3A_183 = tpu.scan <max>, %scan3A_123#6 masked %reduce_max3A_182 : vector<16xf32>, vector<16xi1> -> vector<16xf32>
    %reduce_max3A_184 = vector.extract %reduce_max3A_183[15] : f32 from vector<16xf32>
    %broadcast_in_dim3A_185 = vector.broadcast %reduce_max3A_184 : f32 to vector<16xf32>
    %select_n3A_186 = arith.select %eq3A_180, %broadcast_in_dim3A_185, %select_n3A_177 : vector<16xi1>, vector<16xf32>
    %eq3A_187 = arith.constant 7 : i32
    %eq3A_188 = vector.broadcast %eq3A_187 : i32 to vector<16xi32>
    %eq3A_189 = arith.cmpi eq, %iota3A, %eq3A_188 : vector<16xi32>
    %reduce_max3A_190 = arith.constant true
    %reduce_max3A_191 = vector.broadcast %reduce_max3A_190 : i1 to vector<16xi1>
    %reduce_max3A_192 = tpu.scan <max>, %scan3A_123#7 masked %reduce_max3A_191 : vector<16xf32>, vector<16xi1> -> vector<16xf32>
    %reduce_max3A_193 = vector.extract %reduce_max3A_192[15] : f32 from vector<16xf32>
    %broadcast_in_dim3A_194 = vector.broadcast %reduce_max3A_193 : f32 to vector<16xf32>
    %select_n3A_195 = arith.select %eq3A_189, %broadcast_in_dim3A_194, %select_n3A_186 : vector<16xi1>, vector<16xf32>
    %eq3A_196 = arith.constant 8 : i32
    %eq3A_197 = vector.broadcast %eq3A_196 : i32 to vector<16xi32>
    %eq3A_198 = arith.cmpi eq, %iota3A, %eq3A_197 : vector<16xi32>
    %reduce_max3A_199 = arith.constant true
    %reduce_max3A_200 = vector.broadcast %reduce_max3A_199 : i1 to vector<16xi1>
    %reduce_max3A_201 = tpu.scan <max>, %scan3A_123#8 masked %reduce_max3A_200 : vector<16xf32>, vector<16xi1> -> vector<16xf32>
    %reduce_max3A_202 = vector.extract %reduce_max3A_201[15] : f32 from vector<16xf32>
    %broadcast_in_dim3A_203 = vector.broadcast %reduce_max3A_202 : f32 to vector<16xf32>
    %select_n3A_204 = arith.select %eq3A_198, %broadcast_in_dim3A_203, %select_n3A_195 : vector<16xi1>, vector<16xf32>
    %eq3A_205 = arith.constant 9 : i32
    %eq3A_206 = vector.broadcast %eq3A_205 : i32 to vector<16xi32>
    %eq3A_207 = arith.cmpi eq, %iota3A, %eq3A_206 : vector<16xi32>
    %reduce_max3A_208 = arith.constant true
    %reduce_max3A_209 = vector.broadcast %reduce_max3A_208 : i1 to vector<16xi1>
    %reduce_max3A_210 = tpu.scan <max>, %scan3A_123#9 masked %reduce_max3A_209 : vector<16xf32>, vector<16xi1> -> vector<16xf32>
    %reduce_max3A_211 = vector.extract %reduce_max3A_210[15] : f32 from vector<16xf32>
    %broadcast_in_dim3A_212 = vector.broadcast %reduce_max3A_211 : f32 to vector<16xf32>
    %select_n3A_213 = arith.select %eq3A_207, %broadcast_in_dim3A_212, %select_n3A_204 : vector<16xi1>, vector<16xf32>
    %eq3A_214 = arith.constant 10 : i32
    %eq3A_215 = vector.broadcast %eq3A_214 : i32 to vector<16xi32>
    %eq3A_216 = arith.cmpi eq, %iota3A, %eq3A_215 : vector<16xi32>
    %reduce_max3A_217 = arith.constant true
    %reduce_max3A_218 = vector.broadcast %reduce_max3A_217 : i1 to vector<16xi1>
    %reduce_max3A_219 = tpu.scan <max>, %scan3A_123#10 masked %reduce_max3A_218 : vector<16xf32>, vector<16xi1> -> vector<16xf32>
    %reduce_max3A_220 = vector.extract %reduce_max3A_219[15] : f32 from vector<16xf32>
    %broadcast_in_dim3A_221 = vector.broadcast %reduce_max3A_220 : f32 to vector<16xf32>
    %select_n3A_222 = arith.select %eq3A_216, %broadcast_in_dim3A_221, %select_n3A_213 : vector<16xi1>, vector<16xf32>
    %eq3A_223 = arith.constant 11 : i32
    %eq3A_224 = vector.broadcast %eq3A_223 : i32 to vector<16xi32>
    %eq3A_225 = arith.cmpi eq, %iota3A, %eq3A_224 : vector<16xi32>
    %reduce_max3A_226 = arith.constant true
    %reduce_max3A_227 = vector.broadcast %reduce_max3A_226 : i1 to vector<16xi1>
    %reduce_max3A_228 = tpu.scan <max>, %scan3A_123#11 masked %reduce_max3A_227 : vector<16xf32>, vector<16xi1> -> vector<16xf32>
    %reduce_max3A_229 = vector.extract %reduce_max3A_228[15] : f32 from vector<16xf32>
    %broadcast_in_dim3A_230 = vector.broadcast %reduce_max3A_229 : f32 to vector<16xf32>
    %select_n3A_231 = arith.select %eq3A_225, %broadcast_in_dim3A_230, %select_n3A_222 : vector<16xi1>, vector<16xf32>
    %eq3A_232 = arith.constant 12 : i32
    %eq3A_233 = vector.broadcast %eq3A_232 : i32 to vector<16xi32>
    %eq3A_234 = arith.cmpi eq, %iota3A, %eq3A_233 : vector<16xi32>
    %reduce_max3A_235 = arith.constant true
    %reduce_max3A_236 = vector.broadcast %reduce_max3A_235 : i1 to vector<16xi1>
    %reduce_max3A_237 = tpu.scan <max>, %scan3A_123#12 masked %reduce_max3A_236 : vector<16xf32>, vector<16xi1> -> vector<16xf32>
    %reduce_max3A_238 = vector.extract %reduce_max3A_237[15] : f32 from vector<16xf32>
    %broadcast_in_dim3A_239 = vector.broadcast %reduce_max3A_238 : f32 to vector<16xf32>
    %select_n3A_240 = arith.select %eq3A_234, %broadcast_in_dim3A_239, %select_n3A_231 : vector<16xi1>, vector<16xf32>
    %eq3A_241 = arith.constant 13 : i32
    %eq3A_242 = vector.broadcast %eq3A_241 : i32 to vector<16xi32>
    %eq3A_243 = arith.cmpi eq, %iota3A, %eq3A_242 : vector<16xi32>
    %reduce_max3A_244 = arith.constant true
    %reduce_max3A_245 = vector.broadcast %reduce_max3A_244 : i1 to vector<16xi1>
    %reduce_max3A_246 = tpu.scan <max>, %scan3A_123#13 masked %reduce_max3A_245 : vector<16xf32>, vector<16xi1> -> vector<16xf32>
    %reduce_max3A_247 = vector.extract %reduce_max3A_246[15] : f32 from vector<16xf32>
    %broadcast_in_dim3A_248 = vector.broadcast %reduce_max3A_247 : f32 to vector<16xf32>
    %select_n3A_249 = arith.select %eq3A_243, %broadcast_in_dim3A_248, %select_n3A_240 : vector<16xi1>, vector<16xf32>
    %eq3A_250 = arith.constant 14 : i32
    %eq3A_251 = vector.broadcast %eq3A_250 : i32 to vector<16xi32>
    %eq3A_252 = arith.cmpi eq, %iota3A, %eq3A_251 : vector<16xi32>
    %reduce_max3A_253 = arith.constant true
    %reduce_max3A_254 = vector.broadcast %reduce_max3A_253 : i1 to vector<16xi1>
    %reduce_max3A_255 = tpu.scan <max>, %scan3A_123#14 masked %reduce_max3A_254 : vector<16xf32>, vector<16xi1> -> vector<16xf32>
    %reduce_max3A_256 = vector.extract %reduce_max3A_255[15] : f32 from vector<16xf32>
    %broadcast_in_dim3A_257 = vector.broadcast %reduce_max3A_256 : f32 to vector<16xf32>
    %select_n3A_258 = arith.select %eq3A_252, %broadcast_in_dim3A_257, %select_n3A_249 : vector<16xi1>, vector<16xf32>
    %eq3A_259 = arith.constant 15 : i32
    %eq3A_260 = vector.broadcast %eq3A_259 : i32 to vector<16xi32>
    %eq3A_261 = arith.cmpi eq, %iota3A, %eq3A_260 : vector<16xi32>
    %reduce_max3A_262 = arith.constant true
    %reduce_max3A_263 = vector.broadcast %reduce_max3A_262 : i1 to vector<16xi1>
    %reduce_max3A_264 = tpu.scan <max>, %scan3A_123#15 masked %reduce_max3A_263 : vector<16xf32>, vector<16xi1> -> vector<16xf32>
    %reduce_max3A_265 = vector.extract %reduce_max3A_264[15] : f32 from vector<16xf32>
    %broadcast_in_dim3A_266 = vector.broadcast %reduce_max3A_265 : f32 to vector<16xf32>
    %select_n3A_267 = arith.select %eq3A_261, %broadcast_in_dim3A_266, %select_n3A_258 : vector<16xi1>, vector<16xf32>
    %swap3A = arith.constant 0 : index
    %swap3A_268 = tpu.vector_load %arg13[%swap3A] {strides = array<i32>} : memref<16xf32, #tpu.memory_space<vmem>>, vector<16xf32>,
    tpu.vector_store %arg13[%swap3A], %select_n3A_267 {strides = array<i32>} : memref<16xf32, #tpu.memory_space<vmem>>, vector<16xf32>,
    %broadcast_in_dim3A_269 = arith.constant 0.000000e+00 : f32
    %broadcast_in_dim3A_270 = vector.broadcast %broadcast_in_dim3A_269 : f32 to vector<16xf32>
    %broadcast_in_dim3A_271 = arith.constant 0.000000e+00 : f32
    %broadcast_in_dim3A_272 = vector.broadcast %broadcast_in_dim3A_271 : f32 to vector<16xf32>
    %broadcast_in_dim3A_273 = arith.constant 0.000000e+00 : f32
    %broadcast_in_dim3A_274 = vector.broadcast %broadcast_in_dim3A_273 : f32 to vector<16xf32>
    %broadcast_in_dim3A_275 = arith.constant 0.000000e+00 : f32
    %broadcast_in_dim3A_276 = vector.broadcast %broadcast_in_dim3A_275 : f32 to vector<16xf32>
    %broadcast_in_dim3A_277 = arith.constant 0.000000e+00 : f32
    %broadcast_in_dim3A_278 = vector.broadcast %broadcast_in_dim3A_277 : f32 to vector<16xf32>
    %broadcast_in_dim3A_279 = arith.constant 0.000000e+00 : f32
    %broadcast_in_dim3A_280 = vector.broadcast %broadcast_in_dim3A_279 : f32 to vector<16xf32>
    %broadcast_in_dim3A_281 = arith.constant 0.000000e+00 : f32
    %broadcast_in_dim3A_282 = vector.broadcast %broadcast_in_dim3A_281 : f32 to vector<16xf32>
    %broadcast_in_dim3A_283 = arith.constant 0.000000e+00 : f32
    %broadcast_in_dim3A_284 = vector.broadcast %broadcast_in_dim3A_283 : f32 to vector<16xf32>
    %broadcast_in_dim3A_285 = arith.constant 0.000000e+00 : f32
    %broadcast_in_dim3A_286 = vector.broadcast %broadcast_in_dim3A_285 : f32 to vector<16xf32>
    %broadcast_in_dim3A_287 = arith.constant 0.000000e+00 : f32
    %broadcast_in_dim3A_288 = vector.broadcast %broadcast_in_dim3A_287 : f32 to vector<16xf32>
    %broadcast_in_dim3A_289 = arith.constant 0.000000e+00 : f32
    %broadcast_in_dim3A_290 = vector.broadcast %broadcast_in_dim3A_289 : f32 to vector<16xf32>
    %broadcast_in_dim3A_291 = arith.constant 0.000000e+00 : f32
    %broadcast_in_dim3A_292 = vector.broadcast %broadcast_in_dim3A_291 : f32 to vector<16xf32>
    %broadcast_in_dim3A_293 = arith.constant 0.000000e+00 : f32
    %broadcast_in_dim3A_294 = vector.broadcast %broadcast_in_dim3A_293 : f32 to vector<16xf32>
    %broadcast_in_dim3A_295 = arith.constant 0.000000e+00 : f32
    %broadcast_in_dim3A_296 = vector.broadcast %broadcast_in_dim3A_295 : f32 to vector<16xf32>
    %broadcast_in_dim3A_297 = arith.constant 0.000000e+00 : f32
    %broadcast_in_dim3A_298 = vector.broadcast %broadcast_in_dim3A_297 : f32 to vector<16xf32>
    %broadcast_in_dim3A_299 = arith.constant 0.000000e+00 : f32
    %broadcast_in_dim3A_300 = vector.broadcast %broadcast_in_dim3A_299 : f32 to vector<16xf32>
    %broadcast_in_dim3A_301 = arith.constant 0.000000e+00 : f32
    %broadcast_in_dim3A_302 = vector.broadcast %broadcast_in_dim3A_301 : f32 to vector<16xf32>
    %broadcast_in_dim3A_303 = arith.constant 0.000000e+00 : f32
    %broadcast_in_dim3A_304 = vector.broadcast %broadcast_in_dim3A_303 : f32 to vector<16xf32>
    %broadcast_in_dim3A_305 = arith.constant 0.000000e+00 : f32
    %broadcast_in_dim3A_306 = vector.broadcast %broadcast_in_dim3A_305 : f32 to vector<16xf32>
    %broadcast_in_dim3A_307 = arith.constant 0.000000e+00 : f32
    %broadcast_in_dim3A_308 = vector.broadcast %broadcast_in_dim3A_307 : f32 to vector<16xf32>
    %broadcast_in_dim3A_309 = arith.constant 0.000000e+00 : f32
    %broadcast_in_dim3A_310 = vector.broadcast %broadcast_in_dim3A_309 : f32 to vector<16xf32>
    %broadcast_in_dim3A_311 = arith.constant 0.000000e+00 : f32
    %broadcast_in_dim3A_312 = vector.broadcast %broadcast_in_dim3A_311 : f32 to vector<16xf32>
    %broadcast_in_dim3A_313 = arith.constant 0.000000e+00 : f32
    %broadcast_in_dim3A_314 = vector.broadcast %broadcast_in_dim3A_313 : f32 to vector<16xf32>
    %broadcast_in_dim3A_315 = arith.constant 0.000000e+00 : f32
    %broadcast_in_dim3A_316 = vector.broadcast %broadcast_in_dim3A_315 : f32 to vector<16xf32>
    %broadcast_in_dim3A_317 = arith.constant 0.000000e+00 : f32
    %broadcast_in_dim3A_318 = vector.broadcast %broadcast_in_dim3A_317 : f32 to vector<16xf32>
    %broadcast_in_dim3A_319 = arith.constant 0.000000e+00 : f32
    %broadcast_in_dim3A_320 = vector.broadcast %broadcast_in_dim3A_319 : f32 to vector<16xf32>
    %broadcast_in_dim3A_321 = arith.constant 0.000000e+00 : f32
    %broadcast_in_dim3A_322 = vector.broadcast %broadcast_in_dim3A_321 : f32 to vector<16xf32>
    %broadcast_in_dim3A_323 = arith.constant 0.000000e+00 : f32
    %broadcast_in_dim3A_324 = vector.broadcast %broadcast_in_dim3A_323 : f32 to vector<16xf32>
    %broadcast_in_dim3A_325 = arith.constant 0.000000e+00 : f32
    %broadcast_in_dim3A_326 = vector.broadcast %broadcast_in_dim3A_325 : f32 to vector<16xf32>
    %broadcast_in_dim3A_327 = arith.constant 0.000000e+00 : f32
    %broadcast_in_dim3A_328 = vector.broadcast %broadcast_in_dim3A_327 : f32 to vector<16xf32>
    %broadcast_in_dim3A_329 = arith.constant 0.000000e+00 : f32
    %broadcast_in_dim3A_330 = vector.broadcast %broadcast_in_dim3A_329 : f32 to vector<16xf32>
    %broadcast_in_dim3A_331 = arith.constant 0.000000e+00 : f32
    %broadcast_in_dim3A_332 = vector.broadcast %broadcast_in_dim3A_331 : f32 to vector<16xf32>
    %scan3A_333 = arith.constant 0 : i32
    %scan3A_334 = arith.constant 32 : i32
    %scan3A_335 = arith.addi %scan3A_333, %scan3A_334 : i32
    %scan3A_336 = arith.constant 1 : i32
    %scan3A_337:32 = scf.for %scan3A_634 = %scan3A_333 to %scan3A_335 step %scan3A_336 iter_args(%scan3A_635 = %broadcast_in_dim3A_270, %scan3A_636 = %broadcast_in_dim3A_272, %scan3A_637 = %broadcast_in_dim3A_274, %scan3A_638 = %broadcast_in_dim3A_276, %scan3A_639 = %broadcast_in_dim3A_278, %scan3A_640 = %broadcast_in_dim3A_280, %scan3A_641 = %broadcast_in_dim3A_282, %scan3A_642 = %broadcast_in_dim3A_284, %scan3A_643 = %broadcast_in_dim3A_286, %scan3A_644 = %broadcast_in_dim3A_288, %scan3A_645 = %broadcast_in_dim3A_290, %scan3A_646 = %broadcast_in_dim3A_292, %scan3A_647 = %broadcast_in_dim3A_294, %scan3A_648 = %broadcast_in_dim3A_296, %scan3A_649 = %broadcast_in_dim3A_298, %scan3A_650 = %broadcast_in_dim3A_300, %scan3A_651 = %broadcast_in_dim3A_302, %scan3A_652 = %broadcast_in_dim3A_304, %scan3A_653 = %broadcast_in_dim3A_306, %scan3A_654 = %broadcast_in_dim3A_308, %scan3A_655 = %broadcast_in_dim3A_310, %scan3A_656 = %broadcast_in_dim3A_312, %scan3A_657 = %broadcast_in_dim3A_314, %scan3A_658 = %broadcast_in_dim3A_316, %scan3A_659 = %broadcast_in_dim3A_318, %scan3A_660 = %broadcast_in_dim3A_320, %scan3A_661 = %broadcast_in_dim3A_322, %scan3A_662 = %broadcast_in_dim3A_324, %scan3A_663 = %broadcast_in_dim3A_326, %scan3A_664 = %broadcast_in_dim3A_328, %scan3A_665 = %broadcast_in_dim3A_330, %scan3A_666 = %broadcast_in_dim3A_332) -> (vector<16xf32>, vector<16xf32>, vector<16xf32>, vector<16xf32>, vector<16xf32>, vector<16xf32>, vector<16xf32>, vector<16xf32>, vector<16xf32>, vector<16xf32>, vector<16xf32>, vector<16xf32>, vector<16xf32>, vector<16xf32>, vector<16xf32>, vector<16xf32>, vector<16xf32>, vector<16xf32>, vector<16xf32>, vector<16xf32>, vector<16xf32>, vector<16xf32>, vector<16xf32>, vector<16xf32>, vector<16xf32>, vector<16xf32>, vector<16xf32>, vector<16xf32>, vector<16xf32>, vector<16xf32>, vector<16xf32>, vector<16xf32>)  : i32 {
      %mul3A_667 = arith.constant 16 : i32
      %mul3A_668 = arith.muli %scan3A_634, %mul3A_667 : i32
      %get3A = arith.index_cast %mul3A_668 : i32 to index
      %get3A_669 = tpu.vector_load %arg12[%get3A] {strides = array<i32>} : memref<512xf32, #tpu.memory_space<vmem>>, vector<16xf32>,
      %mul3A_670 = arith.constant 16 : i32
      %mul3A_671 = arith.muli %scan3A_634, %mul3A_670 : i32
      %get3A_672 = arith.index_cast %mul3A_671 : i32 to index
      %get3A_673 = tpu.vector_load %arg11[%get3A_672] {strides = array<i32>} : memref<512xi32, #tpu.memory_space<vmem>>, vector<16xi32>,
      %gather3A = tpu.vector_load_idx %arg13[%get3A_673] : memref<16xf32, #tpu.memory_space<vmem>>[vector<16xi32>], vector<16xf32>,
      %sub3A = arith.subf %get3A_669, %gather3A : vector<16xf32>
      %exp3A = math.exp %sub3A : vector<16xf32>
      %eq3A_674 = arith.constant 0 : i32
      %eq3A_675 = vector.broadcast %eq3A_674 : i32 to vector<16xi32>
      %eq3A_676 = arith.cmpi eq, %get3A_673, %eq3A_675 : vector<16xi32>
      %jit3A = arith.constant 0.000000e+00 : f32
      %broadcast_in_dim3A_677 = vector.broadcast %jit3A : f32 to vector<16xf32>
      %select_n3A_678 = arith.select %eq3A_676, %exp3A, %broadcast_in_dim3A_677 : vector<16xi1>, vector<16xf32>
      %add3A_679 = arith.addf %scan3A_635, %select_n3A_678 : vector<16xf32>
      %eq3A_680 = arith.constant 1 : i32
      %eq3A_681 = vector.broadcast %eq3A_680 : i32 to vector<16xi32>
      %eq3A_682 = arith.cmpi eq, %get3A_673, %eq3A_681 : vector<16xi32>
      %jit3A_683 = arith.constant 0.000000e+00 : f32
      %broadcast_in_dim3A_684 = vector.broadcast %jit3A_683 : f32 to vector<16xf32>
      %select_n3A_685 = arith.select %eq3A_682, %exp3A, %broadcast_in_dim3A_684 : vector<16xi1>, vector<16xf32>
      %add3A_686 = arith.addf %scan3A_636, %select_n3A_685 : vector<16xf32>
      %eq3A_687 = arith.constant 2 : i32
      %eq3A_688 = vector.broadcast %eq3A_687 : i32 to vector<16xi32>
      %eq3A_689 = arith.cmpi eq, %get3A_673, %eq3A_688 : vector<16xi32>
      %jit3A_690 = arith.constant 0.000000e+00 : f32
      %broadcast_in_dim3A_691 = vector.broadcast %jit3A_690 : f32 to vector<16xf32>
      %select_n3A_692 = arith.select %eq3A_689, %exp3A, %broadcast_in_dim3A_691 : vector<16xi1>, vector<16xf32>
      %add3A_693 = arith.addf %scan3A_637, %select_n3A_692 : vector<16xf32>
      %eq3A_694 = arith.constant 3 : i32
      %eq3A_695 = vector.broadcast %eq3A_694 : i32 to vector<16xi32>
      %eq3A_696 = arith.cmpi eq, %get3A_673, %eq3A_695 : vector<16xi32>
      %jit3A_697 = arith.constant 0.000000e+00 : f32
      %broadcast_in_dim3A_698 = vector.broadcast %jit3A_697 : f32 to vector<16xf32>
      %select_n3A_699 = arith.select %eq3A_696, %exp3A, %broadcast_in_dim3A_698 : vector<16xi1>, vector<16xf32>
      %add3A_700 = arith.addf %scan3A_638, %select_n3A_699 : vector<16xf32>
      %eq3A_701 = arith.constant 4 : i32
      %eq3A_702 = vector.broadcast %eq3A_701 : i32 to vector<16xi32>
      %eq3A_703 = arith.cmpi eq, %get3A_673, %eq3A_702 : vector<16xi32>
      %jit3A_704 = arith.constant 0.000000e+00 : f32
      %broadcast_in_dim3A_705 = vector.broadcast %jit3A_704 : f32 to vector<16xf32>
      %select_n3A_706 = arith.select %eq3A_703, %exp3A, %broadcast_in_dim3A_705 : vector<16xi1>, vector<16xf32>
      %add3A_707 = arith.addf %scan3A_639, %select_n3A_706 : vector<16xf32>
      %eq3A_708 = arith.constant 5 : i32
      %eq3A_709 = vector.broadcast %eq3A_708 : i32 to vector<16xi32>
      %eq3A_710 = arith.cmpi eq, %get3A_673, %eq3A_709 : vector<16xi32>
      %jit3A_711 = arith.constant 0.000000e+00 : f32
      %broadcast_in_dim3A_712 = vector.broadcast %jit3A_711 : f32 to vector<16xf32>
      %select_n3A_713 = arith.select %eq3A_710, %exp3A, %broadcast_in_dim3A_712 : vector<16xi1>, vector<16xf32>
      %add3A_714 = arith.addf %scan3A_640, %select_n3A_713 : vector<16xf32>
      %eq3A_715 = arith.constant 6 : i32
      %eq3A_716 = vector.broadcast %eq3A_715 : i32 to vector<16xi32>
      %eq3A_717 = arith.cmpi eq, %get3A_673, %eq3A_716 : vector<16xi32>
      %jit3A_718 = arith.constant 0.000000e+00 : f32
      %broadcast_in_dim3A_719 = vector.broadcast %jit3A_718 : f32 to vector<16xf32>
      %select_n3A_720 = arith.select %eq3A_717, %exp3A, %broadcast_in_dim3A_719 : vector<16xi1>, vector<16xf32>
      %add3A_721 = arith.addf %scan3A_641, %select_n3A_720 : vector<16xf32>
      %eq3A_722 = arith.constant 7 : i32
      %eq3A_723 = vector.broadcast %eq3A_722 : i32 to vector<16xi32>
      %eq3A_724 = arith.cmpi eq, %get3A_673, %eq3A_723 : vector<16xi32>
      %jit3A_725 = arith.constant 0.000000e+00 : f32
      %broadcast_in_dim3A_726 = vector.broadcast %jit3A_725 : f32 to vector<16xf32>
      %select_n3A_727 = arith.select %eq3A_724, %exp3A, %broadcast_in_dim3A_726 : vector<16xi1>, vector<16xf32>
      %add3A_728 = arith.addf %scan3A_642, %select_n3A_727 : vector<16xf32>
      %eq3A_729 = arith.constant 8 : i32
      %eq3A_730 = vector.broadcast %eq3A_729 : i32 to vector<16xi32>
      %eq3A_731 = arith.cmpi eq, %get3A_673, %eq3A_730 : vector<16xi32>
      %jit3A_732 = arith.constant 0.000000e+00 : f32
      %broadcast_in_dim3A_733 = vector.broadcast %jit3A_732 : f32 to vector<16xf32>
      %select_n3A_734 = arith.select %eq3A_731, %exp3A, %broadcast_in_dim3A_733 : vector<16xi1>, vector<16xf32>
      %add3A_735 = arith.addf %scan3A_643, %select_n3A_734 : vector<16xf32>
      %eq3A_736 = arith.constant 9 : i32
      %eq3A_737 = vector.broadcast %eq3A_736 : i32 to vector<16xi32>
      %eq3A_738 = arith.cmpi eq, %get3A_673, %eq3A_737 : vector<16xi32>
      %jit3A_739 = arith.constant 0.000000e+00 : f32
      %broadcast_in_dim3A_740 = vector.broadcast %jit3A_739 : f32 to vector<16xf32>
      %select_n3A_741 = arith.select %eq3A_738, %exp3A, %broadcast_in_dim3A_740 : vector<16xi1>, vector<16xf32>
      %add3A_742 = arith.addf %scan3A_644, %select_n3A_741 : vector<16xf32>
      %eq3A_743 = arith.constant 10 : i32
      %eq3A_744 = vector.broadcast %eq3A_743 : i32 to vector<16xi32>
      %eq3A_745 = arith.cmpi eq, %get3A_673, %eq3A_744 : vector<16xi32>
      %jit3A_746 = arith.constant 0.000000e+00 : f32
      %broadcast_in_dim3A_747 = vector.broadcast %jit3A_746 : f32 to vector<16xf32>
      %select_n3A_748 = arith.select %eq3A_745, %exp3A, %broadcast_in_dim3A_747 : vector<16xi1>, vector<16xf32>
      %add3A_749 = arith.addf %scan3A_645, %select_n3A_748 : vector<16xf32>
      %eq3A_750 = arith.constant 11 : i32
      %eq3A_751 = vector.broadcast %eq3A_750 : i32 to vector<16xi32>
      %eq3A_752 = arith.cmpi eq, %get3A_673, %eq3A_751 : vector<16xi32>
      %jit3A_753 = arith.constant 0.000000e+00 : f32
      %broadcast_in_dim3A_754 = vector.broadcast %jit3A_753 : f32 to vector<16xf32>
      %select_n3A_755 = arith.select %eq3A_752, %exp3A, %broadcast_in_dim3A_754 : vector<16xi1>, vector<16xf32>
      %add3A_756 = arith.addf %scan3A_646, %select_n3A_755 : vector<16xf32>
      %eq3A_757 = arith.constant 12 : i32
      %eq3A_758 = vector.broadcast %eq3A_757 : i32 to vector<16xi32>
      %eq3A_759 = arith.cmpi eq, %get3A_673, %eq3A_758 : vector<16xi32>
      %jit3A_760 = arith.constant 0.000000e+00 : f32
      %broadcast_in_dim3A_761 = vector.broadcast %jit3A_760 : f32 to vector<16xf32>
      %select_n3A_762 = arith.select %eq3A_759, %exp3A, %broadcast_in_dim3A_761 : vector<16xi1>, vector<16xf32>
      %add3A_763 = arith.addf %scan3A_647, %select_n3A_762 : vector<16xf32>
      %eq3A_764 = arith.constant 13 : i32
      %eq3A_765 = vector.broadcast %eq3A_764 : i32 to vector<16xi32>
      %eq3A_766 = arith.cmpi eq, %get3A_673, %eq3A_765 : vector<16xi32>
      %jit3A_767 = arith.constant 0.000000e+00 : f32
      %broadcast_in_dim3A_768 = vector.broadcast %jit3A_767 : f32 to vector<16xf32>
      %select_n3A_769 = arith.select %eq3A_766, %exp3A, %broadcast_in_dim3A_768 : vector<16xi1>, vector<16xf32>
      %add3A_770 = arith.addf %scan3A_648, %select_n3A_769 : vector<16xf32>
      %eq3A_771 = arith.constant 14 : i32
      %eq3A_772 = vector.broadcast %eq3A_771 : i32 to vector<16xi32>
      %eq3A_773 = arith.cmpi eq, %get3A_673, %eq3A_772 : vector<16xi32>
      %jit3A_774 = arith.constant 0.000000e+00 : f32
      %broadcast_in_dim3A_775 = vector.broadcast %jit3A_774 : f32 to vector<16xf32>
      %select_n3A_776 = arith.select %eq3A_773, %exp3A, %broadcast_in_dim3A_775 : vector<16xi1>, vector<16xf32>
      %add3A_777 = arith.addf %scan3A_649, %select_n3A_776 : vector<16xf32>
      %eq3A_778 = arith.constant 15 : i32
      %eq3A_779 = vector.broadcast %eq3A_778 : i32 to vector<16xi32>
      %eq3A_780 = arith.cmpi eq, %get3A_673, %eq3A_779 : vector<16xi32>
      %jit3A_781 = arith.constant 0.000000e+00 : f32
      %broadcast_in_dim3A_782 = vector.broadcast %jit3A_781 : f32 to vector<16xf32>
      %select_n3A_783 = arith.select %eq3A_780, %exp3A, %broadcast_in_dim3A_782 : vector<16xi1>, vector<16xf32>
      %add3A_784 = arith.addf %scan3A_650, %select_n3A_783 : vector<16xf32>
      %eq3A_785 = arith.constant 0 : i32
      %eq3A_786 = vector.broadcast %eq3A_785 : i32 to vector<16xi32>
      %eq3A_787 = arith.cmpi eq, %get3A_673, %eq3A_786 : vector<16xi32>
      %jit3A_788 = arith.constant 1.000000e+00 : f32
      %jit3A_789 = arith.constant 0.000000e+00 : f32
      %broadcast_in_dim3A_790 = vector.broadcast %jit3A_788 : f32 to vector<16xf32>
      %broadcast_in_dim3A_791 = vector.broadcast %jit3A_789 : f32 to vector<16xf32>
      %select_n3A_792 = arith.select %eq3A_787, %broadcast_in_dim3A_790, %broadcast_in_dim3A_791 : vector<16xi1>, vector<16xf32>
      %add3A_793 = arith.addf %scan3A_651, %select_n3A_792 : vector<16xf32>
      %eq3A_794 = arith.constant 1 : i32
      %eq3A_795 = vector.broadcast %eq3A_794 : i32 to vector<16xi32>
      %eq3A_796 = arith.cmpi eq, %get3A_673, %eq3A_795 : vector<16xi32>
      %jit3A_797 = arith.constant 1.000000e+00 : f32
      %jit3A_798 = arith.constant 0.000000e+00 : f32
      %broadcast_in_dim3A_799 = vector.broadcast %jit3A_797 : f32 to vector<16xf32>
      %broadcast_in_dim3A_800 = vector.broadcast %jit3A_798 : f32 to vector<16xf32>
      %select_n3A_801 = arith.select %eq3A_796, %broadcast_in_dim3A_799, %broadcast_in_dim3A_800 : vector<16xi1>, vector<16xf32>
      %add3A_802 = arith.addf %scan3A_652, %select_n3A_801 : vector<16xf32>
      %eq3A_803 = arith.constant 2 : i32
      %eq3A_804 = vector.broadcast %eq3A_803 : i32 to vector<16xi32>
      %eq3A_805 = arith.cmpi eq, %get3A_673, %eq3A_804 : vector<16xi32>
      %jit3A_806 = arith.constant 1.000000e+00 : f32
      %jit3A_807 = arith.constant 0.000000e+00 : f32
      %broadcast_in_dim3A_808 = vector.broadcast %jit3A_806 : f32 to vector<16xf32>
      %broadcast_in_dim3A_809 = vector.broadcast %jit3A_807 : f32 to vector<16xf32>
      %select_n3A_810 = arith.select %eq3A_805, %broadcast_in_dim3A_808, %broadcast_in_dim3A_809 : vector<16xi1>, vector<16xf32>
      %add3A_811 = arith.addf %scan3A_653, %select_n3A_810 : vector<16xf32>
      %eq3A_812 = arith.constant 3 : i32
      %eq3A_813 = vector.broadcast %eq3A_812 : i32 to vector<16xi32>
      %eq3A_814 = arith.cmpi eq, %get3A_673, %eq3A_813 : vector<16xi32>
      %jit3A_815 = arith.constant 1.000000e+00 : f32
      %jit3A_816 = arith.constant 0.000000e+00 : f32
      %broadcast_in_dim3A_817 = vector.broadcast %jit3A_815 : f32 to vector<16xf32>
      %broadcast_in_dim3A_818 = vector.broadcast %jit3A_816 : f32 to vector<16xf32>
      %select_n3A_819 = arith.select %eq3A_814, %broadcast_in_dim3A_817, %broadcast_in_dim3A_818 : vector<16xi1>, vector<16xf32>
      %add3A_820 = arith.addf %scan3A_654, %select_n3A_819 : vector<16xf32>
      %eq3A_821 = arith.constant 4 : i32
      %eq3A_822 = vector.broadcast %eq3A_821 : i32 to vector<16xi32>
      %eq3A_823 = arith.cmpi eq, %get3A_673, %eq3A_822 : vector<16xi32>
      %jit3A_824 = arith.constant 1.000000e+00 : f32
      %jit3A_825 = arith.constant 0.000000e+00 : f32
      %broadcast_in_dim3A_826 = vector.broadcast %jit3A_824 : f32 to vector<16xf32>
      %broadcast_in_dim3A_827 = vector.broadcast %jit3A_825 : f32 to vector<16xf32>
      %select_n3A_828 = arith.select %eq3A_823, %broadcast_in_dim3A_826, %broadcast_in_dim3A_827 : vector<16xi1>, vector<16xf32>
      %add3A_829 = arith.addf %scan3A_655, %select_n3A_828 : vector<16xf32>
      %eq3A_830 = arith.constant 5 : i32
      %eq3A_831 = vector.broadcast %eq3A_830 : i32 to vector<16xi32>
      %eq3A_832 = arith.cmpi eq, %get3A_673, %eq3A_831 : vector<16xi32>
      %jit3A_833 = arith.constant 1.000000e+00 : f32
      %jit3A_834 = arith.constant 0.000000e+00 : f32
      %broadcast_in_dim3A_835 = vector.broadcast %jit3A_833 : f32 to vector<16xf32>
      %broadcast_in_dim3A_836 = vector.broadcast %jit3A_834 : f32 to vector<16xf32>
      %select_n3A_837 = arith.select %eq3A_832, %broadcast_in_dim3A_835, %broadcast_in_dim3A_836 : vector<16xi1>, vector<16xf32>
      %add3A_838 = arith.addf %scan3A_656, %select_n3A_837 : vector<16xf32>
      %eq3A_839 = arith.constant 6 : i32
      %eq3A_840 = vector.broadcast %eq3A_839 : i32 to vector<16xi32>
      %eq3A_841 = arith.cmpi eq, %get3A_673, %eq3A_840 : vector<16xi32>
      %jit3A_842 = arith.constant 1.000000e+00 : f32
      %jit3A_843 = arith.constant 0.000000e+00 : f32
      %broadcast_in_dim3A_844 = vector.broadcast %jit3A_842 : f32 to vector<16xf32>
      %broadcast_in_dim3A_845 = vector.broadcast %jit3A_843 : f32 to vector<16xf32>
      %select_n3A_846 = arith.select %eq3A_841, %broadcast_in_dim3A_844, %broadcast_in_dim3A_845 : vector<16xi1>, vector<16xf32>
      %add3A_847 = arith.addf %scan3A_657, %select_n3A_846 : vector<16xf32>
      %eq3A_848 = arith.constant 7 : i32
      %eq3A_849 = vector.broadcast %eq3A_848 : i32 to vector<16xi32>
      %eq3A_850 = arith.cmpi eq, %get3A_673, %eq3A_849 : vector<16xi32>
      %jit3A_851 = arith.constant 1.000000e+00 : f32
      %jit3A_852 = arith.constant 0.000000e+00 : f32
      %broadcast_in_dim3A_853 = vector.broadcast %jit3A_851 : f32 to vector<16xf32>
      %broadcast_in_dim3A_854 = vector.broadcast %jit3A_852 : f32 to vector<16xf32>
      %select_n3A_855 = arith.select %eq3A_850, %broadcast_in_dim3A_853, %broadcast_in_dim3A_854 : vector<16xi1>, vector<16xf32>
      %add3A_856 = arith.addf %scan3A_658, %select_n3A_855 : vector<16xf32>
      %eq3A_857 = arith.constant 8 : i32
      %eq3A_858 = vector.broadcast %eq3A_857 : i32 to vector<16xi32>
      %eq3A_859 = arith.cmpi eq, %get3A_673, %eq3A_858 : vector<16xi32>
      %jit3A_860 = arith.constant 1.000000e+00 : f32
      %jit3A_861 = arith.constant 0.000000e+00 : f32
      %broadcast_in_dim3A_862 = vector.broadcast %jit3A_860 : f32 to vector<16xf32>
      %broadcast_in_dim3A_863 = vector.broadcast %jit3A_861 : f32 to vector<16xf32>
      %select_n3A_864 = arith.select %eq3A_859, %broadcast_in_dim3A_862, %broadcast_in_dim3A_863 : vector<16xi1>, vector<16xf32>
      %add3A_865 = arith.addf %scan3A_659, %select_n3A_864 : vector<16xf32>
      %eq3A_866 = arith.constant 9 : i32
      %eq3A_867 = vector.broadcast %eq3A_866 : i32 to vector<16xi32>
      %eq3A_868 = arith.cmpi eq, %get3A_673, %eq3A_867 : vector<16xi32>
      %jit3A_869 = arith.constant 1.000000e+00 : f32
      %jit3A_870 = arith.constant 0.000000e+00 : f32
      %broadcast_in_dim3A_871 = vector.broadcast %jit3A_869 : f32 to vector<16xf32>
      %broadcast_in_dim3A_872 = vector.broadcast %jit3A_870 : f32 to vector<16xf32>
      %select_n3A_873 = arith.select %eq3A_868, %broadcast_in_dim3A_871, %broadcast_in_dim3A_872 : vector<16xi1>, vector<16xf32>
      %add3A_874 = arith.addf %scan3A_660, %select_n3A_873 : vector<16xf32>
      %eq3A_875 = arith.constant 10 : i32
      %eq3A_876 = vector.broadcast %eq3A_875 : i32 to vector<16xi32>
      %eq3A_877 = arith.cmpi eq, %get3A_673, %eq3A_876 : vector<16xi32>
      %jit3A_878 = arith.constant 1.000000e+00 : f32
      %jit3A_879 = arith.constant 0.000000e+00 : f32
      %broadcast_in_dim3A_880 = vector.broadcast %jit3A_878 : f32 to vector<16xf32>
      %broadcast_in_dim3A_881 = vector.broadcast %jit3A_879 : f32 to vector<16xf32>
      %select_n3A_882 = arith.select %eq3A_877, %broadcast_in_dim3A_880, %broadcast_in_dim3A_881 : vector<16xi1>, vector<16xf32>
      %add3A_883 = arith.addf %scan3A_661, %select_n3A_882 : vector<16xf32>
      %eq3A_884 = arith.constant 11 : i32
      %eq3A_885 = vector.broadcast %eq3A_884 : i32 to vector<16xi32>
      %eq3A_886 = arith.cmpi eq, %get3A_673, %eq3A_885 : vector<16xi32>
      %jit3A_887 = arith.constant 1.000000e+00 : f32
      %jit3A_888 = arith.constant 0.000000e+00 : f32
      %broadcast_in_dim3A_889 = vector.broadcast %jit3A_887 : f32 to vector<16xf32>
      %broadcast_in_dim3A_890 = vector.broadcast %jit3A_888 : f32 to vector<16xf32>
      %select_n3A_891 = arith.select %eq3A_886, %broadcast_in_dim3A_889, %broadcast_in_dim3A_890 : vector<16xi1>, vector<16xf32>
      %add3A_892 = arith.addf %scan3A_662, %select_n3A_891 : vector<16xf32>
      %eq3A_893 = arith.constant 12 : i32
      %eq3A_894 = vector.broadcast %eq3A_893 : i32 to vector<16xi32>
      %eq3A_895 = arith.cmpi eq, %get3A_673, %eq3A_894 : vector<16xi32>
      %jit3A_896 = arith.constant 1.000000e+00 : f32
      %jit3A_897 = arith.constant 0.000000e+00 : f32
      %broadcast_in_dim3A_898 = vector.broadcast %jit3A_896 : f32 to vector<16xf32>
      %broadcast_in_dim3A_899 = vector.broadcast %jit3A_897 : f32 to vector<16xf32>
      %select_n3A_900 = arith.select %eq3A_895, %broadcast_in_dim3A_898, %broadcast_in_dim3A_899 : vector<16xi1>, vector<16xf32>
      %add3A_901 = arith.addf %scan3A_663, %select_n3A_900 : vector<16xf32>
      %eq3A_902 = arith.constant 13 : i32
      %eq3A_903 = vector.broadcast %eq3A_902 : i32 to vector<16xi32>
      %eq3A_904 = arith.cmpi eq, %get3A_673, %eq3A_903 : vector<16xi32>
      %jit3A_905 = arith.constant 1.000000e+00 : f32
      %jit3A_906 = arith.constant 0.000000e+00 : f32
      %broadcast_in_dim3A_907 = vector.broadcast %jit3A_905 : f32 to vector<16xf32>
      %broadcast_in_dim3A_908 = vector.broadcast %jit3A_906 : f32 to vector<16xf32>
      %select_n3A_909 = arith.select %eq3A_904, %broadcast_in_dim3A_907, %broadcast_in_dim3A_908 : vector<16xi1>, vector<16xf32>
      %add3A_910 = arith.addf %scan3A_664, %select_n3A_909 : vector<16xf32>
      %eq3A_911 = arith.constant 14 : i32
      %eq3A_912 = vector.broadcast %eq3A_911 : i32 to vector<16xi32>
      %eq3A_913 = arith.cmpi eq, %get3A_673, %eq3A_912 : vector<16xi32>
      %jit3A_914 = arith.constant 1.000000e+00 : f32
      %jit3A_915 = arith.constant 0.000000e+00 : f32
      %broadcast_in_dim3A_916 = vector.broadcast %jit3A_914 : f32 to vector<16xf32>
      %broadcast_in_dim3A_917 = vector.broadcast %jit3A_915 : f32 to vector<16xf32>
      %select_n3A_918 = arith.select %eq3A_913, %broadcast_in_dim3A_916, %broadcast_in_dim3A_917 : vector<16xi1>, vector<16xf32>
      %add3A_919 = arith.addf %scan3A_665, %select_n3A_918 : vector<16xf32>
      %eq3A_920 = arith.constant 15 : i32
      %eq3A_921 = vector.broadcast %eq3A_920 : i32 to vector<16xi32>
      %eq3A_922 = arith.cmpi eq, %get3A_673, %eq3A_921 : vector<16xi32>
      %jit3A_923 = arith.constant 1.000000e+00 : f32
      %jit3A_924 = arith.constant 0.000000e+00 : f32
      %broadcast_in_dim3A_925 = vector.broadcast %jit3A_923 : f32 to vector<16xf32>
      %broadcast_in_dim3A_926 = vector.broadcast %jit3A_924 : f32 to vector<16xf32>
      %select_n3A_927 = arith.select %eq3A_922, %broadcast_in_dim3A_925, %broadcast_in_dim3A_926 : vector<16xi1>, vector<16xf32>
      %add3A_928 = arith.addf %scan3A_666, %select_n3A_927 : vector<16xf32>
      scf.yield %add3A_679, %add3A_686, %add3A_693, %add3A_700, %add3A_707, %add3A_714, %add3A_721, %add3A_728, %add3A_735, %add3A_742, %add3A_749, %add3A_756, %add3A_763, %add3A_770, %add3A_777, %add3A_784, %add3A_793, %add3A_802, %add3A_811, %add3A_820, %add3A_829, %add3A_838, %add3A_847, %add3A_856, %add3A_865, %add3A_874, %add3A_883, %add3A_892, %add3A_901, %add3A_910, %add3A_919, %add3A_928 : vector<16xf32>, vector<16xf32>, vector<16xf32>, vector<16xf32>, vector<16xf32>, vector<16xf32>, vector<16xf32>, vector<16xf32>, vector<16xf32>, vector<16xf32>, vector<16xf32>, vector<16xf32>, vector<16xf32>, vector<16xf32>, vector<16xf32>, vector<16xf32>, vector<16xf32>, vector<16xf32>, vector<16xf32>, vector<16xf32>, vector<16xf32>, vector<16xf32>, vector<16xf32>, vector<16xf32>, vector<16xf32>, vector<16xf32>, vector<16xf32>, vector<16xf32>, vector<16xf32>, vector<16xf32>, vector<16xf32>, vector<16xf32>
    }
    %scan3A_338 = arith.constant 32 : i32
    %broadcast_in_dim3A_339 = arith.constant 0.000000e+00 : f32
    %broadcast_in_dim3A_340 = vector.broadcast %broadcast_in_dim3A_339 : f32 to vector<16xf32>
    %broadcast_in_dim3A_341 = arith.constant 0.000000e+00 : f32
    %broadcast_in_dim3A_342 = vector.broadcast %broadcast_in_dim3A_341 : f32 to vector<16xf32>
    %eq3A_343 = arith.constant 0 : i32
    %eq3A_344 = vector.broadcast %eq3A_343 : i32 to vector<16xi32>
    %eq3A_345 = arith.cmpi eq, %iota3A, %eq3A_344 : vector<16xi32>
    %reduce_sum3A = arith.constant true
    %reduce_sum3A_346 = vector.broadcast %reduce_sum3A : i1 to vector<16xi1>
    %reduce_sum3A_347 = tpu.scan <sum>, %scan3A_337#0 masked %reduce_sum3A_346 : vector<16xf32>, vector<16xi1> -> vector<16xf32>
    %reduce_sum3A_348 = vector.extract %reduce_sum3A_347[15] : f32 from vector<16xf32>
    %broadcast_in_dim3A_349 = vector.broadcast %reduce_sum3A_348 : f32 to vector<16xf32>
    %select_n3A_350 = arith.select %eq3A_345, %broadcast_in_dim3A_349, %broadcast_in_dim3A_340 : vector<16xi1>, vector<16xf32>
    %eq3A_351 = arith.constant 0 : i32
    %eq3A_352 = vector.broadcast %eq3A_351 : i32 to vector<16xi32>
    %eq3A_353 = arith.cmpi eq, %iota3A, %eq3A_352 : vector<16xi32>
    %reduce_sum3A_354 = arith.constant true
    %reduce_sum3A_355 = vector.broadcast %reduce_sum3A_354 : i1 to vector<16xi1>
    %reduce_sum3A_356 = tpu.scan <sum>, %scan3A_337#16 masked %reduce_sum3A_355 : vector<16xf32>, vector<16xi1> -> vector<16xf32>
    %reduce_sum3A_357 = vector.extract %reduce_sum3A_356[15] : f32 from vector<16xf32>
    %broadcast_in_dim3A_358 = vector.broadcast %reduce_sum3A_357 : f32 to vector<16xf32>
    %select_n3A_359 = arith.select %eq3A_353, %broadcast_in_dim3A_358, %broadcast_in_dim3A_342 : vector<16xi1>, vector<16xf32>
    %eq3A_360 = arith.constant 1 : i32
    %eq3A_361 = vector.broadcast %eq3A_360 : i32 to vector<16xi32>
    %eq3A_362 = arith.cmpi eq, %iota3A, %eq3A_361 : vector<16xi32>
    %reduce_sum3A_363 = arith.constant true
    %reduce_sum3A_364 = vector.broadcast %reduce_sum3A_363 : i1 to vector<16xi1>
    %reduce_sum3A_365 = tpu.scan <sum>, %scan3A_337#1 masked %reduce_sum3A_364 : vector<16xf32>, vector<16xi1> -> vector<16xf32>
    %reduce_sum3A_366 = vector.extract %reduce_sum3A_365[15] : f32 from vector<16xf32>
    %broadcast_in_dim3A_367 = vector.broadcast %reduce_sum3A_366 : f32 to vector<16xf32>
    %select_n3A_368 = arith.select %eq3A_362, %broadcast_in_dim3A_367, %select_n3A_350 : vector<16xi1>, vector<16xf32>
    %eq3A_369 = arith.constant 1 : i32
    %eq3A_370 = vector.broadcast %eq3A_369 : i32 to vector<16xi32>
    %eq3A_371 = arith.cmpi eq, %iota3A, %eq3A_370 : vector<16xi32>
    %reduce_sum3A_372 = arith.constant true
    %reduce_sum3A_373 = vector.broadcast %reduce_sum3A_372 : i1 to vector<16xi1>
    %reduce_sum3A_374 = tpu.scan <sum>, %scan3A_337#17 masked %reduce_sum3A_373 : vector<16xf32>, vector<16xi1> -> vector<16xf32>
    %reduce_sum3A_375 = vector.extract %reduce_sum3A_374[15] : f32 from vector<16xf32>
    %broadcast_in_dim3A_376 = vector.broadcast %reduce_sum3A_375 : f32 to vector<16xf32>
    %select_n3A_377 = arith.select %eq3A_371, %broadcast_in_dim3A_376, %select_n3A_359 : vector<16xi1>, vector<16xf32>
    %eq3A_378 = arith.constant 2 : i32
    %eq3A_379 = vector.broadcast %eq3A_378 : i32 to vector<16xi32>
    %eq3A_380 = arith.cmpi eq, %iota3A, %eq3A_379 : vector<16xi32>
    %reduce_sum3A_381 = arith.constant true
    %reduce_sum3A_382 = vector.broadcast %reduce_sum3A_381 : i1 to vector<16xi1>
    %reduce_sum3A_383 = tpu.scan <sum>, %scan3A_337#2 masked %reduce_sum3A_382 : vector<16xf32>, vector<16xi1> -> vector<16xf32>
    %reduce_sum3A_384 = vector.extract %reduce_sum3A_383[15] : f32 from vector<16xf32>
    %broadcast_in_dim3A_385 = vector.broadcast %reduce_sum3A_384 : f32 to vector<16xf32>
    %select_n3A_386 = arith.select %eq3A_380, %broadcast_in_dim3A_385, %select_n3A_368 : vector<16xi1>, vector<16xf32>
    %eq3A_387 = arith.constant 2 : i32
    %eq3A_388 = vector.broadcast %eq3A_387 : i32 to vector<16xi32>
    %eq3A_389 = arith.cmpi eq, %iota3A, %eq3A_388 : vector<16xi32>
    %reduce_sum3A_390 = arith.constant true
    %reduce_sum3A_391 = vector.broadcast %reduce_sum3A_390 : i1 to vector<16xi1>
    %reduce_sum3A_392 = tpu.scan <sum>, %scan3A_337#18 masked %reduce_sum3A_391 : vector<16xf32>, vector<16xi1> -> vector<16xf32>
    %reduce_sum3A_393 = vector.extract %reduce_sum3A_392[15] : f32 from vector<16xf32>
    %broadcast_in_dim3A_394 = vector.broadcast %reduce_sum3A_393 : f32 to vector<16xf32>
    %select_n3A_395 = arith.select %eq3A_389, %broadcast_in_dim3A_394, %select_n3A_377 : vector<16xi1>, vector<16xf32>
    %eq3A_396 = arith.constant 3 : i32
    %eq3A_397 = vector.broadcast %eq3A_396 : i32 to vector<16xi32>
    %eq3A_398 = arith.cmpi eq, %iota3A, %eq3A_397 : vector<16xi32>
    %reduce_sum3A_399 = arith.constant true
    %reduce_sum3A_400 = vector.broadcast %reduce_sum3A_399 : i1 to vector<16xi1>
    %reduce_sum3A_401 = tpu.scan <sum>, %scan3A_337#3 masked %reduce_sum3A_400 : vector<16xf32>, vector<16xi1> -> vector<16xf32>
    %reduce_sum3A_402 = vector.extract %reduce_sum3A_401[15] : f32 from vector<16xf32>
    %broadcast_in_dim3A_403 = vector.broadcast %reduce_sum3A_402 : f32 to vector<16xf32>
    %select_n3A_404 = arith.select %eq3A_398, %broadcast_in_dim3A_403, %select_n3A_386 : vector<16xi1>, vector<16xf32>
    %eq3A_405 = arith.constant 3 : i32
    %eq3A_406 = vector.broadcast %eq3A_405 : i32 to vector<16xi32>
    %eq3A_407 = arith.cmpi eq, %iota3A, %eq3A_406 : vector<16xi32>
    %reduce_sum3A_408 = arith.constant true
    %reduce_sum3A_409 = vector.broadcast %reduce_sum3A_408 : i1 to vector<16xi1>
    %reduce_sum3A_410 = tpu.scan <sum>, %scan3A_337#19 masked %reduce_sum3A_409 : vector<16xf32>, vector<16xi1> -> vector<16xf32>
    %reduce_sum3A_411 = vector.extract %reduce_sum3A_410[15] : f32 from vector<16xf32>
    %broadcast_in_dim3A_412 = vector.broadcast %reduce_sum3A_411 : f32 to vector<16xf32>
    %select_n3A_413 = arith.select %eq3A_407, %broadcast_in_dim3A_412, %select_n3A_395 : vector<16xi1>, vector<16xf32>
    %eq3A_414 = arith.constant 4 : i32
    %eq3A_415 = vector.broadcast %eq3A_414 : i32 to vector<16xi32>
    %eq3A_416 = arith.cmpi eq, %iota3A, %eq3A_415 : vector<16xi32>
    %reduce_sum3A_417 = arith.constant true
    %reduce_sum3A_418 = vector.broadcast %reduce_sum3A_417 : i1 to vector<16xi1>
    %reduce_sum3A_419 = tpu.scan <sum>, %scan3A_337#4 masked %reduce_sum3A_418 : vector<16xf32>, vector<16xi1> -> vector<16xf32>
    %reduce_sum3A_420 = vector.extract %reduce_sum3A_419[15] : f32 from vector<16xf32>
    %broadcast_in_dim3A_421 = vector.broadcast %reduce_sum3A_420 : f32 to vector<16xf32>
    %select_n3A_422 = arith.select %eq3A_416, %broadcast_in_dim3A_421, %select_n3A_404 : vector<16xi1>, vector<16xf32>
    %eq3A_423 = arith.constant 4 : i32
    %eq3A_424 = vector.broadcast %eq3A_423 : i32 to vector<16xi32>
    %eq3A_425 = arith.cmpi eq, %iota3A, %eq3A_424 : vector<16xi32>
    %reduce_sum3A_426 = arith.constant true
    %reduce_sum3A_427 = vector.broadcast %reduce_sum3A_426 : i1 to vector<16xi1>
    %reduce_sum3A_428 = tpu.scan <sum>, %scan3A_337#20 masked %reduce_sum3A_427 : vector<16xf32>, vector<16xi1> -> vector<16xf32>
    %reduce_sum3A_429 = vector.extract %reduce_sum3A_428[15] : f32 from vector<16xf32>
    %broadcast_in_dim3A_430 = vector.broadcast %reduce_sum3A_429 : f32 to vector<16xf32>
    %select_n3A_431 = arith.select %eq3A_425, %broadcast_in_dim3A_430, %select_n3A_413 : vector<16xi1>, vector<16xf32>
    %eq3A_432 = arith.constant 5 : i32
    %eq3A_433 = vector.broadcast %eq3A_432 : i32 to vector<16xi32>
    %eq3A_434 = arith.cmpi eq, %iota3A, %eq3A_433 : vector<16xi32>
    %reduce_sum3A_435 = arith.constant true
    %reduce_sum3A_436 = vector.broadcast %reduce_sum3A_435 : i1 to vector<16xi1>
    %reduce_sum3A_437 = tpu.scan <sum>, %scan3A_337#5 masked %reduce_sum3A_436 : vector<16xf32>, vector<16xi1> -> vector<16xf32>
    %reduce_sum3A_438 = vector.extract %reduce_sum3A_437[15] : f32 from vector<16xf32>
    %broadcast_in_dim3A_439 = vector.broadcast %reduce_sum3A_438 : f32 to vector<16xf32>
    %select_n3A_440 = arith.select %eq3A_434, %broadcast_in_dim3A_439, %select_n3A_422 : vector<16xi1>, vector<16xf32>
    %eq3A_441 = arith.constant 5 : i32
    %eq3A_442 = vector.broadcast %eq3A_441 : i32 to vector<16xi32>
    %eq3A_443 = arith.cmpi eq, %iota3A, %eq3A_442 : vector<16xi32>
    %reduce_sum3A_444 = arith.constant true
    %reduce_sum3A_445 = vector.broadcast %reduce_sum3A_444 : i1 to vector<16xi1>
    %reduce_sum3A_446 = tpu.scan <sum>, %scan3A_337#21 masked %reduce_sum3A_445 : vector<16xf32>, vector<16xi1> -> vector<16xf32>
    %reduce_sum3A_447 = vector.extract %reduce_sum3A_446[15] : f32 from vector<16xf32>
    %broadcast_in_dim3A_448 = vector.broadcast %reduce_sum3A_447 : f32 to vector<16xf32>
    %select_n3A_449 = arith.select %eq3A_443, %broadcast_in_dim3A_448, %select_n3A_431 : vector<16xi1>, vector<16xf32>
    %eq3A_450 = arith.constant 6 : i32
    %eq3A_451 = vector.broadcast %eq3A_450 : i32 to vector<16xi32>
    %eq3A_452 = arith.cmpi eq, %iota3A, %eq3A_451 : vector<16xi32>
    %reduce_sum3A_453 = arith.constant true
    %reduce_sum3A_454 = vector.broadcast %reduce_sum3A_453 : i1 to vector<16xi1>
    %reduce_sum3A_455 = tpu.scan <sum>, %scan3A_337#6 masked %reduce_sum3A_454 : vector<16xf32>, vector<16xi1> -> vector<16xf32>
    %reduce_sum3A_456 = vector.extract %reduce_sum3A_455[15] : f32 from vector<16xf32>
    %broadcast_in_dim3A_457 = vector.broadcast %reduce_sum3A_456 : f32 to vector<16xf32>
    %select_n3A_458 = arith.select %eq3A_452, %broadcast_in_dim3A_457, %select_n3A_440 : vector<16xi1>, vector<16xf32>
    %eq3A_459 = arith.constant 6 : i32
    %eq3A_460 = vector.broadcast %eq3A_459 : i32 to vector<16xi32>
    %eq3A_461 = arith.cmpi eq, %iota3A, %eq3A_460 : vector<16xi32>
    %reduce_sum3A_462 = arith.constant true
    %reduce_sum3A_463 = vector.broadcast %reduce_sum3A_462 : i1 to vector<16xi1>
    %reduce_sum3A_464 = tpu.scan <sum>, %scan3A_337#22 masked %reduce_sum3A_463 : vector<16xf32>, vector<16xi1> -> vector<16xf32>
    %reduce_sum3A_465 = vector.extract %reduce_sum3A_464[15] : f32 from vector<16xf32>
    %broadcast_in_dim3A_466 = vector.broadcast %reduce_sum3A_465 : f32 to vector<16xf32>
    %select_n3A_467 = arith.select %eq3A_461, %broadcast_in_dim3A_466, %select_n3A_449 : vector<16xi1>, vector<16xf32>
    %eq3A_468 = arith.constant 7 : i32
    %eq3A_469 = vector.broadcast %eq3A_468 : i32 to vector<16xi32>
    %eq3A_470 = arith.cmpi eq, %iota3A, %eq3A_469 : vector<16xi32>
    %reduce_sum3A_471 = arith.constant true
    %reduce_sum3A_472 = vector.broadcast %reduce_sum3A_471 : i1 to vector<16xi1>
    %reduce_sum3A_473 = tpu.scan <sum>, %scan3A_337#7 masked %reduce_sum3A_472 : vector<16xf32>, vector<16xi1> -> vector<16xf32>
    %reduce_sum3A_474 = vector.extract %reduce_sum3A_473[15] : f32 from vector<16xf32>
    %broadcast_in_dim3A_475 = vector.broadcast %reduce_sum3A_474 : f32 to vector<16xf32>
    %select_n3A_476 = arith.select %eq3A_470, %broadcast_in_dim3A_475, %select_n3A_458 : vector<16xi1>, vector<16xf32>
    %eq3A_477 = arith.constant 7 : i32
    %eq3A_478 = vector.broadcast %eq3A_477 : i32 to vector<16xi32>
    %eq3A_479 = arith.cmpi eq, %iota3A, %eq3A_478 : vector<16xi32>
    %reduce_sum3A_480 = arith.constant true
    %reduce_sum3A_481 = vector.broadcast %reduce_sum3A_480 : i1 to vector<16xi1>
    %reduce_sum3A_482 = tpu.scan <sum>, %scan3A_337#23 masked %reduce_sum3A_481 : vector<16xf32>, vector<16xi1> -> vector<16xf32>
    %reduce_sum3A_483 = vector.extract %reduce_sum3A_482[15] : f32 from vector<16xf32>
    %broadcast_in_dim3A_484 = vector.broadcast %reduce_sum3A_483 : f32 to vector<16xf32>
    %select_n3A_485 = arith.select %eq3A_479, %broadcast_in_dim3A_484, %select_n3A_467 : vector<16xi1>, vector<16xf32>
    %eq3A_486 = arith.constant 8 : i32
    %eq3A_487 = vector.broadcast %eq3A_486 : i32 to vector<16xi32>
    %eq3A_488 = arith.cmpi eq, %iota3A, %eq3A_487 : vector<16xi32>
    %reduce_sum3A_489 = arith.constant true
    %reduce_sum3A_490 = vector.broadcast %reduce_sum3A_489 : i1 to vector<16xi1>
    %reduce_sum3A_491 = tpu.scan <sum>, %scan3A_337#8 masked %reduce_sum3A_490 : vector<16xf32>, vector<16xi1> -> vector<16xf32>
    %reduce_sum3A_492 = vector.extract %reduce_sum3A_491[15] : f32 from vector<16xf32>
    %broadcast_in_dim3A_493 = vector.broadcast %reduce_sum3A_492 : f32 to vector<16xf32>
    %select_n3A_494 = arith.select %eq3A_488, %broadcast_in_dim3A_493, %select_n3A_476 : vector<16xi1>, vector<16xf32>
    %eq3A_495 = arith.constant 8 : i32
    %eq3A_496 = vector.broadcast %eq3A_495 : i32 to vector<16xi32>
    %eq3A_497 = arith.cmpi eq, %iota3A, %eq3A_496 : vector<16xi32>
    %reduce_sum3A_498 = arith.constant true
    %reduce_sum3A_499 = vector.broadcast %reduce_sum3A_498 : i1 to vector<16xi1>
    %reduce_sum3A_500 = tpu.scan <sum>, %scan3A_337#24 masked %reduce_sum3A_499 : vector<16xf32>, vector<16xi1> -> vector<16xf32>
    %reduce_sum3A_501 = vector.extract %reduce_sum3A_500[15] : f32 from vector<16xf32>
    %broadcast_in_dim3A_502 = vector.broadcast %reduce_sum3A_501 : f32 to vector<16xf32>
    %select_n3A_503 = arith.select %eq3A_497, %broadcast_in_dim3A_502, %select_n3A_485 : vector<16xi1>, vector<16xf32>
    %eq3A_504 = arith.constant 9 : i32
    %eq3A_505 = vector.broadcast %eq3A_504 : i32 to vector<16xi32>
    %eq3A_506 = arith.cmpi eq, %iota3A, %eq3A_505 : vector<16xi32>
    %reduce_sum3A_507 = arith.constant true
    %reduce_sum3A_508 = vector.broadcast %reduce_sum3A_507 : i1 to vector<16xi1>
    %reduce_sum3A_509 = tpu.scan <sum>, %scan3A_337#9 masked %reduce_sum3A_508 : vector<16xf32>, vector<16xi1> -> vector<16xf32>
    %reduce_sum3A_510 = vector.extract %reduce_sum3A_509[15] : f32 from vector<16xf32>
    %broadcast_in_dim3A_511 = vector.broadcast %reduce_sum3A_510 : f32 to vector<16xf32>
    %select_n3A_512 = arith.select %eq3A_506, %broadcast_in_dim3A_511, %select_n3A_494 : vector<16xi1>, vector<16xf32>
    %eq3A_513 = arith.constant 9 : i32
    %eq3A_514 = vector.broadcast %eq3A_513 : i32 to vector<16xi32>
    %eq3A_515 = arith.cmpi eq, %iota3A, %eq3A_514 : vector<16xi32>
    %reduce_sum3A_516 = arith.constant true
    %reduce_sum3A_517 = vector.broadcast %reduce_sum3A_516 : i1 to vector<16xi1>
    %reduce_sum3A_518 = tpu.scan <sum>, %scan3A_337#25 masked %reduce_sum3A_517 : vector<16xf32>, vector<16xi1> -> vector<16xf32>
    %reduce_sum3A_519 = vector.extract %reduce_sum3A_518[15] : f32 from vector<16xf32>
    %broadcast_in_dim3A_520 = vector.broadcast %reduce_sum3A_519 : f32 to vector<16xf32>
    %select_n3A_521 = arith.select %eq3A_515, %broadcast_in_dim3A_520, %select_n3A_503 : vector<16xi1>, vector<16xf32>
    %eq3A_522 = arith.constant 10 : i32
    %eq3A_523 = vector.broadcast %eq3A_522 : i32 to vector<16xi32>
    %eq3A_524 = arith.cmpi eq, %iota3A, %eq3A_523 : vector<16xi32>
    %reduce_sum3A_525 = arith.constant true
    %reduce_sum3A_526 = vector.broadcast %reduce_sum3A_525 : i1 to vector<16xi1>
    %reduce_sum3A_527 = tpu.scan <sum>, %scan3A_337#10 masked %reduce_sum3A_526 : vector<16xf32>, vector<16xi1> -> vector<16xf32>
    %reduce_sum3A_528 = vector.extract %reduce_sum3A_527[15] : f32 from vector<16xf32>
    %broadcast_in_dim3A_529 = vector.broadcast %reduce_sum3A_528 : f32 to vector<16xf32>
    %select_n3A_530 = arith.select %eq3A_524, %broadcast_in_dim3A_529, %select_n3A_512 : vector<16xi1>, vector<16xf32>
    %eq3A_531 = arith.constant 10 : i32
    %eq3A_532 = vector.broadcast %eq3A_531 : i32 to vector<16xi32>
    %eq3A_533 = arith.cmpi eq, %iota3A, %eq3A_532 : vector<16xi32>
    %reduce_sum3A_534 = arith.constant true
    %reduce_sum3A_535 = vector.broadcast %reduce_sum3A_534 : i1 to vector<16xi1>
    %reduce_sum3A_536 = tpu.scan <sum>, %scan3A_337#26 masked %reduce_sum3A_535 : vector<16xf32>, vector<16xi1> -> vector<16xf32>
    %reduce_sum3A_537 = vector.extract %reduce_sum3A_536[15] : f32 from vector<16xf32>
    %broadcast_in_dim3A_538 = vector.broadcast %reduce_sum3A_537 : f32 to vector<16xf32>
    %select_n3A_539 = arith.select %eq3A_533, %broadcast_in_dim3A_538, %select_n3A_521 : vector<16xi1>, vector<16xf32>
    %eq3A_540 = arith.constant 11 : i32
    %eq3A_541 = vector.broadcast %eq3A_540 : i32 to vector<16xi32>
    %eq3A_542 = arith.cmpi eq, %iota3A, %eq3A_541 : vector<16xi32>
    %reduce_sum3A_543 = arith.constant true
    %reduce_sum3A_544 = vector.broadcast %reduce_sum3A_543 : i1 to vector<16xi1>
    %reduce_sum3A_545 = tpu.scan <sum>, %scan3A_337#11 masked %reduce_sum3A_544 : vector<16xf32>, vector<16xi1> -> vector<16xf32>
    %reduce_sum3A_546 = vector.extract %reduce_sum3A_545[15] : f32 from vector<16xf32>
    %broadcast_in_dim3A_547 = vector.broadcast %reduce_sum3A_546 : f32 to vector<16xf32>
    %select_n3A_548 = arith.select %eq3A_542, %broadcast_in_dim3A_547, %select_n3A_530 : vector<16xi1>, vector<16xf32>
    %eq3A_549 = arith.constant 11 : i32
    %eq3A_550 = vector.broadcast %eq3A_549 : i32 to vector<16xi32>
    %eq3A_551 = arith.cmpi eq, %iota3A, %eq3A_550 : vector<16xi32>
    %reduce_sum3A_552 = arith.constant true
    %reduce_sum3A_553 = vector.broadcast %reduce_sum3A_552 : i1 to vector<16xi1>
    %reduce_sum3A_554 = tpu.scan <sum>, %scan3A_337#27 masked %reduce_sum3A_553 : vector<16xf32>, vector<16xi1> -> vector<16xf32>
    %reduce_sum3A_555 = vector.extract %reduce_sum3A_554[15] : f32 from vector<16xf32>
    %broadcast_in_dim3A_556 = vector.broadcast %reduce_sum3A_555 : f32 to vector<16xf32>
    %select_n3A_557 = arith.select %eq3A_551, %broadcast_in_dim3A_556, %select_n3A_539 : vector<16xi1>, vector<16xf32>
    %eq3A_558 = arith.constant 12 : i32
    %eq3A_559 = vector.broadcast %eq3A_558 : i32 to vector<16xi32>
    %eq3A_560 = arith.cmpi eq, %iota3A, %eq3A_559 : vector<16xi32>
    %reduce_sum3A_561 = arith.constant true
    %reduce_sum3A_562 = vector.broadcast %reduce_sum3A_561 : i1 to vector<16xi1>
    %reduce_sum3A_563 = tpu.scan <sum>, %scan3A_337#12 masked %reduce_sum3A_562 : vector<16xf32>, vector<16xi1> -> vector<16xf32>
    %reduce_sum3A_564 = vector.extract %reduce_sum3A_563[15] : f32 from vector<16xf32>
    %broadcast_in_dim3A_565 = vector.broadcast %reduce_sum3A_564 : f32 to vector<16xf32>
    %select_n3A_566 = arith.select %eq3A_560, %broadcast_in_dim3A_565, %select_n3A_548 : vector<16xi1>, vector<16xf32>
    %eq3A_567 = arith.constant 12 : i32
    %eq3A_568 = vector.broadcast %eq3A_567 : i32 to vector<16xi32>
    %eq3A_569 = arith.cmpi eq, %iota3A, %eq3A_568 : vector<16xi32>
    %reduce_sum3A_570 = arith.constant true
    %reduce_sum3A_571 = vector.broadcast %reduce_sum3A_570 : i1 to vector<16xi1>
    %reduce_sum3A_572 = tpu.scan <sum>, %scan3A_337#28 masked %reduce_sum3A_571 : vector<16xf32>, vector<16xi1> -> vector<16xf32>
    %reduce_sum3A_573 = vector.extract %reduce_sum3A_572[15] : f32 from vector<16xf32>
    %broadcast_in_dim3A_574 = vector.broadcast %reduce_sum3A_573 : f32 to vector<16xf32>
    %select_n3A_575 = arith.select %eq3A_569, %broadcast_in_dim3A_574, %select_n3A_557 : vector<16xi1>, vector<16xf32>
    %eq3A_576 = arith.constant 13 : i32
    %eq3A_577 = vector.broadcast %eq3A_576 : i32 to vector<16xi32>
    %eq3A_578 = arith.cmpi eq, %iota3A, %eq3A_577 : vector<16xi32>
    %reduce_sum3A_579 = arith.constant true
    %reduce_sum3A_580 = vector.broadcast %reduce_sum3A_579 : i1 to vector<16xi1>
    %reduce_sum3A_581 = tpu.scan <sum>, %scan3A_337#13 masked %reduce_sum3A_580 : vector<16xf32>, vector<16xi1> -> vector<16xf32>
    %reduce_sum3A_582 = vector.extract %reduce_sum3A_581[15] : f32 from vector<16xf32>
    %broadcast_in_dim3A_583 = vector.broadcast %reduce_sum3A_582 : f32 to vector<16xf32>
    %select_n3A_584 = arith.select %eq3A_578, %broadcast_in_dim3A_583, %select_n3A_566 : vector<16xi1>, vector<16xf32>
    %eq3A_585 = arith.constant 13 : i32
    %eq3A_586 = vector.broadcast %eq3A_585 : i32 to vector<16xi32>
    %eq3A_587 = arith.cmpi eq, %iota3A, %eq3A_586 : vector<16xi32>
    %reduce_sum3A_588 = arith.constant true
    %reduce_sum3A_589 = vector.broadcast %reduce_sum3A_588 : i1 to vector<16xi1>
    %reduce_sum3A_590 = tpu.scan <sum>, %scan3A_337#29 masked %reduce_sum3A_589 : vector<16xf32>, vector<16xi1> -> vector<16xf32>
    %reduce_sum3A_591 = vector.extract %reduce_sum3A_590[15] : f32 from vector<16xf32>
    %broadcast_in_dim3A_592 = vector.broadcast %reduce_sum3A_591 : f32 to vector<16xf32>
    %select_n3A_593 = arith.select %eq3A_587, %broadcast_in_dim3A_592, %select_n3A_575 : vector<16xi1>, vector<16xf32>
    %eq3A_594 = arith.constant 14 : i32
    %eq3A_595 = vector.broadcast %eq3A_594 : i32 to vector<16xi32>
    %eq3A_596 = arith.cmpi eq, %iota3A, %eq3A_595 : vector<16xi32>
    %reduce_sum3A_597 = arith.constant true
    %reduce_sum3A_598 = vector.broadcast %reduce_sum3A_597 : i1 to vector<16xi1>
    %reduce_sum3A_599 = tpu.scan <sum>, %scan3A_337#14 masked %reduce_sum3A_598 : vector<16xf32>, vector<16xi1> -> vector<16xf32>
    %reduce_sum3A_600 = vector.extract %reduce_sum3A_599[15] : f32 from vector<16xf32>
    %broadcast_in_dim3A_601 = vector.broadcast %reduce_sum3A_600 : f32 to vector<16xf32>
    %select_n3A_602 = arith.select %eq3A_596, %broadcast_in_dim3A_601, %select_n3A_584 : vector<16xi1>, vector<16xf32>
    %eq3A_603 = arith.constant 14 : i32
    %eq3A_604 = vector.broadcast %eq3A_603 : i32 to vector<16xi32>
    %eq3A_605 = arith.cmpi eq, %iota3A, %eq3A_604 : vector<16xi32>
    %reduce_sum3A_606 = arith.constant true
    %reduce_sum3A_607 = vector.broadcast %reduce_sum3A_606 : i1 to vector<16xi1>
    %reduce_sum3A_608 = tpu.scan <sum>, %scan3A_337#30 masked %reduce_sum3A_607 : vector<16xf32>, vector<16xi1> -> vector<16xf32>
    %reduce_sum3A_609 = vector.extract %reduce_sum3A_608[15] : f32 from vector<16xf32>
    %broadcast_in_dim3A_610 = vector.broadcast %reduce_sum3A_609 : f32 to vector<16xf32>
    %select_n3A_611 = arith.select %eq3A_605, %broadcast_in_dim3A_610, %select_n3A_593 : vector<16xi1>, vector<16xf32>
    %eq3A_612 = arith.constant 15 : i32
    %eq3A_613 = vector.broadcast %eq3A_612 : i32 to vector<16xi32>
    %eq3A_614 = arith.cmpi eq, %iota3A, %eq3A_613 : vector<16xi32>
    %reduce_sum3A_615 = arith.constant true
    %reduce_sum3A_616 = vector.broadcast %reduce_sum3A_615 : i1 to vector<16xi1>
    %reduce_sum3A_617 = tpu.scan <sum>, %scan3A_337#15 masked %reduce_sum3A_616 : vector<16xf32>, vector<16xi1> -> vector<16xf32>
    %reduce_sum3A_618 = vector.extract %reduce_sum3A_617[15] : f32 from vector<16xf32>
    %broadcast_in_dim3A_619 = vector.broadcast %reduce_sum3A_618 : f32 to vector<16xf32>
    %select_n3A_620 = arith.select %eq3A_614, %broadcast_in_dim3A_619, %select_n3A_602 : vector<16xi1>, vector<16xf32>
    %eq3A_621 = arith.constant 15 : i32
    %eq3A_622 = vector.broadcast %eq3A_621 : i32 to vector<16xi32>
    %eq3A_623 = arith.cmpi eq, %iota3A, %eq3A_622 : vector<16xi32>
    %reduce_sum3A_624 = arith.constant true
    %reduce_sum3A_625 = vector.broadcast %reduce_sum3A_624 : i1 to vector<16xi1>
    %reduce_sum3A_626 = tpu.scan <sum>, %scan3A_337#31 masked %reduce_sum3A_625 : vector<16xf32>, vector<16xi1> -> vector<16xf32>
    %reduce_sum3A_627 = vector.extract %reduce_sum3A_626[15] : f32 from vector<16xf32>
    %broadcast_in_dim3A_628 = vector.broadcast %reduce_sum3A_627 : f32 to vector<16xf32>
    %select_n3A_629 = arith.select %eq3A_623, %broadcast_in_dim3A_628, %select_n3A_611 : vector<16xi1>, vector<16xf32>
    %swap3A_630 = arith.constant 0 : index
    %swap3A_631 = tpu.vector_load %arg14[%swap3A_630] {strides = array<i32>} : memref<16xf32, #tpu.memory_space<vmem>>, vector<16xf32>,
    tpu.vector_store %arg14[%swap3A_630], %select_n3A_620 {strides = array<i32>} : memref<16xf32, #tpu.memory_space<vmem>>, vector<16xf32>,
    %swap3A_632 = arith.constant 0 : index
    %swap3A_633 = tpu.vector_load %arg15[%swap3A_632] {strides = array<i32>} : memref<16xf32, #tpu.memory_space<vmem>>, vector<16xf32>,
    tpu.vector_store %arg15[%swap3A_632], %select_n3A_629 {strides = array<i32>} : memref<16xf32, #tpu.memory_space<vmem>>, vector<16xf32>,
    "tpu.region"() ({
      %run_scoped3A = tpu.sem_alloc : memref<!tpu.dma_semaphore, #tpu.memory_space<semaphore_mem>>
      %dma_start3A_634 = tpu.memref_slice %arg5[%mul3A_2] : memref<16384xf32, #tpu.memory_space<hbm>> -> memref<512xf32, #tpu.memory_space<hbm>>
      %dma_start3A_635 = tpu.memref_slice %arg5[%mul3A_2] : memref<16384xf32, #tpu.memory_space<hbm>> -> memref<512xf32, #tpu.memory_space<hbm>>
      tpu.enqueue_dma source(%arg12 : memref<512xf32, #tpu.memory_space<vmem>>) target(%dma_start3A_635 : memref<512xf32, #tpu.memory_space<hbm>>) target_semaphore(%run_scoped3A : memref<!tpu.dma_semaphore, #tpu.memory_space<semaphore_mem>>)
      %dma_wait3A_636 = tpu.memref_slice %arg5[%mul3A_2] : memref<16384xf32, #tpu.memory_space<hbm>> -> memref<512xf32, #tpu.memory_space<hbm>>
      %dma_wait3A_637 = tpu.memref_slice %arg5[%mul3A_2] : memref<16384xf32, #tpu.memory_space<hbm>> -> memref<512xf32, #tpu.memory_space<hbm>>
      tpu.wait_dma2 semaphore(%run_scoped3A : memref<!tpu.dma_semaphore, #tpu.memory_space<semaphore_mem>>) src(%arg12 : memref<512xf32, #tpu.memory_space<vmem>>) dst(%dma_wait3A_637 : memref<512xf32, #tpu.memory_space<hbm>>)
      tpu.yield
    }) : () -> ()
    "tpu.region"() ({
      %run_scoped3A = tpu.sem_alloc : memref<!tpu.dma_semaphore, #tpu.memory_space<semaphore_mem>>
      %dma_start3A_634 = arith.constant 0 : i32
      %dma_start3A_635 = tpu.memref_slice %arg6[%add3A, %dma_start3A_634] : memref<32x16xf32, #tpu.memory_space<hbm>> -> memref<1x16xf32, #tpu.memory_space<hbm>>
      %dma_start3A_636 = tpu.memref_squeeze %dma_start3A_635 : memref<1x16xf32, #tpu.memory_space<hbm>> -> memref<16xf32, #tpu.memory_space<hbm>>
      %dma_start3A_637 = arith.constant 0 : i32
      %dma_start3A_638 = tpu.memref_slice %arg6[%add3A, %dma_start3A_637] : memref<32x16xf32, #tpu.memory_space<hbm>> -> memref<1x16xf32, #tpu.memory_space<hbm>>
      %dma_start3A_639 = tpu.memref_squeeze %dma_start3A_638 : memref<1x16xf32, #tpu.memory_space<hbm>> -> memref<16xf32, #tpu.memory_space<hbm>>
      tpu.enqueue_dma source(%arg13 : memref<16xf32, #tpu.memory_space<vmem>>) target(%dma_start3A_639 : memref<16xf32, #tpu.memory_space<hbm>>) target_semaphore(%run_scoped3A : memref<!tpu.dma_semaphore, #tpu.memory_space<semaphore_mem>>)
      %dma_wait3A_640 = arith.constant 0 : i32
      %dma_wait3A_641 = tpu.memref_slice %arg6[%add3A, %dma_wait3A_640] : memref<32x16xf32, #tpu.memory_space<hbm>> -> memref<1x16xf32, #tpu.memory_space<hbm>>
      %dma_wait3A_642 = tpu.memref_squeeze %dma_wait3A_641 : memref<1x16xf32, #tpu.memory_space<hbm>> -> memref<16xf32, #tpu.memory_space<hbm>>
      %dma_wait3A_643 = arith.constant 0 : i32
      %dma_wait3A_644 = tpu.memref_slice %arg6[%add3A, %dma_wait3A_643] : memref<32x16xf32, #tpu.memory_space<hbm>> -> memref<1x16xf32, #tpu.memory_space<hbm>>
      %dma_wait3A_645 = tpu.memref_squeeze %dma_wait3A_644 : memref<1x16xf32, #tpu.memory_space<hbm>> -> memref<16xf32, #tpu.memory_space<hbm>>
      tpu.wait_dma2 semaphore(%run_scoped3A : memref<!tpu.dma_semaphore, #tpu.memory_space<semaphore_mem>>) src(%arg13 : memref<16xf32, #tpu.memory_space<vmem>>) dst(%dma_wait3A_645 : memref<16xf32, #tpu.memory_space<hbm>>)
      tpu.yield
    }) : () -> ()
    "tpu.region"() ({
      %run_scoped3A = tpu.sem_alloc : memref<!tpu.dma_semaphore, #tpu.memory_space<semaphore_mem>>
      %dma_start3A_634 = arith.constant 0 : i32
      %dma_start3A_635 = tpu.memref_slice %arg7[%add3A, %dma_start3A_634] : memref<32x16xf32, #tpu.memory_space<hbm>> -> memref<1x16xf32, #tpu.memory_space<hbm>>
      %dma_start3A_636 = tpu.memref_squeeze %dma_start3A_635 : memref<1x16xf32, #tpu.memory_space<hbm>> -> memref<16xf32, #tpu.memory_space<hbm>>
      %dma_start3A_637 = arith.constant 0 : i32
      %dma_start3A_638 = tpu.memref_slice %arg7[%add3A, %dma_start3A_637] : memref<32x16xf32, #tpu.memory_space<hbm>> -> memref<1x16xf32, #tpu.memory_space<hbm>>
      %dma_start3A_639 = tpu.memref_squeeze %dma_start3A_638 : memref<1x16xf32, #tpu.memory_space<hbm>> -> memref<16xf32, #tpu.memory_space<hbm>>
      tpu.enqueue_dma source(%arg14 : memref<16xf32, #tpu.memory_space<vmem>>) target(%dma_start3A_639 : memref<16xf32, #tpu.memory_space<hbm>>) target_semaphore(%run_scoped3A : memref<!tpu.dma_semaphore, #tpu.memory_space<semaphore_mem>>)
      %dma_wait3A_640 = arith.constant 0 : i32
      %dma_wait3A_641 = tpu.memref_slice %arg7[%add3A, %dma_wait3A_640] : memref<32x16xf32, #tpu.memory_space<hbm>> -> memref<1x16xf32, #tpu.memory_space<hbm>>
      %dma_wait3A_642 = tpu.memref_squeeze %dma_wait3A_641 : memref<1x16xf32, #tpu.memory_space<hbm>> -> memref<16xf32, #tpu.memory_space<hbm>>
      %dma_wait3A_643 = arith.constant 0 : i32
      %dma_wait3A_644 = tpu.memref_slice %arg7[%add3A, %dma_wait3A_643] : memref<32x16xf32, #tpu.memory_space<hbm>> -> memref<1x16xf32, #tpu.memory_space<hbm>>
      %dma_wait3A_645 = tpu.memref_squeeze %dma_wait3A_644 : memref<1x16xf32, #tpu.memory_space<hbm>> -> memref<16xf32, #tpu.memory_space<hbm>>
      tpu.wait_dma2 semaphore(%run_scoped3A : memref<!tpu.dma_semaphore, #tpu.memory_space<semaphore_mem>>) src(%arg14 : memref<16xf32, #tpu.memory_space<vmem>>) dst(%dma_wait3A_645 : memref<16xf32, #tpu.memory_space<hbm>>)
      tpu.yield
    }) : () -> ()
    "tpu.region"() ({
      %run_scoped3A = tpu.sem_alloc : memref<!tpu.dma_semaphore, #tpu.memory_space<semaphore_mem>>
      %dma_start3A_634 = arith.constant 0 : i32
      %dma_start3A_635 = tpu.memref_slice %arg8[%add3A, %dma_start3A_634] : memref<32x16xf32, #tpu.memory_space<hbm>> -> memref<1x16xf32, #tpu.memory_space<hbm>>
      %dma_start3A_636 = tpu.memref_squeeze %dma_start3A_635 : memref<1x16xf32, #tpu.memory_space<hbm>> -> memref<16xf32, #tpu.memory_space<hbm>>
      %dma_start3A_637 = arith.constant 0 : i32
      %dma_start3A_638 = tpu.memref_slice %arg8[%add3A, %dma_start3A_637] : memref<32x16xf32, #tpu.memory_space<hbm>> -> memref<1x16xf32, #tpu.memory_space<hbm>>
      %dma_start3A_639 = tpu.memref_squeeze %dma_start3A_638 : memref<1x16xf32, #tpu.memory_space<hbm>> -> memref<16xf32, #tpu.memory_space<hbm>>
      tpu.enqueue_dma source(%arg15 : memref<16xf32, #tpu.memory_space<vmem>>) target(%dma_start3A_639 : memref<16xf32, #tpu.memory_space<hbm>>) target_semaphore(%run_scoped3A : memref<!tpu.dma_semaphore, #tpu.memory_space<semaphore_mem>>)
      %dma_wait3A_640 = arith.constant 0 : i32
      %dma_wait3A_641 = tpu.memref_slice %arg8[%add3A, %dma_wait3A_640] : memref<32x16xf32, #tpu.memory_space<hbm>> -> memref<1x16xf32, #tpu.memory_space<hbm>>
      %dma_wait3A_642 = tpu.memref_squeeze %dma_wait3A_641 : memref<1x16xf32, #tpu.memory_space<hbm>> -> memref<16xf32, #tpu.memory_space<hbm>>
      %dma_wait3A_643 = arith.constant 0 : i32
      %dma_wait3A_644 = tpu.memref_slice %arg8[%add3A, %dma_wait3A_643] : memref<32x16xf32, #tpu.memory_space<hbm>> -> memref<1x16xf32, #tpu.memory_space<hbm>>
      %dma_wait3A_645 = tpu.memref_squeeze %dma_wait3A_644 : memref<1x16xf32, #tpu.memory_space<hbm>> -> memref<16xf32, #tpu.memory_space<hbm>>
      tpu.wait_dma2 semaphore(%run_scoped3A : memref<!tpu.dma_semaphore, #tpu.memory_space<semaphore_mem>>) src(%arg15 : memref<16xf32, #tpu.memory_space<vmem>>) dst(%dma_wait3A_645 : memref<16xf32, #tpu.memory_space<hbm>>)
      tpu.yield
    }) : () -> ()
    return
  }
}

module attributes {stable_mosaic.version = 14 : i64} {
  func.func @_merge_body(%arg0: memref<128x128xf32, #tpu.memory_space<vmem>>, %arg1: memref<128x128xi32, #tpu.memory_space<vmem>>, %arg2: memref<32x16xf32, #tpu.memory_space<vmem>>, %arg3: memref<32x16xf32, #tpu.memory_space<vmem>>, %arg4: memref<32x16xf32, #tpu.memory_space<vmem>>, %arg5: memref<1x16xi32, #tpu.memory_space<vmem>>, %arg6: memref<1x16xf32, #tpu.memory_space<vmem>>) attributes {dimension_semantics = [], scalar_prefetch = 0 : i64, scratch_operands = 0 : i64, tpu.core_type = #tpu.core_type<tc>} {
    %get3A = arith.constant 0 : index
    %get3A_0 = arith.constant 0 : index
    %get3A_1 = vector.load %arg2[%get3A, %get3A_0] : memref<32x16xf32, #tpu.memory_space<vmem>>, vector<32x16xf32>
    %get3A_2 = arith.constant 0 : index
    %get3A_3 = arith.constant 0 : index
    %get3A_4 = vector.load %arg3[%get3A_2, %get3A_3] : memref<32x16xf32, #tpu.memory_space<vmem>>, vector<32x16xf32>
    %reduce_max3A = arith.constant dense<0xFF800000> : vector<16xf32>
    %reduce_max3A_5 = vector.multi_reduction <maximumf>, %get3A_1, %reduce_max3A [0] : vector<32x16xf32> to vector<16xf32>
    %broadcast_in_dim3A = vector.shape_cast %reduce_max3A_5 : vector<16xf32> to vector<1x16xf32>
    %sub3A = vector.broadcast %broadcast_in_dim3A : vector<1x16xf32> to vector<32x16xf32>
    %sub3A_6 = arith.subf %get3A_1, %sub3A : vector<32x16xf32>
    %exp3A = math.exp %sub3A_6 : vector<32x16xf32>
    %mul3A = arith.mulf %get3A_4, %exp3A : vector<32x16xf32>
    %reduce_sum3A = arith.constant dense<0.000000e+00> : vector<16xf32>
    %reduce_sum3A_7 = vector.multi_reduction <add>, %mul3A, %reduce_sum3A [0] : vector<32x16xf32> to vector<16xf32>
    %log3A = math.log %reduce_sum3A_7 : vector<16xf32>
    %get3A_8 = arith.constant 0 : index
    %get3A_9 = arith.constant 0 : index
    %get3A_10 = vector.load %arg4[%get3A_8, %get3A_9] : memref<32x16xf32, #tpu.memory_space<vmem>>, vector<32x16xf32>
    %reduce_sum3A_11 = arith.constant dense<0.000000e+00> : vector<16xf32>
    %reduce_sum3A_12 = vector.multi_reduction <add>, %get3A_10, %reduce_sum3A_11 [0] : vector<32x16xf32> to vector<16xf32>
    %convert_element_type3A = arith.fptosi %reduce_sum3A_12 : vector<16xf32> to vector<16xi32>
    %iota3A = tpu.iota {dimensions = array<i32: 0>} : vector<16x16xi32>
    %iota3A_13 = tpu.iota {dimensions = array<i32: 1>} : vector<16x16xi32>
    %lt3A = arith.cmpi slt, %iota3A_13, %iota3A : vector<16x16xi32>
    %broadcast_in_dim3A_14 = vector.shape_cast %convert_element_type3A : vector<16xi32> to vector<1x16xi32>
    %jit3A = arith.constant 0 : i32
    %broadcast_in_dim3A_15 = vector.shape_cast %broadcast_in_dim3A_14 : vector<1x16xi32> to vector<1x16xi32>
    %broadcast_in_dim3A_16 = vector.broadcast %broadcast_in_dim3A_15 : vector<1x16xi32> to vector<16x16xi32>
    %broadcast_in_dim3A_17 = vector.broadcast %jit3A : i32 to vector<16x16xi32>
    %select_n3A = arith.select %lt3A, %broadcast_in_dim3A_16, %broadcast_in_dim3A_17 : vector<16x16xi1>, vector<16x16xi32>
    %reduce_sum3A_18 = arith.constant dense<0> : vector<16xi32>
    %reduce_sum3A_19 = vector.multi_reduction <add>, %select_n3A, %reduce_sum3A_18 [1] : vector<16x16xi32> to vector<16xi32>
    %get3A_20 = arith.constant 0 : index
    %get3A_21 = arith.constant 0 : index
    %get3A_22 = vector.load %arg5[%get3A_20, %get3A_21] : memref<1x16xi32, #tpu.memory_space<vmem>>, vector<1x16xi32>
    %get3A_23 = vector.shape_cast %get3A_22 : vector<1x16xi32> to vector<16xi32>
    %add3A = arith.addi %reduce_sum3A_19, %get3A_23 : vector<16xi32>
    %jit3A_24 = arith.constant 0 : i32
    %jit3A_25 = arith.constant 16383 : i32
    %max3A = vector.broadcast %jit3A_24 : i32 to vector<16xi32>
    %max3A_26 = arith.maxsi %max3A, %add3A : vector<16xi32>
    %min3A = vector.broadcast %jit3A_25 : i32 to vector<16xi32>
    %min3A_27 = arith.minsi %min3A, %max3A_26 : vector<16xi32>
    %jit3A_28 = arith.constant 128 : i32
    %div3A = vector.broadcast %jit3A_28 : i32 to vector<16xi32>
    %div3A_29 = arith.divsi %min3A_27, %div3A : vector<16xi32>
    %sign3A = arith.constant 0 : i32
    %sign3A_30 = vector.broadcast %sign3A : i32 to vector<16xi32>
    %sign3A_31 = arith.cmpi sgt, %min3A_27, %sign3A_30 : vector<16xi32>
    %sign3A_32 = arith.extui %sign3A_31 : vector<16xi1> to vector<16xi32>
    %sign3A_33 = arith.constant 0 : i32
    %sign3A_34 = vector.broadcast %sign3A_33 : i32 to vector<16xi32>
    %sign3A_35 = arith.cmpi slt, %min3A_27, %sign3A_34 : vector<16xi32>
    %sign3A_36 = arith.extui %sign3A_35 : vector<16xi1> to vector<16xi32>
    %sign3A_37 = arith.subi %sign3A_32, %sign3A_36 : vector<16xi32>
    %sign3A_38 = arith.constant 0 : i32
    %sign3A_39 = arith.cmpi sgt, %jit3A_28, %sign3A_38 : i32
    %sign3A_40 = arith.extui %sign3A_39 : i1 to i32
    %sign3A_41 = arith.constant 0 : i32
    %sign3A_42 = arith.cmpi slt, %jit3A_28, %sign3A_41 : i32
    %sign3A_43 = arith.extui %sign3A_42 : i1 to i32
    %sign3A_44 = arith.subi %sign3A_40, %sign3A_43 : i32
    %ne3A = vector.broadcast %sign3A_44 : i32 to vector<16xi32>
    %ne3A_45 = arith.cmpi ne, %sign3A_37, %ne3A : vector<16xi32>
    %rem3A = vector.broadcast %jit3A_28 : i32 to vector<16xi32>
    %rem3A_46 = arith.remsi %min3A_27, %rem3A : vector<16xi32>
    %ne3A_47 = arith.constant 0 : i32
    %ne3A_48 = vector.broadcast %ne3A_47 : i32 to vector<16xi32>
    %ne3A_49 = arith.cmpi ne, %rem3A_46, %ne3A_48 : vector<16xi32>
    %and3A = arith.andi %ne3A_45, %ne3A_49 : vector<16xi1>
    %sub3A_50 = arith.constant 1 : i32
    %sub3A_51 = vector.broadcast %sub3A_50 : i32 to vector<16xi32>
    %sub3A_52 = arith.subi %div3A_29, %sub3A_51 : vector<16xi32>
    %select_n3A_53 = arith.select %and3A, %sub3A_52, %div3A_29 : vector<16xi1>, vector<16xi32>
    %jit3A_54 = arith.constant 128 : i32
    %eq3A = arith.constant 0 : i32
    %eq3A_55 = arith.cmpi eq, %jit3A_54, %eq3A : i32
    %jit3A_56 = arith.constant 1 : i32
    %select_n3A_57 = arith.select %eq3A_55, %jit3A_56, %jit3A_54 : i32
    %rem3A_58 = vector.broadcast %select_n3A_57 : i32 to vector<16xi32>
    %rem3A_59 = arith.remsi %min3A_27, %rem3A_58 : vector<16xi32>
    %ne3A_60 = arith.constant 0 : i32
    %ne3A_61 = vector.broadcast %ne3A_60 : i32 to vector<16xi32>
    %ne3A_62 = arith.cmpi ne, %rem3A_59, %ne3A_61 : vector<16xi32>
    %lt3A_63 = arith.constant 0 : i32
    %lt3A_64 = vector.broadcast %lt3A_63 : i32 to vector<16xi32>
    %lt3A_65 = arith.cmpi slt, %rem3A_59, %lt3A_64 : vector<16xi32>
    %lt3A_66 = arith.constant 0 : i32
    %lt3A_67 = arith.cmpi slt, %select_n3A_57, %lt3A_66 : i32
    %ne3A_68 = vector.broadcast %lt3A_67 : i1 to vector<16xi1>
    %ne3A_69 = vector.broadcast %ne3A_68 : vector<16xi1> to vector<16xi1>
    %ne3A_70 = arith.xori %lt3A_65, %ne3A_69 : vector<16xi1>
    %and3A_71 = arith.andi %ne3A_70, %ne3A_62 : vector<16xi1>
    %add3A_72 = vector.broadcast %select_n3A_57 : i32 to vector<16xi32>
    %add3A_73 = arith.addi %rem3A_59, %add3A_72 : vector<16xi32>
    %select_n3A_74 = arith.select %and3A_71, %add3A_73, %rem3A_59 : vector<16xi1>, vector<16xi32>
    %get3A_75 = arith.constant 0 : index
    %get3A_76 = arith.constant 0 : index
    %get3A_77 = vector.load %arg1[%get3A_75, %get3A_76] : memref<128x128xi32, #tpu.memory_space<vmem>>, vector<128x128xi32>
    %get3A_78 = arith.constant 0 : index
    %get3A_79 = arith.constant 0 : index
    %get3A_80 = vector.load %arg0[%get3A_78, %get3A_79] : memref<128x128xf32, #tpu.memory_space<vmem>>, vector<128x128xf32>
    %iota3A_81 = tpu.iota {dimensions = array<i32: 1>} : vector<16x128xi32>
    %broadcast_in_dim3A_82 = vector.shape_cast %select_n3A_53 : vector<16xi32> to vector<16x1xi32>
    %eq3A_83 = vector.broadcast %broadcast_in_dim3A_82 : vector<16x1xi32> to vector<16x128xi32>
    %eq3A_84 = arith.cmpi eq, %iota3A_81, %eq3A_83 : vector<16x128xi32>
    %convert_element_type3A_85 = arith.extui %eq3A_84 : vector<16x128xi1> to vector<16x128xi32>
    %convert_element_type3A_86 = arith.sitofp %convert_element_type3A_85 : vector<16x128xi32> to vector<16x128xf32>
    %broadcast_in_dim3A_87 = vector.shape_cast %select_n3A_74 : vector<16xi32> to vector<16x1xi32>
    %eq3A_88 = vector.broadcast %broadcast_in_dim3A_87 : vector<16x1xi32> to vector<16x128xi32>
    %eq3A_89 = arith.cmpi eq, %iota3A_81, %eq3A_88 : vector<16x128xi32>
    %convert_element_type3A_90 = arith.extui %eq3A_89 : vector<16x128xi1> to vector<16x128xi32>
    %convert_element_type3A_91 = arith.sitofp %convert_element_type3A_90 : vector<16x128xi32> to vector<16x128xf32>
    %dot_general3A = arith.constant dense<0.000000e+00> : vector<16x128xf32>
    %dot_general3A_92 = tpu.matmul %convert_element_type3A_86, %get3A_80, %dot_general3A {dimension_numbers = #tpu.dot_dimension_numbers<[1], [0], [0], [1], [0, 0, 1, 1], [], []>, precision = #tpu.contract_precision<fp32>, transpose_lhs_hint = false} : vector<16x128xf32>, vector<128x128xf32>, vector<16x128xf32> -> vector<16x128xf32>
    %convert_element_type3A_93 = arith.sitofp %get3A_77 : vector<128x128xi32> to vector<128x128xf32>
    %dot_general3A_94 = arith.constant dense<0.000000e+00> : vector<16x128xf32>
    %dot_general3A_95 = tpu.matmul %convert_element_type3A_86, %convert_element_type3A_93, %dot_general3A_94 {dimension_numbers = #tpu.dot_dimension_numbers<[1], [0], [0], [1], [0, 0, 1, 1], [], []>, transpose_lhs_hint = false} : vector<16x128xf32>, vector<128x128xf32>, vector<16x128xf32> -> vector<16x128xf32>
    %mul3A_96 = arith.mulf %dot_general3A_92, %convert_element_type3A_91 : vector<16x128xf32>
    %reduce_sum3A_97 = arith.constant dense<0.000000e+00> : vector<16xf32>
    %reduce_sum3A_98 = vector.multi_reduction <add>, %mul3A_96, %reduce_sum3A_97 [1] : vector<16x128xf32> to vector<16xf32>
    %mul3A_99 = arith.mulf %dot_general3A_95, %convert_element_type3A_91 : vector<16x128xf32>
    %reduce_sum3A_100 = arith.constant dense<0.000000e+00> : vector<16xf32>
    %reduce_sum3A_101 = vector.multi_reduction <add>, %mul3A_99, %reduce_sum3A_100 [1] : vector<16x128xf32> to vector<16xf32>
    %convert_element_type3A_102 = arith.fptosi %reduce_sum3A_101 : vector<16xf32> to vector<16xi32>
    %broadcast_in_dim3A_103 = vector.shape_cast %convert_element_type3A_102 : vector<16xi32> to vector<16x1xi32>
    %eq3A_104 = vector.broadcast %broadcast_in_dim3A_103 : vector<16x1xi32> to vector<16x16xi32>
    %eq3A_105 = arith.cmpi eq, %iota3A_13, %eq3A_104 : vector<16x16xi32>
    %broadcast_in_dim3A_106 = vector.shape_cast %reduce_max3A_5 : vector<16xf32> to vector<1x16xf32>
    %jit3A_107 = arith.constant 0.000000e+00 : f32
    %broadcast_in_dim3A_108 = vector.shape_cast %broadcast_in_dim3A_106 : vector<1x16xf32> to vector<1x16xf32>
    %broadcast_in_dim3A_109 = vector.broadcast %broadcast_in_dim3A_108 : vector<1x16xf32> to vector<16x16xf32>
    %broadcast_in_dim3A_110 = vector.broadcast %jit3A_107 : f32 to vector<16x16xf32>
    %select_n3A_111 = arith.select %eq3A_105, %broadcast_in_dim3A_109, %broadcast_in_dim3A_110 : vector<16x16xi1>, vector<16x16xf32>
    %reduce_sum3A_112 = arith.constant dense<0.000000e+00> : vector<16xf32>
    %reduce_sum3A_113 = vector.multi_reduction <add>, %select_n3A_111, %reduce_sum3A_112 [1] : vector<16x16xf32> to vector<16xf32>
    %broadcast_in_dim3A_114 = vector.shape_cast %log3A : vector<16xf32> to vector<1x16xf32>
    %jit3A_115 = arith.constant 0.000000e+00 : f32
    %broadcast_in_dim3A_116 = vector.shape_cast %broadcast_in_dim3A_114 : vector<1x16xf32> to vector<1x16xf32>
    %broadcast_in_dim3A_117 = vector.broadcast %broadcast_in_dim3A_116 : vector<1x16xf32> to vector<16x16xf32>
    %broadcast_in_dim3A_118 = vector.broadcast %jit3A_115 : f32 to vector<16x16xf32>
    %select_n3A_119 = arith.select %eq3A_105, %broadcast_in_dim3A_117, %broadcast_in_dim3A_118 : vector<16x16xi1>, vector<16x16xf32>
    %reduce_sum3A_120 = arith.constant dense<0.000000e+00> : vector<16xf32>
    %reduce_sum3A_121 = vector.multi_reduction <add>, %select_n3A_119, %reduce_sum3A_120 [1] : vector<16x16xf32> to vector<16xf32>
    %sub3A_122 = arith.subf %reduce_sum3A_98, %reduce_sum3A_113 : vector<16xf32>
    %sub3A_123 = arith.subf %sub3A_122, %reduce_sum3A_121 : vector<16xf32>
    %swap3A = arith.constant 0 : index
    %swap3A_124 = arith.constant 0 : index
    %swap3A_125 = vector.load %arg6[%swap3A, %swap3A_124] : memref<1x16xf32, #tpu.memory_space<vmem>>, vector<1x16xf32>
    %swap3A_126 = vector.shape_cast %swap3A_125 : vector<1x16xf32> to vector<16xf32>
    %swap3A_127 = vector.shape_cast %sub3A_123 : vector<16xf32> to vector<1x16xf32>
    tpu.vector_store %arg6[%swap3A, %swap3A_124], %swap3A_127 {strides = array<i32>} : memref<1x16xf32, #tpu.memory_space<vmem>>, vector<1x16xf32>,
    return
  }
}

</mosaic_0001>

<sc_bundles>
// kernel: kernel.4.cloned.1.call-start
scs
__scs_entry_jumppad:
0x0: {  	(pc) =	sbr.rel $0x88, $3  }
0x1: {  	(tag) =	ssettag $0x0;
	lr =	simm.s32 $0x1  }
0x2: {  	[smem:$0x3F9D] =	sst lr;
	_ =	strace $0xD0000000  }
0x3: {  	_ = 	snop  }
0x4: {  	_ = 	snop  }
0x5: {  	_ = 	snop  }
0x6: {  	_ = 	snop  }
0x7: {  	_ = 	snop  }
__scs_overlays_trampoline_lowered:
0x8: {  	[smem:$0x3FAC] =	sst s0  }
0x9: {  	[smem:$0x3FAD] =	sst s1  }
0xa: {  	[smem:$0x3FAE] =	sst s2  }
0xb: {  	[smem:$0x3FAF] =	sst s3  }
0xc: {  	[smem:$0x3FB0] =	sst s4  }
0xd: {  	[smem:$0x3FB1] =	sst s5  }
0xe: {  	[smem:$0x3FB2] =	sst s6  }
0xf: {  	[smem:$0x3FB3] =	sst s7  }
0x10: {  	[smem:$0x3FB4] =	sst s8  }
0x11: {  	[smem:$0x3FB5] =	sst s9;
	s0 =	simm.s32 @!p0 $0x0  }
0x12: {  	s1 =	sld [smem:$0x3F9B];
	s0 =	simm.s32 @p0 $0x1  }
0x13: {  	[smem:$0x3FB6] =	sst s0;
	s0 =	simm.s32 @!p1 $0x0  }
0x14: {  	s2 =	sld [smem:$0x3F9A];
	s0 =	simm.s32 @p1 $0x1  }
0x15: {  	[smem:$0x3FB7] =	sst s0;
	s0 =	simm.s32 @!p2 $0x0  }
0x16: {  	s3 =	sld [smem:$0x3FDB];
	s0 =	simm.s32 @p2 $0x1  }
0x17: {  	s4 =	simm.s32 $0x1BF5;
	[smem:$0x3FB9] =	sst s0  }
0x18: {  	s0 =	sld [smem:$0x3F9C];
	_ =	swait.ge [sflag:s4], $0x0  }
0x19: {  	s7 =	sld [smem:$0x3F9D]  }
0x1a: {  	s8 =	sadd.s32 $0xFFFFE003, lr  }
0x1b: {  	s9 =	sadd.s32 $0xFFFFFEF7, lr;
	s5 =	simm.s32 $0xFFFFFFFF;
	p2 =	slt.u32 s8, $0xFFFFF086  }
0x1c: {  	p1 =	slt.u32 s9, $0xF7A;
	s5 =	simm.s32 @!p2 $0x0  }
0x1d: {  	s5 =	simm.s32 @p1 $0x1;
	p0 =	seq.s32 s7, s2  }
0x1e: {  	s7 =	smul.u32 @!p0 $0xF7A, s2;
	p2 =	seq.s32 @!p0 s5, $0x0  }
0x1f: {  	s9 =	smul.u32 $0xF7A, s1;
	s8 =	simm.s32 @!p0 $0x1BF5;
	p2 =	por !p2, p0  }
0x20: {  	[sflag:s8] =	ssyncset.s32 @!p0 $0xFFFFF086;
	s6 =	sadd.s32 @!p0 s3, s7;
	s7 =	simm.s32 @!p0 $0x108  }
0x21: {  	s3 =	sadd.s32 s3, s9;
	s6 =	sadd.s32 @!p0 $0x88, s6;
	s7 =	simm.s32 @p2 $0x1082  }
0x22: {  	[simem:s7], [sflag:s8] =	dma.local @!p0 [hbm:s6], $0xF7A  }
0x23: {  	s9 =	sor.u32 $0xD0000000, s2;
	s6 =	simm.s32 $0x108;
	_ =	swait.ge @!p0 [sflag:s8], $0x0  }
0x24: {  	s3 =	sadd.s32 $0x88, s3;
	s6 =	simm.s32 @!p1 $0x1082;
	[sflag:s4] =	ssyncset.s32 $0xFFFFF086  }
0x25: {  	[simem:s6], [sflag:s4] =	dma.local [hbm:s3], $0xF7A  }
0x26: {  	[smem:$0x3F9D] =	sst s1;
	(tag) =	ssettag s2;
	_ =	strace s9  }
0x27: {  	s1 =	sld [smem:$0x3FAD]  }
0x28: {  	s2 =	sld [smem:$0x3FAE]  }
0x29: {  	s4 =	sld [smem:$0x3FB0]  }
0x2a: {  	p0 =	seq.s32 s5, $0x0;
	s5 =	sld [smem:$0x3FB1]  }
0x2b: {  	s6 =	sld [smem:$0x3FB2]  }
0x2c: {  	s7 =	sld [smem:$0x3FB3]  }
0x2d: {  	s3 =	simm.s32 $0x108;
	s8 =	sld [smem:$0x3FB4]  }
0x2e: {  	s3 =	simm.s32 @!p0 $0x1082;
	s9 =	sld [smem:$0x3FB5]  }
0x2f: {  	lr =	sadd.s32 s0, s3;
	s0 =	sld [smem:$0x3FAC]  }
0x30: {  	s3 =	sld [smem:$0x3FAF]  }
0x31: {  	[smem:$0x3FB8] =	sst s10  }
0x32: {  	s10 =	sld [smem:$0x3FB6];
	_ =	sdelay $0x3  }
0x33: {  	p0 =	seq.s32 s10, $0x1;
	s10 =	sld [smem:$0x3FB8];
	_ =	sdelay $0x3  }
0x34: {  	[smem:$0x3FB8] =	sst s10  }
0x35: {  	s10 =	sld [smem:$0x3FB7];
	_ =	sdelay $0x3  }
0x36: {  	p1 =	seq.s32 s10, $0x1;
	s10 =	sld [smem:$0x3FB8];
	_ =	sdelay $0x3  }
0x37: {  	[smem:$0x3FB8] =	sst s10  }
0x38: {  	s10 =	sld [smem:$0x3FB9]  }
0x39: {  	_ = 	snop;
	(pc) =	sbr.ind lr, $3  }
0x3a: {  	_ = 	snop  }
0x3b: {  	_ = 	snop  }
0x3c: {  	p2 =	seq.s32 s10, $0x1;
	s10 =	sld [smem:$0x3FB8]  }
0x3d: {  	_ =	shalt  }
0x3e: {  	_ =	shalt  }
0x3f: {  	_ =	shalt  }
0x40: {  	_ =	shalt  }
0x41: {  	_ =	shalt  }
0x42: {  	_ =	shalt  }
0x43: {  	_ =	shalt  }
0x44: {  	_ =	shalt  }
0x45: {  	_ =	shalt  }
0x46: {  	_ =	shalt  }
0x47: {  	_ =	shalt  }
0x48: {  	_ =	shalt  }
0x49: {  	_ =	shalt  }
0x4a: {  	_ =	shalt  }
0x4b: {  	_ =	shalt  }
0x4c: {  	_ =	shalt  }
0x4d: {  	_ =	shalt  }
0x4e: {  	_ =	shalt  }
0x4f: {  	_ =	shalt  }
0x50: {  	_ =	shalt  }
0x51: {  	_ =	shalt  }
0x52: {  	_ =	shalt  }
0x53: {  	_ =	shalt  }
0x54: {  	_ =	shalt  }
0x55: {  	_ =	shalt  }
0x56: {  	_ =	shalt  }
0x57: {  	_ =	shalt  }
0x58: {  	_ =	shalt  }
0x59: {  	_ =	shalt  }
0x5a: {  	_ =	shalt  }
0x5b: {  	_ =	shalt  }
0x5c: {  	_ =	shalt  }
0x5d: {  	_ =	shalt  }
0x5e: {  	_ =	shalt  }
0x5f: {  	_ =	shalt  }
0x60: {  	_ =	shalt  }
0x61: {  	_ =	shalt  }
0x62: {  	_ =	shalt  }
0x63: {  	_ =	shalt  }
0x64: {  	_ =	shalt  }
0x65: {  	_ =	shalt  }
0x66: {  	_ =	shalt  }
0x67: {  	_ =	shalt  }
0x68: {  	_ =	shalt  }
0x69: {  	_ =	shalt  }
0x6a: {  	_ =	shalt  }
0x6b: {  	_ =	shalt  }
0x6c: {  	_ =	shalt  }
0x6d: {  	_ =	shalt  }
0x6e: {  	_ =	shalt  }
0x6f: {  	_ =	shalt  }
0x70: {  	_ =	shalt  }
0x71: {  	_ =	shalt  }
0x72: {  	_ =	shalt  }
0x73: {  	_ =	shalt  }
0x74: {  	_ =	shalt  }
0x75: {  	_ =	shalt  }
0x76: {  	_ =	shalt  }
0x77: {  	_ =	shalt  }
0x78: {  	_ =	shalt  }
0x79: {  	_ =	shalt  }
0x7a: {  	_ =	shalt  }
0x7b: {  	_ =	shalt  }
0x7c: {  	_ =	shalt  }
0x7d: {  	_ =	shalt  }
0x7e: {  	_ =	shalt  }
0x7f: {  	_ =	shalt  }
0x80: {  	_ =	shalt  }
0x81: {  	_ =	shalt  }
0x82: {  	_ =	shalt  }
0x83: {  	_ =	shalt  }
0x84: {  	_ =	shalt  }
0x85: {  	_ =	shalt  }
0x86: {  	_ =	shalt  }
0x87: {  	_ =	shalt  }
.Lfunc_end0:
.L_simem_size_0:
called_computation_lowered:
.L_overlay_start_0:
0x88: {  	s2 =	sld [smem:$0x3FD9]  }
0x89: {  	s3 =	sld [smem:$0x3FFE];
	_ =	sdelay $0x1  }
0x8a: {  	s1 =	srdreg.scid  }
0x8b: {  	s0 =	sand.u32 $0x1, s1  }
0x8c: {  	s17 =	sshll.u32 s0, $0xA;
	s2 =	sadd.s32 s3, s2  }
0x8d: {  	s2 =	sadd.s32 s2, s17  }
0x8e: {  	[smem:$0x3FC4] =	sst s2  }
0x8f: {  	_ = 	snop  }
0x90: {  	s2 =	sld [smem:$0x3FC9]  }
0x91: {  	s18 =	sld [smem:$0x3FC8]  }
0x92: {  	s4 =	sld [smem:$0x3FC7];
	(tm) =	ssettm $0x1  }
0x93: {  	s5 =	sld [smem:$0x3FFB];
	_ =	sdelay $0x3  }
0x94: {  	_ =	strace s5  }
0x95: {  	s5 =	sld [smem:$0x3FFC];
	_ =	sdelay $0x3  }
0x96: {  	_ =	strace s5  }
0x97: {  	s5 =	sld [smem:$0x3FFD];
	_ =	sdelay $0x3  }
0x98: {  	_ =	strace s5  }
0x99: {  	_ =	strace $0x8FFFFFFF  }
0x9a: {  	s19 =	sld [smem:$0x3FDB];
	_ =	sdelay $0x1  }
0x9b: {  	s6 =	simm.s32 $_scs_section_size  }
0x9c: {  	s7 =	simm.s32 $_size__tile_overlayer_lowered;
	s8 =	simm.s32 $_tile_overlayer_lowered  }
0x9d: {  	s22 =	simm.s32 $0x1BFF;
	s21 =	sshll.u32 s8, $0x1;
	s5 =	sadd.s32 s6, s19  }
0x9e: {  	s9 =	simm.s32 $0x0;
	s20 =	sshll.u32 s7, $0x1;
	s7 =	sadd.s32 s21, s5  }
0x9f: {  	[timem:s9], [sflag:s22] =	dma.local [hbm:s7], s20  }
0xa0: {  	_ =	swait.ge [sflag:s22], s20  }
0xa1: {  	s6 =	ssub.s32 $0x0, s20;
	[sflag:s22] =	ssyncset.done $0x0  }
0xa2: {  	[sflag:s22] =	ssyncadd.s32 s6;
	_ =	sdelay $0x1  }
0xa3: {  	s23 =	simm.s32 $0x1B8B  }
0xa4: {  	_ =	swait.ge [sflag:s23], $0x1  }
0xa5: {  	[sflag:s23] =	ssyncset.done $0x0  }
0xa6: {  	s25 =	simm.s32 $0x1B8E;
	s24 =	sld [smem:$0x3FFE];
	[sflag:s23] =	ssyncadd.s32 $0xFFFFFFFF  }
0xa7: {  	s26 =	simm.s32 $execute0_lowered;
	[smem:$0x3FD2] =	sst s25  }
0xa8: {  	s7 =	sshll.u32 s26, $0x1;
	_ =	strace $0x80000046;
	[dreg:$0x1] =	wrdreg $0xFFFFFFFF  }
0xa9: {  	s28 =	simm.s32 $_size_execute0_lowered;
	s5 =	sadd.s32 s5, s7;
	[dreg:$0x0] =	wrdreg $0x0  }
0xaa: {  	s7 =	sshll.u32 s28, $0x1;
	[dreg:$0x2] =	wrdreg s5  }
0xab: {  	[dreg:$0x3] =	wrdreg s7  }
0xac: {  	[dreg:$0x4] =	wrdreg $0xC0  }
0xad: {  	_ =	task [dreg:s9], $0x5FFFF  }
0xae: {  	[dreg:$0x1] =	wrdreg $0xFFFFFFFF  }
0xaf: {  	[dreg:$0x0] =	wrdreg $0x60  }
0xb0: {  	[dreg:$0x2] =	wrdreg s2  }
0xb1: {  	[dreg:$0x3] =	wrdreg s18  }
0xb2: {  	[dreg:$0x4] =	wrdreg s4  }
0xb3: {  	[dreg:$0x5] =	wrdreg s24  }
0xb4: {  	[dreg:$0x6] =	wrdreg $0x9  }
0xb5: {  	_ =	task.clear_ibuf [dreg:s9], $0x7FFFF;
	_ =	strace $0x90000046  }
0xb6: {  	s29 =	simm.s32 $0x9;
	_ =	strace $0x80000048  }
0xb7: {  	_ =	swait.ge [sflag:s29], $0x1  }
0xb8: {  	[sflag:s29] =	ssyncadd.s32 $0xFFFFFFFF  }
0xb9: {  	_ =	strace $0x90000048  }
0xba: {  	_ =	sfence  }
0xbb: {  	s30 =	sld [smem:$0x0];
	_ =	sdelay $0x2  }
0xbc: {  	s31 =	sshll.u32 s1, $0xD;
	s1 =	sshrl.u32 s1, $0x2  }
0xbd: {  	s3 =	sand.u32 $0x4000, s31;
	s1 =	sadd.s32 s1, s30  }
0xbe: {  	s0 =	sor.u32 s3, s0;
	s1 =	sshll.u32 s1, $0x11  }
0xbf: {  	s0 =	sor.u32 s1, s0  }
0xc0: {  	s0 =	sadd.s32 $0x8F2B, s0  }
0xc1: {  	[sflag:s0] =	ssyncadd.remote.s32 $0x1  }
0xc2: {  	_ =	sfence.sel $0xFFFF  }
0xc3: {  	[dreg:$0x0] =	wrdreg $0xFFFFFFFF;
	(pc) =	sbr.abs _section_cstart, $3  }
0xc4: {  	[dreg:$0x1] =	wrdreg $0xFFFFFFFF  }
0xc5: {  	_ =	task.clear_ibuf [dreg:s9], $0x2FFFF;
	_ =	strace $0x9FFFFFFF  }
0xc6: {  	(tm) =	ssettm $0x7FFFFFFF  }
0xc7: {  	_ =	shalt  }
tec
execute0_lowered:
.L_overlay_start_1:
0x0: {  	(tag) =	ssettag $0x1  }
0x1: {  	s0 =	rddreg [dreg:$0x1];
	s3 =	stileid.u32  }
0x2: {  	s1 =	rddreg [dreg:$0x2];
	v0 =	vlaneseq.u32;
	s5 =	sshll.u32 s3, $0x1;
	s3 =	simm.s32 $0x0  }
0x3: {  	v1 =	vor.u32 $0x10, v0;
	[smem:$0x7FF] =	sst s3  }
0x4: {  	s4 =	rddreg [dreg:$0x3];
	_ =	strace $0x80000047;
	[tilespmem:$0x1FEA0] =	vst v1;
	v1 =	vor.u32 $0x20, v0  }
0x5: {  	[tilespmem:$0x1FEB0] =	vst v1;
	v1 =	vor.u32 $0x30, v0  }
0x6: {  	[tilespmem:$0x1FEC0] =	vst v1;
	v1 =	vor.u32 $0x40, v0  }
0x7: {  	[tilespmem:$0x1FED0] =	vst v1;
	v1 =	vor.u32 $0x50, v0  }
0x8: {  	[tilespmem:$0x1FEE0] =	vst v1;
	v1 =	vor.u32 $0x60, v0  }
0x9: {  	[tilespmem:$0x1FEF0] =	vst v1;
	v1 =	vor.u32 $0x70, v0  }
0xa: {  	vm0 =	vmmov $0x3;
	[tilespmem:$0x1FF00] =	vst v1;
	v1 =	vimm.s32 $0x0  }
0xb: {  	v1 =	vsel vm0, $0xFFFFFFFF, v1  }
0xc: {  	vm7 =	vmmov $0x7;
	[tilespmem:$0x1FF10] =	vst v1;
	v1 =	vimm.s32 $0x0  }
0xd: {  	v1 =	vsel vm7, $0xFFFFFFFF, v1  }
0xe: {  	vm8 =	vmmov $0xf;
	[tilespmem:$0x1FF20] =	vst v1;
	v1 =	vimm.s32 $0x0  }
0xf: {  	v1 =	vsel vm8, $0xFFFFFFFF, v1  }
0x10: {  	vm9 =	vmmov $0x1f;
	[tilespmem:$0x1FF30] =	vst v1;
	v1 =	vimm.s32 $0x0  }
0x11: {  	v1 =	vsel vm9, $0xFFFFFFFF, v1  }
0x12: {  	vm10 =	vmmov $0x3f;
	[tilespmem:$0x1FF40] =	vst v1;
	v1 =	vimm.s32 $0x0  }
0x13: {  	v1 =	vsel vm10, $0xFFFFFFFF, v1  }
0x14: {  	vm11 =	vmmov $0x7f;
	[tilespmem:$0x1FF50] =	vst v1;
	v1 =	vimm.s32 $0x0  }
0x15: {  	v1 =	vsel vm11, $0xFFFFFFFF, v1  }
0x16: {  	vm4 =	vmmov $0xff;
	[tilespmem:$0x1FF60] =	vst v1;
	v1 =	vimm.s32 $0x0  }
0x17: {  	v1 =	vsel vm4, $0xFFFFFFFF, v1  }
0x18: {  	vm5 =	vmmov $0x1ff;
	[tilespmem:$0x1FF70] =	vst v1;
	v1 =	vimm.s32 $0x0  }
0x19: {  	v1 =	vsel vm5, $0xFFFFFFFF, v1  }
0x1a: {  	vm6 =	vmmov $0x3ff;
	[tilespmem:$0x1FF80] =	vst v1;
	v1 =	vimm.s32 $0x0  }
0x1b: {  	v1 =	vsel vm6, $0xFFFFFFFF, v1  }
0x1c: {  	vm7 =	vmmov $0x7ff;
	[tilespmem:$0x1FF90] =	vst v1;
	v1 =	vimm.s32 $0x0  }
0x1d: {  	v1 =	vsel vm7, $0xFFFFFFFF, v1  }
0x1e: {  	s2 =	srdreg.scid;
	s14 =	simm.s32 $0x800;
	vm8 =	vmmov $0xfff;
	[tilespmem:$0x1FFA0] =	vst v1;
	v1 =	vimm.s32 $0x0  }
0x1f: {  	s16 =	simm.s32 $0x8800;
	s17 =	simm.s32 $0xC800;
	s18 =	simm.s32 $0x5;
	v1 =	vsel vm8, $0xFFFFFFFF, v1  }
0x20: {  	s19 =	simm.s32 $0x10800;
	s20 =	simm.s32 $0x1;
	s21 =	simm.s32 $0x10C00;
	vm9 =	vmmov $0x1fff;
	[tilespmem:$0x1FFB0] =	vst v1;
	v1 =	vimm.s32 $0x0  }
0x21: {  	s22 =	simm.s32 $0x10A00;
	s23 =	simm.s32 $0x10C80;
	s2 =	sand.u32 $0x1, s2;
	v1 =	vsel vm9, $0xFFFFFFFF, v1  }
0x22: {  	s24 =	simm.s32 $0x10D00;
	s25 =	simm.s32 $0x0;
	s5 =	sor.u32 s2, s5;
	vm10 =	vmmov $0x3fff;
	[tilespmem:$0x1FFC0] =	vst v1;
	v1 =	vimm.s32 $0x0  }
0x23: {  	s2 =	ssub.s32 $0x2, s2;
	s8 =	sshll.u32 s5, $0x6;
	s6 =	sshll.u32 s5, $0x4;
	v1 =	vsel vm10, $0xFFFFFFFF, v1  }
0x24: {  	s7 =	sshrl.u32 s2, $0x1;
	s5 =	sshll.u32 s5, $0xD;
	s9 =	sadd.s32 s8, s4;
	vm11 =	vmmov $0x7fff;
	[tilespmem:$0x1FFD0] =	vst v1;
	v1 =	vimm.s32 $0x0  }
0x25: {  	s12 =	sadd.s32 s6, s4;
	s2 =	ssub.s32 s2, s7;
	s4 =	sadd.s32 s0, s5;
	v1 =	vsel vm11, $0xFFFFFFFF, v1  }
0x26: {  	vm15 =	vmmov $0x1;
	s8 =	sadd.s32 s1, s8;
	s5 =	sadd.s32 $0x800, s4;
	s6 =	sadd.s32 $0x1000, s4;
	[tilespmem:$0x1FFE0] =	vst v1;
	v1 =	vimm.s32 $0x0  }
0x27: {  	s7 =	sadd.s32 $0x1800, s4;
	s9 =	sadd.s32 $0x1400, s9;
	s10 =	sadd.s32 $0x1C00, s12;
	v1 =	vsel vm15, $0xFFFFFFFF, v1  }
0x28: {  	v8 =	vimm.f32 $0.0e+00;
	s11 =	sadd.s32 $0x1E00, s12;
	s12 =	sadd.s32 $0x2000, s12;
	s13 =	smax.u32 s2, $0x1;
	[tilespmem:$0x1FFF0] =	vst v1  }
.LBB2_1:
0x29: {  	[tilespmem:s14], [sflag:$0x1] =	stream.linear.gather [hbm4b:s4+s3], $0x4000, $0x38;
	[tilespmem:$0x10D80] =	vst v63  }
0x2a: {  	s0 =	simm.s32 $0x4800  }
0x2b: {  	[tilespmem:s0], [sflag:$0x2] =	stream.linear.gather [hbm4b:s5+s3], $0x4000, $0x38;
	[tilespmem:$0x10D80] =	vst v63  }
0x2c: {  	_ = 	snop  }
0x2d: {  	[tilespmem:s16], [sflag:$0x3] =	stream.linear.gather [hbm4b:s6+s3], $0x4000, $0x38;
	[tilespmem:$0x10D80] =	vst v63  }
0x2e: {  	_ = 	snop  }
0x2f: {  	[tilespmem:s17], [sflag:$0x4] =	stream.linear.gather [hbm4b:s7+s3], $0x4000, $0x38;
	[tilespmem:$0x10D80] =	vst v63  }
0x30: {  	s31 =	rddreg [dreg:$0x0]  }
0x31: {  	[tilespmem:s3], [sflag:$0x5] =	stream.linear.gather [hbm4b:s31+s3], $0x800, $0x38;
	[tilespmem:$0x10D80] =	vst v63  }
0x32: {  	_ =	swait.ge [sflag:s18], $0x800  }
0x33: {  	[sflag:s18] =	ssyncset.done $0x0  }
0x34: {  	[sflag:s18] =	ssyncadd.s32 $0xFFFFF800  }
0x35: {  	[tilespmem:s19], [sflag:$0x5] =	stream.linear.gather [hbm4b:s8+s3], $0x200, $0x38;
	[tilespmem:$0x10D80] =	vst v63  }
0x36: {  	_ =	swait.ge [sflag:s18], $0x200  }
.Ltmp0:
0x37: {  	[sflag:s18] =	ssyncset.done $0x0;
	(pc) =	sbr.rel .LBB2_2-.Ltmp0, $4  }
0x38: {  	[sflag:s18] =	ssyncadd.s32 $0xFFFFFE00  }
0x39: {  	_ =	swait.ge [sflag:s20], $0x4000  }
0x3a: {  	[sflag:s20] =	ssyncset.done $0x0  }
0x3b: {  	s26 =	simm.s32 $0x900;
	s28 =	simm.s32 $0x0;
	[sflag:s20] =	ssyncadd.s32 $0xFFFFC000  }
.LBB2_13:
0x3c: {  	v1 =	vmov s29;
	v2 =	vmul.u32 $0x80, v0  }
0x3d: {  	v1 =	vshll.u32 v1, $0x7  }
0x3e: {  	v10 =	vor.u32 v2, v1;
	v2 =	vor.u32 $0x1, v9;
	_ =	sdelay $0x1  }
0x3f: {  	v7 =	vor.u32 $0x6, v10;
	_ =	sdelay $0x1  }
0x40: {  	v3 =	vor.u32 $0x2, v10  }
0x41: {  	v62 =	vld.idx.msk [tilespmem:v2+s3+$0x0], $0xffff;
	v2 =	vor.u32 $0x4, v10  }
0x42: {  	v6 =	vor.u32 $0x4, v9  }
0x43: {  	v60 =	vld.idx.msk [tilespmem:v7+s14+$0x0], $0xffff;
	v7 =	vor.u32 $0x8, v9;
	_ =	sdelay $0x1  }
0x44: {  	v17 =	vld.idx.msk [tilespmem:v3+s14+$0x0], $0xffff  }
0x45: {  	v3 =	vld.idx.msk [tilespmem:v2+s14+$0x0], $0xffff  }
0x46: {  	v2 =	vld.idx.msk [tilespmem:v6+s3+$0x0], $0xffff;
	v6 =	vor.u32 $0x7, v10  }
0x47: {  	v63 =	vld.idx.msk [tilespmem:v7+s3+$0x0], $0xffff;
	v7 =	vor.u32 $0xB, v10;
	_ =	sdelay $0x3  }
0x48: {  	v61 =	vld.idx.msk [tilespmem:v6+s14+$0x0], $0xffff;
	v6 =	vor.u32 $0x9, v9  }
0x49: {  	v27 =	vld.idx.msk [tilespmem:v7+s14+$0x0], $0xffff;
	v7 =	vor.u32 $0xD, v9;
	_ =	sdelay $0x3  }
0x4a: {  	v6 =	vld.idx.msk [tilespmem:v6+s3+$0x0], $0xffff  }
0x4b: {  	v7 =	vld.idx.msk [tilespmem:v7+s3+$0x0], $0xffff;
	_ =	sdelay $0x3  }
0x4c: {  	[tilespmem:$0x1F750] =	vst v6;
	v6 =	vor.u32 $0xC, v10  }
0x4d: {  	[tilespmem:$0x1F790] =	vst v7;
	v7 =	vor.u32 $0x10, v10;
	_ =	sdelay $0x3  }
0x4e: {  	v28 =	vld.idx.msk [tilespmem:v6+s14+$0x0], $0xffff;
	v6 =	vor.u32 $0xE, v9  }
0x4f: {  	v32 =	vld.idx.msk [tilespmem:v7+s14+$0x0], $0xffff;
	v7 =	vor.u32 $0x12, v9;
	_ =	sdelay $0x2  }
0x50: {  	v4 =	vor.u32 $0x2, v9  }
0x51: {  	v42 =	vor.u32 $0x5, v9;
	v6 =	vld.idx.msk [tilespmem:v6+s3+$0x0], $0xffff  }
0x52: {  	v11 =	vor.u32 $0x6, v9;
	v7 =	vld.idx.msk [tilespmem:v7+s3+$0x0], $0xffff  }
0x53: {  	v13 =	vor.u32 $0x7, v9  }
0x54: {  	v47 =	vor.u32 $0xC, v9  }
0x55: {  	v1 =	vor.u32 $0x1, v10;
	v18 =	vld.idx.msk [tilespmem:v4+s3+$0x0], $0xffff  }
0x56: {  	v4 =	vld.idx.msk [tilespmem:v42+s3+$0x0], $0xffff;
	[tilespmem:$0x1F7A0] =	vst v6;
	v6 =	vor.u32 $0x11, v10  }
0x57: {  	v12 =	vld.idx.msk [tilespmem:v11+s3+$0x0], $0xffff;
	[tilespmem:$0x1F7E0] =	vst v7;
	v7 =	vor.u32 $0x15, v10  }
0x58: {  	v5 =	vor.u32 $0x3, v10;
	v11 =	vld.idx.msk [tilespmem:v13+s3+$0x0], $0xffff  }
0x59: {  	v43 =	vor.u32 $0x8, v10;
	v13 =	vld.idx.msk [tilespmem:v47+s3+$0x0], $0xffff  }
0x5a: {  	v45 =	vor.u32 $0xA, v9;
	v23 =	vld.idx.msk [tilespmem:v1+s14+$0x0], $0xffff  }
0x5b: {  	v33 =	vld.idx.msk [tilespmem:v6+s14+$0x0], $0xffff;
	v6 =	vor.u32 $0x13, v9  }
0x5c: {  	v37 =	vld.idx.msk [tilespmem:v7+s14+$0x0], $0xffff;
	v7 =	vor.u32 $0x17, v9  }
0x5d: {  	v14 =	vor.u32 $0x9, v10;
	v19 =	vld.idx.msk [tilespmem:v5+s14+$0x0], $0xffff  }
0x5e: {  	v44 =	vor.u32 $0xA, v10;
	v24 =	vld.idx.msk [tilespmem:v43+s14+$0x0], $0xffff  }
0x5f: {  	v51 =	vor.u32 $0xF, v9;
	v5 =	vld.idx.msk [tilespmem:v45+s3+$0x0], $0xffff  }
0x60: {  	v46 =	vor.u32 $0xB, v9;
	v6 =	vld.idx.msk [tilespmem:v6+s3+$0x0], $0xffff  }
0x61: {  	v48 =	vor.u32 $0xD, v10;
	v7 =	vld.idx.msk [tilespmem:v7+s3+$0x0], $0xffff  }
0x62: {  	v50 =	vor.u32 $0xF, v10;
	v25 =	vld.idx.msk [tilespmem:v14+s14+$0x0], $0xffff  }
0x63: {  	v54 =	vor.u32 $0x12, v10;
	v26 =	vld.idx.msk [tilespmem:v44+s14+$0x0], $0xffff  }
0x64: {  	v57 =	vor.u32 $0x14, v9;
	[tilespmem:$0x1F760] =	vst v5;
	v5 =	vld.idx.msk [tilespmem:v51+s3+$0x0], $0xffff  }
0x65: {  	v14 =	vld.idx.msk [tilespmem:v46+s3+$0x0], $0xffff;
	[tilespmem:$0x1F7F0] =	vst v6;
	v6 =	vor.u32 $0x16, v10  }
0x66: {  	v29 =	vld.idx.msk [tilespmem:v48+s14+$0x0], $0xffff;
	[tilespmem:$0x1F830] =	vst v7;
	v7 =	vor.u32 $0x1A, v10  }
0x67: {  	v56 =	vor.u32 $0x14, v10;
	v31 =	vld.idx.msk [tilespmem:v50+s14+$0x0], $0xffff  }
0x68: {  	v53 =	vor.u32 $0x11, v9;
	v34 =	vld.idx.msk [tilespmem:v54+s14+$0x0], $0xffff  }
0x69: {  	v44 =	vor.u32 $0x19, v9;
	[tilespmem:$0x1F7B0] =	vst v5;
	v5 =	vld.idx.msk [tilespmem:v57+s3+$0x0], $0xffff  }
0x6a: {  	v38 =	vld.idx.msk [tilespmem:v6+s14+$0x0], $0xffff;
	v6 =	vor.u32 $0x18, v9  }
0x6b: {  	v42 =	vld.idx.msk [tilespmem:v7+s14+$0x0], $0xffff;
	v7 =	vor.u32 $0x1C, v9  }
0x6c: {  	v1 =	vor.u32 $0x3, v9;
	v36 =	vld.idx.msk [tilespmem:v56+s14+$0x0], $0xffff  }
0x6d: {  	v41 =	vor.u32 $0x5, v10;
	[tilespmem:$0x1F780] =	vst v13;
	v13 =	vld.idx.msk [tilespmem:v53+s3+$0x0], $0xffff  }
0x6e: {  	v50 =	vor.u32 $0x1E, v9;
	[tilespmem:$0x1F800] =	vst v5;
	v5 =	vld.idx.msk [tilespmem:v44+s3+$0x0], $0xffff  }
0x6f: {  	v52 =	vor.u32 $0x10, v9;
	v6 =	vld.idx.msk [tilespmem:v6+s3+$0x0], $0xffff  }
0x70: {  	v22 =	vor.u32 $0x19, v10;
	v7 =	vld.idx.msk [tilespmem:v7+s3+$0x0], $0xffff  }
0x71: {  	v59 =	vor.u32 $0x16, v9;
	v20 =	vld.idx.msk [tilespmem:v1+s3+$0x0], $0xffff  }
0x72: {  	v47 =	vor.u32 $0x1C, v10;
	v1 =	vld.idx.msk [tilespmem:v41+s14+$0x0], $0xffff;
	[tilespmem:$0x1F770] =	vst v14  }
0x73: {  	v56 =	vor.u32 $0x23, v9;
	[tilespmem:$0x1F850] =	vst v5;
	v5 =	vld.idx.msk [tilespmem:v50+s3+$0x0], $0xffff  }
0x74: {  	v14 =	vld.idx.msk [tilespmem:v52+s3+$0x0], $0xffff;
	[tilespmem:$0x1F840] =	vst v6;
	v6 =	vor.u32 $0x1B, v10  }
0x75: {  	v41 =	vld.idx.msk [tilespmem:v22+s14+$0x0], $0xffff;
	[tilespmem:$0x1F880] =	vst v7;
	v7 =	vor.u32 $0x1F, v10  }
0x76: {  	v58 =	vor.u32 $0x15, v9;
	[tilespmem:$0x1F7D0] =	vst v13;
	v13 =	vld.idx.msk [tilespmem:v59+s3+$0x0], $0xffff  }
0x77: {  	v46 =	vor.u32 $0x1B, v9;
	v44 =	vld.idx.msk [tilespmem:v47+s14+$0x0], $0xffff  }
0x78: {  	v22 =	vor.u32 $0x28, v9;
	[tilespmem:$0x1F8A0] =	vst v5;
	v5 =	vld.idx.msk [tilespmem:v56+s3+$0x0], $0xffff  }
0x79: {  	v43 =	vld.idx.msk [tilespmem:v6+s14+$0x0], $0xffff;
	v6 =	vor.u32 $0x1D, v9  }
0x7a: {  	v47 =	vld.idx.msk [tilespmem:v7+s14+$0x0], $0xffff;
	v7 =	vor.u32 $0x21, v9  }
0x7b: {  	v54 =	vor.u32 $0x22, v10;
	[tilespmem:$0x1F7C0] =	vst v14;
	v14 =	vld.idx.msk [tilespmem:v58+s3+$0x0], $0xffff  }
0x7c: {  	v59 =	vor.u32 $0x26, v10;
	[tilespmem:$0x1F820] =	vst v13;
	v13 =	vld.idx.msk [tilespmem:v46+s3+$0x0], $0xffff  }
0x7d: {  	[tilespmem:$0x1F8F0] =	vst v5;
	v5 =	vld.idx.msk [tilespmem:v22+s3+$0x0], $0xffff;
	v22 =	vor.u32 $0x2B, v10  }
0x7e: {  	v6 =	vld.idx.msk [tilespmem:v6+s3+$0x0], $0xffff  }
0x7f: {  	v45 =	vor.u32 $0x1A, v9;
	v7 =	vld.idx.msk [tilespmem:v7+s3+$0x0], $0xffff  }
0x80: {  	v48 =	vor.u32 $0x1D, v10;
	v50 =	vld.idx.msk [tilespmem:v54+s14+$0x0], $0xffff  }
0x81: {  	v52 =	vor.u32 $0x20, v9;
	v54 =	vld.idx.msk [tilespmem:v59+s14+$0x0], $0xffff  }
0x82: {  	[tilespmem:$0x1F810] =	vst v14;
	v59 =	vld.idx.msk [tilespmem:v22+s14+$0x0], $0xffff;
	v22 =	vor.u32 $0x2D, v9  }
0x83: {  	[tilespmem:$0x1F890] =	vst v6;
	v6 =	vor.u32 $0x20, v10  }
0x84: {  	v14 =	vld.idx.msk [tilespmem:v45+s3+$0x0], $0xffff;
	[tilespmem:$0x1F8D0] =	vst v7;
	v7 =	vor.u32 $0x24, v10  }
0x85: {  	v45 =	vld.idx.msk [tilespmem:v48+s14+$0x0], $0xffff  }
0x86: {  	v49 =	vor.u32 $0xE, v10;
	[tilespmem:$0x1F870] =	vst v13;
	v13 =	vld.idx.msk [tilespmem:v52+s3+$0x0], $0xffff  }
0x87: {  	[tilespmem:$0x1F940] =	vst v5;
	v5 =	vld.idx.msk [tilespmem:v22+s3+$0x0], $0xffff;
	v22 =	vor.u32 $0x30, v10  }
0x88: {  	v48 =	vld.idx.msk [tilespmem:v6+s14+$0x0], $0xffff;
	v6 =	vor.u32 $0x22, v9  }
0x89: {  	v52 =	vld.idx.msk [tilespmem:v7+s14+$0x0], $0xffff;
	v7 =	vor.u32 $0x26, v9;
	_ =	sdelay $0x1  }
0x8a: {  	v30 =	vld.idx.msk [tilespmem:v49+s14+$0x0], $0xffff;
	v51 =	vor.u32 $0x1F, v9  }
0x8b: {  	[tilespmem:$0x1F9B0] =	vst v5;
	v5 =	vld.idx.msk [tilespmem:v22+s14+$0x0], $0xffff;
	v22 =	vor.u32 $0x32, v9  }
0x8c: {  	v6 =	vld.idx.msk [tilespmem:v6+s3+$0x0], $0xffff  }
0x8d: {  	v49 =	vor.u32 $0x1E, v10;
	v7 =	vld.idx.msk [tilespmem:v7+s3+$0x0], $0xffff  }
0x8e: {  	v53 =	vor.u32 $0x21, v10  }
0x8f: {  	v57 =	vor.u32 $0x24, v9;
	[tilespmem:$0x1F860] =	vst v14;
	v14 =	vld.idx.msk [tilespmem:v51+s3+$0x0], $0xffff  }
0x90: {  	[tilespmem:$0x1FA00] =	vst v5;
	v5 =	vld.idx.msk [tilespmem:v22+s3+$0x0], $0xffff;
	v22 =	vor.u32 $0x35, v10  }
0x91: {  	[tilespmem:$0x1F8E0] =	vst v6;
	v6 =	vor.u32 $0x25, v10  }
0x92: {  	v46 =	vld.idx.msk [tilespmem:v49+s14+$0x0], $0xffff;
	[tilespmem:$0x1F920] =	vst v7;
	v7 =	vor.u32 $0x29, v10  }
0x93: {  	v49 =	vld.idx.msk [tilespmem:v53+s14+$0x0], $0xffff  }
0x94: {  	[tilespmem:$0x1F8B0] =	vst v14;
	v14 =	vld.idx.msk [tilespmem:v57+s3+$0x0], $0xffff  }
0x95: {  	[tilespmem:$0x1FA50] =	vst v5;
	v5 =	vld.idx.msk [tilespmem:v22+s14+$0x0], $0xffff;
	v22 =	vor.u32 $0x37, v9  }
0x96: {  	v53 =	vld.idx.msk [tilespmem:v6+s14+$0x0], $0xffff;
	v6 =	vor.u32 $0x27, v9  }
0x97: {  	v57 =	vld.idx.msk [tilespmem:v7+s14+$0x0], $0xffff;
	v7 =	vor.u32 $0x2B, v9;
	_ =	sdelay $0x2  }
0x98: {  	[tilespmem:$0x1FAA0] =	vst v5;
	v5 =	vld.idx.msk [tilespmem:v22+s3+$0x0], $0xffff;
	v22 =	vor.u32 $0x3A, v10  }
0x99: {  	v6 =	vld.idx.msk [tilespmem:v6+s3+$0x0], $0xffff  }
0x9a: {  	v7 =	vld.idx.msk [tilespmem:v7+s3+$0x0], $0xffff;
	_ =	sdelay $0x1  }
0x9b: {  	v58 =	vor.u32 $0x25, v9  }
0x9c: {  	[tilespmem:$0x1FAF0] =	vst v5;
	v5 =	vld.idx.msk [tilespmem:v22+s14+$0x0], $0xffff;
	v22 =	vor.u32 $0x3C, v9  }
0x9d: {  	[tilespmem:$0x1F930] =	vst v6;
	v6 =	vor.u32 $0x2A, v10  }
0x9e: {  	[tilespmem:$0x1F970] =	vst v7;
	v7 =	vor.u32 $0x2E, v10;
	_ =	sdelay $0x1  }
0x9f: {  	v55 =	vor.u32 $0x13, v10;
	[tilespmem:$0x1F8C0] =	vst v13;
	v13 =	vld.idx.msk [tilespmem:v58+s3+$0x0], $0xffff  }
0xa0: {  	v16 =	vor.u32 $0x17, v10;
	[tilespmem:$0x1FB40] =	vst v5;
	v5 =	vld.idx.msk [tilespmem:v22+s3+$0x0], $0xffff  }
0xa1: {  	v22 =	vor.u32 $0x3F, v10;
	v58 =	vld.idx.msk [tilespmem:v6+s14+$0x0], $0xffff  }
0xa2: {  	v6 =	vor.u32 $0x2C, v9;
	v7 =	vld.idx.msk [tilespmem:v7+s14+$0x0], $0xffff;
	_ =	sdelay $0x1  }
0xa3: {  	v35 =	vld.idx.msk [tilespmem:v55+s14+$0x0], $0xffff;
	v55 =	vor.u32 $0x23, v10  }
0xa4: {  	v39 =	vld.idx.msk [tilespmem:v16+s14+$0x0], $0xffff;
	v16 =	vor.u32 $0x27, v10  }
0xa5: {  	[tilespmem:$0x1FB90] =	vst v5;
	v5 =	vld.idx.msk [tilespmem:v22+s14+$0x0], $0xffff;
	v22 =	vor.u32 $0x41, v9  }
0xa6: {  	v6 =	vld.idx.msk [tilespmem:v6+s3+$0x0], $0xffff;
	[tilespmem:$0x1F9C0] =	vst v7;
	v7 =	vor.u32 $0x30, v9;
	_ =	sdelay $0x1  }
0xa7: {  	v21 =	vor.u32 $0x18, v10;
	v51 =	vld.idx.msk [tilespmem:v55+s14+$0x0], $0xffff  }
0xa8: {  	v55 =	vld.idx.msk [tilespmem:v16+s14+$0x0], $0xffff;
	v16 =	vor.u32 $0x29, v9  }
0xa9: {  	[tilespmem:$0x1FBE0] =	vst v5;
	v5 =	vld.idx.msk [tilespmem:v22+s3+$0x0], $0xffff  }
0xaa: {  	[tilespmem:$0x1F990] =	vst v6;
	v6 =	vor.u32 $0x2F, v10;
	v7 =	vld.idx.msk [tilespmem:v7+s3+$0x0], $0xffff;
	_ =	sdelay $0x1  }
0xab: {  	v40 =	vld.idx.msk [tilespmem:v21+s14+$0x0], $0xffff;
	v21 =	vor.u32 $0x28, v10  }
0xac: {  	[tilespmem:$0x1F900] =	vst v14;
	v14 =	vld.idx.msk [tilespmem:v16+s3+$0x0], $0xffff;
	v16 =	vor.u32 $0x2C, v10  }
0xad: {  	[tilespmem:$0x1FC30] =	vst v5;
	v5 =	vor.u32 $0x44, v10  }
0xae: {  	v6 =	vld.idx.msk [tilespmem:v6+s14+$0x0], $0xffff;
	[tilespmem:$0x1FA10] =	vst v7;
	v7 =	vor.u32 $0x33, v10;
	_ =	sdelay $0x1  }
0xaf: {  	v56 =	vld.idx.msk [tilespmem:v21+s14+$0x0], $0xffff;
	v21 =	vor.u32 $0x2A, v9  }
0xb0: {  	[tilespmem:$0x1F950] =	vst v14;
	v14 =	vld.idx.msk [tilespmem:v16+s14+$0x0], $0xffff;
	v16 =	vor.u32 $0x2E, v9  }
0xb1: {  	v5 =	vld.idx.msk [tilespmem:v5+s14+$0x0], $0xffff  }
0xb2: {  	[tilespmem:$0x1F9E0] =	vst v6;
	v6 =	vor.u32 $0x31, v9;
	v7 =	vld.idx.msk [tilespmem:v7+s14+$0x0], $0xffff;
	_ =	sdelay $0x1  }
0xb3: {  	[tilespmem:$0x1F910] =	vst v13;
	v13 =	vld.idx.msk [tilespmem:v21+s3+$0x0], $0xffff;
	v21 =	vor.u32 $0x2D, v10  }
0xb4: {  	[tilespmem:$0x1F980] =	vst v14;
	v14 =	vld.idx.msk [tilespmem:v16+s3+$0x0], $0xffff;
	v16 =	vor.u32 $0x31, v10  }
0xb5: {  	[tilespmem:$0x1FC60] =	vst v5;
	v5 =	vor.u32 $0x46, v9  }
0xb6: {  	v6 =	vld.idx.msk [tilespmem:v6+s3+$0x0], $0xffff;
	[tilespmem:$0x1FA60] =	vst v7;
	v7 =	vor.u32 $0x35, v9;
	_ =	sdelay $0x1  }
0xb7: {  	[tilespmem:$0x1F960] =	vst v13;
	v13 =	vld.idx.msk [tilespmem:v21+s14+$0x0], $0xffff;
	v21 =	vor.u32 $0x2F, v9  }
0xb8: {  	[tilespmem:$0x1F9D0] =	vst v14;
	v14 =	vld.idx.msk [tilespmem:v16+s14+$0x0], $0xffff;
	v16 =	vor.u32 $0x33, v9  }
0xb9: {  	v2 =	vmul.f32 v2, v3;
	v3 =	vld.idx.msk [tilespmem:v5+s3+$0x0], $0xffff  }
0xba: {  	[tilespmem:$0x1FA30] =	vst v6;
	v6 =	vor.u32 $0x34, v10;
	v7 =	vld.idx.msk [tilespmem:v7+s3+$0x0], $0xffff;
	_ =	sdelay $0x1  }
0xbb: {  	[tilespmem:$0x1F9A0] =	vst v13;
	v13 =	vld.idx.msk [tilespmem:v21+s3+$0x0], $0xffff;
	v21 =	vor.u32 $0x32, v10  }
0xbc: {  	[tilespmem:$0x1FA20] =	vst v14;
	v14 =	vld.idx.msk [tilespmem:v16+s3+$0x0], $0xffff;
	v16 =	vor.u32 $0x36, v10  }
0xbd: {  	[tilespmem:$0x1FCA0] =	vst v3;
	v3 =	vor.u32 $0x49, v10  }
0xbe: {  	v6 =	vld.idx.msk [tilespmem:v6+s14+$0x0], $0xffff;
	[tilespmem:$0x1FAB0] =	vst v7;
	v7 =	vor.u32 $0x38, v10;
	_ =	sdelay $0x1  }
0xbf: {  	[tilespmem:$0x1F9F0] =	vst v13;
	v13 =	vld.idx.msk [tilespmem:v21+s14+$0x0], $0xffff;
	v21 =	vor.u32 $0x34, v9  }
0xc0: {  	[tilespmem:$0x1FA70] =	vst v14;
	v14 =	vld.idx.msk [tilespmem:v16+s14+$0x0], $0xffff;
	v16 =	vor.u32 $0x38, v9  }
0xc1: {  	v3 =	vld.idx.msk [tilespmem:v3+s14+$0x0], $0xffff  }
0xc2: {  	[tilespmem:$0x1FA80] =	vst v6;
	v6 =	vor.u32 $0x36, v9;
	v7 =	vld.idx.msk [tilespmem:v7+s14+$0x0], $0xffff;
	_ =	sdelay $0x1  }
0xc3: {  	[tilespmem:$0x1FA40] =	vst v13;
	v13 =	vld.idx.msk [tilespmem:v21+s3+$0x0], $0xffff;
	v21 =	vor.u32 $0x37, v10  }
0xc4: {  	[tilespmem:$0x1FAC0] =	vst v14;
	v14 =	vld.idx.msk [tilespmem:v16+s3+$0x0], $0xffff;
	v16 =	vor.u32 $0x3B, v10  }
0xc5: {  	[tilespmem:$0x1FCD0] =	vst v3;
	v3 =	vor.u32 $0x4B, v9  }
0xc6: {  	v6 =	vld.idx.msk [tilespmem:v6+s3+$0x0], $0xffff;
	[tilespmem:$0x1FB00] =	vst v7;
	v7 =	vor.u32 $0x3A, v9;
	_ =	sdelay $0x1  }
0xc7: {  	[tilespmem:$0x1FA90] =	vst v13;
	v13 =	vld.idx.msk [tilespmem:v21+s14+$0x0], $0xffff;
	v21 =	vor.u32 $0x39, v9  }
0xc8: {  	[tilespmem:$0x1FB10] =	vst v14;
	v14 =	vld.idx.msk [tilespmem:v16+s14+$0x0], $0xffff;
	v16 =	vor.u32 $0x3D, v9  }
0xc9: {  	v3 =	vld.idx.msk [tilespmem:v3+s3+$0x0], $0xffff  }
0xca: {  	[tilespmem:$0x1FAD0] =	vst v6;
	v6 =	vor.u32 $0x39, v10;
	v7 =	vld.idx.msk [tilespmem:v7+s3+$0x0], $0xffff;
	_ =	sdelay $0x1  }
0xcb: {  	[tilespmem:$0x1FAE0] =	vst v13;
	v13 =	vld.idx.msk [tilespmem:v21+s3+$0x0], $0xffff;
	v21 =	vor.u32 $0x3C, v10  }
0xcc: {  	[tilespmem:$0x1FB60] =	vst v14;
	v14 =	vld.idx.msk [tilespmem:v16+s3+$0x0], $0xffff;
	v16 =	vor.u32 $0x40, v10  }
0xcd: {  	[tilespmem:$0x1FCE0] =	vst v3;
	v3 =	vor.u32 $0x4E, v10  }
0xce: {  	v6 =	vld.idx.msk [tilespmem:v6+s14+$0x0], $0xffff;
	[tilespmem:$0x1FB50] =	vst v7;
	v7 =	vor.u32 $0x3D, v10;
	_ =	sdelay $0x1  }
0xcf: {  	[tilespmem:$0x1FB30] =	vst v13;
	v13 =	vld.idx.msk [tilespmem:v21+s14+$0x0], $0xffff;
	v21 =	vor.u32 $0x3E, v9  }
0xd0: {  	[tilespmem:$0x1FBB0] =	vst v14;
	v14 =	vld.idx.msk [tilespmem:v16+s14+$0x0], $0xffff  }
0xd1: {  	v3 =	vld.idx.msk [tilespmem:v3+s14+$0x0], $0xffff  }
0xd2: {  	[tilespmem:$0x1FB20] =	vst v6;
	v6 =	vor.u32 $0x3B, v9;
	v7 =	vld.idx.msk [tilespmem:v7+s14+$0x0], $0xffff;
	_ =	sdelay $0x1  }
0xd3: {  	[tilespmem:$0x1FB80] =	vst v13;
	v13 =	vld.idx.msk [tilespmem:v21+s3+$0x0], $0xffff;
	v21 =	vor.u32 $0x41, v10  }
0xd4: {  	[tilespmem:$0x1FC00] =	vst v14;
	v14 =	vor.u32 $0x42, v9  }
0xd5: {  	[tilespmem:$0x1FD30] =	vst v3;
	v3 =	vor.u32 $0x50, v9  }
0xd6: {  	v6 =	vld.idx.msk [tilespmem:v6+s3+$0x0], $0xffff;
	[tilespmem:$0x1FBA0] =	vst v7;
	v7 =	vor.u32 $0x3F, v9;
	_ =	sdelay $0x1  }
0xd7: {  	[tilespmem:$0x1FBD0] =	vst v13;
	v13 =	vld.idx.msk [tilespmem:v21+s14+$0x0], $0xffff  }
0xd8: {  	v21 =	vld.idx.msk [tilespmem:v14+s3+$0x0], $0xffff;
	v14 =	vor.u32 $0x45, v9  }
0xd9: {  	v3 =	vld.idx.msk [tilespmem:v3+s3+$0x0], $0xffff  }
0xda: {  	[tilespmem:$0x1FB70] =	vst v6;
	v6 =	vor.u32 $0x3E, v10;
	v7 =	vld.idx.msk [tilespmem:v7+s3+$0x0], $0xffff;
	_ =	sdelay $0x2  }
0xdb: {  	v14 =	vld.idx.msk [tilespmem:v14+s3+$0x0], $0xffff  }
0xdc: {  	v15 =	vld.idx.msk [tilespmem:v9+s3+$0x0], $0xffff;
	[tilespmem:$0x1FD80] =	vst v3;
	v3 =	vor.u32 $0x53, v10  }
0xdd: {  	v6 =	vld.idx.msk [tilespmem:v6+s14+$0x0], $0xffff;
	[tilespmem:$0x1FBF0] =	vst v7;
	v7 =	vor.u32 $0x42, v10  }
0xde: {  	v16 =	vor.u32 $0x43, v9;
	[tilespmem:$0x1FC20] =	vst v13;
	v13 =	vld.idx.msk [tilespmem:v10+s14+$0x0], $0xffff;
	_ =	sdelay $0x1  }
0xdf: {  	v62 =	vmul.f32 v62, v23;
	[tilespmem:$0x1FC90] =	vst v14;
	v14 =	vor.u32 $0x48, v10  }
0xe0: {  	v60 =	vmul.f32 v12, v60;
	v1 =	vmul.f32 v4, v1;
	v3 =	vld.idx.msk [tilespmem:v3+s14+$0x0], $0xffff  }
0xe1: {  	v5 =	vadd.f32 $0.0e+00, v62;
	v62 =	vmul.f32 v18, v17;
	[tilespmem:$0x1FBC0] =	vst v6;
	v6 =	vor.u32 $0x40, v9;
	v22 =	vld.idx.msk [tilespmem:v7+s14+$0x0], $0xffff  }
0xe2: {  	v13 =	vmul.f32 v15, v13;
	v15 =	vmul.f32 v20, v19;
	v7 =	vld.idx.msk [tilespmem:v16+s3+$0x0], $0xffff  }
0xe3: {  	v11 =	vmul.f32 v11, v61;
	v61 =	vld [tilespmem:$0x1F750];
	v62 =	vadd.f32 $0.0e+00, v62;
	v16 =	vor.u32 $0x46, v10  }
0xe4: {  	v4 =	vadd.f32 $0.0e+00, v13;
	v20 =	vld.idx.msk [tilespmem:v14+s14+$0x0], $0xffff;
	v18 =	vadd.f32 $0.0e+00, v15  }
0xe5: {  	v1 =	vadd.f32 v1, v5;
	v5 =	vadd.f32 v60, v62;
	v62 =	vld [tilespmem:$0x1F760];
	[tilespmem:$0x1FDD0] =	vst v3;
	v3 =	vor.u32 $0x55, v9  }
0xe6: {  	v2 =	vadd.f32 v2, v4;
	v4 =	vor.u32 $0x4A, v9;
	v6 =	vld.idx.msk [tilespmem:v6+s3+$0x0], $0xffff  }
0xe7: {  	v11 =	vadd.f32 v11, v18;
	v18 =	vld [tilespmem:$0x1F780];
	v60 =	vmul.f32 v63, v24;
	[tilespmem:$0x1FC50] =	vst v7;
	v7 =	vor.u32 $0x45, v10  }
0xe8: {  	v23 =	vld.idx.msk [tilespmem:v16+s14+$0x0], $0xffff;
	v16 =	vor.u32 $0x48, v9  }
0xe9: {  	v63 =	vor.u32 $0x4D, v10;
	v2 =	vadd.f32 v60, v2;
	v60 =	vld [tilespmem:$0x1F7C0]  }
0xea: {  	v3 =	vld.idx.msk [tilespmem:v3+s3+$0x0], $0xffff  }
0xeb: {  	v12 =	vmul.f32 v62, v26;
	v26 =	vld.idx.msk [tilespmem:v4+s3+$0x0], $0xffff;
	[tilespmem:$0x1FC10] =	vst v6;
	v6 =	vor.u32 $0x43, v10  }
0xec: {  	v7 =	vld.idx.msk [tilespmem:v7+s14+$0x0], $0xffff  }
0xed: {  	v16 =	vld.idx.msk [tilespmem:v16+s3+$0x0], $0xffff  }
0xee: {  	v4 =	vld.idx.msk [tilespmem:v63+s14+$0x0], $0xffff  }
0xef: {  	v62 =	vld [tilespmem:$0x1F7D0];
	[tilespmem:$0x1FE20] =	vst v3;
	v3 =	vor.u32 $0x58, v10  }
0xf0: {  	[tilespmem:$0x1FC40] =	vst v21;
	v21 =	vld.idx.msk [tilespmem:v6+s14+$0x0], $0xffff;
	v6 =	vor.u32 $0x44, v9  }
0xf1: {  	v63 =	vld [tilespmem:$0x1F7E0];
	[tilespmem:$0x1FC80] =	vst v7;
	v7 =	vor.u32 $0x47, v9  }
0xf2: {  	v17 =	vor.u32 $0x4B, v10;
	[tilespmem:$0x1FCC0] =	vst v16;
	v16 =	vld [tilespmem:$0x1F770]  }
0xf3: {  	v5 =	vadd.f32 v12, v5;
	v12 =	vmul.f32 v18, v28;
	v28 =	vld [tilespmem:$0x1F790]  }
0xf4: {  	v3 =	vld.idx.msk [tilespmem:v3+s14+$0x0], $0xffff  }
0xf5: {  	v14 =	vmul.f32 v61, v25;
	v6 =	vld.idx.msk [tilespmem:v6+s3+$0x0], $0xffff  }
0xf6: {  	v19 =	vld.idx.msk [tilespmem:v7+s3+$0x0], $0xffff;
	v7 =	vor.u32 $0x4A, v10  }
0xf7: {  	v1 =	vadd.f32 v14, v1;
	v14 =	vmul.f32 v16, v27;
	v27 =	vld.idx.msk [tilespmem:v17+s14+$0x0], $0xffff;
	v17 =	vor.u32 $0x4D, v9  }
0xf8: {  	v16 =	vld [tilespmem:$0x1F7F0]  }
0xf9: {  	v11 =	vadd.f32 v14, v11;
	v14 =	vmul.f32 v28, v29;
	v29 =	vld [tilespmem:$0x1F7A0]  }
0xfa: {  	v28 =	vld [tilespmem:$0x1F810];
	[tilespmem:$0x1FC70] =	vst v6;
	v6 =	vor.u32 $0x47, v10  }
0xfb: {  	v25 =	vld.idx.msk [tilespmem:v7+s14+$0x0], $0xffff  }
0xfc: {  	v61 =	vor.u32 $0x50, v10;
	v13 =	vld.idx.msk [tilespmem:v17+s3+$0x0], $0xffff  }
0xfd: {  	[tilespmem:$0x1FE70] =	vst v3;
	v3 =	vor.u32 $0x5A, v9;
	v17 =	vld [tilespmem:$0x1F800]  }
0xfe: {  	v2 =	vadd.f32 v12, v2;
	v7 =	vor.u32 $0x4C, v9;
	v12 =	vmul.f32 v29, v30;
	v30 =	vld [tilespmem:$0x1F7B0]  }
0xff: {  	v6 =	vld.idx.msk [tilespmem:v6+s14+$0x0], $0xffff  }
0x100: {  	v5 =	vadd.f32 v12, v5;
	v12 =	vmul.f32 v60, v32;
	v32 =	vld [tilespmem:$0x1F840]  }
0x101: {  	v29 =	vor.u32 $0x52, v9;
	[tilespmem:$0x1FD20] =	vst v13;
	v13 =	vld.idx.msk [tilespmem:v61+s14+$0x0], $0xffff  }
0x102: {  	v60 =	vld.idx.msk [tilespmem:v3+s3+$0x0], $0xffff  }
0x103: {  	v1 =	vadd.f32 v14, v1;
	v7 =	vld.idx.msk [tilespmem:v7+s3+$0x0], $0xffff;
	v14 =	vmul.f32 v30, v31  }
0x104: {  	v31 =	vor.u32 $0x4F, v9;
	v30 =	vld [tilespmem:$0x1F820]  }
0x105: {  	v11 =	vadd.f32 v14, v11;
	v14 =	vmul.f32 v62, v33;
	v33 =	vld [tilespmem:$0x1F850]  }
0x106: {  	[tilespmem:$0x1FD70] =	vst v13;
	v13 =	vld.idx.msk [tilespmem:v29+s3+$0x0], $0xffff  }
0x107: {  	v2 =	vadd.f32 v12, v2;
	v12 =	vmul.f32 v63, v34;
	v29 =	vld [tilespmem:$0x1F960]  }
0x108: {  	[tilespmem:$0x1FD10] =	vst v4;
	v1 =	vadd.f32 v14, v1;
	v14 =	vmul.f32 v16, v35;
	v35 =	vld [tilespmem:$0x1F860]  }
0x109: {  	v5 =	vadd.f32 v12, v5;
	v12 =	vmul.f32 v17, v36;
	[tilespmem:$0x1FCB0] =	vst v6;
	v6 =	vor.u32 $0x49, v9;
	v4 =	vld.idx.msk [tilespmem:v31+s3+$0x0], $0xffff  }
0x10a: {  	v31 =	vld [tilespmem:$0x1F830]  }
0x10b: {  	v2 =	vadd.f32 v12, v2;
	v12 =	vmul.f32 v30, v38;
	v38 =	vld [tilespmem:$0x1F880]  }
0x10c: {  	[tilespmem:$0x1FD00] =	vst v7;
	v7 =	vor.u32 $0x4F, v10;
	v30 =	vld [tilespmem:$0x1F970]  }
0x10d: {  	v36 =	vor.u32 $0x55, v10;
	v11 =	vadd.f32 v14, v11;
	v14 =	vmul.f32 v28, v37;
	v37 =	vld [tilespmem:$0x1F870]  }
0x10e: {  	v24 =	vld.idx.msk [tilespmem:v6+s3+$0x0], $0xffff  }
0x10f: {  	v5 =	vadd.f32 v12, v5;
	v12 =	vmul.f32 v32, v40;
	v40 =	vld [tilespmem:$0x1F8A0]  }
0x110: {  	v18 =	vor.u32 $0x52, v10;
	v32 =	vld [tilespmem:$0x1F990]  }
0x111: {  	v7 =	vld.idx.msk [tilespmem:v7+s14+$0x0], $0xffff  }
0x112: {  	[tilespmem:$0x1FDC0] =	vst v13;
	v13 =	vld.idx.msk [tilespmem:v36+s14+$0x0], $0xffff  }
0x113: {  	v36 =	vld [tilespmem:$0x1F9C0]  }
0x114: {  	v2 =	vadd.f32 v12, v2;
	v12 =	vmul.f32 v35, v42;
	v42 =	vld [tilespmem:$0x1F8B0]  }
0x115: {  	v6 =	vor.u32 $0x4C, v10;
	[tilespmem:$0x1FD60] =	vst v4;
	v4 =	vld.idx.msk [tilespmem:v18+s14+$0x0], $0xffff  }
0x116: {  	v1 =	vadd.f32 v14, v1;
	v14 =	vmul.f32 v31, v39;
	v39 =	vld [tilespmem:$0x1F890]  }
0x117: {  	v18 =	vld [tilespmem:$0x1F950]  }
0x118: {  	v31 =	vld [tilespmem:$0x1F980]  }
0x119: {  	v5 =	vadd.f32 v12, v5;
	v12 =	vmul.f32 v38, v44;
	v44 =	vld [tilespmem:$0x1F8C0]  }
0x11a: {  	v34 =	vor.u32 $0x54, v9;
	v6 =	vld.idx.msk [tilespmem:v6+s14+$0x0], $0xffff  }
0x11b: {  	v11 =	vadd.f32 v14, v11;
	v14 =	vmul.f32 v33, v41;
	v33 =	vld [tilespmem:$0x1F9A0]  }
0x11c: {  	v2 =	vadd.f32 v12, v2;
	v12 =	vmul.f32 v40, v46;
	v46 =	vld [tilespmem:$0x1F8E0]  }
0x11d: {  	v40 =	vld [tilespmem:$0x1F9F0]  }
0x11e: {  	v1 =	vadd.f32 v14, v1;
	v14 =	vmul.f32 v37, v43;
	v37 =	vld [tilespmem:$0x1F9D0];
	[tilespmem:$0x1FDB0] =	vst v4  }
0x11f: {  	v4 =	vld.idx.msk [tilespmem:v34+s3+$0x0], $0xffff;
	[tilespmem:$0x1FCF0] =	vst v6;
	v6 =	vor.u32 $0x4E, v9  }
0x120: {  	[tilespmem:$0x1FD50] =	vst v7;
	v7 =	vor.u32 $0x51, v9;
	v34 =	vld [tilespmem:$0x1F9B0]  }
0x121: {  	v11 =	vadd.f32 v14, v11;
	v14 =	vmul.f32 v39, v45;
	v45 =	vld [tilespmem:$0x1F8D0]  }
0x122: {  	v39 =	vld [tilespmem:$0x1F9E0]  }
0x123: {  	v5 =	vadd.f32 v12, v5;
	v12 =	vmul.f32 v44, v48;
	v44 =	vld [tilespmem:$0x1FA30]  }
0x124: {  	v43 =	vor.u32 $0x57, v9;
	v6 =	vld.idx.msk [tilespmem:v6+s3+$0x0], $0xffff  }
0x125: {  	v7 =	vld.idx.msk [tilespmem:v7+s3+$0x0], $0xffff  }
0x126: {  	v41 =	vor.u32 $0x57, v10;
	v1 =	vadd.f32 v14, v1;
	v14 =	vmul.f32 v42, v47;
	v47 =	vld [tilespmem:$0x1F8F0]  }
0x127: {  	v42 =	vld [tilespmem:$0x1FA10]  }
0x128: {  	[tilespmem:$0x1FE10] =	vst v13;
	v2 =	vadd.f32 v12, v2;
	v12 =	vmul.f32 v46, v50;
	v46 =	vld [tilespmem:$0x1FA50]  }
0x129: {  	v13 =	vld.idx.msk [tilespmem:v43+s3+$0x0], $0xffff;
	[tilespmem:$0x1FD40] =	vst v6;
	v6 =	vor.u32 $0x51, v10  }
0x12a: {  	v43 =	vld [tilespmem:$0x1FA20]  }
0x12b: {  	[tilespmem:$0x1FE00] =	vst v4;
	v4 =	vld.idx.msk [tilespmem:v41+s14+$0x0], $0xffff  }
0x12c: {  	v50 =	vor.u32 $0x5A, v10;
	v41 =	vld [tilespmem:$0x1FA00]  }
0x12d: {  	v11 =	vadd.f32 v14, v11;
	v14 =	vmul.f32 v45, v49;
	v49 =	vld [tilespmem:$0x1F900]  }
0x12e: {  	[tilespmem:$0x1FDA0] =	vst v7;
	v7 =	vor.u32 $0x54, v10;
	v6 =	vld.idx.msk [tilespmem:v6+s14+$0x0], $0xffff  }
0x12f: {  	v1 =	vadd.f32 v14, v1;
	v14 =	vmul.f32 v47, v51;
	v51 =	vld [tilespmem:$0x1F910]  }
0x130: {  	v45 =	vld [tilespmem:$0x1FA40]  }
0x131: {  	v63 =	vld.idx.msk [tilespmem:v50+s14+$0x0], $0xffff;
	v47 =	vor.u32 $0x61, v10  }
0x132: {  	v5 =	vadd.f32 v12, v5;
	v12 =	vmul.f32 v49, v52;
	v52 =	vld [tilespmem:$0x1F920]  }
0x133: {  	v7 =	vld.idx.msk [tilespmem:v7+s14+$0x0], $0xffff;
	[tilespmem:$0x1FD90] =	vst v6;
	v6 =	vor.u32 $0x53, v9  }
0x134: {  	v35 =	vor.u32 $0x5E, v9;
	v11 =	vadd.f32 v14, v11;
	v14 =	vmul.f32 v51, v53;
	v53 =	vld [tilespmem:$0x1F930]  }
0x135: {  	v51 =	vld [tilespmem:$0x1FA60]  }
0x136: {  	v49 =	vld.idx.msk [tilespmem:v47+s14+$0x0], $0xffff  }
0x137: {  	v3 =	vor.u32 $0x5D, v10;
	v2 =	vadd.f32 v12, v2;
	v12 =	vmul.f32 v52, v54;
	v54 =	vld [tilespmem:$0x1F940]  }
0x138: {  	v28 =	vor.u32 $0x5C, v9;
	v6 =	vld.idx.msk [tilespmem:v6+s3+$0x0], $0xffff  }
0x139: {  	v52 =	vld.idx.msk [tilespmem:v35+s3+$0x0], $0xffff  }
0x13a: {  	v1 =	vadd.f32 v14, v1;
	v35 =	vld [tilespmem:$0x1FAF0];
	v14 =	vmul.f32 v53, v55  }
0x13b: {  	[tilespmem:$0x1FDF0] =	vst v7;
	v7 =	vor.u32 $0x56, v9;
	v53 =	vld [tilespmem:$0x1FA70]  }
0x13c: {  	v11 =	vadd.f32 v14, v11;
	v14 =	vmul.f32 v18, v57;
	v57 =	vld.idx.msk [tilespmem:v3+s14+$0x0], $0xffff  }
0x13d: {  	v5 =	vadd.f32 v12, v5;
	v12 =	vmul.f32 v54, v56;
	v56 =	vld.idx.msk [tilespmem:v28+s3+$0x0], $0xffff;
	[tilespmem:$0x1FDE0] =	vst v6;
	v6 =	vor.u32 $0x56, v10  }
0x13e: {  	v28 =	vld [tilespmem:$0x1FA80]  }
0x13f: {  	v1 =	vadd.f32 v14, v1;
	v14 =	vmul.f32 v30, v59;
	v30 =	vld [tilespmem:$0x1FAA0]  }
0x140: {  	v3 =	vor.u32 $0x5F, v9;
	v7 =	vld.idx.msk [tilespmem:v7+s3+$0x0], $0xffff  }
0x141: {  	v2 =	vadd.f32 v12, v2;
	v12 =	vmul.f32 v29, v58;
	v29 =	vld [tilespmem:$0x1FA90]  }
0x142: {  	v6 =	vld.idx.msk [tilespmem:v6+s14+$0x0], $0xffff  }
0x143: {  	v11 =	vadd.f32 v14, v11;
	v14 =	vmul.f32 v34, v33;
	v33 =	vld [tilespmem:$0x1FAD0]  }
0x144: {  	v34 =	vld [tilespmem:$0x1FAE0]  }
0x145: {  	v50 =	vld.idx.msk [tilespmem:v3+s3+$0x0], $0xffff  }
0x146: {  	v5 =	vadd.f32 v12, v5;
	v12 =	vmul.f32 v32, v31;
	v31 =	vld [tilespmem:$0x1FAB0]  }
0x147: {  	v32 =	vld [tilespmem:$0x1FAC0];
	v1 =	vadd.f32 v14, v1;
	v14 =	vmul.f32 v40, v39;
	[tilespmem:$0x1FE30] =	vst v6;
	v6 =	vor.u32 $0x58, v9  }
0x148: {  	v38 =	vor.u32 $0x5F, v10;
	v2 =	vadd.f32 v12, v2;
	v12 =	vmul.f32 v37, v36;
	v37 =	vld [tilespmem:$0x1FB00]  }
0x149: {  	v11 =	vadd.f32 v14, v11;
	v14 =	vmul.f32 v44, v43;
	v43 =	vld [tilespmem:$0x1FB30]  }
0x14a: {  	v3 =	vor.u32 $0x62, v10;
	v44 =	vld [tilespmem:$0x1FB40]  }
0x14b: {  	v5 =	vadd.f32 v12, v5;
	v12 =	vmul.f32 v42, v41;
	v42 =	vld [tilespmem:$0x1FB20]  }
0x14c: {  	v1 =	vadd.f32 v14, v1;
	v14 =	vmul.f32 v53, v51;
	v6 =	vld.idx.msk [tilespmem:v6+s3+$0x0], $0xffff  }
0x14d: {  	v53 =	vld.idx.msk [tilespmem:v38+s14+$0x0], $0xffff;
	v2 =	vadd.f32 v12, v2;
	v12 =	vmul.f32 v46, v45  }
0x14e: {  	v36 =	vor.u32 $0x63, v9;
	v38 =	vld [tilespmem:$0x1FB10];
	v11 =	vadd.f32 v14, v11;
	v14 =	vmul.f32 v31, v30  }
0x14f: {  	v47 =	vld.idx.msk [tilespmem:v3+s14+$0x0], $0xffff;
	v5 =	vadd.f32 v12, v5;
	v12 =	vmul.f32 v29, v28  }
0x150: {  	v45 =	vld [tilespmem:$0x1FB50];
	v1 =	vadd.f32 v14, v1;
	v14 =	vmul.f32 v35, v34  }
0x151: {  	v30 =	vld [tilespmem:$0x1FB90];
	v2 =	vadd.f32 v12, v2;
	v12 =	vmul.f32 v33, v32;
	[tilespmem:$0x1FE80] =	vst v6;
	v6 =	vor.u32 $0x5B, v10  }
0x152: {  	[tilespmem:$0x1FE40] =	vst v7;
	v7 =	vor.u32 $0x59, v10;
	v29 =	vld [tilespmem:$0x1FB80];
	v11 =	vadd.f32 v14, v11  }
0x153: {  	v14 =	vmul.f32 v43, v42;
	v42 =	vld.idx.msk [tilespmem:v36+s3+$0x0], $0xffff;
	v5 =	vadd.f32 v12, v5;
	v12 =	vmul.f32 v38, v37  }
0x154: {  	v36 =	vld [tilespmem:$0x1FBA0]  }
0x155: {  	v37 =	vld [tilespmem:$0x1FBB0];
	v2 =	vadd.f32 v12, v2;
	v12 =	vmul.f32 v45, v44  }
0x156: {  	v61 =	vld.idx.msk [tilespmem:v6+s14+$0x0], $0xffff;
	v6 =	vor.u32 $0x5D, v9  }
0x157: {  	v3 =	vor.u32 $0x64, v9;
	v7 =	vld.idx.msk [tilespmem:v7+s14+$0x0], $0xffff;
	v5 =	vadd.f32 v12, v5;
	v12 =	vmul.f32 v30, v29  }
0x158: {  	v32 =	vld [tilespmem:$0x1FBD0]  }
0x159: {  	v29 =	vadd.f32 v12, v2;
	v2 =	vld [tilespmem:$0x1FBC0];
	_ =	sdelay $0x1  }
0x15a: {  	v1 =	vadd.f32 v14, v1;
	v38 =	vmul.f32 v37, v36;
	v54 =	vld.idx.msk [tilespmem:v6+s3+$0x0], $0xffff;
	v6 =	vor.u32 $0x60, v10  }
0x15b: {  	v40 =	vld.idx.msk [tilespmem:v3+s3+$0x0], $0xffff  }
0x15c: {  	[tilespmem:$0x1FE90] =	vst v7;
	v7 =	vor.u32 $0x5B, v9;
	v3 =	vadd.f32 v38, v1;
	v1 =	vld [tilespmem:$0x1FBE0]  }
0x15d: {  	v12 =	vmul.f32 v32, v2;
	v2 =	vld [tilespmem:$0x1FBF0];
	_ =	sdelay $0x1  }
0x15e: {  	v51 =	vld.idx.msk [tilespmem:v6+s14+$0x0], $0xffff;
	v6 =	vor.u32 $0x62, v9;
	_ =	sdelay $0x1  }
0x15f: {  	v55 =	vor.u32 $0x5C, v10;
	v58 =	vld.idx.msk [tilespmem:v7+s3+$0x0], $0xffff  }
0x160: {  	v7 =	vor.u32 $0x5E, v10;
	v34 =	vmul.f32 v2, v1;
	v1 =	vld [tilespmem:$0x1FC00]  }
0x161: {  	v2 =	vld [tilespmem:$0x1FC10]  }
0x162: {  	v44 =	vld.idx.msk [tilespmem:v6+s3+$0x0], $0xffff;
	v6 =	vor.u32 $0x65, v10;
	_ =	sdelay $0x1  }
0x163: {  	v59 =	vld.idx.msk [tilespmem:v55+s14+$0x0], $0xffff  }
0x164: {  	v48 =	vor.u32 $0x59, v9;
	v55 =	vld.idx.msk [tilespmem:v7+s14+$0x0], $0xffff  }
0x165: {  	v7 =	vor.u32 $0x60, v9;
	v1 =	vmul.f32 v2, v1;
	v2 =	vld [tilespmem:$0x1FC20]  }
0x166: {  	v41 =	vld.idx.msk [tilespmem:v6+s14+$0x0], $0xffff  }
0x167: {  	v6 =	vld [tilespmem:$0x1FC30];
	_ =	sdelay $0x1  }
0x168: {  	v62 =	vld.idx.msk [tilespmem:v48+s3+$0x0], $0xffff  }
0x169: {  	v48 =	vld.idx.msk [tilespmem:v7+s3+$0x0], $0xffff;
	v7 =	vor.u32 $0x63, v10;
	_ =	sdelay $0x1  }
0x16a: {  	v2 =	vmul.f32 v6, v2;
	v6 =	vadd.f32 v1, v29;
	v1 =	vld [tilespmem:$0x1FC40];
	_ =	sdelay $0x1  }
0x16b: {  	v39 =	vor.u32 $0x64, v10  }
0x16c: {  	v45 =	vld.idx.msk [tilespmem:v7+s14+$0x0], $0xffff;
	v7 =	vor.u32 $0x65, v9;
	_ =	sdelay $0x1  }
0x16d: {  	v22 =	vmul.f32 v1, v22;
	v1 =	vld [tilespmem:$0x1FC50];
	_ =	sdelay $0x1  }
0x16e: {  	v18 =	vor.u32 $0x61, v9;
	v43 =	vld.idx.msk [tilespmem:v39+s14+$0x0], $0xffff  }
0x16f: {  	v39 =	vld.idx.msk [tilespmem:v7+s3+$0x0], $0xffff  }
0x170: {  	v7 =	vadd.f32 v2, v3;
	v2 =	vld [tilespmem:$0x1FC70]  }
0x171: {  	v3 =	vmul.f32 v1, v21;
	v1 =	vld [tilespmem:$0x1FC60];
	_ =	sdelay $0x1  }
0x172: {  	v46 =	vld.idx.msk [tilespmem:v18+s3+$0x0], $0xffff  }
0x173: {  	v18 =	vld [tilespmem:$0x1FB60]  }
0x174: {  	v21 =	vld [tilespmem:$0x1FC90]  }
0x175: {  	v1 =	vmul.f32 v2, v1;
	v2 =	vld [tilespmem:$0x1FC80]  }
0x176: {  	v28 =	vld [tilespmem:$0x1FB70];
	_ =	sdelay $0x3  }
0x177: {  	v2 =	vmul.f32 v21, v2  }
0x178: {  	v14 =	vmul.f32 v28, v18;
	v6 =	vadd.f32 v1, v6;
	v1 =	vld [tilespmem:$0x1FCA0]  }
0x179: {  	v7 =	vadd.f32 v2, v7;
	v2 =	vld [tilespmem:$0x1FCB0]  }
0x17a: {  	v11 =	vadd.f32 v14, v11  }
0x17b: {  	v5 =	vadd.f32 v12, v5  }
0x17c: {  	v11 =	vadd.f32 v34, v11  }
0x17d: {  	[tilespmem:$0x1FE50] =	vst v4;
	v4 =	vadd.f32 v22, v5;
	v1 =	vmul.f32 v1, v23  }
0x17e: {  	v3 =	vadd.f32 v3, v11;
	v2 =	vmul.f32 v19, v2  }
0x17f: {  	v4 =	vadd.f32 v1, v4;
	v1 =	vld [tilespmem:$0x1FCC0]  }
0x180: {  	v3 =	vadd.f32 v2, v3;
	v2 =	vld [tilespmem:$0x1FCD0];
	_ =	sdelay $0x3  }
0x181: {  	v1 =	vmul.f32 v1, v20  }
0x182: {  	v2 =	vmul.f32 v24, v2  }
0x183: {  	v23 =	vld [tilespmem:$0x1FD00];
	v1 =	vadd.f32 v1, v6;
	v6 =	vmul.f32 v26, v25  }
0x184: {  	v2 =	vadd.f32 v2, v7;
	v7 =	vld [tilespmem:$0x1FCE0]  }
0x185: {  	v4 =	vadd.f32 v6, v4;
	v6 =	vld [tilespmem:$0x1FCF0];
	_ =	sdelay $0x3  }
0x186: {  	v35 =	vor.u32 $0x67, v9;
	v25 =	vld [tilespmem:$0x1FD40];
	v7 =	vmul.f32 v7, v27  }
0x187: {  	v33 =	vor.u32 $0x67, v10;
	v24 =	vld [tilespmem:$0x1FD20];
	v6 =	vmul.f32 v23, v6  }
0x188: {  	v19 =	vor.u32 $0x6C, v10;
	v3 =	vadd.f32 v7, v3;
	v7 =	vld [tilespmem:$0x1FD10]  }
0x189: {  	v1 =	vadd.f32 v6, v1;
	v6 =	vld [tilespmem:$0x1FD30]  }
0x18a: {  	v18 =	vld [tilespmem:$0x1FD60]  }
0x18b: {  	v35 =	vld.idx.msk [tilespmem:v35+s3+$0x0], $0xffff  }
0x18c: {  	v28 =	vor.u32 $0x66, v9;
	v36 =	vld.idx.msk [tilespmem:v33+s14+$0x0], $0xffff  }
0x18d: {  	v20 =	vor.u32 $0x6C, v9;
	v26 =	vld.idx.msk [tilespmem:v19+s14+$0x0], $0xffff;
	v7 =	vmul.f32 v24, v7  }
0x18e: {  	v19 =	vld [tilespmem:$0x1FD80];
	v6 =	vmul.f32 v25, v6  }
0x18f: {  	v21 =	vor.u32 $0x6D, v10;
	v2 =	vadd.f32 v7, v2;
	v7 =	vld [tilespmem:$0x1FD50]  }
0x190: {  	v4 =	vadd.f32 v6, v4;
	v6 =	vld [tilespmem:$0x1FD70]  }
0x191: {  	v37 =	vld.idx.msk [tilespmem:v28+s3+$0x0], $0xffff  }
0x192: {  	v25 =	vld.idx.msk [tilespmem:v20+s3+$0x0], $0xffff  }
0x193: {  	v31 =	vor.u32 $0x66, v10;
	v20 =	vld [tilespmem:$0x1FDA0]  }
0x194: {  	v28 =	vor.u32 $0x69, v10;
	v24 =	vld.idx.msk [tilespmem:v21+s14+$0x0], $0xffff;
	v7 =	vmul.f32 v18, v7  }
0x195: {  	v30 =	vor.u32 $0x68, v10;
	v21 =	vld [tilespmem:$0x1FDC0];
	v6 =	vmul.f32 v19, v6  }
0x196: {  	v3 =	vadd.f32 v7, v3;
	v7 =	vld [tilespmem:$0x1FD90]  }
0x197: {  	v1 =	vadd.f32 v6, v1;
	v6 =	vld [tilespmem:$0x1FDB0]  }
0x198: {  	v38 =	vld.idx.msk [tilespmem:v31+s14+$0x0], $0xffff  }
0x199: {  	v33 =	vld.idx.msk [tilespmem:v28+s14+$0x0], $0xffff  }
0x19a: {  	v15 =	vor.u32 $0x6A, v10;
	v34 =	vld.idx.msk [tilespmem:v30+s14+$0x0], $0xffff  }
0x19b: {  	v19 =	vld [tilespmem:$0x1FE00];
	v7 =	vmul.f32 v20, v7  }
0x19c: {  	v22 =	vor.u32 $0x6A, v9;
	v18 =	vld [tilespmem:$0x1FDE0];
	v6 =	vmul.f32 v21, v6  }
0x19d: {  	v11 =	vor.u32 $0x6B, v9;
	v2 =	vadd.f32 v7, v2;
	v7 =	vld [tilespmem:$0x1FDD0]  }
0x19e: {  	v4 =	vadd.f32 v6, v4;
	v6 =	vld [tilespmem:$0x1FDF0]  }
0x19f: {  	v30 =	vld.idx.msk [tilespmem:v15+s14+$0x0], $0xffff  }
0x1a0: {  	v15 =	vld [tilespmem:$0x1FE40]  }
0x1a1: {  	v31 =	vor.u32 $0x68, v9;
	v28 =	vld.idx.msk [tilespmem:v22+s3+$0x0], $0xffff  }
0x1a2: {  	v22 =	vor.u32 $0x6D, v9;
	v27 =	vld.idx.msk [tilespmem:v11+s3+$0x0], $0xffff;
	v7 =	vmul.f32 v18, v7  }
0x1a3: {  	v11 =	vor.u32 $0x6E, v10;
	v6 =	vmul.f32 v19, v6;
	v18 =	vld [tilespmem:$0x1FE20]  }
0x1a4: {  	v29 =	vor.u32 $0x69, v9;
	v3 =	vadd.f32 v7, v3;
	v7 =	vld [tilespmem:$0x1FE10]  }
0x1a5: {  	v1 =	vadd.f32 v6, v1;
	v6 =	vld [tilespmem:$0x1FE30]  }
0x1a6: {  	v32 =	vld.idx.msk [tilespmem:v31+s3+$0x0], $0xffff  }
0x1a7: {  	v17 =	vor.u32 $0x6B, v10;
	v23 =	vld.idx.msk [tilespmem:v22+s3+$0x0], $0xffff  }
0x1a8: {  	v22 =	vld.idx.msk [tilespmem:v11+s14+$0x0], $0xffff;
	v11 =	vor.u32 $0x70, v9  }
0x1a9: {  	[tilespmem:$0x1FE60] =	vst v13;
	v12 =	vor.u32 $0x6E, v9;
	v31 =	vld.idx.msk [tilespmem:v29+s3+$0x0], $0xffff;
	v7 =	vmul.f32 v18, v7  }
0x1aa: {  	v13 =	vor.u32 $0x6F, v10;
	v6 =	vmul.f32 v15, v6;
	v15 =	vld [tilespmem:$0x1FE60]  }
0x1ab: {  	v2 =	vadd.f32 v7, v2;
	v7 =	vld [tilespmem:$0x1FE50]  }
0x1ac: {  	v29 =	vld.idx.msk [tilespmem:v17+s14+$0x0], $0xffff  }
0x1ad: {  	v17 =	vld.idx.msk [tilespmem:v11+s3+$0x0], $0xffff  }
0x1ae: {  	v21 =	vld.idx.msk [tilespmem:v12+s3+$0x0], $0xffff;
	v12 =	vor.u32 $0x71, v10  }
0x1af: {  	v14 =	vor.u32 $0x6F, v9;
	v20 =	vld.idx.msk [tilespmem:v13+s14+$0x0], $0xffff  }
0x1b0: {  	v5 =	vor.u32 $0x70, v10;
	v4 =	vadd.f32 v6, v4;
	v6 =	vld [tilespmem:$0x1FE70];
	v7 =	vmul.f32 v15, v7  }
0x1b1: {  	v13 =	vor.u32 $0x71, v9;
	v15 =	vld [tilespmem:$0x1FE80]  }
0x1b2: {  	v11 =	vor.u32 $0x73, v10;
	v3 =	vadd.f32 v7, v3;
	v7 =	vld [tilespmem:$0x1FE90]  }
0x1b3: {  	v16 =	vld.idx.msk [tilespmem:v12+s14+$0x0], $0xffff;
	v12 =	vor.u32 $0x73, v9  }
0x1b4: {  	v19 =	vld.idx.msk [tilespmem:v14+s3+$0x0], $0xffff;
	v14 =	vor.u32 $0x72, v10  }
0x1b5: {  	v18 =	vld.idx.msk [tilespmem:v5+s14+$0x0], $0xffff;
	v5 =	vor.u32 $0x72, v9  }
0x1b6: {  	v6 =	vmul.f32 v15, v6;
	v15 =	vld.idx.msk [tilespmem:v13+s3+$0x0], $0xffff;
	v13 =	vor.u32 $0x74, v10  }
0x1b7: {  	v11 =	vld.idx.msk [tilespmem:v11+s14+$0x0], $0xffff;
	v7 =	vmul.f32 v62, v7;
	v62 =	vor.u32 $0x74, v9  }
0x1b8: {  	v12 =	vld.idx.msk [tilespmem:v12+s3+$0x0], $0xffff;
	v1 =	vadd.f32 v6, v1;
	v6 =	vmul.f32 v60, v63;
	v60 =	vor.u32 $0x75, v10  }
0x1b9: {  	v14 =	vld.idx.msk [tilespmem:v14+s14+$0x0], $0xffff;
	v2 =	vadd.f32 v7, v2;
	v7 =	vmul.f32 v58, v61;
	v58 =	vor.u32 $0x75, v9  }
0x1ba: {  	v5 =	vld.idx.msk [tilespmem:v5+s3+$0x0], $0xffff;
	v63 =	vor.u32 $0x76, v10;
	v4 =	vadd.f32 v6, v4;
	v6 =	vmul.f32 v56, v59  }
0x1bb: {  	v13 =	vld.idx.msk [tilespmem:v13+s14+$0x0], $0xffff;
	v3 =	vadd.f32 v7, v3;
	v7 =	vmul.f32 v54, v57;
	v57 =	vor.u32 $0x76, v9  }
0x1bc: {  	v59 =	vor.u32 $0x77, v10;
	v1 =	vadd.f32 v6, v1;
	v6 =	vmul.f32 v52, v55;
	v52 =	vld.idx.msk [tilespmem:v62+s3+$0x0], $0xffff  }
0x1bd: {  	v61 =	vor.u32 $0x77, v9;
	v2 =	vadd.f32 v7, v2;
	v7 =	vmul.f32 v50, v53;
	v50 =	vld.idx.msk [tilespmem:v60+s14+$0x0], $0xffff  }
0x1be: {  	v4 =	vadd.f32 v6, v4;
	v6 =	vmul.f32 v48, v51;
	v60 =	vor.u32 $0x7B, v9;
	v48 =	vld.idx.msk [tilespmem:v58+s3+$0x0], $0xffff  }
0x1bf: {  	v62 =	vor.u32 $0x78, v10;
	v3 =	vadd.f32 v7, v3;
	v7 =	vmul.f32 v46, v49;
	v46 =	vld.idx.msk [tilespmem:v63+s14+$0x0], $0xffff  }
0x1c0: {  	v58 =	vor.u32 $0x7A, v9;
	v1 =	vadd.f32 v6, v1;
	v6 =	vmul.f32 v44, v47;
	v44 =	vld.idx.msk [tilespmem:v57+s3+$0x0], $0xffff  }
0x1c1: {  	v63 =	vor.u32 $0x78, v9;
	v2 =	vadd.f32 v7, v2;
	v7 =	vmul.f32 v42, v45;
	v42 =	vld.idx.msk [tilespmem:v59+s14+$0x0], $0xffff  }
0x1c2: {  	v54 =	vor.u32 $0x79, v10;
	v4 =	vadd.f32 v6, v4;
	v6 =	vmul.f32 v40, v43;
	v40 =	vld.idx.msk [tilespmem:v61+s3+$0x0], $0xffff  }
0x1c3: {  	v56 =	vor.u32 $0x79, v9;
	v49 =	vld.idx.msk [tilespmem:v60+s3+$0x0], $0xffff;
	v3 =	vadd.f32 v7, v3;
	v7 =	vmul.f32 v39, v41  }
0x1c4: {  	v57 =	vor.u32 $0x7A, v10;
	v39 =	vld.idx.msk [tilespmem:v62+s14+$0x0], $0xffff;
	v1 =	vadd.f32 v6, v1;
	v6 =	vmul.f32 v37, v38  }
0x1c5: {  	v47 =	vor.u32 $0x7D, v9;
	v41 =	vld.idx.msk [tilespmem:v58+s3+$0x0], $0xffff;
	v2 =	vadd.f32 v7, v2;
	v7 =	vmul.f32 v35, v36  }
0x1c6: {  	v59 =	vor.u32 $0x7B, v10;
	v37 =	vld.idx.msk [tilespmem:v63+s3+$0x0], $0xffff;
	v4 =	vadd.f32 v6, v4;
	v6 =	vmul.f32 v32, v34  }
0x1c7: {  	v61 =	vor.u32 $0x7C, v10;
	v35 =	vld.idx.msk [tilespmem:v54+s14+$0x0], $0xffff;
	v3 =	vadd.f32 v7, v3;
	v7 =	vmul.f32 v31, v33  }
0x1c8: {  	v43 =	vor.u32 $0x7D, v10;
	v32 =	vld.idx.msk [tilespmem:v56+s3+$0x0], $0xffff;
	v1 =	vadd.f32 v6, v1;
	v6 =	vmul.f32 v28, v30  }
0x1c9: {  	v63 =	vor.u32 $0x7C, v9;
	v62 =	vld.idx.msk [tilespmem:v57+s14+$0x0], $0xffff;
	v2 =	vadd.f32 v7, v2;
	v7 =	vmul.f32 v27, v29  }
0x1ca: {  	v54 =	vor.u32 $0x7E, v9;
	v57 =	vld.idx.msk [tilespmem:v47+s3+$0x0], $0xffff;
	v4 =	vadd.f32 v6, v4;
	v6 =	vmul.f32 v25, v26  }
0x1cb: {  	v9 =	vor.u32 $0x7F, v9;
	v45 =	vld.idx.msk [tilespmem:v59+s14+$0x0], $0xffff;
	v3 =	vadd.f32 v7, v3;
	v7 =	vmul.f32 v23, v24  }
0x1cc: {  	v51 =	vor.u32 $0x7E, v10;
	v53 =	vld.idx.msk [tilespmem:v61+s14+$0x0], $0xffff;
	v1 =	vadd.f32 v6, v1;
	v6 =	vmul.f32 v21, v22  }
0x1cd: {  	v10 =	vor.u32 $0x7F, v10;
	v56 =	vld.idx.msk [tilespmem:v43+s14+$0x0], $0xffff;
	v2 =	vadd.f32 v7, v2;
	v7 =	vmul.f32 v19, v20  }
0x1ce: {  	v15 =	vmul.f32 v15, v16;
	v55 =	vld.idx.msk [tilespmem:v63+s3+$0x0], $0xffff;
	v4 =	vadd.f32 v6, v4;
	v6 =	vmul.f32 v17, v18  }
0x1cf: {  	v5 =	vmul.f32 v5, v14;
	v58 =	vld.idx.msk [tilespmem:v54+s3+$0x0], $0xffff;
	v3 =	vadd.f32 v7, v3;
	v7 =	vmul.f32 v12, v11  }
0x1d0: {  	v9 =	vld.idx.msk [tilespmem:v9+s3+$0x0], $0xffff;
	v1 =	vadd.f32 v6, v1;
	v2 =	vadd.f32 v15, v2;
	v6 =	vmul.f32 v52, v13  }
0x1d1: {  	v59 =	vmul.f32 v48, v50;
	v11 =	vld.idx.msk [tilespmem:v51+s14+$0x0], $0xffff;
	v4 =	vadd.f32 v5, v4;
	v3 =	vadd.f32 v7, v3  }
0x1d2: {  	v7 =	vld.idx.msk [tilespmem:v10+s14+$0x0], $0xffff;
	v1 =	vadd.f32 v6, v1;
	v6 =	vmul.f32 v44, v46;
	v10 =	vmul.f32 v40, v42  }
0x1d3: {  	v60 =	vmul.f32 v37, v39;
	v61 =	vmul.f32 v32, v35;
	v2 =	vadd.f32 v59, v2  }
0x1d4: {  	v4 =	vadd.f32 v6, v4;
	v3 =	vadd.f32 v10, v3;
	v6 =	vmul.f32 v41, v62  }
0x1d5: {  	v1 =	vadd.f32 v60, v1;
	v2 =	vadd.f32 v61, v2;
	v62 =	vmul.f32 v49, v45  }
0x1d6: {  	v10 =	vmul.f32 v57, v56;
	v4 =	vadd.f32 v6, v4;
	v6 =	vmul.f32 v55, v53  }
0x1d7: {  	v63 =	vmul.f32 v58, v11;
	v3 =	vadd.f32 v62, v3;
	v7 =	vmul.f32 v9, v7  }
0x1d8: {  	v2 =	vadd.f32 v10, v2;
	v1 =	vadd.f32 v6, v1  }
0x1d9: {  	v4 =	vadd.f32 v63, v4;
	v3 =	vadd.f32 v7, v3;
	_ =	sdelay $0x1  }
0x1da: {  	v1 =	vadd.f32 v2, v1;
	v2 =	vadd.f32 v3, v4;
	_ =	sdelay $0x1  }
0x1db: {  	v1 =	vadd.f32 v2, v1  }
.LBB2_14:
0x1dc: {  	s28 =	sadd.s32 $0x1, s28  }
0x1dd: {  	p0 =	sne.s32 s28, $0x20  }
.Ltmp1:
0x1de: {  	_ = 	snop;
	(pc) =	sbr.rel @!p0 .LBB2_15-.Ltmp1, $2  }
0x1df: {  	_ =	sdelay $0x2  }
0x1e0: {  	s26 =	sadd.s32 $0x800, s26;
	[tilespmem:s29+$0x10A00] =	vst v1  }
.LBB2_2:
0x1e1: {  	p0 =	seq.s32 s28, $0x8  }
.Ltmp2:
0x1e2: {  	_ = 	snop;
	(pc) =	sbr.rel @p0 .LBB2_3-.Ltmp2, $1  }
0x1e3: {  	_ =	sdelay $0x3  }
0x1e4: {  	p0 =	seq.s32 s28, $0x18  }
.Ltmp3:
0x1e5: {  	_ = 	snop;
	(pc) =	sbr.rel @p0 .LBB2_7-.Ltmp3, $1  }
0x1e6: {  	_ =	sdelay $0x3  }
0x1e7: {  	p0 =	sne.s32 s28, $0x10  }
.Ltmp4:
0x1e8: {  	_ = 	snop;
	(pc) =	sbr.rel @p0 .LBB2_9-.Ltmp4, $1  }
0x1e9: {  	_ =	sdelay $0x3  }
.Ltmp5:
0x1ea: {  	(pc) =	sbr.rel .LBB2_8-.Ltmp5, $2  }
0x1eb: {  	_ =	sdelay $0x2  }
0x1ec: {  	s0 =	simm.s32 $0x3  }
.LBB2_7:
.Ltmp6:
0x1ed: {  	(pc) =	sbr.rel .LBB2_8-.Ltmp6, $2  }
0x1ee: {  	_ =	sdelay $0x2  }
0x1ef: {  	s0 =	simm.s32 $0x4  }
.LBB2_3:
0x1f0: {  	s0 =	simm.s32 $0x2  }
.LBB2_8:
0x1f1: {  	_ =	swait.ge [sflag:s0], $0x4000  }
0x1f2: {  	[sflag:s0] =	ssyncset.done $0x0  }
0x1f3: {  	[sflag:s0] =	ssyncadd.s32 $0xFFFFC000  }
.LBB2_9:
0x1f4: {  	s29 =	sshll.u32 s28, $0x4  }
0x1f5: {  	v1 =	vld [tilespmem:s29+$0x10800];
	_ =	sdelay $0x4  }
0x1f6: {  	v9 =	vshll.u32 v1, $0x7  }
0x1f7: {  	v1 =	vxor.u32 $0x80000000, v9  }
0x1f8: {  	(xrf0) =	vmin.scan.msk.u32 $0xffff, v1  }
0x1f9: {  	(xrf0) =	vmax.scan.msk.u32 $0xffff, v1;
	_ =	sdelay $0x4  }
0x1fa: {  	v1, _, _ =	vpop (xrf0)  }
0x1fb: {  	(v2sf) =	vpush v1, $0xF;
	v1, _, _ =	vpop (xrf0)  }
0x1fc: {  	(v2sf) =	vpush v1, $0xF;
	_ =	sdelay $0xd  }
0x1fd: {  	s0 =	spop (v2sf)  }
0x1fe: {  	s1 =	spop (v2sf)  }
0x1ff: {  	p0 =	sne.s32 s0, s1  }
.Ltmp7:
0x200: {  	_ = 	snop;
	(pc) =	sbr.rel @p0 .LBB2_13-.Ltmp7, $1  }
0x201: {  	_ =	sdelay $0x3  }
0x202: {  	v2 =	vld [tilespmem:$0x1FEA0]  }
0x203: {  	v3 =	vld [tilespmem:$0x1FEB0]  }
0x204: {  	v4 =	vld [tilespmem:$0x1FEC0]  }
0x205: {  	v5 =	vld [tilespmem:$0x1FED0]  }
0x206: {  	v6 =	vld [tilespmem:s26+$0xA0]  }
0x207: {  	v7 =	vld [tilespmem:s26+$0x30]  }
0x208: {  	v17 =	vld [tilespmem:s26+$0x20]  }
0x209: {  	v18 =	vld [tilespmem:s26+$0xFFFFFFF0]  }
0x20a: {  	v19 =	vld [tilespmem:s26+$0xFFFFFF50]  }
0x20b: {  	v20 =	vld [tilespmem:s26+$0x90]  }
0x20c: {  	v21 =	vld [tilespmem:s26+$0x80]  }
0x20d: {  	v22 =	vld [tilespmem:s26+$0xFFFFFFB0]  }
0x20e: {  	v23 =	vld [tilespmem:s26+$0x10]  }
0x20f: {  	v24 =	vld [tilespmem:s26+$0x0]  }
0x210: {  	v25 =	vld [tilespmem:s26+$0xFFFFFF30]  }
0x211: {  	v26 =	vld [tilespmem:s26+$0xFFFFFF90]  }
0x212: {  	v27 =	vld [tilespmem:s26+$0xFFFFFF00]  }
0x213: {  	v28 =	vld [tilespmem:s26+$0xFFFFFF10]  }
0x214: {  	v29 =	vld [tilespmem:s26+$0xFFFFFF80]  }
0x215: {  	v30 =	vld [tilespmem:s26+$0xFFFFFF20]  }
0x216: {  	v31 =	vld [tilespmem:s26+$0xFFFFFFA0]  }
0x217: {  	v32 =	vld [tilespmem:s26+$0xFFFFFF40]  }
0x218: {  	s0 =	sxor.u32 $0x80000000, s0;
	v33 =	vld [tilespmem:s26+$0xFFFFFFC0]  }
0x219: {  	v34 =	vld [tilespmem:s26+$0x50];
	v1 =	vadd.s32 s0, v0  }
0x21a: {  	v35 =	vld [tilespmem:s26+$0xFFFFFFE0]  }
0x21b: {  	v36 =	vld [tilespmem:s26+$0xFFFFFF70];
	s31 =	sadd.s32 $0x200, s26;
	v2 =	vadd.s32 s0, v2  }
0x21c: {  	v58 =	vld [tilespmem:s31+$0xFFFFFFD0]  }
0x21d: {  	s30 =	simm.s32 $0x0;
	v59 =	vld [tilespmem:s31+$0xFFFFFFF0];
	v3 =	vadd.s32 s0, v3  }
0x21e: {  	v13 =	vld.idx.msk [tilespmem:v1+s30+$0x0], $0xffff  }
0x21f: {  	v4 =	vadd.s32 s0, v4;
	v1 =	vld [tilespmem:$0x1FEE0]  }
0x220: {  	v5 =	vadd.s32 s0, v5;
	v15 =	vld.idx.msk [tilespmem:v2+s30+$0x0], $0xffff  }
0x221: {  	v2 =	vld [tilespmem:$0x1FEF0]  }
0x222: {  	v14 =	vld.idx.msk [tilespmem:v3+s30+$0x0], $0xffff  }
0x223: {  	v3 =	vld [tilespmem:$0x1FF00]  }
0x224: {  	v16 =	vld.idx.msk [tilespmem:v4+s30+$0x0], $0xffff;
	v1 =	vadd.s32 s0, v1  }
0x225: {  	v11 =	vld.idx.msk [tilespmem:v5+s30+$0x0], $0xffff  }
0x226: {  	v5 =	vld [tilespmem:s26+$0xB0]  }
0x227: {  	v60 =	vld [tilespmem:s31+$0xFFFFFF50];
	v21 =	vmul.f32 v21, v13;
	v2 =	vadd.s32 s0, v2  }
0x228: {  	v4 =	vld [tilespmem:s26+$0xD0];
	v27 =	vmul.f32 v27, v13;
	v3 =	vadd.s32 s0, v3  }
0x229: {  	v21 =	vadd.f32 $0.0e+00, v21;
	v6 =	vmul.f32 v6, v14;
	v26 =	vmul.f32 v26, v15;
	v12 =	vld.idx.msk [tilespmem:v1+s30+$0x0], $0xffff  }
0x22a: {  	v24 =	vmul.f32 v24, v13;
	v20 =	vmul.f32 v20, v15;
	v1 =	vld [tilespmem:s26+$0xF0]  }
0x22b: {  	v5 =	vmul.f32 v5, v16;
	v21 =	vadd.f32 v6, v21;
	v6 =	vadd.f32 $0.0e+00, v26;
	v26 =	vld [tilespmem:s26+$0x40]  }
0x22c: {  	v17 =	vmul.f32 v17, v14;
	v22 =	vmul.f32 v22, v16;
	v10 =	vld.idx.msk [tilespmem:v2+s30+$0x0], $0xffff  }
0x22d: {  	v7 =	vmul.f32 v7, v16;
	v23 =	vmul.f32 v23, v15;
	v20 =	vadd.f32 $0.0e+00, v20;
	v9 =	vld.idx.msk [tilespmem:v3+s30+$0x0], $0xffff  }
0x22e: {  	v24 =	vadd.f32 $0.0e+00, v24;
	v33 =	vmul.f32 v33, v11;
	v28 =	vmul.f32 v28, v15;
	v2 =	vld [tilespmem:s26+$0xFFFFFFD0]  }
0x22f: {  	v61 =	vld [tilespmem:s31+$0x10];
	v25 =	vmul.f32 v25, v16;
	v23 =	vadd.f32 $0.0e+00, v23;
	v5 =	vadd.f32 v5, v20  }
0x230: {  	v20 =	vmul.f32 v29, v13;
	v6 =	vadd.f32 v22, v6;
	v22 =	vld [tilespmem:s26+$0x60];
	v4 =	vmul.f32 v4, v12  }
0x231: {  	v17 =	vadd.f32 v17, v24;
	v28 =	vadd.f32 $0.0e+00, v28;
	v29 =	vld [tilespmem:s26+$0xFFFFFF60];
	v24 =	vmul.f32 v26, v11  }
0x232: {  	v3 =	vld [tilespmem:s26+$0x70];
	v4 =	vadd.f32 v4, v5;
	v5 =	vadd.f32 $0.0e+00, v20;
	v20 =	vmul.f32 v31, v14  }
0x233: {  	v31 =	vld [tilespmem:s26+$0xC0];
	v17 =	vadd.f32 v24, v17;
	v2 =	vmul.f32 v2, v12;
	v1 =	vmul.f32 v1, v9  }
0x234: {  	v26 =	vld [tilespmem:s31+$0xB0];
	v5 =	vadd.f32 v20, v5;
	v18 =	vmul.f32 v18, v9;
	v35 =	vmul.f32 v35, v10  }
0x235: {  	v24 =	vld [tilespmem:s31+$0x30];
	v22 =	vmul.f32 v22, v10;
	v37 =	vadd.f32 v1, v4;
	v1 =	vadd.f32 $0.0e+00, v27  }
0x236: {  	v20 =	vld [tilespmem:s26+$0xE0];
	v27 =	vmul.f32 v30, v14;
	v30 =	vadd.f32 v2, v6;
	v5 =	vadd.f32 v33, v5  }
0x237: {  	v7 =	vadd.f32 v7, v23;
	v19 =	vmul.f32 v19, v12;
	v4 =	vld [tilespmem:s31+$0xF0];
	v17 =	vadd.f32 v22, v17  }
0x238: {  	v2 =	vld [tilespmem:s31+$0x70];
	v23 =	vmul.f32 v31, v11;
	v18 =	vadd.f32 v18, v30;
	v5 =	vadd.f32 v35, v5  }
0x239: {  	v22 =	vmul.f32 v29, v10;
	v29 =	vld [tilespmem:s31+$0x80];
	v1 =	vadd.f32 v27, v1;
	v30 =	vmul.f32 v32, v11  }
0x23a: {  	v31 =	vld [tilespmem:s31+$0x20];
	v21 =	vadd.f32 v23, v21;
	v23 =	vmul.f32 v34, v12;
	v62 =	vadd.f32 v18, v5  }
0x23b: {  	v3 =	vmul.f32 v3, v9;
	v27 =	vld [tilespmem:s31+$0xA0];
	v20 =	vmul.f32 v20, v10;
	v30 =	vadd.f32 v30, v1  }
0x23c: {  	v1 =	vimm.f32 $0.0e+00;
	v7 =	vadd.f32 v23, v7;
	v23 =	vadd.f32 v25, v28;
	v28 =	vld [tilespmem:s31+$0x90];
	(xrf2) =	vadd.scan.msk.f32 $0xffff, v62  }
0x23d: {  	v6 =	vld [tilespmem:s31+$0xD0];
	v18 =	vmul.f32 v58, v12;
	v20 =	vadd.f32 v20, v21;
	v21 =	vmul.f32 v36, v9  }
0x23e: {  	v25 =	vld [tilespmem:s31+$0xFFFFFF30];
	v30 =	vadd.f32 v22, v30;
	v22 =	vmul.f32 v26, v16;
	v19 =	vadd.f32 v19, v23  }
0x23f: {  	v5 =	vmul.f32 v31, v14;
	v31 =	vmul.f32 v29, v13;
	v23 =	vld [tilespmem:s31+$0xFFFFFFB0];
	v3 =	vadd.f32 v3, v7  }
0x240: {  	v26 =	vld [tilespmem:s31+$0xFFFFFF90];
	v7 =	vadd.f32 v37, v20;
	v29 =	vmul.f32 v27, v14;
	v19 =	vadd.f32 v21, v19  }
0x241: {  	v27 =	vld [tilespmem:s31+$0xFFFFFF10];
	v31 =	vadd.f32 $0.0e+00, v31;
	v63 =	vadd.f32 v3, v17;
	v28 =	vmul.f32 v28, v15  }
0x242: {  	v3 =	vmul.f32 v60, v12;
	v17 =	vmul.f32 v24, v16;
	v24 =	vld [tilespmem:s31+$0xFFFFFF00];
	v20 =	vadd.f32 v19, v30  }
0x243: {  	s2 =	simm.s32 $0x4;
	s0 =	simm.s32 $0x8;
	v21 =	vld [tilespmem:s31+$0x0];
	v19 =	vmul.f32 v59, v9;
	v30 =	vmul.f32 v61, v15;
	(xrf2) =	vadd.scan.msk.f32 $0xffff, v63;
	v28 =	vadd.f32 $0.0e+00, v28  }
.LBB2_11:
0x244: {  	p0 =	slt.u32 s0, $0xC;
	v32 =	vld [tilespmem:s31+$0xFFFFFF80];
	v23 =	vmul.f32 v23, v16;
	v6 =	vmul.f32 v6, v12;
	s1 =	smov.u32 s0;
	s0 =	sadd.s32 $0x4, s0  }
0x245: {  	v33 =	vld [tilespmem:s31+$0xFFFFFF20];
	v25 =	vmul.f32 v25, v16;
	v30 =	vadd.f32 $0.0e+00, v30;
	v29 =	vadd.f32 v29, v31  }
0x246: {  	v22 =	vadd.f32 v22, v28;
	v4 =	vmul.f32 v4, v9;
	v26 =	vmul.f32 v26, v15;
	v31 =	vld [tilespmem:s31+$0xFFFFFFA0];
	v28, _, _ =	vpop (xrf2);
	(xrf2) =	vadd.scan.msk.f32 $0xffff, v7  }
0x247: {  	v34 =	vmul.f32 v2, v9;
	v2 =	vmov s30;
	v7 =	vmul.f32 v24, v13;
	v24 =	vld [tilespmem:s31+$0xFFFFFF40]  }
0x248: {  	vm0 =	veq.s32 v2, v0;
	v27 =	vmul.f32 v27, v15;
	v26 =	vadd.f32 $0.0e+00, v26;
	v35 =	vld [tilespmem:s31+$0xFFFFFFC0]  }
0x249: {  	v6 =	vadd.f32 v6, v22;
	v2 =	vadd.f32 $0.0e+00, v7;
	v7 =	vmul.f32 v32, v13;
	v32 =	vld [tilespmem:s31+$0x50];
	(xrf2) =	vadd.scan.msk.f32 $0xffff, v20  }
0x24a: {  	v21 =	vmul.f32 v21, v13;
	v20 =	vmul.f32 v33, v14;
	v22 =	vadd.f32 v23, v26;
	v23 =	vld [tilespmem:s31+$0xFFFFFFE0]  }
0x24b: {  	v28 =	vbroadcast v28, $0xF;
	v26 =	vld [tilespmem:s31+$0xFFFFFF70];
	v7 =	vadd.f32 $0.0e+00, v7;
	v31 =	vmul.f32 v31, v14  }
0x24c: {  	v21 =	vadd.f32 $0.0e+00, v21;
	v24 =	vmul.f32 v24, v11;
	v33 =	vld [tilespmem:s31+$0xFFFFFF60]  }
0x24d: {  	v36 =	vadd.f32 v4, v6;
	v7 =	vadd.f32 v31, v7;
	v31 =	vmul.f32 v35, v11;
	v35 =	vld [tilespmem:s31+$0x40];
	v4, _, _ =	vpop (xrf2)  }
0x24e: {  	v6 =	vadd.f32 v18, v22;
	v18 =	vmul.f32 v32, v12;
	v22 =	vld [tilespmem:s31+$0xC0]  }
0x24f: {  	v32 =	vbroadcast v4, $0xF;
	v7 =	vadd.f32 v31, v7;
	v23 =	vmul.f32 v23, v10;
	v31 =	vld [tilespmem:s31+$0x60]  }
0x250: {  	v20 =	vadd.f32 v20, v2;
	v19 =	vadd.f32 v19, v6;
	v26 =	vmul.f32 v26, v9;
	v37 =	vld [tilespmem:s31+$0xE0];
	s31 =	sadd.s32 $0x200, s31;
	v2, _, _ =	vpop (xrf2)  }
0x251: {  	s15 =	sadd.s32 $0x1, s30;
	v17 =	vadd.f32 v17, v30;
	v4 =	vld [tilespmem:s31+$0xF0];
	v33 =	vmul.f32 v33, v10;
	v30 =	vbroadcast v2, $0xF  }
0x252: {  	v5 =	vadd.f32 v5, v21;
	v2 =	vld [tilespmem:s31+$0x70];
	v21 =	vmul.f32 v35, v11;
	v35 =	vmov s15  }
0x253: {  	v27 =	vadd.f32 $0.0e+00, v27;
	v23 =	vadd.f32 v23, v7;
	s15 =	sadd.s32 $0x2, s30;
	v38 =	vld [tilespmem:s31+$0xFFFFFFD0];
	v7 =	vmul.f32 v22, v11;
	v22, _, _ =	vpop (xrf2)  }
0x254: {  	v6 =	vld [tilespmem:s31+$0xD0];
	v5 =	vadd.f32 v21, v5;
	v21 =	vmul.f32 v31, v10;
	v22 =	vbroadcast v22, $0xF  }
0x255: {  	v31 =	vld [tilespmem:s31+$0xB0];
	v7 =	vadd.f32 v7, v29;
	v29 =	vmul.f32 v37, v10;
	v37 =	vmov s15;
	s15 =	sadd.s32 $0x3, s30;
	s30 =	smov.u32 s2;
	s2 =	smov.u32 s1  }
0x256: {  	v20 =	vadd.f32 v24, v20;
	vm1 =	veq.s32 v35, v0;
	v39 =	vld [tilespmem:s31+$0xA0];
	v5 =	vadd.f32 v21, v5  }
0x257: {  	v17 =	vadd.f32 v18, v17;
	v18 =	vmov s15;
	v24 =	vld [tilespmem:s31+$0x30];
	v7 =	vadd.f32 v29, v7  }
0x258: {  	v20 =	vadd.f32 v33, v20;
	v21 =	vadd.f32 v25, v27;
	v1 =	vsel vm0, v22, v1;
	v29 =	vld [tilespmem:s31+$0x20]  }
0x259: {  	v17 =	vadd.f32 v34, v17;
	v1 =	vsel vm1, v28, v1;
	v27 =	vld [tilespmem:s31+$0xFFFFFFF0];
	v7 =	vadd.f32 v36, v7  }
0x25a: {  	v19 =	vadd.f32 v19, v23;
	vm0 =	veq.s32 v37, v0;
	v25 =	vld [tilespmem:s31+$0xFFFFFF50];
	v22 =	vmul.f32 v31, v16  }
0x25b: {  	v3 =	vadd.f32 v3, v21;
	v33 =	vadd.f32 v17, v5;
	v1 =	vsel vm0, v32, v1;
	v28 =	vld [tilespmem:s31+$0x90]  }
0x25c: {  	vm0 =	veq.s32 v18, v0;
	v31 =	vld [tilespmem:s31+$0x80];
	(xrf2) =	vadd.scan.msk.f32 $0xffff, v19  }
0x25d: {  	v1 =	vsel vm0, v30, v1;
	v17 =	vadd.f32 v26, v3;
	v23 =	vld [tilespmem:s31+$0xFFFFFFB0]  }
0x25e: {  	v18 =	vmul.f32 v38, v12;
	v30 =	vld [tilespmem:s31+$0x10]  }
.Ltmp8:
0x25f: {  	v20 =	vadd.f32 v17, v20;
	v5 =	vmul.f32 v29, v14;
	v3 =	vmul.f32 v25, v12;
	v21 =	vld [tilespmem:s31+$0x0];
	(pc) =	sbr.rel @p0 .LBB2_11-.Ltmp8, $4  }
0x260: {  	v17 =	vmul.f32 v24, v16;
	v25 =	vld [tilespmem:s31+$0xFFFFFF30];
	v28 =	vmul.f32 v28, v15  }
0x261: {  	v19 =	vmul.f32 v27, v9;
	v26 =	vld [tilespmem:s31+$0xFFFFFF90];
	v31 =	vmul.f32 v31, v13  }
0x262: {  	v29 =	vmul.f32 v39, v14;
	v24 =	vld [tilespmem:s31+$0xFFFFFF00];
	v28 =	vadd.f32 $0.0e+00, v28  }
0x263: {  	v27 =	vld [tilespmem:s31+$0xFFFFFF10];
	v30 =	vmul.f32 v30, v15;
	v31 =	vadd.f32 $0.0e+00, v31;
	(xrf2) =	vadd.scan.msk.f32 $0xffff, v33  }
0x264: {  	v32 =	vld [tilespmem:s31+$0xFFFFFF80]  }
0x265: {  	v33 =	vld [tilespmem:s31+$0xFFFFFF20]  }
0x266: {  	v37 =	vld [tilespmem:s31+$0xFFFFFF40]  }
0x267: {  	v23 =	vmul.f32 v23, v16;
	v6 =	vmul.f32 v6, v12;
	v22 =	vadd.f32 v22, v28;
	v38 =	vld [tilespmem:s31+$0xFFFFFFC0]  }
0x268: {  	v41 =	vld [tilespmem:s31+$0x50];
	v4 =	vmul.f32 v4, v9;
	v43 =	vmul.f32 v21, v13;
	v30 =	vadd.f32 $0.0e+00, v30  }
0x269: {  	v45 =	vld [tilespmem:s31+$0x40];
	v63 =	vmul.f32 v25, v16;
	v26 =	vmul.f32 v26, v15;
	v6 =	vadd.f32 v6, v22  }
0x26a: {  	v48 =	vld [tilespmem:s31+$0xC0];
	v29 =	vadd.f32 v29, v31;
	v24 =	vmul.f32 v24, v13;
	v17 =	vadd.f32 v17, v30  }
0x26b: {  	v36 =	vld [tilespmem:s31+$0xFFFFFFA0];
	v39 =	vmul.f32 v27, v15;
	v26 =	vadd.f32 $0.0e+00, v26;
	v4 =	vadd.f32 v4, v6  }
0x26c: {  	v40 =	vmul.f32 v32, v13;
	v24 =	vadd.f32 $0.0e+00, v24;
	v46 =	vmul.f32 v33, v14  }
0x26d: {  	v47 =	vmul.f32 v37, v11;
	v13 =	vadd.f32 $0.0e+00, v43;
	v49 =	vmul.f32 v38, v11  }
0x26e: {  	v42 =	vld [tilespmem:s31+$0xFFFFFFE0];
	v51 =	vmul.f32 v41, v12;
	v54 =	vmul.f32 v45, v11;
	v23 =	vadd.f32 v23, v26  }
0x26f: {  	v52 =	vld [tilespmem:s31+$0xE0];
	v11 =	vmul.f32 v48, v11;
	v15 =	vadd.f32 $0.0e+00, v39;
	v44 =	vadd.f32 $0.0e+00, v40  }
0x270: {  	v50 =	vld [tilespmem:s31+$0x60];
	v25 =	vmul.f32 v36, v14;
	v14 =	vadd.f32 v46, v24;
	v5 =	vadd.f32 v5, v13  }
0x271: {  	v53 =	vld [tilespmem:s31+$0xFFFFFF60];
	v11 =	vadd.f32 v11, v29;
	v12 =	vadd.f32 v51, v17  }
0x272: {  	v55 =	vld [tilespmem:s31+$0xFFFFFF70];
	v2 =	vmul.f32 v2, v9;
	v6 =	vadd.f32 v18, v23;
	v21 =	vadd.f32 v25, v44  }
0x273: {  	v22 =	vmul.f32 v42, v10;
	v15 =	vadd.f32 v63, v15;
	v5 =	vadd.f32 v54, v5  }
0x274: {  	v18 =	vmul.f32 v52, v10;
	v14 =	vadd.f32 v47, v14;
	v21 =	vadd.f32 v49, v21  }
0x275: {  	v56 =	vmul.f32 v50, v10;
	v2 =	vadd.f32 v2, v12;
	v6 =	vadd.f32 v19, v6  }
0x276: {  	(xrf2) =	vadd.scan.msk.f32 $0xffff, v7;
	v7 =	vmul.f32 v53, v10;
	v10 =	vadd.f32 v18, v11;
	v21 =	vadd.f32 v22, v21  }
0x277: {  	(xrf2) =	vadd.scan.msk.f32 $0xffff, v20;
	v9 =	vmul.f32 v55, v9;
	v3 =	vadd.f32 v3, v15;
	v5 =	vadd.f32 v56, v5  }
0x278: {  	v7 =	vadd.f32 v7, v14;
	v6 =	vadd.f32 v6, v21  }
0x279: {  	v3 =	vadd.f32 v9, v3;
	v2 =	vadd.f32 v2, v5  }
0x27a: {  	v4 =	vadd.f32 v4, v10;
	(xrf2) =	vadd.scan.msk.f32 $0xffff, v6  }
0x27b: {  	v3 =	vadd.f32 v3, v7;
	(xrf2) =	vadd.scan.msk.f32 $0xffff, v2  }
0x27c: {  	(xrf2) =	vadd.scan.msk.f32 $0xffff, v4  }
0x27d: {  	(xrf2) =	vadd.scan.msk.f32 $0xffff, v3  }
0x27e: {  	v2, _, _ =	vpop (xrf2)  }
0x27f: {  	v3, _, _ =	vpop (xrf2)  }
0x280: {  	v57, _, _ =	vpop (xrf2)  }
0x281: {  	v2 =	vbroadcast v2, $0xF;
	v58, _, _ =	vpop (xrf2)  }
0x282: {  	s0 =	sadd.s32 $0x1, s30;
	v6 =	vmov s30;
	v3 =	vbroadcast v3, $0xF;
	v5 =	vbroadcast v58, $0xF  }
0x283: {  	s31 =	sadd.s32 $0x2, s30;
	vm0 =	veq.s32 v6, v0;
	v6 =	vmov s0  }
0x284: {  	v9 =	vmov s31;
	vm1 =	veq.s32 v6, v0;
	v1 =	vsel vm0, v5, v1;
	v7, _, _ =	vpop (xrf2)  }
0x285: {  	s1 =	sadd.s32 $0x3, s30;
	vm6 =	veq.s32 v9, v0;
	v1 =	vsel vm1, v2, v1;
	v2, _, _ =	vpop (xrf2)  }
0x286: {  	v60 =	vmov s2;
	v59 =	vmov s1;
	v1 =	vsel vm6, v3, v1;
	v3, _, _ =	vpop (xrf2)  }
0x287: {  	s15 =	sadd.s32 $0x1, s2;
	vm8 =	veq.s32 v60, v0;
	vm7 =	veq.s32 v59, v0;
	s31 =	sadd.s32 $0x3, s2;
	v4 =	vbroadcast v57, $0xF;
	v61, _, _ =	vpop (xrf2)  }
0x288: {  	v63 =	vmov s31;
	v6 =	vmov s15;
	v5 =	vbroadcast v61, $0xF  }
.Ltmp9:
0x289: {  	s30 =	sadd.s32 $0x2, s2;
	vm9 =	veq.s32 v6, v0;
	v1 =	vsel vm7, v4, v1;
	v62 =	vbroadcast v7, $0xF;
	(pc) =	sbr.rel .LBB2_14-.Ltmp9, $4  }
0x28a: {  	v7 =	vmov s30;
	v2 =	vbroadcast v2, $0xF;
	v1 =	vsel vm8, v5, v1  }
0x28b: {  	vm10 =	veq.s32 v7, v0;
	v3 =	vbroadcast v3, $0xF;
	v1 =	vsel vm9, v62, v1  }
0x28c: {  	vm11 =	veq.s32 v63, v0;
	v1 =	vsel vm10, v2, v1  }
0x28d: {  	v1 =	vsel vm11, v3, v1  }
.LBB2_15:
0x28e: {  	s0 =	simm.s32 $0x0  }
0x28f: {  	v2 =	vld [tilespmem:s0+$0x10800];
	_ =	sdelay $0x1  }
0x290: {  	v5 =	vimm.f32 $-Inf;
	v14 =	vimm.f32 $-Inf;
	v15 =	vimm.f32 $-Inf  }
0x291: {  	v10 =	vimm.f32 $-Inf;
	v11 =	vimm.f32 $-Inf;
	v12 =	vimm.f32 $-Inf  }
0x292: {  	v9 =	vimm.f32 $-Inf;
	v6 =	vimm.f32 $-Inf;
	v7 =	vimm.f32 $-Inf;
	v1 =	vld [tilespmem:s0+$0x10A00]  }
0x293: {  	v4 =	vimm.f32 $-Inf;
	v3 =	vimm.f32 $-Inf;
	vm0 =	veq.s32 v2, $0x0  }
0x294: {  	vm12 =	veq.s32 v2, $0x1;
	vm13 =	veq.s32 v2, $0x2;
	vm14 =	veq.s32 v2, $0x3  }
0x295: {  	vm10 =	veq.s32 v2, $0x4;
	vm9 =	veq.s32 v2, $0x5;
	vm11 =	veq.s32 v2, $0x6  }
0x296: {  	vm6 =	veq.s32 v2, $0x7;
	vm7 =	veq.s32 v2, $0x8;
	vm8 =	veq.s32 v2, $0x9  }
0x297: {  	vm5 =	veq.s32 v2, $0xA;
	vm3 =	veq.s32 v2, $0xB;
	v19 =	vmax.f32 v5, v1  }
0x298: {  	vm4 =	veq.s32 v2, $0xC;
	vm2 =	veq.s32 v2, $0xD;
	vm1 =	veq.s32 v2, $0xE  }
0x299: {  	v13 =	vsel vm0, v19, v5;
	vm0 =	veq.s32 v2, $0xF;
	v17 =	vsel vm12, v19, v5  }
0x29a: {  	s0 =	simm.s32 $0x40;
	v18 =	vsel vm13, v19, v5;
	v16 =	vsel vm14, v19, v5;
	v20 =	vmovc v19;
	v21 =	vmovc v19;
	v2 =	vimm.f32 $-Inf  }
.LBB2_16:
0x29b: {  	p0 =	sne.s32 s0, $0x7C0;
	v5 =	vsel vm10, v19, v5;
	v14 =	vsel vm9, v20, v14;
	v15 =	vsel vm11, v21, v15  }
0x29c: {  	s1 =	sshra.s32 s0, $0x2;
	v19 =	vmax.f32 v10, v1;
	v20 =	vmax.f32 v11, v1;
	v21 =	vmax.f32 v12, v1  }
0x29d: {  	v10 =	vsel vm6, v19, v10;
	v11 =	vsel vm7, v20, v11;
	v12 =	vsel vm8, v21, v12;
	v22 =	vld [tilespmem:s1+$0x10800]  }
0x29e: {  	v19 =	vmax.f32 v9, v1;
	v20 =	vmax.f32 v6, v1;
	v21 =	vmax.f32 v7, v1  }
0x29f: {  	v9 =	vsel vm5, v19, v9;
	v6 =	vsel vm3, v20, v6;
	v7 =	vsel vm4, v21, v7  }
0x2a0: {  	v19 =	vmax.f32 v4, v1;
	v20 =	vmax.f32 v3, v1;
	v21 =	vmax.f32 v2, v1  }
0x2a1: {  	v4 =	vsel vm2, v19, v4;
	v3 =	vsel vm1, v20, v3;
	v2 =	vsel vm0, v21, v2;
	v1 =	vld [tilespmem:s1+$0x10A00]  }
0x2a2: {  	vm0 =	veq.s32 v22, $0x0;
	vm12 =	veq.s32 v22, $0x1;
	vm13 =	veq.s32 v22, $0x2  }
0x2a3: {  	vm14 =	veq.s32 v22, $0x3;
	vm10 =	veq.s32 v22, $0x4;
	vm9 =	veq.s32 v22, $0x5  }
0x2a4: {  	vm11 =	veq.s32 v22, $0x6;
	vm6 =	veq.s32 v22, $0x7;
	vm7 =	veq.s32 v22, $0x8  }
0x2a5: {  	vm8 =	veq.s32 v22, $0x9;
	vm5 =	veq.s32 v22, $0xA;
	vm3 =	veq.s32 v22, $0xB  }
.Ltmp10:
0x2a6: {  	vm4 =	veq.s32 v22, $0xC;
	vm2 =	veq.s32 v22, $0xD;
	v19 =	vmax.f32 v13, v1;
	(pc) =	sbr.rel @p0 .LBB2_16-.Ltmp10, $4  }
0x2a7: {  	vm1 =	veq.s32 v22, $0xE;
	v13 =	vsel vm0, v19, v13;
	vm0 =	veq.s32 v22, $0xF  }
0x2a8: {  	v20 =	vmax.f32 v18, v1;
	v21 =	vmax.f32 v16, v1;
	v19 =	vmax.f32 v17, v1  }
0x2a9: {  	v18 =	vsel vm13, v20, v18;
	v16 =	vsel vm14, v21, v16;
	v17 =	vsel vm12, v19, v17  }
0x2aa: {  	s0 =	sadd.s32 $0x40, s0;
	v20 =	vmax.f32 v14, v1;
	v21 =	vmax.f32 v15, v1;
	v19 =	vmax.f32 v5, v1  }
0x2ab: {  	(xrf0) =	vmax.scan.msk.f32 $0xffff, v13  }
0x2ac: {  	(xrf0) =	vmax.scan.msk.f32 $0xffff, v17  }
0x2ad: {  	(xrf0) =	vmax.scan.msk.f32 $0xffff, v18  }
0x2ae: {  	v5 =	vsel vm10, v19, v5;
	(xrf0) =	vmax.scan.msk.f32 $0xffff, v16  }
0x2af: {  	v13 =	vsel vm9, v20, v14;
	v14 =	vsel vm11, v21, v15;
	(xrf0) =	vmax.scan.msk.f32 $0xffff, v5;
	v5 =	vmax.f32 v10, v1  }
0x2b0: {  	v15 =	vmax.f32 v11, v1;
	v16 =	vmax.f32 v12, v1;
	(xrf0) =	vmax.scan.msk.f32 $0xffff, v13;
	v5 =	vsel vm6, v5, v10  }
0x2b1: {  	v10 =	vsel vm7, v15, v11;
	v11 =	vsel vm8, v16, v12;
	v12, _, _ =	vpop (xrf0);
	(xrf0) =	vmax.scan.msk.f32 $0xffff, v14;
	v14 =	vmax.f32 v6, v1  }
0x2b2: {  	v13 =	vmax.f32 v9, v1;
	v6 =	vsel vm3, v14, v6;
	v14 =	vld [tilespmem:$0x1FF10];
	_ =	sdelay $0x1  }
0x2b3: {  	v15 =	vmax.f32 v7, v1;
	v16, _, _ =	vpop (xrf0);
	(xrf0) =	vmax.scan.msk.f32 $0xffff, v5  }
0x2b4: {  	v5 =	vsel vm5, v13, v9;
	v9 =	vbroadcast v12, $0xF;
	v12 =	vbroadcast v16, $0xF;
	v13, _, _ =	vpop (xrf0);
	(xrf0) =	vmax.scan.msk.f32 $0xffff, v10  }
0x2b5: {  	v7 =	vsel vm4, v15, v7;
	v10 =	vbroadcast v13, $0xF;
	v13, _, _ =	vpop (xrf0);
	(xrf0) =	vmax.scan.msk.f32 $0xffff, v11;
	v11 =	vmax.f32 v4, v1  }
0x2b6: {  	v9 =	vsel vm15, v9, v12;
	v12 =	vbroadcast v13, $0xF;
	v13, _, _ =	vpop (xrf0);
	(xrf0) =	vmax.scan.msk.f32 $0xffff, v5;
	vm3 =	vnez.u8 v14  }
0x2b7: {  	v5 =	vmax.f32 v3, v1;
	v9 =	vsel vm3, v9, v10;
	v10 =	vbroadcast v13, $0xF;
	v13, _, _ =	vpop (xrf0);
	(xrf0) =	vmax.scan.msk.f32 $0xffff, v6;
	v6 =	vld [tilespmem:$0x1FF20]  }
0x2b8: {  	v4 =	vsel vm2, v11, v4;
	v3 =	vsel vm1, v5, v3;
	v5 =	vld [tilespmem:$0x1FF30];
	v11, _, _ =	vpop (xrf0);
	(xrf0) =	vmax.scan.msk.f32 $0xffff, v7  }
0x2b9: {  	v7, _, _ =	vpop (xrf0);
	(xrf0) =	vmax.scan.msk.f32 $0xffff, v4;
	v4 =	vld [tilespmem:$0x1FF40];
	_ =	sdelay $0x2  }
0x2ba: {  	vm2 =	vnez.u8 v6  }
0x2bb: {  	vm1 =	vnez.u8 v5;
	v6 =	vsel vm2, v9, v12;
	v9 =	vbroadcast v13, $0xF  }
0x2bc: {  	v5 =	vsel vm1, v6, v10;
	vm1 =	vnez.u8 v4  }
0x2bd: {  	v1 =	vmax.f32 v2, v1;
	v4 =	vsel vm1, v5, v9;
	v9 =	vld [tilespmem:$0x1FF50]  }
0x2be: {  	v1 =	vsel vm0, v1, v2;
	v2 =	vld [tilespmem:$0x1FF60];
	_ =	sdelay $0x2  }
0x2bf: {  	v6 =	vbroadcast v11, $0xF  }
0x2c0: {  	v5 =	vbroadcast v7, $0xF;
	vm1 =	vnez.u8 v9  }
0x2c1: {  	vm0 =	vnez.u8 v2;
	v4 =	vsel vm1, v4, v6  }
0x2c2: {  	v2 =	vsel vm0, v4, v5;
	v4 =	vld [tilespmem:$0x1FF70];
	_ =	sdelay $0x2  }
0x2c3: {  	v7, _, _ =	vpop (xrf0)  }
0x2c4: {  	v6 =	vbroadcast v7, $0xF  }
0x2c5: {  	vm0 =	vnez.u8 v4  }
0x2c6: {  	v2 =	vsel vm0, v2, v6;
	v6 =	vld [tilespmem:$0x1FF80];
	_ =	sdelay $0x4  }
0x2c7: {  	vm0 =	vnez.u8 v6;
	v6 =	vld [tilespmem:$0x1FF90];
	_ =	sdelay $0x1  }
0x2c8: {  	(xrf0) =	vmax.scan.msk.f32 $0xffff, v3;
	v3, _, _ =	vpop (xrf0)  }
0x2c9: {  	v3 =	vbroadcast v3, $0xF;
	_ =	sdelay $0x1  }
0x2ca: {  	v2 =	vsel vm0, v2, v3;
	vm0 =	vnez.u8 v6;
	v6 =	vld [tilespmem:$0x1FFA0];
	_ =	sdelay $0x1  }
0x2cb: {  	v7, _, _ =	vpop (xrf0)  }
0x2cc: {  	v5, _, _ =	vpop (xrf0);
	v4 =	vbroadcast v7, $0xF  }
0x2cd: {  	(xrf0) =	vmax.scan.msk.f32 $0xffff, v1;
	v1, _, _ =	vpop (xrf0);
	v3 =	vbroadcast v5, $0xF  }
0x2ce: {  	v5, _, _ =	vpop (xrf0);
	v2 =	vsel vm0, v2, v4;
	vm0 =	vnez.u8 v6  }
0x2cf: {  	v2 =	vsel vm0, v2, v3;
	v3 =	vbroadcast v5, $0xF;
	v5 =	vld [tilespmem:$0x1FFB0];
	_ =	sdelay $0x3  }
0x2d0: {  	v1 =	vbroadcast v1, $0xF  }
0x2d1: {  	v4, _, _ =	vpop (xrf0);
	vm0 =	vnez.u8 v5  }
0x2d2: {  	v1 =	vsel vm0, v2, v1;
	v2 =	vbroadcast v4, $0xF;
	v4 =	vld [tilespmem:$0x1FFC0];
	_ =	sdelay $0x4  }
0x2d3: {  	vm0 =	vnez.u8 v4  }
0x2d4: {  	v1 =	vsel vm0, v1, v3;
	v3 =	vld [tilespmem:$0x1FFD0];
	_ =	sdelay $0x4  }
0x2d5: {  	vm0 =	vnez.u8 v3;
	v3 =	vld [tilespmem:$0x1FFE0];
	_ =	sdelay $0x4  }
0x2d6: {  	v1 =	vsel vm0, v1, v2;
	v2, _, _ =	vpop (xrf0);
	vm0 =	vnez.u8 v3  }
0x2d7: {  	v1 =	vsel vm0, v1, v2  }
0x2d8: {  	s0 =	simm.s32 $0x0;
	[tilespmem:$0x10C00] =	vst v1  }
0x2d9: {  	v10 =	vld [tilespmem:s0+$0x10800];
	_ =	sdelay $0x6  }
0x2da: {  	v2 =	vld [tilespmem:s0+$0x10A00]  }
0x2db: {  	v20 =	vimm.f32 $0.0e+00;
	v29 =	vimm.f32 $0.0e+00;
	v1 =	vld.idx.msk [tilespmem:v10+s21+$0x0], $0xffff  }
0x2dc: {  	v28 =	vimm.f32 $0.0e+00;
	v26 =	vimm.f32 $0.0e+00;
	v35 =	vimm.f32 $0.0e+00  }
0x2dd: {  	v36 =	vimm.f32 $0.0e+00;
	v34 =	vimm.f32 $0.0e+00;
	v23 =	vimm.f32 $0.0e+00  }
0x2de: {  	v19 =	vimm.f32 $0.0e+00;
	v21 =	vimm.f32 $0.0e+00;
	v33 =	vimm.f32 $0.0e+00  }
0x2df: {  	v31 =	vimm.f32 $0.0e+00;
	v32 =	vimm.f32 $0.0e+00;
	v30 =	vimm.f32 $0.0e+00  }
0x2e0: {  	v22 =	vimm.f32 $0.0e+00;
	v17 =	vimm.f32 $0.0e+00;
	v1 =	vsub.f32 v2, v1  }
0x2e1: {  	v18 =	vimm.f32 $0.0e+00;
	v15 =	vimm.f32 $0.0e+00;
	v16 =	vimm.f32 $0.0e+00  }
0x2e2: {  	v14 =	vimm.f32 $0.0e+00;
	v12 =	vimm.f32 $0.0e+00;
	v1 =	vmul.f32 $1.442695020e+00, v1  }
0x2e3: {  	v13 =	vimm.f32 $0.0e+00;
	v11 =	vimm.f32 $0.0e+00;
	v9 =	vimm.f32 $0.0e+00  }
0x2e4: {  	v7 =	vimm.f32 $0.0e+00;
	v6 =	vimm.f32 $0.0e+00;
	(erf) = vpow2.f32 v1  }
0x2e5: {  	v5 =	vimm.f32 $0.0e+00;
	v4 =	vimm.f32 $0.0e+00;
	vm7 =	veq.s32 v10, $0x0  }
0x2e6: {  	vm8 =	veq.s32 v10, $0x1;
	vm6 =	veq.s32 v10, $0x2;
	vm15 =	veq.s32 v10, $0xF  }
0x2e7: {  	vm0 =	veq.s32 v10, $0xC;
	vm10 =	veq.s32 v10, $0xD;
	vm9 =	veq.s32 v10, $0xE  }
0x2e8: {  	vm1 =	veq.s32 v10, $0xA;
	vm3 =	veq.s32 v10, $0x6;
	vm11 =	veq.s32 v10, $0x4  }
0x2e9: {  	vm4 =	veq.s32 v10, $0xB;
	vm5 =	veq.s32 v10, $0x5;
	v2 =	vsel vm8, $0x3F800000, v8  }
0x2ea: {  	vm2 =	veq.s32 v10, $0x9;
	v25 =	vadd.f32 v2, v17;
	v2 =	vsel vm6, $0x3F800000, v8  }
0x2eb: {  	v3 =	vsel vm10, $0x3F800000, v8;
	v24 =	vadd.f32 v2, v17;
	v1 =	vsel vm7, $0x3F800000, v8  }
0x2ec: {  	s0 =	simm.s32 $0x40;
	v2 =	vimm.f32 $0.0e+00;
	v27 =	vadd.f32 v1, v17;
	v1 =	vsel vm9, $0x3F800000, v8  }
.LBB2_18:
0x2ed: {  	s1 =	sshra.s32 s0, $0x2;
	p0 =	sne.s32 s0, $0x7C0;
	s0 =	sadd.s32 $0x40, s0;
	vm12 =	veq.s32 v10, $0x3;
	vm14 =	veq.s32 v10, $0x7;
	vm13 =	veq.s32 v10, $0x8;
	v37 =	vpop (erf)  }
0x2ee: {  	v10 =	vld [tilespmem:s1+$0x10800];
	v38 =	vnsel vm7, $0x0, v37;
	v39 =	vnsel vm8, $0x0, v37;
	v40 =	vnsel vm6, $0x0, v37  }
0x2ef: {  	v41 =	vnsel vm12, $0x0, v37;
	v42 =	vnsel vm11, $0x0, v37;
	v43 =	vnsel vm5, $0x0, v37  }
0x2f0: {  	v44 =	vnsel vm3, $0x0, v37;
	v45 =	vnsel vm14, $0x0, v37;
	v46 =	vnsel vm13, $0x0, v37  }
0x2f1: {  	v17 =	vadd.f32 v44, v17;
	v20 =	vadd.f32 v45, v20;
	v44 =	vnsel vm2, $0x0, v37  }
0x2f2: {  	v29 =	vadd.f32 v41, v29;
	v18 =	vadd.f32 v46, v18;
	v41 =	vnsel vm1, $0x0, v37  }
0x2f3: {  	v45 =	vnsel vm4, $0x0, v37;
	vm7 =	veq.s32 v10, $0x0;
	vm6 =	veq.s32 v10, $0x2  }
0x2f4: {  	v28 =	vadd.f32 v42, v28;
	v42 =	vnsel vm0, $0x0, v37;
	vm8 =	veq.s32 v10, $0x1  }
0x2f5: {  	v46 =	vnsel vm9, $0x0, v37;
	v15 =	vadd.f32 v42, v15;
	v42 =	vnsel vm10, $0x0, v37  }
0x2f6: {  	v26 =	vadd.f32 v43, v26;
	v37 =	vnsel vm15, $0x0, v37;
	v12 =	vadd.f32 v42, v12;
	v47 =	vld.idx.msk [tilespmem:v10+s21+$0x0], $0xffff  }
0x2f7: {  	v35 =	vadd.f32 v38, v35;
	v38 =	vsel vm14, $0x3F800000, v8;
	v7 =	vadd.f32 v46, v7;
	v42 =	vld [tilespmem:s1+$0x10A00]  }
0x2f8: {  	v14 =	vadd.f32 v41, v14;
	v5 =	vadd.f32 v45, v5;
	v41 =	vsel vm13, $0x3F800000, v8  }
0x2f9: {  	v36 =	vadd.f32 v39, v36;
	v6 =	vadd.f32 v37, v6;
	v37 =	vsel vm12, $0x3F800000, v8  }
0x2fa: {  	v34 =	vadd.f32 v40, v34;
	v39 =	vsel vm11, $0x3F800000, v8;
	v23 =	vadd.f32 v38, v23  }
0x2fb: {  	v19 =	vadd.f32 v44, v19;
	v38 =	vsel vm4, $0x3F800000, v8;
	v21 =	vadd.f32 v41, v21  }
0x2fc: {  	v33 =	vadd.f32 v37, v33;
	v37 =	vsel vm1, $0x3F800000, v8;
	v40 =	vsub.f32 v42, v47  }
0x2fd: {  	v31 =	vadd.f32 v39, v31;
	v11 =	vadd.f32 v38, v11;
	v38 =	vsel vm0, $0x3F800000, v8  }
0x2fe: {  	v13 =	vadd.f32 v38, v13;
	v16 =	vadd.f32 v37, v16;
	v39 =	vmul.f32 $1.442695020e+00, v40  }
0x2ff: {  	v9 =	vadd.f32 v3, v9;
	v4 =	vadd.f32 v1, v4;
	v1 =	vsel vm15, $0x3F800000, v8  }
0x300: {  	v2 =	vadd.f32 v1, v2;
	v3 =	vsel vm8, $0x3F800000, v8;
	(erf) = vpow2.f32 v39  }
0x301: {  	v1 =	vsel vm7, $0x3F800000, v8;
	v25 =	vadd.f32 v3, v25;
	v3 =	vsel vm6, $0x3F800000, v8  }
0x302: {  	v27 =	vadd.f32 v1, v27;
	v24 =	vadd.f32 v3, v24  }
0x303: {  	v38 =	vsel vm2, $0x3F800000, v8;
	vm15 =	veq.s32 v10, $0xF;
	v37 =	vsel vm5, $0x3F800000, v8  }
.Ltmp11:
0x304: {  	vm0 =	veq.s32 v10, $0xC;
	vm10 =	veq.s32 v10, $0xD;
	vm9 =	veq.s32 v10, $0xE;
	(pc) =	sbr.rel @p0 .LBB2_18-.Ltmp11, $4  }
0x305: {  	vm1 =	veq.s32 v10, $0xA;
	v1 =	vsel vm9, $0x3F800000, v8;
	v3 =	vsel vm10, $0x3F800000, v8  }
0x306: {  	v32 =	vadd.f32 v37, v32;
	v37 =	vsel vm3, $0x3F800000, v8;
	vm3 =	veq.s32 v10, $0x6  }
0x307: {  	vm11 =	veq.s32 v10, $0x4;
	vm4 =	veq.s32 v10, $0xB;
	v30 =	vadd.f32 v37, v30  }
0x308: {  	vm5 =	veq.s32 v10, $0x5;
	vm2 =	veq.s32 v10, $0x9;
	v22 =	vadd.f32 v38, v22  }
0x309: {  	v37 =	vpop (erf)  }
0x30a: {  	v38 =	vnsel vm7, $0x0, v37  }
0x30b: {  	v35 =	vadd.f32 v38, v35  }
0x30c: {  	v60 =	vnsel vm8, $0x0, v37  }
0x30d: {  	v36 =	vadd.f32 v60, v36;
	(xrf2) =	vadd.scan.msk.f32 $0xffff, v35  }
0x30e: {  	v61 =	vnsel vm6, $0x0, v37;
	(xrf2) =	vadd.scan.msk.f32 $0xffff, v27  }
0x30f: {  	vm6 =	veq.s32 v10, $0x3;
	v62 =	vadd.f32 v61, v34;
	(xrf2) =	vadd.scan.msk.f32 $0xffff, v36  }
0x310: {  	v63 =	vnsel vm6, $0x0, v37;
	(xrf2) =	vadd.scan.msk.f32 $0xffff, v25  }
0x311: {  	v29 =	vadd.f32 v63, v29;
	v35 =	vsel vm6, $0x3F800000, v8;
	(xrf2) =	vadd.scan.msk.f32 $0xffff, v62  }
0x312: {  	v36 =	vnsel vm11, $0x0, v37;
	v25 =	vadd.f32 v35, v33;
	(xrf2) =	vadd.scan.msk.f32 $0xffff, v24  }
0x313: {  	v38 =	vsel vm11, $0x3F800000, v8;
	v27 =	vadd.f32 v36, v28;
	(xrf2) =	vadd.scan.msk.f32 $0xffff, v29  }
0x314: {  	v39 =	vnsel vm5, $0x0, v37;
	v24 =	vadd.f32 v38, v31;
	(xrf2) =	vadd.scan.msk.f32 $0xffff, v25  }
0x315: {  	v40 =	vsel vm5, $0x3F800000, v8;
	v26 =	vadd.f32 v39, v26;
	(xrf2) =	vadd.scan.msk.f32 $0xffff, v27  }
0x316: {  	v43 =	vsel vm3, $0x3F800000, v8;
	v42 =	vnsel vm3, $0x0, v37;
	v25 =	vadd.f32 v40, v32;
	(xrf2) =	vadd.scan.msk.f32 $0xffff, v24  }
0x317: {  	v41 =	vnsel vm10, $0x0, v37;
	vm10 =	veq.s32 v10, $0x7;
	v17 =	vadd.f32 v42, v17;
	v44, _, _ =	vpop (xrf2);
	(xrf2) =	vadd.scan.msk.f32 $0xffff, v26  }
0x318: {  	v46 =	vnsel vm10, $0x0, v37;
	v24 =	vadd.f32 v43, v30;
	v47, _, _ =	vpop (xrf2);
	(xrf2) =	vadd.scan.msk.f32 $0xffff, v25  }
0x319: {  	v48 =	vsel vm10, $0x3F800000, v8;
	vm11 =	veq.s32 v10, $0x8;
	v10 =	vadd.f32 v46, v20;
	v49, _, _ =	vpop (xrf2);
	(xrf2) =	vadd.scan.msk.f32 $0xffff, v17  }
0x31a: {  	v23 =	vadd.f32 v48, v23;
	v50 =	vnsel vm11, $0x0, v37;
	v52, _, _ =	vpop (xrf2);
	(xrf2) =	vadd.scan.msk.f32 $0xffff, v24  }
0x31b: {  	v51 =	vsel vm11, $0x3F800000, v8;
	v17 =	vadd.f32 v50, v18;
	v55, _, _ =	vpop (xrf2);
	(xrf2) =	vadd.scan.msk.f32 $0xffff, v10  }
0x31c: {  	v21 =	vadd.f32 v51, v21;
	v10 =	vnsel vm2, $0x0, v37;
	v57, _, _ =	vpop (xrf2);
	(xrf2) =	vadd.scan.msk.f32 $0xffff, v23  }
0x31d: {  	v10 =	vadd.f32 v10, v19;
	v60, _, _ =	vpop (xrf2);
	(xrf2) =	vadd.scan.msk.f32 $0xffff, v17  }
0x31e: {  	v56 =	vsel vm2, $0x3F800000, v8;
	v62, _, _ =	vpop (xrf2);
	(xrf2) =	vadd.scan.msk.f32 $0xffff, v21  }
0x31f: {  	v58 =	vnsel vm1, $0x0, v37;
	v22 =	vadd.f32 v56, v22;
	v27, _, _ =	vpop (xrf2);
	(xrf2) =	vadd.scan.msk.f32 $0xffff, v10;
	v10 =	vnsel vm15, $0x0, v37  }
0x320: {  	v61 =	vsel vm1, $0x3F800000, v8;
	v14 =	vadd.f32 v58, v14  }
0x321: {  	v53 =	vnsel vm4, $0x0, v37;
	v16 =	vadd.f32 v61, v16;
	v33, _, _ =	vpop (xrf2);
	(xrf2) =	vadd.scan.msk.f32 $0xffff, v22  }
0x322: {  	v54 =	vsel vm4, $0x3F800000, v8;
	v5 =	vadd.f32 v53, v5;
	v6 =	vadd.f32 v10, v6;
	v10, _, _ =	vpop (xrf2);
	(xrf2) =	vadd.scan.msk.f32 $0xffff, v14  }
0x323: {  	v11 =	vadd.f32 v54, v11;
	v36, _, _ =	vpop (xrf2);
	(xrf2) =	vadd.scan.msk.f32 $0xffff, v16  }
0x324: {  	v38, _, _ =	vpop (xrf2);
	(xrf2) =	vadd.scan.msk.f32 $0xffff, v5  }
0x325: {  	v12 =	vadd.f32 v41, v12;
	v41, _, _ =	vpop (xrf2);
	(xrf2) =	vadd.scan.msk.f32 $0xffff, v11;
	v11 =	vld [tilespmem:$0x1FFF0];
	_ =	sdelay $0x3  }
0x326: {  	v3 =	vadd.f32 v3, v9;
	v9 =	vbroadcast v47, $0xF;
	v39 =	vbroadcast v52, $0xF  }
0x327: {  	v34 =	vsel vm15, $0x3F800000, v8;
	vm15 =	vnez.u8 v11  }
0x328: {  	v1 =	vadd.f32 v1, v4;
	v45 =	vnsel vm9, $0x0, v37;
	v4 =	vsel vm15, v9, v39;
	v9 =	vld [tilespmem:$0x1FF10]  }
0x329: {  	v59 =	vnsel vm0, $0x0, v37;
	v35 =	vbroadcast v44, $0xF;
	v37 =	vbroadcast v49, $0xF;
	_ =	sdelay $0x1  }
0x32a: {  	v15 =	vadd.f32 v59, v15;
	v63 =	vsel vm0, $0x3F800000, v8;
	v11 =	vsel vm15, v35, v37  }
0x32b: {  	v13 =	vadd.f32 v63, v13;
	v40 =	vbroadcast v55, $0xF  }
0x32c: {  	v53 =	vld [tilespmem:$0x1FF50];
	v43, _, _ =	vpop (xrf2);
	(xrf2) =	vadd.scan.msk.f32 $0xffff, v15;
	vm6 =	vnez.u8 v9  }
0x32d: {  	v47 =	vld [tilespmem:$0x1FF20];
	v5 =	vsel vm6, v11, v40;
	v11, _, _ =	vpop (xrf2);
	(xrf2) =	vadd.scan.msk.f32 $0xffff, v13  }
0x32e: {  	v7 =	vadd.f32 v45, v7;
	v49 =	vld [tilespmem:$0x1FF30];
	v46, _, _ =	vpop (xrf2);
	(xrf2) =	vadd.scan.msk.f32 $0xffff, v12  }
0x32f: {  	v48, _, _ =	vpop (xrf2);
	(xrf2) =	vadd.scan.msk.f32 $0xffff, v3  }
0x330: {  	v42 =	vbroadcast v57, $0xF;
	v51, _, _ =	vpop (xrf2);
	(xrf2) =	vadd.scan.msk.f32 $0xffff, v7;
	v7 =	vld [tilespmem:$0x1FF40]  }
0x331: {  	vm10 =	vnez.u8 v53;
	v44 =	vbroadcast v62, $0xF;
	v45 =	vbroadcast v27, $0xF  }
0x332: {  	vm7 =	vnez.u8 v47;
	v10 =	vbroadcast v10, $0xF;
	v9 =	vbroadcast v60, $0xF  }
0x333: {  	v55 =	vld [tilespmem:$0x1FF60];
	vm8 =	vnez.u8 v49;
	v50 =	vbroadcast v36, $0xF;
	v4 =	vsel vm6, v4, v42  }
0x334: {  	v5 =	vsel vm7, v5, v9;
	v9 =	vbroadcast v33, $0xF;
	v3 =	vsel vm7, v4, v44  }
0x335: {  	v4 =	vsel vm8, v5, v45;
	vm9 =	vnez.u8 v7;
	v7 =	vbroadcast v38, $0xF  }
0x336: {  	v52 =	vbroadcast v41, $0xF;
	v3 =	vsel vm8, v3, v9;
	v4 =	vsel vm9, v4, v10  }
0x337: {  	v3 =	vsel vm9, v3, v50;
	v4 =	vsel vm10, v4, v7;
	v7 =	vbroadcast v11, $0xF  }
0x338: {  	vm11 =	vnez.u8 v55;
	v3 =	vsel vm10, v3, v52  }
0x339: {  	v3 =	vsel vm11, v3, v7;
	v7 =	vld [tilespmem:$0x1FF70];
	_ =	sdelay $0x2  }
0x33a: {  	v10 =	vbroadcast v43, $0xF  }
0x33b: {  	v11 =	vbroadcast v46, $0xF  }
0x33c: {  	v2 =	vadd.f32 v34, v2;
	v9, _, _ =	vpop (xrf2);
	v4 =	vsel vm11, v4, v10;
	vm4 =	vnez.u8 v7  }
0x33d: {  	(xrf2) =	vadd.scan.msk.f32 $0xffff, v1;
	v1, _, _ =	vpop (xrf2);
	v4 =	vsel vm4, v4, v11;
	v11 =	vld [tilespmem:$0x1FF80]  }
0x33e: {  	v54, _, _ =	vpop (xrf2)  }
0x33f: {  	v58 =	vld [tilespmem:$0x1FF90];
	(xrf2) =	vadd.scan.msk.f32 $0xffff, v6;
	v6, _, _ =	vpop (xrf2)  }
0x340: {  	v60 =	vld [tilespmem:$0x1FFA0];
	(xrf2) =	vadd.scan.msk.f32 $0xffff, v2;
	v2, _, _ =	vpop (xrf2)  }
0x341: {  	v56 =	vbroadcast v48, $0xF;
	v10, _, _ =	vpop (xrf2);
	v7 =	vbroadcast v51, $0xF  }
0x342: {  	v57 =	vbroadcast v9, $0xF;
	v61 =	vbroadcast v10, $0xF;
	v10 =	vld [tilespmem:$0x1FFB0];
	vm5 =	vnez.u8 v11  }
0x343: {  	v3 =	vsel vm4, v3, v56;
	v4 =	vsel vm5, v4, v7;
	v7 =	vbroadcast v54, $0xF  }
0x344: {  	vm6 =	vnez.u8 v58;
	v2 =	vbroadcast v2, $0xF;
	v3 =	vsel vm5, v3, v57  }
0x345: {  	vm7 =	vnez.u8 v60;
	v9, _, _ =	vpop (xrf2);
	v3 =	vsel vm6, v3, v7  }
0x346: {  	v2 =	vsel vm7, v3, v2;
	v3 =	vbroadcast v9, $0xF  }
0x347: {  	v6 =	vbroadcast v6, $0xF;
	vm8 =	vnez.u8 v10  }
0x348: {  	v1 =	vbroadcast v1, $0xF;
	v2 =	vsel vm8, v2, v3;
	v3 =	vld [tilespmem:$0x1FFC0]  }
0x349: {  	v63 =	vld [tilespmem:$0x1FFD0];
	v11, _, _ =	vpop (xrf2)  }
0x34a: {  	v59, _, _ =	vpop (xrf2);
	v1 =	vsel vm6, v4, v1  }
0x34b: {  	v1 =	vsel vm7, v1, v6;
	v6, _, _ =	vpop (xrf2)  }
0x34c: {  	v4 =	vbroadcast v59, $0xF;
	v9, _, _ =	vpop (xrf2)  }
0x34d: {  	vm9 =	vnez.u8 v3;
	v3 =	vbroadcast v9, $0xF  }
0x34e: {  	vm10 =	vnez.u8 v63;
	v2 =	vsel vm9, v2, v4  }
0x34f: {  	v2 =	vsel vm10, v2, v3;
	v3 =	vld [tilespmem:$0x1FFE0];
	_ =	sdelay $0x1  }
0x350: {  	v7 =	vbroadcast v11, $0xF  }
0x351: {  	v1 =	vsel vm8, v1, v61;
	v62 =	vbroadcast v6, $0xF  }
0x352: {  	v1 =	vsel vm9, v1, v7  }
0x353: {  	v6, _, _ =	vpop (xrf2);
	v1 =	vsel vm10, v1, v62;
	vm11 =	vnez.u8 v3  }
0x354: {  	v3, _, _ =	vpop (xrf2);
	v1 =	vsel vm11, v1, v6  }
0x355: {  	v2 =	vsel vm11, v2, v3;
	[tilespmem:$0x10C80] =	vst v1  }
0x356: {  	[tilespmem:$0x10D00] =	vst v2  }
0x357: {  	[hbm4b:s9+s3] =	stream.linear.scatter [tilespmem:s22], [sflag:$0x5], $0x200, $0x38;
	[tilespmem:$0x10D80] =	vst v63  }
0x358: {  	_ =	swait.ge [sflag:s18], $0x200  }
0x359: {  	[sflag:s18] =	ssyncset.done $0x0  }
0x35a: {  	[sflag:s18] =	ssyncadd.s32 $0xFFFFFE00  }
0x35b: {  	[hbm4b:s10+s3] =	stream.linear.scatter [tilespmem:s21], [sflag:$0x5], $0x80, $0x38;
	[tilespmem:$0x10D80] =	vst v63  }
0x35c: {  	_ =	swait.ge [sflag:s18], $0x80  }
0x35d: {  	[sflag:s18] =	ssyncset.done $0x0  }
0x35e: {  	[sflag:s18] =	ssyncadd.s32 $0xFFFFFF80  }
0x35f: {  	[hbm4b:s11+s3] =	stream.linear.scatter [tilespmem:s23], [sflag:$0x5], $0x80, $0x38;
	[tilespmem:$0x10D80] =	vst v63  }
0x360: {  	s25 =	sadd.s32 $0x1, s25;
	_ =	swait.ge [sflag:s18], $0x80  }
0x361: {  	p0 =	sne.s32 s25, s13;
	[sflag:s18] =	ssyncset.done $0x0  }
.Ltmp12:
0x362: {  	[sflag:s18] =	ssyncadd.s32 $0xFFFFFF80;
	(pc) =	sbr.rel @p0 .LBB2_1-.Ltmp12, $4  }
0x363: {  	[hbm4b:s12+s3] =	stream.linear.scatter [tilespmem:s24], [sflag:$0x5], $0x80, $0x38;
	[tilespmem:$0x10D80] =	vst v63  }
0x364: {  	_ =	swait.ge [sflag:s18], $0x80  }
0x365: {  	[sflag:s18] =	ssyncset.done $0x0  }
0x366: {  	[sflag:s18] =	ssyncadd.s32 $0xFFFFFF80  }
0x367: {  	_ =	sfence.sel $0x180000  }
0x368: {  	[bflag:$0x0] =	sbarrier.arrive $0xFFFF  }
0x369: {  	_ =	strace $0x90000047  }
0x36a: {  	s0 =	stileid.u32;
	[bflag:$0x2] =	sbarrier.arrive $0xFFFF  }
0x36b: {  	p0 =	sne.s32 s0, $0x0;
	s0 =	rddreg [dreg:$0x4]  }
0x36c: {  	s0 =	sadd.s32 @!p0 $0x100000, s0  }
0x36d: {  	[sflag:s0] =	ssyncadd.tile.s32 @!p0 $0x1;
	_ =	shalt  }
.Lfunc_end2:
_tile_overlayer_lowered:
.L_overlay_start_2:
0x36e: {  	(tag) =	ssettag $0x2  }
0x36f: {  	s0 =	rddreg [dreg:$0x0];
	s2 =	stileid.u32  }
0x370: {  	s1 =	rddreg [dreg:$0x1];
	p0 =	sne.s32 s2, $0x0  }
0x371: {  	s3 =	rddreg [dreg:$0x2];
	[bflag:$0x3] =	sbarrier.arrive $0xFFFF;
	s2 =	simm.s32 @!p0 $0x1C05  }
0x372: {  	[timem:s3], [sflag:s2] =	dma.local @!p0 [hbm:s0], s1  }
0x373: {  	s0 =	simm.s32 @!p0 $0x5  }
0x374: {  	_ =	swait.ge @!p0 [sflag:s0], s1  }
0x375: {  	s1 =	ssub.s32 @!p0 $0x0, s1;
	[sflag:s0] =	ssyncset.done @!p0 $0x0  }
0x376: {  	[sflag:s0] =	ssyncadd.s32 @!p0 s1  }
0x377: {  	[bflag:$0x3] =	sbarrier.arrive $0xFFFF  }
0x378: {  	_ =	shalt  }

</sc_bundles>
